<compile_context>
chip_gen: v7x
topology: tpu7x:2x2x1
jax: 0.10.2.dev20260603
libtpu: 0.0.44.dev20260713+nightly
codegen_flags: <defaults>
</compile_context>

<pallas_src>
import functools

import jax
import jax.numpy as jnp
from jax import lax
from jax.experimental import pallas as pl
from jax.experimental.pallas import tpu as pltpu
from jax.experimental.pallas import tpu_sc as plsc

N = 10000
E = 320000
ET = E + N
BB = 128
EP = ((ET + 32 * BB - 1) // (32 * BB)) * (32 * BB)
EPT = EP // 32
NBATCH = EPT // BB
EPT2 = EP // 16
NBATCH2 = EPT2 // BB
D1 = 3200
F1 = 128
NCH = D1 // F1
HID = 400
D2 = 200
D2P = 256
F2 = 128
NB = 400
NRB = N // NB
NPAD = 10240
NROW = NPAD // 16
ZR = 128
ZB = 16
GB = 64
NGB = BB // GB

_mesh = plsc.VectorSubcoreMesh(core_axis_name="c", subcore_axis_name="s")


def _iota16():
    return lax.broadcasted_iota(jnp.int32, (16,), 0)


def _splat(vec, j):
    return jnp.broadcast_to(lax.slice_in_dim(vec, j, j + 1), (16,))


def _dyn_splat(vec, idx_scalar):
    idxv = jnp.zeros((16,), jnp.int32) + idx_scalar
    dn = lax.GatherDimensionNumbers(
        offset_dims=(), collapsed_slice_dims=(0,), start_index_map=(0,))
    return lax.gather(vec, idxv[:, None], dn, slice_sizes=(1,),
                      mode=lax.GatherScatterMode.PROMISE_IN_BOUNDS)


def _lrelu(x):
    return jnp.where(x > 0, x, 0.2 * x)


def _k1_body(x_ref, w_ref, atts_ref, attd_ref,
             h_ref, asads_ref, asadd_ref, mxs_ref, mxd_ref, bound_ref):
    i = pl.program_id(0)
    k = pl.program_id(1)
    h = jnp.dot(x_ref[...], w_ref[0], preferred_element_type=jnp.float32)
    h_ref[0] = h
    lane = lax.broadcasted_iota(jnp.int32, (1, F1), 1)
    hl = (k * F1 + lane) // HID
    hlo = (k * F1) // HID
    hhi = (k * F1 + F1 - 1) // HID
    cs = h * atts_ref[0]
    cd = h * attd_ref[0]
    mlo = (hl == hlo).astype(jnp.float32)
    mhi = (hl == hhi).astype(jnp.float32)
    ps_lo = jnp.sum(cs * mlo, axis=1)
    ps_hi = jnp.sum(cs * mhi, axis=1)
    pd_lo = jnp.sum(cd * mlo, axis=1)
    pd_hi = jnp.sum(cd * mhi, axis=1)
    lane16 = lax.broadcasted_iota(jnp.int32, (1, 16), 1)
    wlo = ((lane16 % 8) == hlo).astype(jnp.float32)
    whi = (((lane16 % 8) == hhi).astype(jnp.float32)
           * jnp.where(hhi != hlo, 1.0, 0.0))

    @pl.when(k == 0)
    def _():
        asads_ref[...] = jnp.zeros_like(asads_ref)
        asadd_ref[...] = jnp.zeros_like(asadd_ref)

    asads_ref[...] += ps_lo[:, None] * wlo + ps_hi[:, None] * whi
    asadd_ref[...] += pd_lo[:, None] * wlo + pd_hi[:, None] * whi

    @pl.when(k == NCH - 1)
    def _():
        cs1 = jnp.max(asads_ref[...], axis=0, keepdims=True)
        cd1 = jnp.max(asadd_ref[...], axis=0, keepdims=True)

        @pl.when(i == 0)
        def _():
            mxs_ref[...] = cs1
            mxd_ref[...] = cd1

        @pl.when(i > 0)
        def _():
            mxs_ref[...] = jnp.maximum(mxs_ref[...], cs1)
            mxd_ref[...] = jnp.maximum(mxd_ref[...], cd1)

        bound_ref[...] = _lrelu(mxs_ref[...] + mxd_ref[...])


def _k1(x, W1_t, atts_t, attd_t):
    return pl.pallas_call(
        _k1_body,
        grid=(NRB, NCH),
        in_specs=[
            pl.BlockSpec((NB, 200), lambda i, k: (i, 0)),
            pl.BlockSpec((1, 200, F1), lambda i, k: (k, 0, 0)),
            pl.BlockSpec((1, 1, F1), lambda i, k: (k, 0, 0)),
            pl.BlockSpec((1, 1, F1), lambda i, k: (k, 0, 0)),
        ],
        out_specs=[
            pl.BlockSpec((1, NB, F1), lambda i, k: (k, i, 0)),
            pl.BlockSpec((NB, 16), lambda i, k: (i, 0)),
            pl.BlockSpec((NB, 16), lambda i, k: (i, 0)),
            pl.BlockSpec((1, 16), lambda i, k: (0, 0)),
            pl.BlockSpec((1, 16), lambda i, k: (0, 0)),
            pl.BlockSpec((1, 16), lambda i, k: (0, 0)),
        ],
        out_shape=[
            jax.ShapeDtypeStruct((NCH, N, F1), jnp.float32),
            jax.ShapeDtypeStruct((N, 16), jnp.float32),
            jax.ShapeDtypeStruct((N, 16), jnp.float32),
            jax.ShapeDtypeStruct((1, 16), jnp.float32),
            jax.ShapeDtypeStruct((1, 16), jnp.float32),
            jax.ShapeDtypeStruct((1, 16), jnp.float32),
        ],
    )(x, W1_t, atts_t, attd_t)


def _k1b_body(a_ref, b_ref, ao_ref, bo_ref):
    z = jnp.zeros((NB, F1 - 16), jnp.float32)
    ao_ref[...] = jnp.concatenate([a_ref[...], z], axis=1)
    bo_ref[...] = jnp.concatenate([b_ref[...], z], axis=1)


def _k1b(a, b):
    return pl.pallas_call(
        _k1b_body,
        grid=(NRB,),
        in_specs=[
            pl.BlockSpec((NB, 16), lambda i: (i, 0)),
            pl.BlockSpec((NB, 16), lambda i: (i, 0)),
        ],
        out_specs=[
            pl.BlockSpec((NB, F1), lambda i: (i, 0)),
            pl.BlockSpec((NB, F1), lambda i: (i, 0)),
        ],
        out_shape=[
            jax.ShapeDtypeStruct((N, F1), jnp.float32),
            jax.ShapeDtypeStruct((N, F1), jnp.float32),
        ],
    )(a, b)


def _k2_body(src_hbm, dst_hbm, asads_hbm, asadd_hbm, bound_hbm,
             ea_hbm, dpart_hbm, asrc_hbm,
             srcv0, srcv1, dstv0, dstv1, srows0, srows1, drows0, drows1,
             eab0, eab1, zbuf, boundv, dacc, sem):
    c = lax.axis_index("c")
    s = lax.axis_index("s")
    w = c * 16 + s
    base = w * EPT
    pltpu.sync_copy(bound_hbm, boundv)

    def zrow(r, _):
        zbuf[r, :] = jnp.zeros((16,), jnp.float32)
        return 0
    lax.fori_loop(0, ZR, zrow, 0)

    def zcp(z, _):
        pltpu.sync_copy(zbuf, dacc.at[pl.ds(s * NROW + z * ZR, ZR)])
        return 0
    lax.fori_loop(0, NROW // ZR, zcp, 0)
    plsc.subcore_barrier()

    bvec = boundv[...]
    chunks = ((srcv0, dstv0, srows0, drows0, eab0),
              (srcv1, dstv1, srows1, drows1, eab1))

    def batcha(b, _):
        eb = base + b * BB
        for j, (sv, dv, sr, dr, eab) in enumerate(chunks):
            pltpu.sync_copy(src_hbm.at[pl.ds(eb + j * GB, GB)], sv)
            pltpu.sync_copy(asads_hbm.at[sv], sr)
            pltpu.sync_copy(sr, asrc_hbm.at[pl.ds(eb + j * GB, GB)])
        return 0
    lax.fori_loop(0, NBATCH, batcha, 0)

    def batchb(b, _):
        eb = base + b * BB
        for j, (sv, dv, sr, dr, eab) in enumerate(chunks):
            pltpu.sync_copy(dst_hbm.at[pl.ds(eb + j * GB, GB)], dv)
            pltpu.sync_copy(asrc_hbm.at[pl.ds(eb + j * GB, GB)], sr)
            pltpu.sync_copy(asadd_hbm.at[dv], dr)
            for i in range(GB):
                alpha = _lrelu(sr[i, pl.ds(0, 16)] + dr[i, pl.ds(0, 16)])
                ea = jnp.exp(alpha - bvec)
                valid = jnp.where(eb + j * GB + i < ET, 1.0, 0.0)
                eab[i, :] = ea * valid
            pltpu.sync_copy(eab, ea_hbm.at[pl.ds(eb + j * GB, GB)])
        return 0
    lax.fori_loop(0, NBATCH, batchb, 0)

    def batchc(b, _):
        eb = base + b * BB
        for j, (sv, dv, sr, dr, eab) in enumerate(chunks):
            pltpu.sync_copy(dst_hbm.at[pl.ds(eb + j * GB, GB)], dv)
            pltpu.sync_copy(ea_hbm.at[pl.ds(eb + j * GB, GB)], eab)
            pltpu.sync_copy(eab, dacc.at[dv], add=True)
        return 0
    lax.fori_loop(0, NBATCH, batchc, 0)
    plsc.subcore_barrier()

    def dout(t, _):
        r0 = s * NROW + t * GB
        pltpu.sync_copy(dacc.at[pl.ds(r0, GB)], eab0)
        pltpu.sync_copy(eab0, dpart_hbm.at[c, pl.ds(r0, GB)])
        return 0
    lax.fori_loop(0, NROW // GB, dout, 0)


_k2 = functools.partial(
    pl.kernel, _k2_body,
    out_type=(
        jax.ShapeDtypeStruct((EP, 16), jnp.float32),
        jax.ShapeDtypeStruct((2, NPAD, 16), jnp.float32),
        jax.ShapeDtypeStruct((EP, F1), jnp.float32),
    ),
    mesh=_mesh,
    scratch_types=[
        pltpu.VMEM((GB,), jnp.int32),
        pltpu.VMEM((GB,), jnp.int32),
        pltpu.VMEM((GB,), jnp.int32),
        pltpu.VMEM((GB,), jnp.int32),
        pltpu.VMEM((GB, F1), jnp.float32),
        pltpu.VMEM((GB, F1), jnp.float32),
        pltpu.VMEM((GB, F1), jnp.float32),
        pltpu.VMEM((GB, F1), jnp.float32),
        pltpu.VMEM((GB, 16), jnp.float32),
        pltpu.VMEM((GB, 16), jnp.float32),
        pltpu.VMEM((ZR, 16), jnp.float32),
        pltpu.VMEM((16,), jnp.float32),
        pltpu.VMEM_SHARED((NPAD, 16), jnp.float32),
        pltpu.SemaphoreType.DMA,
    ],
)()


def _k4_body(src_hbm, dst_hbm, hflat_hbm, ea_hbm,
             outp_hbm,
             srcv0, srcv1, dstv0, dstv1, idx0, idx1, hr0, hr1,
             earows, zbuf, acc, sem):
    c = lax.axis_index("c")
    s = lax.axis_index("s")
    w = c * 16 + s
    base = w * EPT

    def zrow(r, _):
        for v in range(F1 // 16):
            zbuf[r, pl.ds(v * 16, 16)] = jnp.zeros((16,), jnp.float32)
        return 0
    lax.fori_loop(0, ZB, zrow, 0)

    chunks = ((srcv0, dstv0, idx0, hr0), (srcv1, dstv1, idx1, hr1))

    def fpass(f, _):
        def zcp(z, _):
            pltpu.sync_copy(zbuf, acc.at[pl.ds(s * NROW + z * ZB, ZB)])
            return 0
        lax.fori_loop(0, NROW // ZB, zcp, 0)
        plsc.subcore_barrier()
        fo = f * N

        def batch(b, _):
            eb = base + b * BB
            pltpu.sync_copy(ea_hbm.at[pl.ds(eb, BB)], earows)
            for j, (sv, dv, ix, hr) in enumerate(chunks):
                pltpu.sync_copy(src_hbm.at[pl.ds(eb + j * GB, GB)], sv)
                pltpu.sync_copy(dst_hbm.at[pl.ds(eb + j * GB, GB)], dv)
                for g in range(GB // 16):
                    ix[pl.ds(g * 16, 16)] = sv[pl.ds(g * 16, 16)] + fo
                pltpu.sync_copy(hflat_hbm.at[ix], hr)
                for i in range(GB):
                    eac = earows[j * GB + i, :]
                    for v in range(F1 // 16):
                        hv = (f * F1 + v * 16) // HID
                        sc = _dyn_splat(eac, hv)
                        hr[i, pl.ds(v * 16, 16)] = (
                            hr[i, pl.ds(v * 16, 16)] * sc)
                pltpu.sync_copy(hr, acc.at[dv], add=True)
            return 0
        lax.fori_loop(0, NBATCH, batch, 0)
        plsc.subcore_barrier()

        def dout(t, _):
            r0 = s * NROW + t * GB
            pltpu.sync_copy(acc.at[pl.ds(r0, GB)], hr0)
            pltpu.sync_copy(hr0, outp_hbm.at[c, f, pl.ds(r0, GB)])
            return 0
        lax.fori_loop(0, NROW // GB, dout, 0)
        plsc.subcore_barrier()
        return 0
    lax.fori_loop(0, NCH, fpass, 0)


_k4 = functools.partial(
    pl.kernel, _k4_body,
    out_type=jax.ShapeDtypeStruct((2, NCH, NPAD, F1), jnp.float32),
    mesh=_mesh,
    scratch_types=[
        pltpu.VMEM((GB,), jnp.int32),
        pltpu.VMEM((GB,), jnp.int32),
        pltpu.VMEM((GB,), jnp.int32),
        pltpu.VMEM((GB,), jnp.int32),
        pltpu.VMEM((GB,), jnp.int32),
        pltpu.VMEM((GB,), jnp.int32),
        pltpu.VMEM((GB, F1), jnp.float32),
        pltpu.VMEM((GB, F1), jnp.float32),
        pltpu.VMEM((BB, 16), jnp.float32),
        pltpu.VMEM((ZB, F1), jnp.float32),
        pltpu.VMEM_SHARED((NPAD, F1), jnp.float32),
        pltpu.SemaphoreType.DMA,
    ],
)()


def _k5_body(p0_ref, p1_ref, d0_ref, d1_ref, b1_ref, w2_ref, as2_ref, ad2_ref,
             h2s_ref, asad2_ref, mxs_ref, mxd_ref, bound2_ref):
    i = pl.program_id(0)
    k = pl.program_id(1)
    lane = lax.broadcasted_iota(jnp.int32, (1, F1), 1)
    hl = (k * F1 + lane) // HID
    hlo = (k * F1) // HID
    hhi = (k * F1 + F1 - 1) // HID
    lane16 = lax.broadcasted_iota(jnp.int32, (1, 16), 1)
    d16 = d0_ref[...] + d1_ref[...]
    den_lo = jnp.sum(d16 * (lane16 == hlo).astype(jnp.float32), axis=1)
    den_hi = jnp.sum(d16 * (lane16 == hhi).astype(jnp.float32), axis=1)
    den = jnp.where(hl == hlo, den_lo[:, None], den_hi[:, None]) + 1e-16
    pre = (p0_ref[0] + p1_ref[0]) / den + b1_ref[0]
    x2 = jnp.where(pre > 0, pre, jnp.exp(jnp.minimum(pre, 0.0)) - 1.0)
    m = jnp.dot(x2, w2_ref[...], preferred_element_type=jnp.float32)

    @pl.when(k == 0)
    def _():
        h2s_ref[0] = m[:, :F2]
        h2s_ref[1] = m[:, F2:]

    @pl.when(k > 0)
    def _():
        h2s_ref[0] += m[:, :F2]
        h2s_ref[1] += m[:, F2:]

    @pl.when(k == NCH - 1)
    def _():
        h2full = jnp.concatenate([h2s_ref[0], h2s_ref[1]], axis=1)
        as2 = jnp.sum(h2full * as2_ref[...], axis=1)
        ad2 = jnp.sum(h2full * ad2_ref[...], axis=1)
        oh0 = (lane16 == 0).astype(jnp.float32)
        oh1 = (lane16 == 1).astype(jnp.float32)
        asad2_ref[...] = as2[:, None] * oh0 + ad2[:, None] * oh1
        cs = jnp.full((1, 16), jnp.max(as2), jnp.float32)
        cd = jnp.full((1, 16), jnp.max(ad2), jnp.float32)

        @pl.when(i == 0)
        def _():
            mxs_ref[...] = cs
            mxd_ref[...] = cd

        @pl.when(i > 0)
        def _():
            mxs_ref[...] = jnp.maximum(mxs_ref[...], cs)
            mxd_ref[...] = jnp.maximum(mxd_ref[...], cd)

        bound2_ref[...] = _lrelu(mxs_ref[...] + mxd_ref[...])


def _k5(p0, p1, d0, d1, b1_t, W2p, atts2, attd2):
    return pl.pallas_call(
        _k5_body,
        grid=(NRB, NCH),
        in_specs=[
            pl.BlockSpec((1, NB, F1), lambda i, k: (k, i, 0)),
            pl.BlockSpec((1, NB, F1), lambda i, k: (k, i, 0)),
            pl.BlockSpec((NB, 16), lambda i, k: (i, 0)),
            pl.BlockSpec((NB, 16), lambda i, k: (i, 0)),
            pl.BlockSpec((1, 1, F1), lambda i, k: (k, 0, 0)),
            pl.BlockSpec((F1, D2P), lambda i, k: (k, 0)),
            pl.BlockSpec((1, D2P), lambda i, k: (0, 0)),
            pl.BlockSpec((1, D2P), lambda i, k: (0, 0)),
        ],
        out_specs=[
            pl.BlockSpec((2, NB, F2), lambda i, k: (0, i, 0)),
            pl.BlockSpec((NB, 16), lambda i, k: (i, 0)),
            pl.BlockSpec((1, 16), lambda i, k: (0, 0)),
            pl.BlockSpec((1, 16), lambda i, k: (0, 0)),
            pl.BlockSpec((1, 16), lambda i, k: (0, 0)),
        ],
        out_shape=[
            jax.ShapeDtypeStruct((2, N, F2), jnp.float32),
            jax.ShapeDtypeStruct((N, 16), jnp.float32),
            jax.ShapeDtypeStruct((1, 16), jnp.float32),
            jax.ShapeDtypeStruct((1, 16), jnp.float32),
            jax.ShapeDtypeStruct((1, 16), jnp.float32),
        ],
    )(p0, p1, d0, d1, b1_t, W2p, atts2, attd2)


def _k5b_body(a_ref, as_ref, ad_ref):
    z = jnp.zeros((NB, F1 - 16), jnp.float32)
    as_ref[...] = jnp.concatenate(
        [jnp.broadcast_to(a_ref[:, 0:1], (NB, 16)), z], axis=1)
    ad_ref[...] = jnp.concatenate(
        [jnp.broadcast_to(a_ref[:, 1:2], (NB, 16)), z], axis=1)


def _k5b(asad2):
    return pl.pallas_call(
        _k5b_body,
        grid=(NRB,),
        in_specs=[pl.BlockSpec((NB, 16), lambda i: (i, 0))],
        out_specs=[
            pl.BlockSpec((NB, F1), lambda i: (i, 0)),
            pl.BlockSpec((NB, F1), lambda i: (i, 0)),
        ],
        out_shape=[
            jax.ShapeDtypeStruct((N, F1), jnp.float32),
            jax.ShapeDtypeStruct((N, F1), jnp.float32),
        ],
    )(asad2)


def _k7_body(src_hbm, dst_hbm, h2flat_hbm, ea2_hbm,
             acc2_hbm,
             srcv0, srcv1, dstv0, dstv1, idx0, idx1, hr0, hr1,
             eastage, zbuf, acc, sem):
    c = lax.axis_index("c")
    s = lax.axis_index("s")
    base = s * EPT2

    def zrow(r, _):
        for v in range(F2 // 16):
            zbuf[r, pl.ds(v * 16, 16)] = jnp.zeros((16,), jnp.float32)
        return 0
    lax.fori_loop(0, ZB, zrow, 0)

    def zcp(z, _):
        pltpu.sync_copy(zbuf, acc.at[pl.ds(s * NROW + z * ZB, ZB)])
        return 0
    lax.fori_loop(0, NROW // ZB, zcp, 0)
    plsc.subcore_barrier()
    co = c * N
    chunks = ((srcv0, dstv0, idx0, hr0), (srcv1, dstv1, idx1, hr1))

    def batch(b, _):
        eb = base + b * BB
        pltpu.sync_copy(ea2_hbm.at[pl.ds(eb, BB)], eastage)
        for j, (sv, dv, ix, hr) in enumerate(chunks):
            pltpu.sync_copy(src_hbm.at[pl.ds(eb + j * GB, GB)], sv)
            pltpu.sync_copy(dst_hbm.at[pl.ds(eb + j * GB, GB)], dv)
            for g in range(GB // 16):
                ix[pl.ds(g * 16, 16)] = sv[pl.ds(g * 16, 16)] + co
            pltpu.sync_copy(h2flat_hbm.at[ix], hr)
            for i in range(GB):
                sc = eastage[j * GB + i, :]
                for v in range(F2 // 16):
                    hr[i, pl.ds(v * 16, 16)] = (
                        hr[i, pl.ds(v * 16, 16)] * sc)
            pltpu.sync_copy(hr, acc.at[dv], add=True)
        return 0
    lax.fori_loop(0, NBATCH2, batch, 0)
    plsc.subcore_barrier()

    def dout(t, _):
        r0 = s * NROW + t * GB
        pltpu.sync_copy(acc.at[pl.ds(r0, GB)], hr0)
        pltpu.sync_copy(hr0, acc2_hbm.at[c, pl.ds(r0, GB)])
        return 0
    lax.fori_loop(0, NROW // GB, dout, 0)


_k7 = functools.partial(
    pl.kernel, _k7_body,
    out_type=jax.ShapeDtypeStruct((2, NPAD, F2), jnp.float32),
    mesh=_mesh,
    scratch_types=[
        pltpu.VMEM((GB,), jnp.int32),
        pltpu.VMEM((GB,), jnp.int32),
        pltpu.VMEM((GB,), jnp.int32),
        pltpu.VMEM((GB,), jnp.int32),
        pltpu.VMEM((GB,), jnp.int32),
        pltpu.VMEM((GB,), jnp.int32),
        pltpu.VMEM((GB, F2), jnp.float32),
        pltpu.VMEM((GB, F2), jnp.float32),
        pltpu.VMEM((BB, 16), jnp.float32),
        pltpu.VMEM((ZB, F2), jnp.float32),
        pltpu.VMEM_SHARED((NPAD, F2), jnp.float32),
        pltpu.SemaphoreType.DMA,
    ],
)()


def _k8_body(a0_ref, a1_ref, d0_ref, d1_ref, b2_ref, o_ref):
    den = (d0_ref[:, 0:1] + d1_ref[:, 0:1]) + 1e-16
    msg = jnp.concatenate([a0_ref[...], a1_ref[:, :D2 - F2]], axis=1)
    o_ref[...] = msg / den + b2_ref[...]


def _k8(a0, a1, d0, d1, b2r):
    return pl.pallas_call(
        _k8_body,
        grid=(NRB,),
        in_specs=[
            pl.BlockSpec((NB, F2), lambda i: (i, 0)),
            pl.BlockSpec((NB, F2), lambda i: (i, 0)),
            pl.BlockSpec((NB, 16), lambda i: (i, 0)),
            pl.BlockSpec((NB, 16), lambda i: (i, 0)),
            pl.BlockSpec((1, D2), lambda i: (0, 0)),
        ],
        out_specs=pl.BlockSpec((NB, D2), lambda i: (i, 0)),
        out_shape=jax.ShapeDtypeStruct((N, D2), jnp.float32),
    )(a0, a1, d0, d1, b2r)


def kernel(input_data, adj, W1, att_src1, att_dst1, b1, W2, att_src2,
           att_dst2, b2):
    loop = jnp.arange(N, dtype=adj.dtype)
    src = jnp.concatenate([adj[0], loop])
    dst = jnp.concatenate([adj[1], loop])

    atts_t = att_src1.reshape(NCH, 1, F1)
    attd_t = att_dst1.reshape(NCH, 1, F1)
    W1_t = W1.reshape(200, NCH, F1).transpose(1, 0, 2)
    h_t, asads, asadd, _, _, bound1 = _k1(input_data, W1_t, atts_t, attd_t)
    h1 = jnp.transpose(h_t, (1, 0, 2)).reshape(N, D1).reshape(N, 8, HID)
    a_s = asads[:, :8]
    a_d = asadd[:, :8]
    bnd = bound1[0, :8]

    alpha = a_s[src] + a_d[dst]
    alpha = jnp.where(alpha > 0, alpha, 0.2 * alpha)
    ea = jnp.exp(alpha - bnd[None, :])
    denom = jax.ops.segment_sum(ea, dst, num_segments=N)
    msg = h1[src] * ea[:, :, None]
    out = jax.ops.segment_sum(msg, dst, num_segments=N)
    x2 = out / (denom[:, :, None] + 1e-16)
    x2 = x2.reshape(N, D1) + b1
    x2 = jnp.where(x2 > 0, x2, jnp.exp(jnp.minimum(x2, 0.0)) - 1.0)

    h2 = x2 @ W2
    as2 = (h2 * att_src2).sum(-1)
    ad2 = (h2 * att_dst2).sum(-1)
    bnd2 = jnp.where((as2.max() + ad2.max()) > 0, as2.max() + ad2.max(),
                     0.2 * (as2.max() + ad2.max()))
    alpha2 = as2[src] + ad2[dst]
    alpha2 = jnp.where(alpha2 > 0, alpha2, 0.2 * alpha2)
    ea2 = jnp.exp(alpha2 - bnd2)
    denom2 = jax.ops.segment_sum(ea2, dst, num_segments=N)
    msg2 = h2[src] * ea2[:, None]
    out2 = jax.ops.segment_sum(msg2, dst, num_segments=N)

    d16 = jnp.broadcast_to(denom2[:, None], (N, 16))
    a0 = out2[:, :F2]
    a1 = jnp.pad(out2[:, F2:], ((0, 0), (0, 2 * F2 - D2)))
    return _k8(a0, a1, d16, jnp.zeros((N, 16), jnp.float32),
               b2.reshape(1, D2))

# --- scband reference (transcript-rebuilt; emitter-appended) ---
"""Pipeline reference for scband-gat-21509196218426 (READ-ONLY COPY).

The authoritative reference and input builder live on the scoring server;
editing this copy changes nothing except your own understanding.
"""

import jax, jax.numpy as jnp
import numpy as np

N = 10000
E = 320000
IN = 200
HID = 400
HEADS = 8


def setup_inputs(seed: int = 0) -> dict:
    key = jax.random.key(seed)
    ks = jax.random.split(key, 12)
    input_data = jax.random.normal(ks[0], (N, IN), dtype=jnp.float32)
    adj = jax.random.randint(ks[1], (2, E), 0, N, dtype=jnp.int32)
    W1 = jax.random.normal(ks[2], (IN, HEADS * HID), dtype=jnp.float32) * 0.05
    att_src1 = jax.random.normal(ks[3], (HEADS, HID), dtype=jnp.float32) * 0.05
    att_dst1 = jax.random.normal(ks[4], (HEADS, HID), dtype=jnp.float32) * 0.05
    b1 = jnp.zeros((HEADS * HID,), dtype=jnp.float32)
    W2 = jax.random.normal(ks[5], (HEADS * HID, 200), dtype=jnp.float32) * 0.05
    att_src2 = jax.random.normal(ks[6], (1, 200), dtype=jnp.float32) * 0.05
    att_dst2 = jax.random.normal(ks[7], (1, 200), dtype=jnp.float32) * 0.05
    b2 = jnp.zeros((200,), dtype=jnp.float32)
    return {"input_data": input_data, "adj": adj, "W1": W1, "att_src1": att_src1,
            "att_dst1": att_dst1, "b1": b1, "W2": W2, "att_src2": att_src2,
            "att_dst2": att_dst2, "b2": b2}


def get_edge_index(adj):
    # adj is already an edge list [2, E]
    return adj


def gat_conv(x, edge_index, W, att_s, att_d, bias, heads, out_ch, concat):
    n = x.shape[0]
    loop = jnp.arange(n, dtype=edge_index.dtype)
    ei = jnp.concatenate([edge_index, jnp.stack([loop, loop])], axis=1)
    src, dst = ei[0], ei[1]
    h = (x @ W).reshape(n, heads, out_ch)
    a_s = (h * att_s[None, :, :]).sum(-1)  # [N, H]
    a_d = (h * att_d[None, :, :]).sum(-1)  # [N, H]
    alpha = a_s[src] + a_d[dst]            # [E+N, H]
    alpha = jax.nn.leaky_relu(alpha, 0.2)
    amax = jax.ops.segment_max(alpha, dst, num_segments=n)
    amax = jax.lax.stop_gradient(amax)
    ea = jnp.exp(alpha - amax[dst])
    denom = jax.ops.segment_sum(ea, dst, num_segments=n)
    coef = ea / (denom[dst] + 1e-16)
    msg = h[src] * coef[:, :, None]
    out = jax.ops.segment_sum(msg, dst, num_segments=n)  # [N, H, C]
    if concat:
        out = out.reshape(n, heads * out_ch)
    else:
        out = out.mean(axis=1)
    return out + bias


def reference(input_data, adj, W1, att_src1, att_dst1, b1, W2, att_src2, att_dst2, b2):
    # eval mode: all F.dropout and GATConv attention-dropout are identity
    ei = get_edge_index(adj)
    x = gat_conv(input_data, ei, W1, att_src1, att_dst1, b1, HEADS, HID, True)
    x = jax.nn.elu(x)
    x = gat_conv(x, ei, W2, att_src2, att_dst2, b2, 1, 200, False)
    return x

if __name__ == "__main__":
    import jax
    _d = setup_inputs()
    print(jax.jit(kernel)(*tuple(_d.values())))

</pallas_src>

<mosaic_0001>
module attributes {stable_mosaic.version = 14 : i64} {
  func.func @_k1_body(%arg0: i32, %arg1: i32, %arg2: memref<400x200xf32, #tpu.memory_space<vmem>>, %arg3: memref<1x200x128xf32, #tpu.memory_space<vmem>>, %arg4: memref<1x1x128xf32, #tpu.memory_space<vmem>>, %arg5: memref<1x1x128xf32, #tpu.memory_space<vmem>>, %arg6: memref<1x400x128xf32, #tpu.memory_space<vmem>>, %arg7: memref<400x16xf32, #tpu.memory_space<vmem>>, %arg8: memref<400x16xf32, #tpu.memory_space<vmem>>, %arg9: memref<1x16xf32, #tpu.memory_space<vmem>>, %arg10: memref<1x16xf32, #tpu.memory_space<vmem>>, %arg11: memref<1x16xf32, #tpu.memory_space<vmem>>) attributes {dimension_semantics = [#tpu.dimension_semantics<arbitrary>, #tpu.dimension_semantics<arbitrary>], iteration_bounds = array<i64: 25, 25>, scalar_prefetch = 0 : i64, scratch_operands = 0 : i64, tpu.core_type = #tpu.core_type<tc>, window_params = [{transform_indices = @transform_0, window_bounds = array<i64: 400, 200>}, {transform_indices = @transform_1, window_bounds = array<i64: 1, 200, 128>}, {transform_indices = @transform_2, window_bounds = array<i64: 1, 1, 128>}, {transform_indices = @transform_3, window_bounds = array<i64: 1, 1, 128>}, {transform_indices = @transform_4, window_bounds = array<i64: 1, 400, 128>}, {transform_indices = @transform_5, window_bounds = array<i64: 400, 16>}, {transform_indices = @transform_6, window_bounds = array<i64: 400, 16>}, {pipeline_mode = #tpu.pipeline_mode<synchronous>, transform_indices = @transform_7, window_bounds = array<i64: 1, 16>}, {pipeline_mode = #tpu.pipeline_mode<synchronous>, transform_indices = @transform_8, window_bounds = array<i64: 1, 16>}, {pipeline_mode = #tpu.pipeline_mode<synchronous>, transform_indices = @transform_9, window_bounds = array<i64: 1, 16>}]} {
    %get3A = arith.constant 0 : index
    %get3A_0 = arith.constant 0 : index
    %get3A_1 = vector.load %arg2[%get3A, %get3A_0] : memref<400x200xf32, #tpu.memory_space<vmem>>, vector<400x200xf32>
    %get3A_2 = arith.constant 0 : index
    %get3A_3 = arith.constant 0 : index
    %get3A_4 = arith.constant 0 : index
    %get3A_5 = vector.load %arg3[%get3A_2, %get3A_3, %get3A_4] : memref<1x200x128xf32, #tpu.memory_space<vmem>>, vector<1x200x128xf32>
    %get3A_6 = vector.shape_cast %get3A_5 : vector<1x200x128xf32> to vector<200x128xf32>
    %dot_general3A = arith.constant dense<0.000000e+00> : vector<400x128xf32>
    %dot_general3A_7 = tpu.matmul %get3A_1, %get3A_6, %dot_general3A {dimension_numbers = #tpu.dot_dimension_numbers<[1], [0], [0], [1], [0, 0, 1, 1], [], []>, transpose_lhs_hint = false} : vector<400x200xf32>, vector<200x128xf32>, vector<400x128xf32> -> vector<400x128xf32>
    %swap3A = arith.constant 0 : index
    %swap3A_8 = arith.constant 0 : index
    %swap3A_9 = arith.constant 0 : index
    %swap3A_10 = vector.load %arg6[%swap3A, %swap3A_8, %swap3A_9] : memref<1x400x128xf32, #tpu.memory_space<vmem>>, vector<1x400x128xf32>
    %swap3A_11 = vector.shape_cast %swap3A_10 : vector<1x400x128xf32> to vector<400x128xf32>
    %swap3A_12 = vector.shape_cast %dot_general3A_7 : vector<400x128xf32> to vector<1x400x128xf32>
    tpu.vector_store %arg6[%swap3A, %swap3A_8, %swap3A_9], %swap3A_12 {strides = array<i32>} : memref<1x400x128xf32, #tpu.memory_space<vmem>>, vector<1x400x128xf32>,
    %iota3A = tpu.iota {dimensions = array<i32: 1>} : vector<1x128xi32>
    %mul3A = arith.constant 128 : i32
    %mul3A_13 = arith.muli %arg1, %mul3A : i32
    %add3A = vector.broadcast %mul3A_13 : i32 to vector<1x128xi32>
    %add3A_14 = arith.addi %add3A, %iota3A : vector<1x128xi32>
    %jit3A = arith.constant 400 : i32
    %div3A = vector.broadcast %jit3A : i32 to vector<1x128xi32>
    %div3A_15 = arith.divsi %add3A_14, %div3A : vector<1x128xi32>
    %sign3A = arith.constant 0 : i32
    %sign3A_16 = vector.broadcast %sign3A : i32 to vector<1x128xi32>
    %sign3A_17 = arith.cmpi sgt, %add3A_14, %sign3A_16 : vector<1x128xi32>
    %sign3A_18 = arith.extui %sign3A_17 : vector<1x128xi1> to vector<1x128xi32>
    %sign3A_19 = arith.constant 0 : i32
    %sign3A_20 = vector.broadcast %sign3A_19 : i32 to vector<1x128xi32>
    %sign3A_21 = arith.cmpi slt, %add3A_14, %sign3A_20 : vector<1x128xi32>
    %sign3A_22 = arith.extui %sign3A_21 : vector<1x128xi1> to vector<1x128xi32>
    %sign3A_23 = arith.subi %sign3A_18, %sign3A_22 : vector<1x128xi32>
    %sign3A_24 = arith.constant 0 : i32
    %sign3A_25 = arith.cmpi sgt, %jit3A, %sign3A_24 : i32
    %sign3A_26 = arith.extui %sign3A_25 : i1 to i32
    %sign3A_27 = arith.constant 0 : i32
    %sign3A_28 = arith.cmpi slt, %jit3A, %sign3A_27 : i32
    %sign3A_29 = arith.extui %sign3A_28 : i1 to i32
    %sign3A_30 = arith.subi %sign3A_26, %sign3A_29 : i32
    %ne3A = vector.broadcast %sign3A_30 : i32 to vector<1x128xi32>
    %ne3A_31 = arith.cmpi ne, %sign3A_23, %ne3A : vector<1x128xi32>
    %rem3A = vector.broadcast %jit3A : i32 to vector<1x128xi32>
    %rem3A_32 = arith.remsi %add3A_14, %rem3A : vector<1x128xi32>
    %ne3A_33 = arith.constant 0 : i32
    %ne3A_34 = vector.broadcast %ne3A_33 : i32 to vector<1x128xi32>
    %ne3A_35 = arith.cmpi ne, %rem3A_32, %ne3A_34 : vector<1x128xi32>
    %and3A = arith.andi %ne3A_31, %ne3A_35 : vector<1x128xi1>
    %sub3A = arith.constant 1 : i32
    %sub3A_36 = vector.broadcast %sub3A : i32 to vector<1x128xi32>
    %sub3A_37 = arith.subi %div3A_15, %sub3A_36 : vector<1x128xi32>
    %select_n3A = arith.select %and3A, %sub3A_37, %div3A_15 : vector<1x128xi1>, vector<1x128xi32>
    %mul3A_38 = arith.constant 128 : i32
    %mul3A_39 = arith.muli %arg1, %mul3A_38 : i32
    %jit3A_40 = arith.constant 400 : i32
    %div3A_41 = arith.divsi %mul3A_39, %jit3A_40 : i32
    %sign3A_42 = arith.constant 0 : i32
    %sign3A_43 = arith.cmpi sgt, %mul3A_39, %sign3A_42 : i32
    %sign3A_44 = arith.extui %sign3A_43 : i1 to i32
    %sign3A_45 = arith.constant 0 : i32
    %sign3A_46 = arith.cmpi slt, %mul3A_39, %sign3A_45 : i32
    %sign3A_47 = arith.extui %sign3A_46 : i1 to i32
    %sign3A_48 = arith.subi %sign3A_44, %sign3A_47 : i32
    %sign3A_49 = arith.constant 0 : i32
    %sign3A_50 = arith.cmpi sgt, %jit3A_40, %sign3A_49 : i32
    %sign3A_51 = arith.extui %sign3A_50 : i1 to i32
    %sign3A_52 = arith.constant 0 : i32
    %sign3A_53 = arith.cmpi slt, %jit3A_40, %sign3A_52 : i32
    %sign3A_54 = arith.extui %sign3A_53 : i1 to i32
    %sign3A_55 = arith.subi %sign3A_51, %sign3A_54 : i32
    %ne3A_56 = arith.cmpi ne, %sign3A_48, %sign3A_55 : i32
    %rem3A_57 = arith.remsi %mul3A_39, %jit3A_40 : i32
    %ne3A_58 = arith.constant 0 : i32
    %ne3A_59 = arith.cmpi ne, %rem3A_57, %ne3A_58 : i32
    %and3A_60 = arith.andi %ne3A_56, %ne3A_59 : i1
    %sub3A_61 = arith.constant 1 : i32
    %sub3A_62 = arith.subi %div3A_41, %sub3A_61 : i32
    %select_n3A_63 = arith.select %and3A_60, %sub3A_62, %div3A_41 : i32
    %mul3A_64 = arith.constant 128 : i32
    %mul3A_65 = arith.muli %arg1, %mul3A_64 : i32
    %add3A_66 = arith.constant 128 : i32
    %add3A_67 = arith.addi %mul3A_65, %add3A_66 : i32
    %sub3A_68 = arith.constant 1 : i32
    %sub3A_69 = arith.subi %add3A_67, %sub3A_68 : i32
    %jit3A_70 = arith.constant 400 : i32
    %div3A_71 = arith.divsi %sub3A_69, %jit3A_70 : i32
    %sign3A_72 = arith.constant 0 : i32
    %sign3A_73 = arith.cmpi sgt, %sub3A_69, %sign3A_72 : i32
    %sign3A_74 = arith.extui %sign3A_73 : i1 to i32
    %sign3A_75 = arith.constant 0 : i32
    %sign3A_76 = arith.cmpi slt, %sub3A_69, %sign3A_75 : i32
    %sign3A_77 = arith.extui %sign3A_76 : i1 to i32
    %sign3A_78 = arith.subi %sign3A_74, %sign3A_77 : i32
    %sign3A_79 = arith.constant 0 : i32
    %sign3A_80 = arith.cmpi sgt, %jit3A_70, %sign3A_79 : i32
    %sign3A_81 = arith.extui %sign3A_80 : i1 to i32
    %sign3A_82 = arith.constant 0 : i32
    %sign3A_83 = arith.cmpi slt, %jit3A_70, %sign3A_82 : i32
    %sign3A_84 = arith.extui %sign3A_83 : i1 to i32
    %sign3A_85 = arith.subi %sign3A_81, %sign3A_84 : i32
    %ne3A_86 = arith.cmpi ne, %sign3A_78, %sign3A_85 : i32
    %rem3A_87 = arith.remsi %sub3A_69, %jit3A_70 : i32
    %ne3A_88 = arith.constant 0 : i32
    %ne3A_89 = arith.cmpi ne, %rem3A_87, %ne3A_88 : i32
    %and3A_90 = arith.andi %ne3A_86, %ne3A_89 : i1
    %sub3A_91 = arith.constant 1 : i32
    %sub3A_92 = arith.subi %div3A_71, %sub3A_91 : i32
    %select_n3A_93 = arith.select %and3A_90, %sub3A_92, %div3A_71 : i32
    %get3A_94 = arith.constant 0 : index
    %get3A_95 = arith.constant 0 : index
    %get3A_96 = arith.constant 0 : index
    %get3A_97 = vector.load %arg4[%get3A_94, %get3A_95, %get3A_96] : memref<1x1x128xf32, #tpu.memory_space<vmem>>, vector<1x1x128xf32>
    %get3A_98 = vector.shape_cast %get3A_97 : vector<1x1x128xf32> to vector<1x128xf32>
    %mul3A_99 = vector.broadcast %get3A_98 : vector<1x128xf32> to vector<400x128xf32>
    %mul3A_100 = arith.mulf %dot_general3A_7, %mul3A_99 : vector<400x128xf32>
    %get3A_101 = arith.constant 0 : index
    %get3A_102 = arith.constant 0 : index
    %get3A_103 = arith.constant 0 : index
    %get3A_104 = vector.load %arg5[%get3A_101, %get3A_102, %get3A_103] : memref<1x1x128xf32, #tpu.memory_space<vmem>>, vector<1x1x128xf32>
    %get3A_105 = vector.shape_cast %get3A_104 : vector<1x1x128xf32> to vector<1x128xf32>
    %mul3A_106 = vector.broadcast %get3A_105 : vector<1x128xf32> to vector<400x128xf32>
    %mul3A_107 = arith.mulf %dot_general3A_7, %mul3A_106 : vector<400x128xf32>
    %eq3A = vector.broadcast %select_n3A_63 : i32 to vector<1x128xi32>
    %eq3A_108 = arith.cmpi eq, %select_n3A, %eq3A : vector<1x128xi32>
    %convert_element_type3A = arith.extui %eq3A_108 : vector<1x128xi1> to vector<1x128xi32>
    %convert_element_type3A_109 = arith.sitofp %convert_element_type3A : vector<1x128xi32> to vector<1x128xf32>
    %eq3A_110 = vector.broadcast %select_n3A_93 : i32 to vector<1x128xi32>
    %eq3A_111 = arith.cmpi eq, %select_n3A, %eq3A_110 : vector<1x128xi32>
    %convert_element_type3A_112 = arith.extui %eq3A_111 : vector<1x128xi1> to vector<1x128xi32>
    %convert_element_type3A_113 = arith.sitofp %convert_element_type3A_112 : vector<1x128xi32> to vector<1x128xf32>
    %mul3A_114 = vector.broadcast %convert_element_type3A_109 : vector<1x128xf32> to vector<400x128xf32>
    %mul3A_115 = arith.mulf %mul3A_100, %mul3A_114 : vector<400x128xf32>
    %reduce_sum3A = arith.constant dense<0.000000e+00> : vector<400xf32>
    %reduce_sum3A_116 = vector.multi_reduction <add>, %mul3A_115, %reduce_sum3A [1] : vector<400x128xf32> to vector<400xf32>
    %mul3A_117 = vector.broadcast %convert_element_type3A_113 : vector<1x128xf32> to vector<400x128xf32>
    %mul3A_118 = arith.mulf %mul3A_100, %mul3A_117 : vector<400x128xf32>
    %reduce_sum3A_119 = arith.constant dense<0.000000e+00> : vector<400xf32>
    %reduce_sum3A_120 = vector.multi_reduction <add>, %mul3A_118, %reduce_sum3A_119 [1] : vector<400x128xf32> to vector<400xf32>
    %mul3A_121 = vector.broadcast %convert_element_type3A_109 : vector<1x128xf32> to vector<400x128xf32>
    %mul3A_122 = arith.mulf %mul3A_107, %mul3A_121 : vector<400x128xf32>
    %reduce_sum3A_123 = arith.constant dense<0.000000e+00> : vector<400xf32>
    %reduce_sum3A_124 = vector.multi_reduction <add>, %mul3A_122, %reduce_sum3A_123 [1] : vector<400x128xf32> to vector<400xf32>
    %mul3A_125 = vector.broadcast %convert_element_type3A_113 : vector<1x128xf32> to vector<400x128xf32>
    %mul3A_126 = arith.mulf %mul3A_107, %mul3A_125 : vector<400x128xf32>
    %reduce_sum3A_127 = arith.constant dense<0.000000e+00> : vector<400xf32>
    %reduce_sum3A_128 = vector.multi_reduction <add>, %mul3A_126, %reduce_sum3A_127 [1] : vector<400x128xf32> to vector<400xf32>
    %iota3A_129 = tpu.iota {dimensions = array<i32: 1>} : vector<1x16xi32>
    %jit3A_130 = arith.constant 8 : i32
    %eq3A_131 = arith.constant 0 : i32
    %eq3A_132 = arith.cmpi eq, %jit3A_130, %eq3A_131 : i32
    %jit3A_133 = arith.constant 1 : i32
    %select_n3A_134 = arith.select %eq3A_132, %jit3A_133, %jit3A_130 : i32
    %rem3A_135 = vector.broadcast %select_n3A_134 : i32 to vector<1x16xi32>
    %rem3A_136 = arith.remsi %iota3A_129, %rem3A_135 : vector<1x16xi32>
    %ne3A_137 = arith.constant 0 : i32
    %ne3A_138 = vector.broadcast %ne3A_137 : i32 to vector<1x16xi32>
    %ne3A_139 = arith.cmpi ne, %rem3A_136, %ne3A_138 : vector<1x16xi32>
    %lt3A = arith.constant 0 : i32
    %lt3A_140 = vector.broadcast %lt3A : i32 to vector<1x16xi32>
    %lt3A_141 = arith.cmpi slt, %rem3A_136, %lt3A_140 : vector<1x16xi32>
    %lt3A_142 = arith.constant 0 : i32
    %lt3A_143 = arith.cmpi slt, %select_n3A_134, %lt3A_142 : i32
    %ne3A_144 = vector.broadcast %lt3A_143 : i1 to vector<1x16xi1>
    %ne3A_145 = vector.broadcast %ne3A_144 : vector<1x16xi1> to vector<1x16xi1>
    %ne3A_146 = arith.xori %lt3A_141, %ne3A_145 : vector<1x16xi1>
    %and3A_147 = arith.andi %ne3A_146, %ne3A_139 : vector<1x16xi1>
    %add3A_148 = vector.broadcast %select_n3A_134 : i32 to vector<1x16xi32>
    %add3A_149 = arith.addi %rem3A_136, %add3A_148 : vector<1x16xi32>
    %select_n3A_150 = arith.select %and3A_147, %add3A_149, %rem3A_136 : vector<1x16xi1>, vector<1x16xi32>
    %eq3A_151 = vector.broadcast %select_n3A_63 : i32 to vector<1x16xi32>
    %eq3A_152 = arith.cmpi eq, %select_n3A_150, %eq3A_151 : vector<1x16xi32>
    %convert_element_type3A_153 = arith.extui %eq3A_152 : vector<1x16xi1> to vector<1x16xi32>
    %convert_element_type3A_154 = arith.sitofp %convert_element_type3A_153 : vector<1x16xi32> to vector<1x16xf32>
    %jit3A_155 = arith.constant 8 : i32
    %eq3A_156 = arith.constant 0 : i32
    %eq3A_157 = arith.cmpi eq, %jit3A_155, %eq3A_156 : i32
    %jit3A_158 = arith.constant 1 : i32
    %select_n3A_159 = arith.select %eq3A_157, %jit3A_158, %jit3A_155 : i32
    %rem3A_160 = vector.broadcast %select_n3A_159 : i32 to vector<1x16xi32>
    %rem3A_161 = arith.remsi %iota3A_129, %rem3A_160 : vector<1x16xi32>
    %ne3A_162 = arith.constant 0 : i32
    %ne3A_163 = vector.broadcast %ne3A_162 : i32 to vector<1x16xi32>
    %ne3A_164 = arith.cmpi ne, %rem3A_161, %ne3A_163 : vector<1x16xi32>
    %lt3A_165 = arith.constant 0 : i32
    %lt3A_166 = vector.broadcast %lt3A_165 : i32 to vector<1x16xi32>
    %lt3A_167 = arith.cmpi slt, %rem3A_161, %lt3A_166 : vector<1x16xi32>
    %lt3A_168 = arith.constant 0 : i32
    %lt3A_169 = arith.cmpi slt, %select_n3A_159, %lt3A_168 : i32
    %ne3A_170 = vector.broadcast %lt3A_169 : i1 to vector<1x16xi1>
    %ne3A_171 = vector.broadcast %ne3A_170 : vector<1x16xi1> to vector<1x16xi1>
    %ne3A_172 = arith.xori %lt3A_167, %ne3A_171 : vector<1x16xi1>
    %and3A_173 = arith.andi %ne3A_172, %ne3A_164 : vector<1x16xi1>
    %add3A_174 = vector.broadcast %select_n3A_159 : i32 to vector<1x16xi32>
    %add3A_175 = arith.addi %rem3A_161, %add3A_174 : vector<1x16xi32>
    %select_n3A_176 = arith.select %and3A_173, %add3A_175, %rem3A_161 : vector<1x16xi1>, vector<1x16xi32>
    %eq3A_177 = vector.broadcast %select_n3A_93 : i32 to vector<1x16xi32>
    %eq3A_178 = arith.cmpi eq, %select_n3A_176, %eq3A_177 : vector<1x16xi32>
    %convert_element_type3A_179 = arith.extui %eq3A_178 : vector<1x16xi1> to vector<1x16xi32>
    %convert_element_type3A_180 = arith.sitofp %convert_element_type3A_179 : vector<1x16xi32> to vector<1x16xf32>
    %ne3A_181 = arith.cmpi ne, %select_n3A_93, %select_n3A_63 : i32
    %jit3A_182 = arith.constant 1.000000e+00 : f32
    %jit3A_183 = arith.constant 0.000000e+00 : f32
    %select_n3A_184 = arith.select %ne3A_181, %jit3A_182, %jit3A_183 : f32
    %mul3A_185 = vector.broadcast %select_n3A_184 : f32 to vector<1x16xf32>
    %mul3A_186 = arith.mulf %convert_element_type3A_180, %mul3A_185 : vector<1x16xf32>
    %eq3A_187 = arith.constant 0 : i32
    %eq3A_188 = arith.cmpi eq, %arg1, %eq3A_187 : i32
    %convert_element_type3A_189 = arith.extui %eq3A_188 : i1 to i32
    %cond3A = arith.constant 0 : i32
    %cond3A_190 = arith.cmpi ne, %convert_element_type3A_189, %cond3A : i32
    scf.if %cond3A_190 {
      %broadcast_in_dim3A_227 = arith.constant 0.000000e+00 : f32
      %broadcast_in_dim3A_228 = vector.broadcast %broadcast_in_dim3A_227 : f32 to vector<400x16xf32>
      %swap3A_229 = arith.constant 0 : index
      %swap3A_230 = arith.constant 0 : index
      %swap3A_231 = vector.load %arg7[%swap3A_229, %swap3A_230] : memref<400x16xf32, #tpu.memory_space<vmem>>, vector<400x16xf32>
      tpu.vector_store %arg7[%swap3A_229, %swap3A_230], %broadcast_in_dim3A_228 {strides = array<i32>} : memref<400x16xf32, #tpu.memory_space<vmem>>, vector<400x16xf32>,
      %broadcast_in_dim3A_232 = arith.constant 0.000000e+00 : f32
      %broadcast_in_dim3A_233 = vector.broadcast %broadcast_in_dim3A_232 : f32 to vector<400x16xf32>
      %swap3A_234 = arith.constant 0 : index
      %swap3A_235 = arith.constant 0 : index
      %swap3A_236 = vector.load %arg8[%swap3A_234, %swap3A_235] : memref<400x16xf32, #tpu.memory_space<vmem>>, vector<400x16xf32>
      tpu.vector_store %arg8[%swap3A_234, %swap3A_235], %broadcast_in_dim3A_233 {strides = array<i32>} : memref<400x16xf32, #tpu.memory_space<vmem>>, vector<400x16xf32>,
    } else {
    }
    %get3A_191 = arith.constant 0 : index
    %get3A_192 = arith.constant 0 : index
    %get3A_193 = vector.load %arg7[%get3A_191, %get3A_192] : memref<400x16xf32, #tpu.memory_space<vmem>>, vector<400x16xf32>
    %broadcast_in_dim3A = vector.shape_cast %reduce_sum3A_116 : vector<400xf32> to vector<400x1xf32>
    %mul3A_194 = vector.broadcast %broadcast_in_dim3A : vector<400x1xf32> to vector<400x16xf32>
    %mul3A_195 = vector.broadcast %convert_element_type3A_154 : vector<1x16xf32> to vector<400x16xf32>
    %mul3A_196 = arith.mulf %mul3A_194, %mul3A_195 : vector<400x16xf32>
    %broadcast_in_dim3A_197 = vector.shape_cast %reduce_sum3A_120 : vector<400xf32> to vector<400x1xf32>
    %mul3A_198 = vector.broadcast %broadcast_in_dim3A_197 : vector<400x1xf32> to vector<400x16xf32>
    %mul3A_199 = vector.broadcast %mul3A_186 : vector<1x16xf32> to vector<400x16xf32>
    %mul3A_200 = arith.mulf %mul3A_198, %mul3A_199 : vector<400x16xf32>
    %add3A_201 = arith.addf %mul3A_196, %mul3A_200 : vector<400x16xf32>
    %add3A_202 = arith.addf %get3A_193, %add3A_201 : vector<400x16xf32>
    %swap3A_203 = arith.constant 0 : index
    %swap3A_204 = arith.constant 0 : index
    %swap3A_205 = vector.load %arg7[%swap3A_203, %swap3A_204] : memref<400x16xf32, #tpu.memory_space<vmem>>, vector<400x16xf32>
    tpu.vector_store %arg7[%swap3A_203, %swap3A_204], %add3A_202 {strides = array<i32>} : memref<400x16xf32, #tpu.memory_space<vmem>>, vector<400x16xf32>,
    %get3A_206 = arith.constant 0 : index
    %get3A_207 = arith.constant 0 : index
    %get3A_208 = vector.load %arg8[%get3A_206, %get3A_207] : memref<400x16xf32, #tpu.memory_space<vmem>>, vector<400x16xf32>
    %broadcast_in_dim3A_209 = vector.shape_cast %reduce_sum3A_124 : vector<400xf32> to vector<400x1xf32>
    %mul3A_210 = vector.broadcast %broadcast_in_dim3A_209 : vector<400x1xf32> to vector<400x16xf32>
    %mul3A_211 = vector.broadcast %convert_element_type3A_154 : vector<1x16xf32> to vector<400x16xf32>
    %mul3A_212 = arith.mulf %mul3A_210, %mul3A_211 : vector<400x16xf32>
    %broadcast_in_dim3A_213 = vector.shape_cast %reduce_sum3A_128 : vector<400xf32> to vector<400x1xf32>
    %mul3A_214 = vector.broadcast %broadcast_in_dim3A_213 : vector<400x1xf32> to vector<400x16xf32>
    %mul3A_215 = vector.broadcast %mul3A_186 : vector<1x16xf32> to vector<400x16xf32>
    %mul3A_216 = arith.mulf %mul3A_214, %mul3A_215 : vector<400x16xf32>
    %add3A_217 = arith.addf %mul3A_212, %mul3A_216 : vector<400x16xf32>
    %add3A_218 = arith.addf %get3A_208, %add3A_217 : vector<400x16xf32>
    %swap3A_219 = arith.constant 0 : index
    %swap3A_220 = arith.constant 0 : index
    %swap3A_221 = vector.load %arg8[%swap3A_219, %swap3A_220] : memref<400x16xf32, #tpu.memory_space<vmem>>, vector<400x16xf32>
    tpu.vector_store %arg8[%swap3A_219, %swap3A_220], %add3A_218 {strides = array<i32>} : memref<400x16xf32, #tpu.memory_space<vmem>>, vector<400x16xf32>,
    %eq3A_222 = arith.constant 24 : i32
    %eq3A_223 = arith.cmpi eq, %arg1, %eq3A_222 : i32
    %convert_element_type3A_224 = arith.extui %eq3A_223 : i1 to i32
    %cond3A_225 = arith.constant 0 : i32
    %cond3A_226 = arith.cmpi ne, %convert_element_type3A_224, %cond3A_225 : i32
    scf.if %cond3A_226 {
      %get3A_227 = arith.constant 0 : index
      %get3A_228 = arith.constant 0 : index
      %get3A_229 = vector.load %arg7[%get3A_227, %get3A_228] : memref<400x16xf32, #tpu.memory_space<vmem>>, vector<400x16xf32>
      %reduce_max3A = arith.constant dense<0xFF800000> : vector<16xf32>
      %reduce_max3A_230 = vector.multi_reduction <maximumf>, %get3A_229, %reduce_max3A [0] : vector<400x16xf32> to vector<16xf32>
      %broadcast_in_dim3A_231 = vector.shape_cast %reduce_max3A_230 : vector<16xf32> to vector<1x16xf32>
      %get3A_232 = arith.constant 0 : index
      %get3A_233 = arith.constant 0 : index
      %get3A_234 = vector.load %arg8[%get3A_232, %get3A_233] : memref<400x16xf32, #tpu.memory_space<vmem>>, vector<400x16xf32>
      %reduce_max3A_235 = arith.constant dense<0xFF800000> : vector<16xf32>
      %reduce_max3A_236 = vector.multi_reduction <maximumf>, %get3A_234, %reduce_max3A_235 [0] : vector<400x16xf32> to vector<16xf32>
      %broadcast_in_dim3A_237 = vector.shape_cast %reduce_max3A_236 : vector<16xf32> to vector<1x16xf32>
      %eq3A_238 = arith.constant 0 : i32
      %eq3A_239 = arith.cmpi eq, %arg0, %eq3A_238 : i32
      %convert_element_type3A_240 = arith.extui %eq3A_239 : i1 to i32
      %cond3A_241 = arith.constant 0 : i32
      %cond3A_242 = arith.cmpi ne, %convert_element_type3A_240, %cond3A_241 : i32
      scf.if %cond3A_242 {
        %swap3A_264 = arith.constant 0 : index
        %swap3A_265 = arith.constant 0 : index
        %swap3A_266 = vector.load %arg9[%swap3A_264, %swap3A_265] : memref<1x16xf32, #tpu.memory_space<vmem>>, vector<1x16xf32>
        tpu.vector_store %arg9[%swap3A_264, %swap3A_265], %broadcast_in_dim3A_231 {strides = array<i32>} : memref<1x16xf32, #tpu.memory_space<vmem>>, vector<1x16xf32>,
        %swap3A_267 = arith.constant 0 : index
        %swap3A_268 = arith.constant 0 : index
        %swap3A_269 = vector.load %arg10[%swap3A_267, %swap3A_268] : memref<1x16xf32, #tpu.memory_space<vmem>>, vector<1x16xf32>
        tpu.vector_store %arg10[%swap3A_267, %swap3A_268], %broadcast_in_dim3A_237 {strides = array<i32>} : memref<1x16xf32, #tpu.memory_space<vmem>>, vector<1x16xf32>,
      } else {
      }
      %gt3A = arith.constant 0 : i32
      %gt3A_243 = arith.cmpi sgt, %arg0, %gt3A : i32
      %convert_element_type3A_244 = arith.extui %gt3A_243 : i1 to i32
      %cond3A_245 = arith.constant 0 : i32
      %cond3A_246 = arith.cmpi ne, %convert_element_type3A_244, %cond3A_245 : i32
      scf.if %cond3A_246 {
        %get3A_264 = arith.constant 0 : index
        %get3A_265 = arith.constant 0 : index
        %get3A_266 = vector.load %arg9[%get3A_264, %get3A_265] : memref<1x16xf32, #tpu.memory_space<vmem>>, vector<1x16xf32>
        %max3A = arith.maximumf %get3A_266, %broadcast_in_dim3A_231 : vector<1x16xf32>
        %swap3A_267 = arith.constant 0 : index
        %swap3A_268 = arith.constant 0 : index
        %swap3A_269 = vector.load %arg9[%swap3A_267, %swap3A_268] : memref<1x16xf32, #tpu.memory_space<vmem>>, vector<1x16xf32>
        tpu.vector_store %arg9[%swap3A_267, %swap3A_268], %max3A {strides = array<i32>} : memref<1x16xf32, #tpu.memory_space<vmem>>, vector<1x16xf32>,
        %get3A_270 = arith.constant 0 : index
        %get3A_271 = arith.constant 0 : index
        %get3A_272 = vector.load %arg10[%get3A_270, %get3A_271] : memref<1x16xf32, #tpu.memory_space<vmem>>, vector<1x16xf32>
        %max3A_273 = arith.maximumf %get3A_272, %broadcast_in_dim3A_237 : vector<1x16xf32>
        %swap3A_274 = arith.constant 0 : index
        %swap3A_275 = arith.constant 0 : index
        %swap3A_276 = vector.load %arg10[%swap3A_274, %swap3A_275] : memref<1x16xf32, #tpu.memory_space<vmem>>, vector<1x16xf32>
        tpu.vector_store %arg10[%swap3A_274, %swap3A_275], %max3A_273 {strides = array<i32>} : memref<1x16xf32, #tpu.memory_space<vmem>>, vector<1x16xf32>,
      } else {
      }
      %get3A_247 = arith.constant 0 : index
      %get3A_248 = arith.constant 0 : index
      %get3A_249 = vector.load %arg9[%get3A_247, %get3A_248] : memref<1x16xf32, #tpu.memory_space<vmem>>, vector<1x16xf32>
      %get3A_250 = arith.constant 0 : index
      %get3A_251 = arith.constant 0 : index
      %get3A_252 = vector.load %arg10[%get3A_250, %get3A_251] : memref<1x16xf32, #tpu.memory_space<vmem>>, vector<1x16xf32>
      %add3A_253 = arith.addf %get3A_249, %get3A_252 : vector<1x16xf32>
      %gt3A_254 = arith.constant 0.000000e+00 : f32
      %gt3A_255 = vector.broadcast %gt3A_254 : f32 to vector<1x16xf32>
      %gt3A_256 = arith.cmpf ogt, %add3A_253, %gt3A_255 : vector<1x16xf32>
      %mul3A_257 = arith.constant 2.000000e-01 : f32
      %mul3A_258 = vector.broadcast %mul3A_257 : f32 to vector<1x16xf32>
      %mul3A_259 = arith.mulf %mul3A_258, %add3A_253 : vector<1x16xf32>
      %select_n3A_260 = arith.select %gt3A_256, %add3A_253, %mul3A_259 : vector<1x16xi1>, vector<1x16xf32>
      %swap3A_261 = arith.constant 0 : index
      %swap3A_262 = arith.constant 0 : index
      %swap3A_263 = vector.load %arg11[%swap3A_261, %swap3A_262] : memref<1x16xf32, #tpu.memory_space<vmem>>, vector<1x16xf32>
      tpu.vector_store %arg11[%swap3A_261, %swap3A_262], %select_n3A_260 {strides = array<i32>} : memref<1x16xf32, #tpu.memory_space<vmem>>, vector<1x16xf32>,
    } else {
    }
    return
  }
  func.func @transform_0(%arg0: i32, %arg1: i32) -> (i32, i32) {
    %c0_i32 = arith.constant 0 : i32
    %c0_i32_0 = arith.constant 0 : i32
    return %arg0, %c0_i32 : i32, i32
  }
  func.func @transform_1(%arg0: i32, %arg1: i32) -> (i32, i32, i32) {
    %c0_i32 = arith.constant 0 : i32
    %c0_i32_0 = arith.constant 0 : i32
    %c0_i32_1 = arith.constant 0 : i32
    return %arg1, %c0_i32, %c0_i32_0 : i32, i32, i32
  }
  func.func @transform_2(%arg0: i32, %arg1: i32) -> (i32, i32, i32) {
    %c0_i32 = arith.constant 0 : i32
    %c0_i32_0 = arith.constant 0 : i32
    %c0_i32_1 = arith.constant 0 : i32
    return %arg1, %c0_i32, %c0_i32_0 : i32, i32, i32
  }
  func.func @transform_3(%arg0: i32, %arg1: i32) -> (i32, i32, i32) {
    %c0_i32 = arith.constant 0 : i32
    %c0_i32_0 = arith.constant 0 : i32
    %c0_i32_1 = arith.constant 0 : i32
    return %arg1, %c0_i32, %c0_i32_0 : i32, i32, i32
  }
  func.func @transform_4(%arg0: i32, %arg1: i32) -> (i32, i32, i32) {
    %c0_i32 = arith.constant 0 : i32
    %c0_i32_0 = arith.constant 0 : i32
    return %arg1, %arg0, %c0_i32 : i32, i32, i32
  }
  func.func @transform_5(%arg0: i32, %arg1: i32) -> (i32, i32) {
    %c0_i32 = arith.constant 0 : i32
    %c0_i32_0 = arith.constant 0 : i32
    return %arg0, %c0_i32 : i32, i32
  }
  func.func @transform_6(%arg0: i32, %arg1: i32) -> (i32, i32) {
    %c0_i32 = arith.constant 0 : i32
    %c0_i32_0 = arith.constant 0 : i32
    return %arg0, %c0_i32 : i32, i32
  }
  func.func @transform_7(%arg0: i32, %arg1: i32) -> (i32, i32) {
    %c0_i32 = arith.constant 0 : i32
    %c0_i32_0 = arith.constant 0 : i32
    %c0_i32_1 = arith.constant 0 : i32
    return %c0_i32, %c0_i32_0 : i32, i32
  }
  func.func @transform_8(%arg0: i32, %arg1: i32) -> (i32, i32) {
    %c0_i32 = arith.constant 0 : i32
    %c0_i32_0 = arith.constant 0 : i32
    %c0_i32_1 = arith.constant 0 : i32
    return %c0_i32, %c0_i32_0 : i32, i32
  }
  func.func @transform_9(%arg0: i32, %arg1: i32) -> (i32, i32) {
    %c0_i32 = arith.constant 0 : i32
    %c0_i32_0 = arith.constant 0 : i32
    %c0_i32_1 = arith.constant 0 : i32
    return %c0_i32, %c0_i32_0 : i32, i32
  }
}

module attributes {stable_mosaic.version = 14 : i64} {
  func.func @_k8_body(%arg0: i32, %arg1: memref<400x128xf32, #tpu.memory_space<vmem>>, %arg2: memref<400x128xf32, #tpu.memory_space<vmem>>, %arg3: memref<400x16xf32, #tpu.memory_space<vmem>>, %arg4: memref<400x16xf32, #tpu.memory_space<vmem>>, %arg5: memref<1x200xf32, #tpu.memory_space<vmem>>, %arg6: memref<400x200xf32, #tpu.memory_space<vmem>>) attributes {dimension_semantics = [#tpu.dimension_semantics<arbitrary>], iteration_bounds = array<i64: 25>, scalar_prefetch = 0 : i64, scratch_operands = 0 : i64, tpu.core_type = #tpu.core_type<tc>, window_params = [{transform_indices = @transform_0, window_bounds = array<i64: 400, 128>}, {transform_indices = @transform_1, window_bounds = array<i64: 400, 128>}, {transform_indices = @transform_2, window_bounds = array<i64: 400, 16>}, {transform_indices = @transform_3, window_bounds = array<i64: 400, 16>}, {pipeline_mode = #tpu.pipeline_mode<synchronous>, transform_indices = @transform_4, window_bounds = array<i64: 1, 200>}, {transform_indices = @transform_5, window_bounds = array<i64: 400, 200>}]} {
    %get3A = arith.constant 0 : index
    %get3A_0 = arith.constant 0 : index
    %get3A_1 = vector.load %arg3[%get3A, %get3A_0] : memref<400x16xf32, #tpu.memory_space<vmem>>, vector<400x1xf32>
    %get3A_2 = arith.constant 0 : index
    %get3A_3 = arith.constant 0 : index
    %get3A_4 = vector.load %arg4[%get3A_2, %get3A_3] : memref<400x16xf32, #tpu.memory_space<vmem>>, vector<400x1xf32>
    %add3A = arith.addf %get3A_1, %get3A_4 : vector<400x1xf32>
    %add3A_5 = arith.constant 1.000000e-16 : f32
    %add3A_6 = vector.broadcast %add3A_5 : f32 to vector<400x1xf32>
    %add3A_7 = arith.addf %add3A, %add3A_6 : vector<400x1xf32>
    %get3A_8 = arith.constant 0 : index
    %get3A_9 = arith.constant 0 : index
    %get3A_10 = vector.load %arg1[%get3A_8, %get3A_9] : memref<400x128xf32, #tpu.memory_space<vmem>>, vector<400x128xf32>
    %get3A_11 = arith.constant 0 : index
    %get3A_12 = arith.constant 0 : index
    %get3A_13 = vector.load %arg2[%get3A_11, %get3A_12] : memref<400x128xf32, #tpu.memory_space<vmem>>, vector<400x72xf32>
    %concatenate3A = tpu.concatenate %get3A_10, %get3A_13 in 1 : vector<400x128xf32>, vector<400x72xf32> -> vector<400x200xf32>
    %div3A = vector.broadcast %add3A_7 : vector<400x1xf32> to vector<400x200xf32>
    %div3A_14 = arith.divf %concatenate3A, %div3A : vector<400x200xf32>
    %get3A_15 = arith.constant 0 : index
    %get3A_16 = arith.constant 0 : index
    %get3A_17 = vector.load %arg5[%get3A_15, %get3A_16] : memref<1x200xf32, #tpu.memory_space<vmem>>, vector<1x200xf32>
    %add3A_18 = vector.broadcast %get3A_17 : vector<1x200xf32> to vector<400x200xf32>
    %add3A_19 = arith.addf %div3A_14, %add3A_18 : vector<400x200xf32>
    %swap3A = arith.constant 0 : index
    %swap3A_20 = arith.constant 0 : index
    %swap3A_21 = vector.load %arg6[%swap3A, %swap3A_20] : memref<400x200xf32, #tpu.memory_space<vmem>>, vector<400x200xf32>
    tpu.vector_store %arg6[%swap3A, %swap3A_20], %add3A_19 {strides = array<i32>} : memref<400x200xf32, #tpu.memory_space<vmem>>, vector<400x200xf32>,
    return
  }
  func.func @transform_0(%arg0: i32) -> (i32, i32) {
    %c0_i32 = arith.constant 0 : i32
    %c0_i32_0 = arith.constant 0 : i32
    return %arg0, %c0_i32 : i32, i32
  }
  func.func @transform_1(%arg0: i32) -> (i32, i32) {
    %c0_i32 = arith.constant 0 : i32
    %c0_i32_0 = arith.constant 0 : i32
    return %arg0, %c0_i32 : i32, i32
  }
  func.func @transform_2(%arg0: i32) -> (i32, i32) {
    %c0_i32 = arith.constant 0 : i32
    %c0_i32_0 = arith.constant 0 : i32
    return %arg0, %c0_i32 : i32, i32
  }
  func.func @transform_3(%arg0: i32) -> (i32, i32) {
    %c0_i32 = arith.constant 0 : i32
    %c0_i32_0 = arith.constant 0 : i32
    return %arg0, %c0_i32 : i32, i32
  }
  func.func @transform_4(%arg0: i32) -> (i32, i32) {
    %c0_i32 = arith.constant 0 : i32
    %c0_i32_0 = arith.constant 0 : i32
    %c0_i32_1 = arith.constant 0 : i32
    return %c0_i32, %c0_i32_0 : i32, i32
  }
  func.func @transform_5(%arg0: i32) -> (i32, i32) {
    %c0_i32 = arith.constant 0 : i32
    %c0_i32_0 = arith.constant 0 : i32
    return %arg0, %c0_i32 : i32, i32
  }
}

</mosaic_0001>

<sc_bundles>
// kernel: gather_offload_async_start
scs
__scs_entry_jumppad:
0x0: {  	(pc) =	sbr.rel $0x88, $3  }
0x1: {  	(tag) =	ssettag $0x0;
	lr =	simm.s32 $0x1  }
0x2: {  	[smem:$0x3F97] =	sst lr;
	_ =	strace $0xD0000000  }
0x3: {  	_ = 	snop  }
0x4: {  	_ = 	snop  }
0x5: {  	_ = 	snop  }
0x6: {  	_ = 	snop  }
0x7: {  	_ = 	snop  }
__scs_overlays_trampoline_lowered:
0x8: {  	[smem:$0x3FA6] =	sst s0  }
0x9: {  	[smem:$0x3FA7] =	sst s1  }
0xa: {  	[smem:$0x3FA8] =	sst s2  }
0xb: {  	[smem:$0x3FA9] =	sst s3  }
0xc: {  	[smem:$0x3FAA] =	sst s4  }
0xd: {  	[smem:$0x3FAB] =	sst s5  }
0xe: {  	[smem:$0x3FAC] =	sst s6  }
0xf: {  	[smem:$0x3FAD] =	sst s7  }
0x10: {  	[smem:$0x3FAE] =	sst s8  }
0x11: {  	[smem:$0x3FAF] =	sst s9;
	s0 =	simm.s32 @!p0 $0x0  }
0x12: {  	s1 =	sld [smem:$0x3F95];
	s0 =	simm.s32 @p0 $0x1  }
0x13: {  	[smem:$0x3FB0] =	sst s0;
	s0 =	simm.s32 @!p1 $0x0  }
0x14: {  	s2 =	sld [smem:$0x3F94];
	s0 =	simm.s32 @p1 $0x1  }
0x15: {  	[smem:$0x3FB1] =	sst s0;
	s0 =	simm.s32 @!p2 $0x0  }
0x16: {  	s3 =	sld [smem:$0x3FDB];
	s0 =	simm.s32 @p2 $0x1  }
0x17: {  	s4 =	simm.s32 $0x1BF5;
	[smem:$0x3FB3] =	sst s0  }
0x18: {  	s0 =	sld [smem:$0x3F96];
	_ =	swait.ge [sflag:s4], $0x0  }
0x19: {  	s7 =	sld [smem:$0x3F97]  }
0x1a: {  	s8 =	sadd.s32 $0xFFFFE003, lr  }
0x1b: {  	s9 =	sadd.s32 $0xFFFFFEF7, lr;
	s5 =	simm.s32 $0xFFFFFFFF;
	p2 =	slt.u32 s8, $0xFFFFF086  }
0x1c: {  	p1 =	slt.u32 s9, $0xF7A;
	s5 =	simm.s32 @!p2 $0x0  }
0x1d: {  	s5 =	simm.s32 @p1 $0x1;
	p0 =	seq.s32 s7, s2  }
0x1e: {  	s7 =	smul.u32 @!p0 $0xF7A, s2;
	p2 =	seq.s32 @!p0 s5, $0x0  }
0x1f: {  	s9 =	smul.u32 $0xF7A, s1;
	s8 =	simm.s32 @!p0 $0x1BF5;
	p2 =	por !p2, p0  }
0x20: {  	[sflag:s8] =	ssyncset.s32 @!p0 $0xFFFFF086;
	s6 =	sadd.s32 @!p0 s3, s7;
	s7 =	simm.s32 @!p0 $0x108  }
0x21: {  	s3 =	sadd.s32 s3, s9;
	s6 =	sadd.s32 @!p0 $0x88, s6;
	s7 =	simm.s32 @p2 $0x1082  }
0x22: {  	[simem:s7], [sflag:s8] =	dma.local @!p0 [hbm:s6], $0xF7A  }
0x23: {  	s9 =	sor.u32 $0xD0000000, s2;
	s6 =	simm.s32 $0x108;
	_ =	swait.ge @!p0 [sflag:s8], $0x0  }
0x24: {  	s3 =	sadd.s32 $0x88, s3;
	s6 =	simm.s32 @!p1 $0x1082;
	[sflag:s4] =	ssyncset.s32 $0xFFFFF086  }
0x25: {  	[simem:s6], [sflag:s4] =	dma.local [hbm:s3], $0xF7A  }
0x26: {  	[smem:$0x3F97] =	sst s1;
	(tag) =	ssettag s2;
	_ =	strace s9  }
0x27: {  	s1 =	sld [smem:$0x3FA7]  }
0x28: {  	s2 =	sld [smem:$0x3FA8]  }
0x29: {  	s4 =	sld [smem:$0x3FAA]  }
0x2a: {  	p0 =	seq.s32 s5, $0x0;
	s5 =	sld [smem:$0x3FAB]  }
0x2b: {  	s6 =	sld [smem:$0x3FAC]  }
0x2c: {  	s7 =	sld [smem:$0x3FAD]  }
0x2d: {  	s3 =	simm.s32 $0x108;
	s8 =	sld [smem:$0x3FAE]  }
0x2e: {  	s3 =	simm.s32 @!p0 $0x1082;
	s9 =	sld [smem:$0x3FAF]  }
0x2f: {  	lr =	sadd.s32 s0, s3;
	s0 =	sld [smem:$0x3FA6]  }
0x30: {  	s3 =	sld [smem:$0x3FA9]  }
0x31: {  	[smem:$0x3FB2] =	sst s10  }
0x32: {  	s10 =	sld [smem:$0x3FB0];
	_ =	sdelay $0x3  }
0x33: {  	p0 =	seq.s32 s10, $0x1;
	s10 =	sld [smem:$0x3FB2];
	_ =	sdelay $0x3  }
0x34: {  	[smem:$0x3FB2] =	sst s10  }
0x35: {  	s10 =	sld [smem:$0x3FB1];
	_ =	sdelay $0x3  }
0x36: {  	p1 =	seq.s32 s10, $0x1;
	s10 =	sld [smem:$0x3FB2];
	_ =	sdelay $0x3  }
0x37: {  	[smem:$0x3FB2] =	sst s10  }
0x38: {  	s10 =	sld [smem:$0x3FB3]  }
0x39: {  	_ = 	snop;
	(pc) =	sbr.ind lr, $3  }
0x3a: {  	_ = 	snop  }
0x3b: {  	_ = 	snop  }
0x3c: {  	p2 =	seq.s32 s10, $0x1;
	s10 =	sld [smem:$0x3FB2]  }
0x3d: {  	_ =	shalt  }
0x3e: {  	_ =	shalt  }
0x3f: {  	_ =	shalt  }
0x40: {  	_ =	shalt  }
0x41: {  	_ =	shalt  }
0x42: {  	_ =	shalt  }
0x43: {  	_ =	shalt  }
0x44: {  	_ =	shalt  }
0x45: {  	_ =	shalt  }
0x46: {  	_ =	shalt  }
0x47: {  	_ =	shalt  }
0x48: {  	_ =	shalt  }
0x49: {  	_ =	shalt  }
0x4a: {  	_ =	shalt  }
0x4b: {  	_ =	shalt  }
0x4c: {  	_ =	shalt  }
0x4d: {  	_ =	shalt  }
0x4e: {  	_ =	shalt  }
0x4f: {  	_ =	shalt  }
0x50: {  	_ =	shalt  }
0x51: {  	_ =	shalt  }
0x52: {  	_ =	shalt  }
0x53: {  	_ =	shalt  }
0x54: {  	_ =	shalt  }
0x55: {  	_ =	shalt  }
0x56: {  	_ =	shalt  }
0x57: {  	_ =	shalt  }
0x58: {  	_ =	shalt  }
0x59: {  	_ =	shalt  }
0x5a: {  	_ =	shalt  }
0x5b: {  	_ =	shalt  }
0x5c: {  	_ =	shalt  }
0x5d: {  	_ =	shalt  }
0x5e: {  	_ =	shalt  }
0x5f: {  	_ =	shalt  }
0x60: {  	_ =	shalt  }
0x61: {  	_ =	shalt  }
0x62: {  	_ =	shalt  }
0x63: {  	_ =	shalt  }
0x64: {  	_ =	shalt  }
0x65: {  	_ =	shalt  }
0x66: {  	_ =	shalt  }
0x67: {  	_ =	shalt  }
0x68: {  	_ =	shalt  }
0x69: {  	_ =	shalt  }
0x6a: {  	_ =	shalt  }
0x6b: {  	_ =	shalt  }
0x6c: {  	_ =	shalt  }
0x6d: {  	_ =	shalt  }
0x6e: {  	_ =	shalt  }
0x6f: {  	_ =	shalt  }
0x70: {  	_ =	shalt  }
0x71: {  	_ =	shalt  }
0x72: {  	_ =	shalt  }
0x73: {  	_ =	shalt  }
0x74: {  	_ =	shalt  }
0x75: {  	_ =	shalt  }
0x76: {  	_ =	shalt  }
0x77: {  	_ =	shalt  }
0x78: {  	_ =	shalt  }
0x79: {  	_ =	shalt  }
0x7a: {  	_ =	shalt  }
0x7b: {  	_ =	shalt  }
0x7c: {  	_ =	shalt  }
0x7d: {  	_ =	shalt  }
0x7e: {  	_ =	shalt  }
0x7f: {  	_ =	shalt  }
0x80: {  	_ =	shalt  }
0x81: {  	_ =	shalt  }
0x82: {  	_ =	shalt  }
0x83: {  	_ =	shalt  }
0x84: {  	_ =	shalt  }
0x85: {  	_ =	shalt  }
0x86: {  	_ =	shalt  }
0x87: {  	_ =	shalt  }
.Lfunc_end0:
.L_simem_size_0:
called_computation.6_lowered:
.L_overlay_start_0:
0x88: {  	s0 =	sld [smem:$0x3FD9]  }
0x89: {  	s1 =	sld [smem:$0x3FFE];
	_ =	sdelay $0x3  }
0x8a: {  	s0 =	sadd.s32 s1, s0  }
0x8b: {  	[smem:$0x3FBE] =	sst s0  }
0x8c: {  	_ = 	snop  }
0x8d: {  	(tm) =	ssettm $0x1  }
0x8e: {  	s15 =	sld [smem:$0x3FFB];
	_ =	sdelay $0x3  }
0x8f: {  	_ =	strace s15  }
0x90: {  	s0 =	sld [smem:$0x3FFC];
	_ =	sdelay $0x3  }
0x91: {  	_ =	strace s0  }
0x92: {  	s0 =	sld [smem:$0x3FFD];
	_ =	sdelay $0x3  }
0x93: {  	_ =	strace s0  }
0x94: {  	_ =	strace $0x8FFFFFFF  }
0x95: {  	s16 =	sld [smem:$0x3FDB];
	_ =	sdelay $0x1  }
0x96: {  	s17 =	simm.s32 $_scs_section_size  }
0x97: {  	s2 =	simm.s32 $_size__tile_overlayer_lowered;
	s3 =	simm.s32 $_tile_overlayer_lowered  }
0x98: {  	s20 =	simm.s32 $0x1BFF;
	s19 =	sshll.u32 s3, $0x1;
	s0 =	sadd.s32 s17, s16  }
0x99: {  	s4 =	simm.s32 $0x0;
	s18 =	sshll.u32 s2, $0x1;
	s2 =	sadd.s32 s19, s0  }
0x9a: {  	[timem:s4], [sflag:s20] =	dma.local [hbm:s2], s18  }
0x9b: {  	_ =	swait.ge [sflag:s20], s18  }
0x9c: {  	s1 =	ssub.s32 $0x0, s18;
	[sflag:s20] =	ssyncset.done $0x0  }
0x9d: {  	[sflag:s20] =	ssyncadd.s32 s1;
	_ =	sdelay $0x1  }
0x9e: {  	s21 =	simm.s32 $0x1B8B  }
0x9f: {  	_ =	swait.ge [sflag:s21], $0x1  }
0xa0: {  	[sflag:s21] =	ssyncset.done $0x0  }
0xa1: {  	s23 =	simm.s32 $0x1B8E;
	s22 =	sld [smem:$0x3FFE];
	[sflag:s21] =	ssyncadd.s32 $0xFFFFFFFF  }
0xa2: {  	s24 =	simm.s32 $execute0_lowered;
	[smem:$0x3FD2] =	sst s23  }
0xa3: {  	s2 =	sshll.u32 s24, $0x1;
	_ =	strace $0x8000004F;
	[dreg:$0x1] =	wrdreg $0xFFFFFFFF  }
0xa4: {  	s25 =	simm.s32 $_size_execute0_lowered;
	s0 =	sadd.s32 s0, s2;
	[dreg:$0x0] =	wrdreg $0x0  }
0xa5: {  	s2 =	sshll.u32 s25, $0x1;
	[dreg:$0x2] =	wrdreg s0  }
0xa6: {  	[dreg:$0x3] =	wrdreg s2  }
0xa7: {  	[dreg:$0x4] =	wrdreg $0xC0  }
0xa8: {  	_ =	task [dreg:s4], $0x5FFFF  }
0xa9: {  	[dreg:$0x1] =	wrdreg $0xFFFFFFFF  }
0xaa: {  	[dreg:$0x0] =	wrdreg $0x60  }
0xab: {  	[dreg:$0x2] =	wrdreg s22  }
0xac: {  	[dreg:$0x3] =	wrdreg $0xA  }
0xad: {  	_ =	task.clear_ibuf [dreg:s4], $0x4FFFF;
	_ =	strace $0x9000004F  }
0xae: {  	s26 =	simm.s32 $0xA;
	_ =	strace $0x80000051  }
0xaf: {  	_ =	swait.ge [sflag:s26], $0x1  }
0xb0: {  	[sflag:s26] =	ssyncadd.s32 $0xFFFFFFFF  }
0xb1: {  	_ =	strace $0x90000051  }
0xb2: {  	_ =	sfence  }
0xb3: {  	s28 =	sld [smem:$0x0];
	_ =	sdelay $0x1  }
0xb4: {  	s29 =	srdreg.scid  }
0xb5: {  	s30 =	sshll.u32 s29, $0xD;
	s31 =	sshrl.u32 s29, $0x2  }
0xb6: {  	s1 =	sand.u32 $0x1, s29;
	s2 =	sand.u32 $0x4000, s30;
	s0 =	sadd.s32 s31, s28  }
0xb7: {  	s1 =	sor.u32 s2, s1;
	s0 =	sshll.u32 s0, $0x11  }
0xb8: {  	s0 =	sor.u32 s0, s1  }
0xb9: {  	s0 =	sadd.s32 $0x8F2B, s0  }
0xba: {  	[sflag:s0] =	ssyncadd.remote.s32 $0x1  }
0xbb: {  	_ =	sfence.sel $0xFFFF  }
0xbc: {  	[dreg:$0x0] =	wrdreg $0xFFFFFFFF;
	(pc) =	sbr.abs _section_cstart, $3  }
0xbd: {  	[dreg:$0x1] =	wrdreg $0xFFFFFFFF  }
0xbe: {  	_ =	task.clear_ibuf [dreg:s4], $0x2FFFF;
	_ =	strace $0x9FFFFFFF  }
0xbf: {  	(tm) =	ssettm $0x7FFFFFFF  }
tec
execute0_lowered:
.L_overlay_start_1:
0x0: {  	(tag) =	ssettag $0x1  }
0x1: {  	s0 =	stileid.u32  }
0x2: {  	s1 =	smul.u32 $0x1AD, s0  }
0x3: {  	s2 =	smin.u32 s0, $0xB  }
0x4: {  	s1 =	sadd.s32 s2, s1  }
0x5: {  	p0 =	slt.u32 s0, $0xB;
	s2 =	smul.u32 $0x30, s1;
	s1 =	simm.s32 $0x50A0  }
0x6: {  	s1 =	simm.s32 @!p0 $0x5070  }
0x7: {  	s1 =	sadd.s32 s1, s2  }
0x8: {  	s3 =	smin.u32 s1, $0x50910  }
0x9: {  	s6 =	ssub.s32 s3, s2  }
0xa: {  	p0 =	sgt.s32 s6, $0x0  }
0xb: {  	s6 =	simm.s32 @!p0 $0x0  }
0xc: {  	s7 =	rddreg [dreg:$0x0];
	s10 =	simm.s32 $0x1;
	s30 =	smulhi.u32 $0x2AAAAAAB, s6  }
0xd: {  	s31 =	simm.s32 $0x3;
	s16 =	simm.s32 $0x0;
	s17 =	simm.s32 $0x0  }
0xe: {  	s15 =	simm.s32 $0x0;
	s11 =	simm.s32 $0x0;
	s9 =	sshrl.u32 s30, $0x3  }
0xf: {  	s12 =	simm.s32 $0x0;
	s14 =	simm.s32 $0x0;
	s8 =	smul.u32 $0x30, s9  }
0x10: {  	s4 =	sadd.s32 $0x120E200, s7;
	s5 =	sadd.s32 $0x3CC00, s7;
	s1 =	rddreg [dreg:$0x1]  }
.Ltmp0:
0x11: {  	_ =	strace $0x80000050;
	p0 =	sne.s32 s6, s8;
	(pc) =	sbr.rel .LBB2_1-.Ltmp0, $4  }
0x12: {  	s6 =	sadd.s32 $0x16F0200, s7;
	s7 =	simm.s32 $0x1;
	s10 =	simm.s32 @!p0 $0x0  }
0x13: {  	s8 =	simm.s32 $0x2;
	[sflag:s7] =	ssyncpa.u1 $0x0;
	s9 =	sadd.s32 s10, s9  }
0x14: {  	s13 =	smov.u32 s2;
	[sflag:s8] =	ssyncpa.u1 $0x0;
	s9 =	sshll.u32 s9, $0x2  }
0x15: {  	vm0 =	vmmov $0xffff;
	p0 =	por $0x0, $0x0;
	[sflag:s31] =	ssyncpa.u1 $0x0;
	s10 =	sor.u32 $0x1, s9  }
.LBB2_6:
0x16: {  	[hbm:s19] =	stream.linear.scatter [tilespmem:s16], [sflag:$0x3], $0x400, $0x38;
	[tilespmem:$0x18060] =	vst v63  }
.LBB2_7:
0x17: {  	s18 =	sadd.s32 $0x80, s11;
	s15 =	sadd.s32 $0x8, s12  }
0x18: {  	s19 =	smov.u32 s12;
	p1 =	slt.u32 s14, $0x2;
	s16 =	smov.u32 s13  }
0x19: {  	s21 =	smov.u32 s2;
	s17 =	smov.u32 s12;
	p2 =	sgt.s32 s18, $0x1FF  }
0x1a: {  	p0 =	por !p0, !p0;
	s20 =	simm.s32 @!p1 $0x3;
	s19 =	smov.u32 @p2 s15  }
0x1b: {  	s15 =	sadd.s32 $0x30, s13;
	s18 =	simm.s32 @p2 $0x0;
	p2 =	sne.s32 s14, s10  }
.Ltmp1:
0x1c: {  	_ =	swait.ge @!p1 [sflag:s20], $0xC000;
	p3 =	sgt.s32 s19, $0x7;
	(pc) =	sbr.rel @!p2 .LBB2_8-.Ltmp1, $4  }
0x1d: {  	s14 =	sadd.s32 $0x1, s14;
	[sflag:s20] =	ssyncset.done @!p1 $0x0;
	s16 =	smov.u32 @p3 s15  }
0x1e: {  	s19 =	simm.s32 @p3 $0x0;
	s15 =	smov.u32 s13;
	p4 =	slt.s32 s16, s3  }
0x1f: {  	[sflag:s20] =	ssyncadd.s32 @!p1 $0xFFFF4000;
	s12 =	smov.u32 s19;
	s21 =	smov.u32 @p4 s16  }
0x20: {  	s16 =	smov.u32 s11;
	s11 =	smov.u32 s18;
	s13 =	smov.u32 s21  }
.LBB2_1:
0x21: {  	p1 =	sge.u32 s14, s9  }
0x22: {  	s18 =	sxor.u32 @!p1 $0xFFFFFFFF, s14  }
0x23: {  	s18 =	sand.u32 @!p1 $0x1, s18  }
0x24: {  	s18 =	smul.u32 @!p1 $0xC0, s18  }
0x25: {  	s31 =	sadd.s32 $0xFFFFFFFF, s14;
	s19 =	sshrl.u32 @!p1 s13, $0x3  }
0x26: {  	s20 =	sand.u32 @!p1 $0x7, s13;
	s19 =	sadd.s32 @!p1 s5, s19;
	s18 =	sshrl.u32 @!p1 s18, $0x2  }
0x27: {  	[tilespmem:s18], [sflag:$0x2] =	stream.linear.gather @!p1 [hbm4b:s19+s20], $0x30, $0x38;
	[tilespmem:$0x18060] =	vst v63  }
0x28: {  	p1 =	sge.u32 s31, s9  }
.Ltmp2:
0x29: {  	_ = 	snop;
	(pc) =	sbr.rel @p1 .LBB2_7-.Ltmp2, $1  }
0x2a: {  	_ =	sdelay $0x3  }
0x2b: {  	s19 =	simm.s32 $0x1  }
0x2c: {  	s19 =	simm.s32 @!p0 $0x0  }
0x2d: {  	s18 =	smul.u32 $0xC0, s19  }
0x2e: {  	_ =	swait.ge [sflag:s8], $0x30  }
0x2f: {  	[sflag:s8] =	ssyncset.done $0x0;
	s18 =	sshrl.u32 s18, $0x2  }
0x30: {  	[sflag:s8] =	ssyncadd.s32 $0xFFFFFFD0;
	s20 =	sadd.s32 $0x0, s18  }
0x31: {  	v0 =	vld.msk [tilespmem:s20+$0x0 ss:$0x1], $0xffff;
	_ =	sdelay $0x4  }
0x32: {  	s29 =	sshll.u32 s17, $0x6;
	vm1 =	vgt.s32 v0, $0x0  }
0x33: {  	s17 =	sand.u32 $0xFFFFFF80, s16;
	s28 =	smul.u32 $0x30000, s19;
	s19 =	sand.u32 $0xFFFFFE00, s29;
	v0 =	vnsel vm1, $0x0, v0  }
0x34: {  	s31 =	sadd.s32 s17, s19;
	v1 =	vmin.u32 v0, $0x270F  }
0x35: {  	v0 =	vmov s31;
	v1 =	vshll.u32 v1, $0x9  }
0x36: {  	v1 =	vadd.s32 v0, v1;
	_ =	sdelay $0x1  }
0x37: {  	s30 =	sshrl.u32 s28, $0x2  }
0x38: {  	s16 =	sor.u32 $0x60, s30  }
0x39: {  	s20 =	simm.s32 $0x40;
	s21 =	sadd.s32 $0x4000, s16;
	s22 =	smov.u32 s16  }
.LBB2_3:
0x3a: {  	[tilespmem:s22], [sflag:$0x1] =	stream.indirect_vreg.gather [hbm:s4], $0x400, v1, vm0, $0x38;
	[tilespmem:$0x18060] =	vst v63  }
0x3b: {  	s22 =	sshra.s32 s20, $0x2;
	p1 =	sne.s32 s20, $0x80;
	s20 =	sadd.s32 $0x40, s20  }
0x3c: {  	s23 =	sadd.s32 s22, s18;
	s22 =	smov.u32 s21  }
0x3d: {  	v1 =	vld.msk [tilespmem:s23+$0x0 ss:$0x1], $0xffff;
	_ =	sdelay $0x5  }
0x3e: {  	vm1 =	vgt.s32 v1, $0x0  }
0x3f: {  	v1 =	vnsel vm1, $0x0, v1  }
0x40: {  	v1 =	vmin.u32 v1, $0x270F  }
0x41: {  	v1 =	vshll.u32 v1, $0x9  }
.Ltmp3:
0x42: {  	v1 =	vadd.s32 v0, v1;
	(pc) =	sbr.rel @p1 .LBB2_3-.Ltmp3, $2  }
0x43: {  	_ =	sdelay $0x2  }
0x44: {  	s21 =	sadd.s32 $0x4000, s21  }
0x45: {  	_ =	sdelay $0x3  }
0x46: {  	[tilespmem:s22], [sflag:$0x1] =	stream.indirect_vreg.gather [hbm:s4], $0x400, v1, vm0, $0x38;
	[tilespmem:$0x18060] =	vst v63  }
0x47: {  	s15 =	sshll.u32 s15, $0x9  }
0x48: {  	s15 =	sadd.s32 s15, s6  }
0x49: {  	_ =	swait.ge [sflag:s7], $0xC000;
	s15 =	sadd.s32 s19, s15  }
0x4a: {  	s18 =	sadd.s32 $0x400, s16;
	[sflag:s7] =	ssyncset.done $0x0;
	s15 =	sadd.s32 s17, s15  }
0x4b: {  	[sflag:s7] =	ssyncadd.s32 $0xFFFF4000;
	s17 =	simm.s32 $0x200;
	s19 =	sadd.s32 $0x0, s15  }
.LBB2_5:
0x4c: {  	[hbm:s19] =	stream.linear.scatter [tilespmem:s16], [sflag:$0x3], $0x400, $0x38;
	[tilespmem:$0x18060] =	vst v63  }
0x4d: {  	s19 =	smov.u32 s17;
	s16 =	smov.u32 s18;
	p1 =	sne.s32 s17, $0x5E00  }
.Ltmp4:
0x4e: {  	s17 =	sadd.s32 $0x200, s17;
	(pc) =	sbr.rel @p1 .LBB2_5-.Ltmp4, $2  }
0x4f: {  	_ =	sdelay $0x2  }
0x50: {  	s18 =	sadd.s32 $0x400, s18;
	s19 =	sadd.s32 s19, s15  }
.Ltmp5:
0x51: {  	_ = 	snop;
	(pc) =	sbr.rel .LBB2_6-.Ltmp5, $1  }
0x52: {  	_ =	sdelay $0x3  }
.LBB2_8:
0x53: {  	_ =	sfence.sel $0x180000  }
0x54: {  	s2 =	simm.s32 $0x2;
	[bflag:$0x0] =	sbarrier.arrive $0xFFFF  }
0x55: {  	s30 =	simm.s32 $0x3;
	[sflag:s2] =	ssyncpa.u1 $0x1  }
0x56: {  	s31 =	simm.s32 $0x1;
	[sflag:s30] =	ssyncpa.u1 $0x1  }
0x57: {  	[sflag:s31] =	ssyncpa.u1 $0x1  }
0x58: {  	p0 =	sne.s32 s0, $0x0;
	_ =	strace $0x90000050  }
0x59: {  	s0 =	sadd.s32 @!p0 $0x100000, s1;
	[bflag:$0x2] =	sbarrier.arrive $0xFFFF  }
0x5a: {  	[sflag:s0] =	ssyncadd.tile.s32 @!p0 $0x1;
	_ =	shalt  }
.Lfunc_end2:
_tile_overlayer_lowered:
.L_overlay_start_2:
0x5b: {  	(tag) =	ssettag $0x2  }
0x5c: {  	s0 =	rddreg [dreg:$0x0];
	s2 =	stileid.u32  }
0x5d: {  	s1 =	rddreg [dreg:$0x1];
	p0 =	sne.s32 s2, $0x0  }
0x5e: {  	s3 =	rddreg [dreg:$0x2];
	[bflag:$0x3] =	sbarrier.arrive $0xFFFF;
	s2 =	simm.s32 @!p0 $0x1C01  }
0x5f: {  	[timem:s3], [sflag:s2] =	dma.local @!p0 [hbm:s0], s1  }
0x60: {  	s0 =	simm.s32 @!p0 $0x1  }
0x61: {  	_ =	swait.ge @!p0 [sflag:s0], s1  }
0x62: {  	s1 =	ssub.s32 @!p0 $0x0, s1;
	[sflag:s0] =	ssyncset.done @!p0 $0x0  }
0x63: {  	[sflag:s0] =	ssyncadd.s32 @!p0 s1  }
0x64: {  	[bflag:$0x3] =	sbarrier.arrive $0xFFFF  }
0x65: {  	_ =	shalt  }

// kernel: scatter_offload_async_start.1
scs
__scs_entry_jumppad:
0x0: {  	(pc) =	sbr.rel $0x88, $3  }
0x1: {  	(tag) =	ssettag $0x0;
	lr =	simm.s32 $0x1  }
0x2: {  	[smem:$0x3F97] =	sst lr;
	_ =	strace $0xD0000000  }
0x3: {  	_ = 	snop  }
0x4: {  	_ = 	snop  }
0x5: {  	_ = 	snop  }
0x6: {  	_ = 	snop  }
0x7: {  	_ = 	snop  }
__scs_overlays_trampoline_lowered:
0x8: {  	[smem:$0x3FA6] =	sst s0  }
0x9: {  	[smem:$0x3FA7] =	sst s1  }
0xa: {  	[smem:$0x3FA8] =	sst s2  }
0xb: {  	[smem:$0x3FA9] =	sst s3  }
0xc: {  	[smem:$0x3FAA] =	sst s4  }
0xd: {  	[smem:$0x3FAB] =	sst s5  }
0xe: {  	[smem:$0x3FAC] =	sst s6  }
0xf: {  	[smem:$0x3FAD] =	sst s7  }
0x10: {  	[smem:$0x3FAE] =	sst s8  }
0x11: {  	[smem:$0x3FAF] =	sst s9;
	s0 =	simm.s32 @!p0 $0x0  }
0x12: {  	s1 =	sld [smem:$0x3F95];
	s0 =	simm.s32 @p0 $0x1  }
0x13: {  	[smem:$0x3FB0] =	sst s0;
	s0 =	simm.s32 @!p1 $0x0  }
0x14: {  	s2 =	sld [smem:$0x3F94];
	s0 =	simm.s32 @p1 $0x1  }
0x15: {  	[smem:$0x3FB1] =	sst s0;
	s0 =	simm.s32 @!p2 $0x0  }
0x16: {  	s3 =	sld [smem:$0x3FDB];
	s0 =	simm.s32 @p2 $0x1  }
0x17: {  	s4 =	simm.s32 $0x1BF5;
	[smem:$0x3FB3] =	sst s0  }
0x18: {  	s0 =	sld [smem:$0x3F96];
	_ =	swait.ge [sflag:s4], $0x0  }
0x19: {  	s7 =	sld [smem:$0x3F97]  }
0x1a: {  	s8 =	sadd.s32 $0xFFFFE003, lr  }
0x1b: {  	s9 =	sadd.s32 $0xFFFFFEF7, lr;
	s5 =	simm.s32 $0xFFFFFFFF;
	p2 =	slt.u32 s8, $0xFFFFF086  }
0x1c: {  	p1 =	slt.u32 s9, $0xF7A;
	s5 =	simm.s32 @!p2 $0x0  }
0x1d: {  	s5 =	simm.s32 @p1 $0x1;
	p0 =	seq.s32 s7, s2  }
0x1e: {  	s7 =	smul.u32 @!p0 $0xF7A, s2;
	p2 =	seq.s32 @!p0 s5, $0x0  }
0x1f: {  	s9 =	smul.u32 $0xF7A, s1;
	s8 =	simm.s32 @!p0 $0x1BF5;
	p2 =	por !p2, p0  }
0x20: {  	[sflag:s8] =	ssyncset.s32 @!p0 $0xFFFFF086;
	s6 =	sadd.s32 @!p0 s3, s7;
	s7 =	simm.s32 @!p0 $0x108  }
0x21: {  	s3 =	sadd.s32 s3, s9;
	s6 =	sadd.s32 @!p0 $0x88, s6;
	s7 =	simm.s32 @p2 $0x1082  }
0x22: {  	[simem:s7], [sflag:s8] =	dma.local @!p0 [hbm:s6], $0xF7A  }
0x23: {  	s9 =	sor.u32 $0xD0000000, s2;
	s6 =	simm.s32 $0x108;
	_ =	swait.ge @!p0 [sflag:s8], $0x0  }
0x24: {  	s3 =	sadd.s32 $0x88, s3;
	s6 =	simm.s32 @!p1 $0x1082;
	[sflag:s4] =	ssyncset.s32 $0xFFFFF086  }
0x25: {  	[simem:s6], [sflag:s4] =	dma.local [hbm:s3], $0xF7A  }
0x26: {  	[smem:$0x3F97] =	sst s1;
	(tag) =	ssettag s2;
	_ =	strace s9  }
0x27: {  	s1 =	sld [smem:$0x3FA7]  }
0x28: {  	s2 =	sld [smem:$0x3FA8]  }
0x29: {  	s4 =	sld [smem:$0x3FAA]  }
0x2a: {  	p0 =	seq.s32 s5, $0x0;
	s5 =	sld [smem:$0x3FAB]  }
0x2b: {  	s6 =	sld [smem:$0x3FAC]  }
0x2c: {  	s7 =	sld [smem:$0x3FAD]  }
0x2d: {  	s3 =	simm.s32 $0x108;
	s8 =	sld [smem:$0x3FAE]  }
0x2e: {  	s3 =	simm.s32 @!p0 $0x1082;
	s9 =	sld [smem:$0x3FAF]  }
0x2f: {  	lr =	sadd.s32 s0, s3;
	s0 =	sld [smem:$0x3FA6]  }
0x30: {  	s3 =	sld [smem:$0x3FA9]  }
0x31: {  	[smem:$0x3FB2] =	sst s10  }
0x32: {  	s10 =	sld [smem:$0x3FB0];
	_ =	sdelay $0x3  }
0x33: {  	p0 =	seq.s32 s10, $0x1;
	s10 =	sld [smem:$0x3FB2];
	_ =	sdelay $0x3  }
0x34: {  	[smem:$0x3FB2] =	sst s10  }
0x35: {  	s10 =	sld [smem:$0x3FB1];
	_ =	sdelay $0x3  }
0x36: {  	p1 =	seq.s32 s10, $0x1;
	s10 =	sld [smem:$0x3FB2];
	_ =	sdelay $0x3  }
0x37: {  	[smem:$0x3FB2] =	sst s10  }
0x38: {  	s10 =	sld [smem:$0x3FB3]  }
0x39: {  	_ = 	snop;
	(pc) =	sbr.ind lr, $3  }
0x3a: {  	_ = 	snop  }
0x3b: {  	_ = 	snop  }
0x3c: {  	p2 =	seq.s32 s10, $0x1;
	s10 =	sld [smem:$0x3FB2]  }
0x3d: {  	_ =	shalt  }
0x3e: {  	_ =	shalt  }
0x3f: {  	_ =	shalt  }
0x40: {  	_ =	shalt  }
0x41: {  	_ =	shalt  }
0x42: {  	_ =	shalt  }
0x43: {  	_ =	shalt  }
0x44: {  	_ =	shalt  }
0x45: {  	_ =	shalt  }
0x46: {  	_ =	shalt  }
0x47: {  	_ =	shalt  }
0x48: {  	_ =	shalt  }
0x49: {  	_ =	shalt  }
0x4a: {  	_ =	shalt  }
0x4b: {  	_ =	shalt  }
0x4c: {  	_ =	shalt  }
0x4d: {  	_ =	shalt  }
0x4e: {  	_ =	shalt  }
0x4f: {  	_ =	shalt  }
0x50: {  	_ =	shalt  }
0x51: {  	_ =	shalt  }
0x52: {  	_ =	shalt  }
0x53: {  	_ =	shalt  }
0x54: {  	_ =	shalt  }
0x55: {  	_ =	shalt  }
0x56: {  	_ =	shalt  }
0x57: {  	_ =	shalt  }
0x58: {  	_ =	shalt  }
0x59: {  	_ =	shalt  }
0x5a: {  	_ =	shalt  }
0x5b: {  	_ =	shalt  }
0x5c: {  	_ =	shalt  }
0x5d: {  	_ =	shalt  }
0x5e: {  	_ =	shalt  }
0x5f: {  	_ =	shalt  }
0x60: {  	_ =	shalt  }
0x61: {  	_ =	shalt  }
0x62: {  	_ =	shalt  }
0x63: {  	_ =	shalt  }
0x64: {  	_ =	shalt  }
0x65: {  	_ =	shalt  }
0x66: {  	_ =	shalt  }
0x67: {  	_ =	shalt  }
0x68: {  	_ =	shalt  }
0x69: {  	_ =	shalt  }
0x6a: {  	_ =	shalt  }
0x6b: {  	_ =	shalt  }
0x6c: {  	_ =	shalt  }
0x6d: {  	_ =	shalt  }
0x6e: {  	_ =	shalt  }
0x6f: {  	_ =	shalt  }
0x70: {  	_ =	shalt  }
0x71: {  	_ =	shalt  }
0x72: {  	_ =	shalt  }
0x73: {  	_ =	shalt  }
0x74: {  	_ =	shalt  }
0x75: {  	_ =	shalt  }
0x76: {  	_ =	shalt  }
0x77: {  	_ =	shalt  }
0x78: {  	_ =	shalt  }
0x79: {  	_ =	shalt  }
0x7a: {  	_ =	shalt  }
0x7b: {  	_ =	shalt  }
0x7c: {  	_ =	shalt  }
0x7d: {  	_ =	shalt  }
0x7e: {  	_ =	shalt  }
0x7f: {  	_ =	shalt  }
0x80: {  	_ =	shalt  }
0x81: {  	_ =	shalt  }
0x82: {  	_ =	shalt  }
0x83: {  	_ =	shalt  }
0x84: {  	_ =	shalt  }
0x85: {  	_ =	shalt  }
0x86: {  	_ =	shalt  }
0x87: {  	_ =	shalt  }
.Lfunc_end0:
.L_simem_size_0:
called_computation.1_lowered:
.L_overlay_start_0:
0x88: {  	s0 =	sld [smem:$0x3FD9]  }
0x89: {  	s1 =	sld [smem:$0x3FFE];
	_ =	sdelay $0x3  }
0x8a: {  	s0 =	sadd.s32 s1, s0  }
0x8b: {  	[smem:$0x3FBE] =	sst s0  }
0x8c: {  	_ = 	snop  }
0x8d: {  	(tm) =	ssettm $0x1  }
0x8e: {  	s15 =	sld [smem:$0x3FFB];
	_ =	sdelay $0x3  }
0x8f: {  	_ =	strace s15  }
0x90: {  	s0 =	sld [smem:$0x3FFC];
	_ =	sdelay $0x3  }
0x91: {  	_ =	strace s0  }
0x92: {  	s0 =	sld [smem:$0x3FFD];
	_ =	sdelay $0x3  }
0x93: {  	_ =	strace s0  }
0x94: {  	_ =	strace $0x8FFFFFFF  }
0x95: {  	s16 =	sld [smem:$0x3FDB];
	_ =	sdelay $0x1  }
0x96: {  	s17 =	simm.s32 $_scs_section_size  }
0x97: {  	s2 =	simm.s32 $_size__tile_overlayer_lowered;
	s3 =	simm.s32 $_tile_overlayer_lowered  }
0x98: {  	s20 =	simm.s32 $0x1BFF;
	s19 =	sshll.u32 s3, $0x1;
	s0 =	sadd.s32 s17, s16  }
0x99: {  	s4 =	simm.s32 $0x0;
	s18 =	sshll.u32 s2, $0x1;
	s2 =	sadd.s32 s19, s0  }
0x9a: {  	[timem:s4], [sflag:s20] =	dma.local [hbm:s2], s18  }
0x9b: {  	_ =	swait.ge [sflag:s20], s18  }
0x9c: {  	s1 =	ssub.s32 $0x0, s18;
	[sflag:s20] =	ssyncset.done $0x0  }
0x9d: {  	[sflag:s20] =	ssyncadd.s32 s1;
	_ =	sdelay $0x1  }
0x9e: {  	s21 =	simm.s32 $0x1B8B  }
0x9f: {  	_ =	swait.ge [sflag:s21], $0x1  }
0xa0: {  	[sflag:s21] =	ssyncset.done $0x0  }
0xa1: {  	s23 =	simm.s32 $0x1B8E;
	s22 =	sld [smem:$0x3FFE];
	[sflag:s21] =	ssyncadd.s32 $0xFFFFFFFF  }
0xa2: {  	s24 =	simm.s32 $execute0_lowered;
	[smem:$0x3FD2] =	sst s23  }
0xa3: {  	s2 =	sshll.u32 s24, $0x1;
	_ =	strace $0x80000058;
	[dreg:$0x1] =	wrdreg $0xFFFFFFFF  }
0xa4: {  	s25 =	simm.s32 $_size_execute0_lowered;
	s0 =	sadd.s32 s0, s2;
	[dreg:$0x0] =	wrdreg $0x0  }
0xa5: {  	s2 =	sshll.u32 s25, $0x1;
	[dreg:$0x2] =	wrdreg s0  }
0xa6: {  	[dreg:$0x3] =	wrdreg s2  }
0xa7: {  	[dreg:$0x4] =	wrdreg $0xC0  }
0xa8: {  	_ =	task [dreg:s4], $0x5FFFF  }
0xa9: {  	[dreg:$0x1] =	wrdreg $0xFFFFFFFF  }
0xaa: {  	[dreg:$0x0] =	wrdreg $0x60  }
0xab: {  	[dreg:$0x2] =	wrdreg s22  }
0xac: {  	[dreg:$0x3] =	wrdreg $0x9  }
0xad: {  	_ =	task.clear_ibuf [dreg:s4], $0x4FFFF;
	_ =	strace $0x90000058  }
0xae: {  	s26 =	simm.s32 $0x9;
	_ =	strace $0x8000005A  }
0xaf: {  	_ =	swait.ge [sflag:s26], $0x1  }
0xb0: {  	[sflag:s26] =	ssyncadd.s32 $0xFFFFFFFF  }
0xb1: {  	_ =	strace $0x9000005A  }
0xb2: {  	_ =	sfence  }
0xb3: {  	s28 =	sld [smem:$0x0];
	_ =	sdelay $0x1  }
0xb4: {  	s29 =	srdreg.scid  }
0xb5: {  	s30 =	sshll.u32 s29, $0xD;
	s31 =	sshrl.u32 s29, $0x2  }
0xb6: {  	s1 =	sand.u32 $0x1, s29;
	s2 =	sand.u32 $0x4000, s30;
	s0 =	sadd.s32 s31, s28  }
0xb7: {  	s1 =	sor.u32 s2, s1;
	s0 =	sshll.u32 s0, $0x11  }
0xb8: {  	s0 =	sor.u32 s0, s1  }
0xb9: {  	s0 =	sadd.s32 $0x8F2B, s0  }
0xba: {  	[sflag:s0] =	ssyncadd.remote.s32 $0x1  }
0xbb: {  	_ =	sfence.sel $0xFFFF  }
0xbc: {  	[dreg:$0x0] =	wrdreg $0xFFFFFFFF;
	(pc) =	sbr.abs _section_cstart, $3  }
0xbd: {  	[dreg:$0x1] =	wrdreg $0xFFFFFFFF  }
0xbe: {  	_ =	task.clear_ibuf [dreg:s4], $0x2FFFF;
	_ =	strace $0x9FFFFFFF  }
0xbf: {  	(tm) =	ssettm $0x7FFFFFFF  }
tec
execute0_lowered:
.L_overlay_start_1:
0x0: {  	(tag) =	ssettag $0x1  }
0x1: {  	s0 =	rddreg [dreg:$0x0]  }
0x2: {  	s6 =	stileid.u32;
	_ =	strace $0x80000059;
	s2 =	simm.s32 $0x1  }
0x3: {  	v1 =	vimm.s32 $0xFFFFFFFF;
	s1 =	smul.u32 $0x3, s6;
	[sflag:s2] =	ssyncpa.u1 $0x0  }
0x4: {  	s3 =	smin.u32 s6, $0x7;
	[tilespmem:$0x10] =	vst v1  }
0x5: {  	v0 =	vimm.f32 $0.0e+00;
	[tilespmem:$0x20] =	vst v1;
	s1 =	sadd.s32 s3, s1  }
0x6: {  	p0 =	slt.u32 s6, $0x7;
	[tilespmem:$0x30] =	vst v0;
	s3 =	smul.u32 $0x1770, s1;
	s1 =	simm.s32 $0x5DC0  }
0x7: {  	[tilespmem:$0x40] =	vst v0;
	s1 =	simm.s32 @!p0 $0x4650  }
0x8: {  	[tilespmem:$0x50] =	vst v0;
	s1 =	sadd.s32 s1, s3  }
0x9: {  	[tilespmem:$0x60] =	vst v1;
	s4 =	smin.u32 s1, $0x50910  }
0xa: {  	s7 =	simm.s32 $0x2;
	[tilespmem:$0x70] =	vst v1;
	s9 =	ssub.s32 s4, s3  }
0xb: {  	s8 =	simm.s32 $0x8;
	s31 =	simm.s32 $0x9;
	[tilespmem:$0x80] =	vst v1;
	p0 =	sgt.s32 s9, $0x0  }
0xc: {  	s16 =	simm.s32 $0x0;
	s17 =	simm.s32 $0xF0;
	v1 =	vimm.s32 $0x0;
	[tilespmem:$0xB0] =	vst v0;
	s9 =	simm.s32 @!p0 $0x0  }
0xd: {  	s18 =	simm.s32 $0xFFFFFFFF;
	s19 =	simm.s32 $0xFFFFD220;
	[tilespmem:$0x90] =	vst v1;
	s5 =	smulhi.u32 $0x57619F1, s9  }
0xe: {  	s20 =	simm.s32 $0xFFFFFFFE;
	[tilespmem:$0xA0] =	vst v1;
	[sflag:s7] =	ssyncpa.u1 $0x0;
	s7 =	simm.s32 $0x7  }
0xf: {  	s21 =	simm.s32 $0xF;
	[sflag:s7] =	ssyncpa.u1 $0x0;
	s10 =	sshrl.u32 s5, $0x7  }
0x10: {  	s25 =	simm.s32 $0x0;
	[sflag:s8] =	ssyncpa.u1 $0x0;
	s11 =	smul.u32 $0x1770, s10  }
0x11: {  	s24 =	simm.s32 $0x0;
	s14 =	sshllo.u32 s6, $0x1;
	[sflag:s31] =	ssyncpa.u1 $0x0  }
.Ltmp0:
0x12: {  	s1 =	sadd.s32 $0xBA00, s0;
	p0 =	sne.s32 s9, s11;
	(pc) =	sbr.rel .LBB2_1-.Ltmp0, $4  }
0x13: {  	s5 =	sadd.s32 $0x1800, s0;
	s0 =	sadd.s32 $0x1FE00, s0;
	s2 =	simm.s32 @!p0 $0x0  }
0x14: {  	s23 =	smov.u32 s3;
	[dreg:$0x2] =	wrdreg s0;
	s9 =	sadd.s32 s2, s10  }
0x15: {  	vm0 =	vmmov $0xffff;
	v2 =	vlaneseq.u32;
	p0 =	por $0x0, $0x0;
	s10 =	sshll.u32 s6, $0x1;
	s11 =	sadd.s32 $0x1, s9  }
0x16: {  	vm1 =	vmxor vm1, vm1;
	vm2 =	vmmov $0x1;
	vm3 =	vcmask $0x3F3C;
	s12 =	sadd.s32 $0x2, s9;
	s13 =	sor.u32 $0x81, s10;
	s15 =	sor.u32 $0x80, s10  }
.LBB2_9:
0x17: {  	p1 =	slt.u32 s24, $0x3  }
0x18: {  	s0 =	simm.s32 @!p1 $0x2  }
0x19: {  	_ =	swait.ge @!p1 [sflag:s0], $0x1770  }
0x1a: {  	[sflag:s0] =	ssyncset.done @!p1 $0x0  }
0x1b: {  	[sflag:s0] =	ssyncadd.s32 @!p1 $0xFFFFE890;
	s0 =	simm.s32 @!p1 $0x9  }
0x1c: {  	_ =	swait.ge @!p1 [sflag:s0], $0x10  }
0x1d: {  	[sflag:s0] =	ssyncset.done @!p1 $0x0  }
0x1e: {  	[sflag:s0] =	ssyncadd.s32 @!p1 $0xFFFFFFF0;
	p1 =	sne.s32 s24, s12  }
.Ltmp1:
0x1f: {  	s2 =	sadd.s32 $0x1770, s23;
	(pc) =	sbr.rel @!p1 .LBB2_10-.Ltmp1, $4  }
0x20: {  	s6 =	smov.u32 s3;
	s31 =	sadd.s32 $0x1, s24;
	s17 =	sadd.s32 $0x1770, s17  }
0x21: {  	s18 =	sadd.s32 $0x1, s18;
	s25 =	smov.u32 s23;
	p2 =	slt.s32 s2, s4  }
0x22: {  	p0 =	por !p0, !p0;
	s19 =	sadd.s32 $0x1770, s19;
	s6 =	smov.u32 @p2 s2  }
0x23: {  	s20 =	sadd.s32 $0x1, s20;
	s23 =	smov.u32 s6;
	s24 =	smov.u32 s31  }
.LBB2_1:
0x24: {  	p1 =	sge.u32 s24, s9  }
0x25: {  	s0 =	smulhi.u32 @!p1 $0xAAAAAAAB, s24;
	_ =	sdelay $0x1  }
0x26: {  	s0 =	sshrl.u32 @!p1 s0, $0x1  }
0x27: {  	s0 =	smul.u32 @!p1 $0x3, s0;
	_ =	sdelay $0x1  }
0x28: {  	s0 =	ssub.s32 @!p1 s24, s0  }
0x29: {  	s0 =	smul.u32 @!p1 $0x5DC0, s0;
	_ =	sdelay $0x1  }
0x2a: {  	s2 =	sshrl.u32 @!p1 s23, $0x3;
	s0 =	sshrl.u32 @!p1 s0, $0x2  }
0x2b: {  	s22 =	sand.u32 @!p1 $0x7, s23;
	s2 =	sadd.s32 @!p1 s5, s2;
	s0 =	sadd.s32 @!p1 $0x100, s0  }
0x2c: {  	[tilespmem:s0], [sflag:$0x7] =	stream.linear.gather @!p1 [hbm4b:s2+s22], $0x1770, $0x38;
	[tilespmem:$0xD410] =	vst v63  }
0x2d: {  	s0 =	sadd.s32 $0xFFFFFFFF, s24  }
0x2e: {  	p1 =	sge.u32 s0, s9  }
.Ltmp2:
0x2f: {  	_ = 	snop;
	(pc) =	sbr.rel @p1 .LBB2_5-.Ltmp2, $1  }
0x30: {  	_ =	sdelay $0x3  }
0x31: {  	s2 =	smulhi.u32 $0xAAAAAAAB, s0;
	_ =	sdelay $0x1  }
0x32: {  	s2 =	sshrl.u32 s2, $0x1  }
0x33: {  	s2 =	smul.u32 $0x3, s2;
	_ =	sdelay $0x1  }
0x34: {  	s2 =	ssub.s32 s0, s2  }
0x35: {  	s2 =	smul.u32 $0x5DC0, s2  }
0x36: {  	_ =	swait.ge [sflag:s7], $0x1770  }
0x37: {  	[sflag:s7] =	ssyncset.done $0x0;
	s2 =	sshrl.u32 s2, $0x2  }
0x38: {  	[sflag:s7] =	ssyncadd.s32 $0xFFFFE890;
	(ifvalue) =	ssetifvalue $0xFFFFFFFF;
	v3 =	vld.msk [tilespmem:s2+$0x100 ss:$0x1], $0xffff;
	_ =	sdelay $0x2  }
0x39: {  	s30 =	smulhi.u32 $0xAAAAAAAB, s18;
	p1 =	sne.s32 s24, $0x1  }
0x3a: {  	v4 =	vimm.s32 @!p1 $0x0  }
0x3b: {  	s2 =	sshrl.u32 s30, $0x1;
	v4 =	vperm.xlane @!p1 v3, v4  }
0x3c: {  	s22 =	sshll.u32 s24, $0x4;
	s2 =	smul.u32 $0xFFFEE6C0, s2;
	vm4 =	vlt.u32 v3, $0x2800  }
0x3d: {  	s22 =	sand.u32 $0x10, s22;
	v3 =	vnsel vm4, $0xFFFFFFFE, v3;
	vm4 =	vlt.u32 @!p1 v4, $0x2800  }
0x3e: {  	s2 =	sshra.s32 s2, $0x2;
	[tilespmem:s22+$0x60] =	vst v3;
	v3 =	vnsel @!p1 vm4, $0xFFFFFFFE, v4  }
0x3f: {  	s28 =	sadd.s32 s2, s17;
	[tilespmem:$0x80] =	vst @!p1 v3  }
0x40: {  	v3 =	vld.msk [tilespmem:s28+$0x0 ss:$0x1], $0xffff;
	_ =	sdelay $0x4  }
0x41: {  	(xrf1) =	vunique.msk.u32 $0xffff, v3;
	_ =	sdelay $0xd  }
0x42: {  	v4 =	vimm.s32 $0xFFFFFFFF;
	v5, _, _ =	vpop (xrf1)  }
0x43: {  	vm5 =	vne.s32 v3, v4;
	vm4 =	veq.s32 v5, v2  }
0x44: {  	vm6 =	vlt.u32 v3, $0x2800;
	vm4 =	vmand vm5, vm4  }
0x45: {  	vm4 =	vmand vm6, vm4  }
0x46: {  	v4 =	vnsel vm4, $0xFFFFFFFF, v3  }
0x47: {  	s31 =	sand.u32 $0x1, s0  }
0x48: {  	s0 =	simm.s32 $0x1770;
	p1 =	seq.s32 s31, $0x1  }
0x49: {  	s0 =	simm.s32 @!p1 $0x0  }
0x4a: {  	s26 =	sadd.s32 $0x5EB0, s0;
	(ifvalue) =	ssetifvalue $0xFFFFFFFF  }
0x4b: {  	v3 =	vperm.xlane v3, v1;
	[tilespmem:s26], [sflag:$0x8] =	stream.indirect_vreg.gather [hbm4b:s1+s16], $0x1, v4, vm0, $0x4038;
	v4 =	vnsel vm6, $0xFFFFFFFE, v4;
	[tilespmem:$0xD410] =	vst v63  }
0x4c: {  	s2 =	simm.s32 $0x0;
	s22 =	sadd.s32 $0xFFFFFFF0, s28;
	[tilespmem:s28+$0x0] =	vst v4  }
.LBB2_3:
0x4d: {  	v4 =	vld.msk [tilespmem:s22+$0x0 ss:$0x1], $0xffff;
	s2 =	sadd.s32 $0x10, s2;
	v5 =	vmov v3;
	s28 =	smov.u32 s22  }
0x4e: {  	p1 =	slt.u32 s2, $0x1760;
	_ =	sdelay $0x4  }
0x4f: {  	v3 =	vperm.xlane v4, v1;
	(xrf1) =	vunique.msk.u32 $0xffff, v4;
	_ =	sdelay $0xd  }
0x50: {  	v6, _, _ =	vpop (xrf1)  }
0x51: {  	vm5 =	vne.s32 v4, v5;
	vm4 =	veq.s32 v6, v2  }
0x52: {  	vm6 =	vlt.u32 v4, $0x2800;
	vm4 =	vmand vm5, vm4  }
0x53: {  	vm4 =	vmand vm6, vm4  }
0x54: {  	v4 =	vnsel vm4, $0xFFFFFFFF, v4  }
.Ltmp3:
0x55: {  	v5 =	vnsel vm6, $0xFFFFFFFE, v4;
	(pc) =	sbr.rel @p1 .LBB2_3-.Ltmp3, $3  }
0x56: {  	_ =	sdelay $0x1  }
0x57: {  	s22 =	sadd.s32 $0xFFFFFFF0, s22;
	s26 =	sadd.s32 $0xFFFFFFF0, s26;
	(ifvalue) =	ssetifvalue $0xFFFFFFFF  }
0x58: {  	[tilespmem:s26], [sflag:$0x8] =	stream.indirect_vreg.gather [hbm4b:s1+s16], $0x1, v4, vm0, $0x4038;
	[tilespmem:s28+$0x0] =	vst v5  }
0x59: {  	s2 =	sshrl.u32 s25, $0x3;
	s6 =	rddreg [dreg:$0x2]  }
0x5a: {  	s0 =	sadd.s32 $0x7630, s0;
	s2 =	sadd.s32 s6, s2  }
0x5b: {  	[tilespmem:s0], [sflag:$0x8] =	stream.linear.gather [hbm:s2], $0x1770, $0x38;
	[tilespmem:$0xD410] =	vst v63  }
.LBB2_5:
0x5c: {  	p1 =	slt.u32 s24, $0x2  }
0x5d: {  	p2 =	sge.u32 @!p1 s24, s12  }
0x5e: {  	p1 =	por p1, p2  }
.Ltmp4:
0x5f: {  	_ = 	snop;
	(pc) =	sbr.rel @p1 .LBB2_9-.Ltmp4, $1  }
0x60: {  	_ =	sdelay $0x3  }
0x61: {  	s0 =	sadd.s32 $0xFFFFFFFE, s24  }
0x62: {  	s2 =	smulhi.u32 $0xAAAAAAAB, s0;
	_ =	sdelay $0x1  }
0x63: {  	s2 =	sshrl.u32 s2, $0x1  }
0x64: {  	s2 =	smul.u32 $0x3, s2;
	_ =	sdelay $0x1  }
0x65: {  	s0 =	ssub.s32 s0, s2  }
0x66: {  	_ =	swait.ge [sflag:s8], $0x2EE0;
	s0 =	smul.u32 $0x1770, s0  }
0x67: {  	p1 =	sne.s32 s24, s11;
	[sflag:s8] =	ssyncset.done $0x0  }
0x68: {  	[sflag:s8] =	ssyncadd.s32 $0xFFFFD120;
	s2 =	sadd.s32 @!p1 $0x186F, s0  }
0x69: {  	[spmem:s13] =	stream.linear.scatter @!p1 [tilespmem:s2], [sflag:$0x1], $0x1, $0x38;
	[tilespmem:$0xD410] =	vst v63  }
0x6a: {  	s2 =	simm.s32 @!p1 $0x1  }
0x6b: {  	_ =	swait.ge @!p1 [sflag:s2], $0x1  }
0x6c: {  	s22 =	sshll.u32 s24, $0x4;
	[sflag:s2] =	ssyncset.done @!p1 $0x0  }
0x6d: {  	s25 =	sand.u32 $0x10, s22;
	[sflag:s2] =	ssyncadd.s32 @!p1 $0xFFFFFFFF  }
0x6e: {  	s2 =	sxor.u32 $0x10, s25;
	v4 =	vld [tilespmem:s25+$0x10]  }
0x6f: {  	v5 =	vld [tilespmem:s2+$0x60]  }
0x70: {  	v3 =	vld [tilespmem:$0x80];
	_ =	sdelay $0x2  }
0x71: {  	(v2sf) =	vpush v4, $0x0  }
0x72: {  	(v2sf) =	vpush v5, $0x0  }
0x73: {  	(v2sf) =	vpush v3, $0x0;
	_ =	sdelay $0xc  }
0x74: {  	s6 =	spop (v2sf)  }
0x75: {  	s28 =	spop (v2sf)  }
0x76: {  	s26 =	spop (v2sf)  }
0x77: {  	p2 =	seq.s32 s6, s28;
	p3 =	seq.s32 s26, s6  }
0x78: {  	p3 =	por p2, p3  }
0x79: {  	s6 =	sand.u32 $0x1, s24;
	v4 =	vpsel p3, $0xFFFFFFFF, v4  }
0x7a: {  	s28 =	smul.u32 $0x1770, s6;
	[tilespmem:s25+$0x10] =	vst.msk $0x1, v4  }
0x7b: {  	v4 =	vld [tilespmem:$0x30]  }
0x7c: {  	v5 =	vld [tilespmem:s28+$0x7630]  }
0x7d: {  	v6 =	vld [tilespmem:s25+$0x40];
	_ =	sdelay $0x3  }
0x7e: {  	vm4 =	vmmov vm1;
	v5 =	vadd.f32 v5, v4  }
0x7f: {  	vm5 =	vmmov vm2;
	vm4 =	vmmov @p2 vm2;
	v4 =	vadd.f32 v6, v4  }
0x80: {  	s22 =	sshll.u32 s6, $0x4;
	vm5 =	vmmov @p3 vm1;
	[tilespmem:s28+$0x7630] =	vst.msk vm4, v5  }
0x81: {  	[tilespmem:s22+$0xD3F0] =	vst.msk vm5, v4  }
0x82: {  	v4 =	vld [tilespmem:s28+$0x5EB0];
	_ =	sdelay $0x3  }
0x83: {  	v5 =	vimm.f32 $0.0e+00  }
0x84: {  	v4 =	vshift.insert v4, v5, s21  }
0x85: {  	s29 =	sor.u32 $0x40, s2  }
0x86: {  	[tilespmem:s29+$0x0] =	vst.msk $0x1, v4  }
0x87: {  	[tilespmem:s28+$0x5EBF] =	vst.msk $0x1, v5  }
0x88: {  	v4 =	vld [tilespmem:s0+$0x1860];
	_ =	sdelay $0x1  }
0x89: {  	s29 =	smulhi.u32 $0xAAAAAAAB, s20;
	s0 =	simm.s32 $0x1  }
0x8a: {  	s0 =	simm.s32 @!p0 $0x0  }
0x8b: {  	s29 =	sshrl.u32 s29, $0x1;
	s0 =	smul.u32 $0x5DC0, s0  }
0x8c: {  	s29 =	smul.u32 $0xFFFEE6C0, s29;
	v4 =	vshift.insert v4, v1, s21  }
0x8d: {  	s0 =	sshrl.u32 s0, $0x2  }
0x8e: {  	s29 =	sshra.s32 s29, $0x2;
	s30 =	sadd.s32 $0x7630, s0;
	[tilespmem:s2+$0x10] =	vst.msk $0x1, v4  }
0x8f: {  	s6 =	sadd.s32 s29, s19;
	v6 =	vld [tilespmem:s30+$0x0]  }
0x90: {  	v7 =	vld [tilespmem:s6+$0x0];
	_ =	sdelay $0x3  }
0x91: {  	v5 =	vadd.f32 v6, v5  }
0x92: {  	vm4 =	vne.s32 v7, $0xFFFFFFFF  }
0x93: {  	(xrf2) =	vadd.seg.scan.f32 vm4, v5;
	_ =	sdelay $0x3  }
0x94: {  	s31 =	sadd.s32 $0x4750, s0;
	v5 =	vperm.xlane v4, v1  }
0x95: {  	v6 =	vld [tilespmem:s31+$0x0]  }
0x96: {  	vm5 =	veq.s32 v7, v3;
	vm6 =	veq.s32 v7, v5  }
0x97: {  	vm7 =	vgt.u32 v7, $0xFFFFFFFD;
	vm6 =	vmor vm6, vm5  }
0x98: {  	vm6 =	vmor vm6, vm7  }
0x99: {  	v9 =	vld [tilespmem:$0xA0];
	v7 =	vsel vm6, $0xFFFFFFFF, v7  }
0x9a: {  	v10 =	vld [tilespmem:$0x90];
	v6 =	vsel vm5, $0x0, v6;
	v8, _, _ =	vpop (xrf2)  }
0x9b: {  	v6 =	vadd.f32 v8, v6  }
0x9c: {  	s0 =	sadd.s32 $0xA510, s0  }
0x9d: {  	vm4 =	vmand vm4, vm3;
	[tilespmem:s0+$0x0] =	vst v6;
	(ifvalue) =	ssetifvalue $0xFFFFFFFF  }
0x9e: {  	vm6 =	veq.s32 v9, $0x1;
	[hbm4b:s1+s16] =	stream.indirect_vreg.scatter [tilespmem:s0], [sflag:$0x2], $0x1, v7, vm0, $0x4038;
	v7 =	vsel vm4, $0x0, v8;
	[tilespmem:$0xD410] =	vst v63  }
0x9f: {  	s29 =	sadd.s32 $0xD3F0, s22;
	s22 =	sadd.s32 $0x10, s6;
	s2 =	simm.s32 $0x0;
	vm4 =	vmor vm6, vm5;
	v6 =	vsel vm5, v8, v10;
	v7 =	vshift.insert v7, v0, s21  }
.LBB2_7:
0xa0: {  	v8 =	vld [tilespmem:s22+$0x0];
	s30 =	sadd.s32 $0x10, s30  }
0xa1: {  	s31 =	sadd.s32 $0x10, s31;
	v9 =	vld [tilespmem:s30+$0x0]  }
0xa2: {  	s2 =	sadd.s32 $0x10, s2;
	v10 =	vld [tilespmem:s31+$0x0]  }
0xa3: {  	p2 =	slt.u32 s2, $0x1760;
	_ =	sdelay $0x2  }
0xa4: {  	v7 =	vadd.f32 v9, v7  }
0xa5: {  	vm5 =	vne.s32 v8, $0xFFFFFFFF  }
0xa6: {  	vm6 =	vmand vm5, vm3;
	(xrf2) =	vadd.seg.scan.f32 vm5, v7;
	_ =	sdelay $0x5  }
0xa7: {  	vm7 =	veq.s32 v8, v5;
	vm5 =	veq.s32 v8, v3  }
0xa8: {  	vm8 =	vgt.u32 v8, $0xFFFFFFFD;
	vm4 =	vmor vm4, vm5;
	vm7 =	vmor vm7, vm5  }
0xa9: {  	vm7 =	vmor vm7, vm8  }
0xaa: {  	v8 =	vsel vm7, $0xFFFFFFFF, v8  }
.Ltmp5:
0xab: {  	v7 =	vsel vm5, $0x0, v10;
	v9, _, _ =	vpop (xrf2);
	(pc) =	sbr.rel @p2 .LBB2_7-.Ltmp5, $4  }
0xac: {  	v6 =	vsel vm5, v9, v6;
	v10 =	vadd.f32 v9, v7;
	v7 =	vsel vm6, $0x0, v9  }
0xad: {  	s0 =	sadd.s32 $0x10, s0;
	v7 =	vshift.insert v7, v0, s21  }
0xae: {  	s22 =	sadd.s32 $0x10, s22;
	[tilespmem:s0+$0x0] =	vst v10;
	(ifvalue) =	ssetifvalue $0xFFFFFFFF  }
0xaf: {  	[hbm4b:s1+s16] =	stream.indirect_vreg.scatter [tilespmem:s0], [sflag:$0x2], $0x1, v8, vm0, $0x4038;
	[tilespmem:$0xD410] =	vst v63  }
0xb0: {  	v3 =	vld [tilespmem:s28+$0xBC70];
	_ =	sdelay $0x4  }
0xb1: {  	v3 =	vshift.insert v3, v0, s21  }
0xb2: {  	s0 =	simm.s32 $0x30  }
0xb3: {  	[tilespmem:s0+$0x0] =	vst.msk $0x1, v3  }
0xb4: {  	v3 =	vsel vm4, $0x1, v1;
	[tilespmem:$0x90] =	vst v6  }
0xb5: {  	s0 =	sadd.s32 @!p1 $0xBC7F, s28;
	[tilespmem:$0xA0] =	vst v3  }
0xb6: {  	[spmem:s14] =	stream.linear.scatter @!p1 [tilespmem:s0], [sflag:$0x1], $0x1, $0x38;
	[tilespmem:$0xD410] =	vst v63  }
0xb7: {  	s0 =	simm.s32 @!p1 $0x1  }
0xb8: {  	v3 =	vmctz.xlane @!p1 vm4;
	_ =	swait.ge @!p1 [sflag:s0], $0x1  }
0xb9: {  	(v2sf) =	vpush @!p1 v4, $0x0  }
0xba: {  	(v2sf) =	vpush @!p1 v3, $0x0;
	_ =	sdelay $0xd  }
0xbb: {  	s2 =	spop @!p1 (v2sf)  }
0xbc: {  	s6 =	spop @!p1 (v2sf)  }
0xbd: {  	p2 =	sne.s32 @!p1 s26, s2;
	p3 =	slt.s32 @!p1 s6, $0xF  }
0xbe: {  	[sflag:s0] =	ssyncset.done @!p1 $0x0;
	p2 =	por p2, p1;
	p3 =	por !p3, p1  }
0xbf: {  	[sflag:s0] =	ssyncadd.s32 @!p1 $0xFFFFFFFF;
	v3 =	vimm.s32 @!p2 $0xFFFFFFFF;
	s6 =	simm.s32 @p3 $0xF  }
0xc0: {  	[tilespmem:$0x80] =	vst @!p2 v3;
	s2 =	sadd.s32 @!p1 $0x90, s6  }
0xc1: {  	[spmem:s10] =	stream.linear.scatter @!p1 [tilespmem:s2], [sflag:$0x1], $0x1, $0x38;
	[tilespmem:$0xD410] =	vst v63  }
0xc2: {  	_ =	swait.ge @!p1 [sflag:s0], $0x1  }
0xc3: {  	[sflag:s0] =	ssyncset.done @!p1 $0x0  }
0xc4: {  	s2 =	simm.s32 @!p1 $0x80;
	[sflag:s0] =	ssyncadd.s32 @!p1 $0xFFFFFFFF  }
0xc5: {  	[spmem:s15] =	stream.linear.scatter @!p1 [tilespmem:s2], [sflag:$0x1], $0x1, $0x38;
	[tilespmem:$0xD410] =	vst v63  }
0xc6: {  	_ =	swait.ge @!p1 [sflag:s0], $0x1  }
0xc7: {  	[sflag:s0] =	ssyncset.done @!p1 $0x0  }
0xc8: {  	[sflag:s0] =	ssyncadd.s32 @!p1 $0xFFFFFFFF;
	(ifvalue) =	ssetifvalue $0xFFFFFFFF;
	v3 =	vld [tilespmem:s25+$0x10];
	_ =	sdelay $0x3  }
.Ltmp6:
0xc9: {  	_ = 	snop;
	(pc) =	sbr.rel .LBB2_9-.Ltmp6, $3  }
0xca: {  	_ =	sdelay $0x1  }
0xcb: {  	(ifvalue) =	ssetifvalue $0xFFFFFFFF  }
0xcc: {  	[hbm4b:s1+s16] =	stream.indirect_vreg.scatter [tilespmem:s29], [sflag:$0x9], $0x1, v3, vm0, $0x4038;
	[tilespmem:$0xD410] =	vst v63  }
.LBB2_10:
0xcd: {  	_ =	sfence.sel $0x180000  }
0xce: {  	s0 =	simm.s32 $0x7;
	[bflag:$0x0] =	sbarrier.arrive $0xFFFF  }
0xcf: {  	s26 =	simm.s32 $0x8;
	[sflag:s0] =	ssyncpa.u1 $0x1  }
0xd0: {  	s28 =	simm.s32 $0x9;
	[sflag:s26] =	ssyncpa.u1 $0x1  }
0xd1: {  	[sflag:s28] =	ssyncpa.u1 $0x1  }
0xd2: {  	_ =	sfence.stream.spmem  }
0xd3: {  	s29 =	simm.s32 $0x3;
	[bflag:$0x0] =	sbarrier.arrive $0xFFFF  }
0xd4: {  	s30 =	simm.s32 $0x4;
	[sflag:s29] =	ssyncpa.u1 $0x1  }
0xd5: {  	s31 =	simm.s32 $0x3C;
	s2 =	stileid.u32;
	[sflag:s30] =	ssyncpa.u1 $0x1  }
0xd6: {  	p0 =	sne.s32 s2, $0x0;
	[sflag:s31] =	ssyncpa.u1 $0x1  }
0xd7: {  	s0 =	simm.s32 @p0 $0x1;
	_ =	sfence @p0  }
0xd8: {  	[sflag:s0] =	ssyncpa.u1 @p0 $0x1;
	s0 =	simm.s32 @p0 $0x2  }
0xd9: {  	[sflag:s0] =	ssyncpa.u1 @p0 $0x1  }
0xda: {  	_ =	strace @p0 $0x90000059  }
0xdb: {  	[bflag:$0x2] =	sbarrier.arrive @p0 $0xFFFF  }
0xdc: {  	_ =	shalt @p0  }
.LBB2_11:
0xdd: {  	_ =	sfence.stream.spmem;
	s0 =	simm.s32 $0x5  }
0xde: {  	s2 =	simm.s32 $0x80;
	s3 =	simm.s32 $0xC0;
	[sflag:s0] =	ssyncpa.u1 $0x0  }
0xdf: {  	[tilespmem:s3], [sflag:$0x5] =	stream.linear.gather [spmem:s2], $0x20, $0x38;
	[tilespmem:$0xD410] =	vst v63  }
0xe0: {  	s2 =	simm.s32 $0x0;
	s3 =	simm.s32 $0xE0  }
0xe1: {  	[tilespmem:s3], [sflag:$0x5] =	stream.linear.gather [spmem:s2], $0x20, $0x38;
	[tilespmem:$0xD410] =	vst v63  }
.Ltmp7:
0xe2: {  	_ = 	snop;
	(pc) =	sbr.rel .LBB2_12-.Ltmp7, $4  }
0xe3: {  	_ =	swait.ge [sflag:s0], $0x40  }
0xe4: {  	[sflag:s0] =	ssyncset.done $0x0  }
0xe5: {  	s31 =	simm.s32 $0x6;
	[sflag:s0] =	ssyncadd.s32 $0xFFFFFFC0  }
0xe6: {  	s4 =	simm.s32 $0x0;
	[sflag:s31] =	ssyncpa.u1 $0x0  }
.LBB2_17:
0xe7: {  	p0 =	sgt.u32 s5, $0x27FF  }
0xe8: {  	s0 =	sshrl.u32 @!p0 s5, $0x3  }
0xe9: {  	s5 =	sand.u32 @!p0 $0x7, s5;
	s6 =	simm.s32 @!p0 $0xB0;
	s0 =	sadd.s32 @!p0 s1, s0  }
0xea: {  	[tilespmem:s6], [sflag:$0x6] =	stream.linear.gather @!p0 [hbm4b:s0+s5], $0x1, $0x38;
	[tilespmem:$0xD410] =	vst v63  }
0xeb: {  	s0 =	simm.s32 @!p0 $0x6  }
0xec: {  	_ =	swait.ge @!p0 [sflag:s0], $0x1  }
0xed: {  	[sflag:s0] =	ssyncset.done @!p0 $0x0  }
0xee: {  	[sflag:s0] =	ssyncadd.s32 @!p0 $0xFFFFFFFF  }
0xef: {  	v2 =	vmov @!p0 s4;
	v1 =	vld.msk @!p0 [tilespmem:$0xB0], $0x1;
	_ =	sdelay $0x3  }
0xf0: {  	s0 =	simm.s32 @!p0 $0xE0  }
0xf1: {  	[tilespmem:v2+s0+$0x0], v1 =	vst.idx.ret.add.f32.msk @!p0 $0x1, v1  }
0xf2: {  	[tilespmem:s2+$0xC0] =	vst.msk $0x1, v0  }
0xf3: {  	v0 =	vld.msk [tilespmem:s4+$0xE0], $0x1;
	_ =	sdelay $0x4  }
0xf4: {  	[tilespmem:s2+$0xE0] =	vst.msk $0x1, v0;
	s2 =	sadd.s32 $0x1, s2  }
.LBB2_19:
0xf5: {  	s4 =	sadd.s32 $0x1, s4  }
0xf6: {  	p0 =	sne.s32 s4, $0x20  }
.Ltmp8:
0xf7: {  	_ = 	snop;
	(pc) =	sbr.rel @!p0 .LBB2_20-.Ltmp8, $1  }
0xf8: {  	_ =	sdelay $0x3  }
.LBB2_12:
0xf9: {  	v0 =	vld.msk [tilespmem:s4+$0xC0], $0x1;
	_ =	sdelay $0x4  }
0xfa: {  	(v2sf) =	vpush v0, $0x0;
	_ =	sdelay $0xe  }
0xfb: {  	s5 =	spop (v2sf)  }
0xfc: {  	p0 =	seq.s32 s5, $0xFFFFFFFF  }
.Ltmp9:
0xfd: {  	_ = 	snop;
	(pc) =	sbr.rel @p0 .LBB2_19-.Ltmp9, $1  }
0xfe: {  	_ =	sdelay $0x3  }
0xff: {  	p0 =	slt.s32 s2, $0x1  }
.Ltmp10:
0x100: {  	_ = 	snop;
	(pc) =	sbr.rel @p0 .LBB2_17-.Ltmp10, $1  }
0x101: {  	_ =	sdelay $0x3  }
0x102: {  	s0 =	simm.s32 $0xC0;
	p0 =	por $0x0, $0x0  }
0x103: {  	v1 =	vld.msk @!p0 [tilespmem:s0+$0x0], $0x1;
	_ =	sdelay $0x4  }
0x104: {  	(v2sf) =	vpush @!p0 v1, $0x0;
	_ =	sdelay $0xd  }
0x105: {  	p2 =	sne.s32 s2, $0x1  }
.Ltmp11:
0x106: {  	s6 =	spop @!p0 (v2sf);
	(pc) =	sbr.rel @!p2 .LBB2_16-.Ltmp11, $4  }
0x107: {  	p1 =	seq.s32 @!p0 s5, s6  }
0x108: {  	s6 =	simm.s32 $0x0;
	p1 =	por !p1, p0  }
0x109: {  	s8 =	simm.s32 $0xFFFFFFFF;
	s6 =	simm.s32 @p1 $0xFFFFFFFF  }
0x10a: {  	s7 =	simm.s32 $0x1;
	s6 =	smov.u32 @p0 s8  }
.LBB2_15:
0x10b: {  	s8 =	smov.u32 s6;
	p0 =	sne.s32 s6, $0xFFFFFFFF  }
0x10c: {  	s0 =	sadd.s32 $0x1, s0;
	s6 =	smov.u32 s7;
	s7 =	sadd.s32 $0x1, s7  }
0x10d: {  	p1 =	sne.s32 s2, s7;
	v1 =	vld.msk @!p0 [tilespmem:s0+$0x0], $0x1;
	_ =	sdelay $0x4  }
0x10e: {  	(v2sf) =	vpush @!p0 v1, $0x0;
	_ =	sdelay $0xe  }
.Ltmp12:
0x10f: {  	s9 =	spop @!p0 (v2sf);
	(pc) =	sbr.rel @p1 .LBB2_15-.Ltmp12, $4  }
0x110: {  	p2 =	seq.s32 @!p0 s5, s9  }
0x111: {  	p2 =	por !p2, p0  }
0x112: {  	s6 =	simm.s32 @p2 $0xFFFFFFFF  }
0x113: {  	s6 =	smov.u32 @p0 s8  }
.LBB2_16:
0x114: {  	p0 =	sne.s32 s6, $0xFFFFFFFF  }
.Ltmp13:
0x115: {  	_ = 	snop;
	(pc) =	sbr.rel @!p0 .LBB2_17-.Ltmp13, $1  }
0x116: {  	_ =	sdelay $0x3  }
0x117: {  	v0 =	vld.msk [tilespmem:s4+$0xE0], $0x1;
	v1 =	vmov s6  }
.Ltmp14:
0x118: {  	_ = 	snop;
	(pc) =	sbr.rel .LBB2_19-.Ltmp14, $2  }
0x119: {  	_ =	sdelay $0x2  }
0x11a: {  	[tilespmem:v1+s3+$0x0], v0 =	vst.idx.ret.add.f32.msk $0x1, v0  }
.LBB2_20:
0x11b: {  	p0 =	slt.s32 s2, $0x1  }
.Ltmp15:
0x11c: {  	_ = 	snop;
	(pc) =	sbr.rel @p0 .LBB2_24-.Ltmp15, $3  }
0x11d: {  	_ =	sdelay $0x1  }
0x11e: {  	s0 =	simm.s32 $0x6  }
0x11f: {  	s3 =	simm.s32 $0x0;
	[sflag:s0] =	ssyncpa.u1 $0x1  }
0x120: {  	s0 =	simm.s32 $0xC0  }
0x121: {  	v0 =	vld.msk [tilespmem:s0+$0x0], $0x1;
	_ =	sdelay $0x4  }
0x122: {  	(v2sf) =	vpush v0, $0x0;
	_ =	sdelay $0xe  }
0x123: {  	s2 =	sadd.s32 $0xFFFFFFFF, s2;
	s4 =	spop (v2sf)  }
0x124: {  	p1 =	sne.s32 s2, $0x0;
	p0 =	sgt.u32 s4, $0x27FF  }
.Ltmp16:
0x125: {  	s5 =	sshrl.u32 @!p0 s4, $0x3;
	(pc) =	sbr.rel @!p1 .LBB2_23-.Ltmp16, $4  }
0x126: {  	s0 =	simm.s32 $0xE0;
	s4 =	sand.u32 @!p0 $0x7, s4;
	s5 =	sadd.s32 @!p0 s1, s5  }
0x127: {  	[hbm4b:s5+s4] =	stream.linear.scatter @!p0 [tilespmem:s0], [sflag:$0x5], $0x1, $0x38;
	[tilespmem:$0xD410] =	vst v63  }
0x128: {  	s5 =	simm.s32 $0x0  }
0x129: {  	s4 =	simm.s32 $0xC1;
	s5 =	simm.s32 @!p0 $0x4  }
.LBB2_22:
0x12a: {  	v0 =	vld.msk [tilespmem:s4+$0x0], $0x1;
	s2 =	sadd.s32 $0xFFFFFFFF, s2;
	s3 =	sadd.s32 s3, s5  }
0x12b: {  	p0 =	sne.s32 s2, $0x0;
	_ =	sdelay $0x3  }
0x12c: {  	(v2sf) =	vpush v0, $0x0;
	_ =	sdelay $0xe  }
.Ltmp17:
0x12d: {  	s6 =	spop (v2sf);
	(pc) =	sbr.rel @p0 .LBB2_22-.Ltmp17, $4  }
0x12e: {  	s5 =	simm.s32 $0x0;
	p1 =	sgt.u32 s6, $0x27FF  }
0x12f: {  	s0 =	sadd.s32 $0x1, s0;
	s5 =	simm.s32 @!p1 $0x4;
	s7 =	sshrl.u32 @!p1 s6, $0x3  }
0x130: {  	s4 =	sadd.s32 $0x1, s4;
	s6 =	sand.u32 @!p1 $0x7, s6;
	s7 =	sadd.s32 @!p1 s1, s7  }
0x131: {  	[hbm4b:s7+s6] =	stream.linear.scatter @!p1 [tilespmem:s0], [sflag:$0x5], $0x1, $0x38;
	[tilespmem:$0xD410] =	vst v63  }
.LBB2_23:
0x132: {  	s0 =	sadd.s32 s3, s5  }
0x133: {  	s3 =	sshrl.u32 s0, $0x2  }
.LBB2_24:
0x134: {  	s0 =	simm.s32 $0x5  }
0x135: {  	_ =	swait.ge [sflag:s0], s3  }
0x136: {  	s1 =	ssub.s32 $0x0, s3;
	[sflag:s0] =	ssyncset.done $0x0  }
0x137: {  	[sflag:s0] =	ssyncadd.s32 s1  }
0x138: {  	[sflag:s0] =	ssyncpa.u1 $0x1  }
0x139: {  	s29 =	simm.s32 $0x1;
	_ =	sfence  }
0x13a: {  	s30 =	simm.s32 $0x2;
	[sflag:s29] =	ssyncpa.u1 $0x1  }
0x13b: {  	[sflag:s30] =	ssyncpa.u1 $0x1  }
0x13c: {  	_ =	strace $0x90000059  }
0x13d: {  	[bflag:$0x2] =	sbarrier.arrive $0xFFFF  }
0x13e: {  	s31 =	rddreg [dreg:$0x1]  }
0x13f: {  	s0 =	sadd.s32 $0x100000, s31  }
0x140: {  	[sflag:s0] =	ssyncadd.tile.s32 $0x1;
	_ =	shalt  }
.Lfunc_end2:
_tile_overlayer_lowered:
.L_overlay_start_2:
0x141: {  	(tag) =	ssettag $0x2  }
0x142: {  	s0 =	rddreg [dreg:$0x0];
	s2 =	stileid.u32  }
0x143: {  	s1 =	rddreg [dreg:$0x1];
	p0 =	sne.s32 s2, $0x0  }
0x144: {  	s3 =	rddreg [dreg:$0x2];
	[bflag:$0x3] =	sbarrier.arrive $0xFFFF;
	s2 =	simm.s32 @!p0 $0x1C01  }
0x145: {  	[timem:s3], [sflag:s2] =	dma.local @!p0 [hbm:s0], s1  }
0x146: {  	s0 =	simm.s32 @!p0 $0x1  }
0x147: {  	_ =	swait.ge @!p0 [sflag:s0], s1  }
0x148: {  	s1 =	ssub.s32 @!p0 $0x0, s1;
	[sflag:s0] =	ssyncset.done @!p0 $0x0  }
0x149: {  	[sflag:s0] =	ssyncadd.s32 @!p0 s1  }
0x14a: {  	[bflag:$0x3] =	sbarrier.arrive $0xFFFF  }
0x14b: {  	_ =	shalt  }

// kernel: scatter_offload_async_start.2
scs
__scs_entry_jumppad:
0x0: {  	(pc) =	sbr.rel $0x88, $3  }
0x1: {  	(tag) =	ssettag $0x0;
	lr =	simm.s32 $0x1  }
0x2: {  	[smem:$0x3F97] =	sst lr;
	_ =	strace $0xD0000000  }
0x3: {  	_ = 	snop  }
0x4: {  	_ = 	snop  }
0x5: {  	_ = 	snop  }
0x6: {  	_ = 	snop  }
0x7: {  	_ = 	snop  }
__scs_overlays_trampoline_lowered:
0x8: {  	[smem:$0x3FA6] =	sst s0  }
0x9: {  	[smem:$0x3FA7] =	sst s1  }
0xa: {  	[smem:$0x3FA8] =	sst s2  }
0xb: {  	[smem:$0x3FA9] =	sst s3  }
0xc: {  	[smem:$0x3FAA] =	sst s4  }
0xd: {  	[smem:$0x3FAB] =	sst s5  }
0xe: {  	[smem:$0x3FAC] =	sst s6  }
0xf: {  	[smem:$0x3FAD] =	sst s7  }
0x10: {  	[smem:$0x3FAE] =	sst s8  }
0x11: {  	[smem:$0x3FAF] =	sst s9;
	s0 =	simm.s32 @!p0 $0x0  }
0x12: {  	s1 =	sld [smem:$0x3F95];
	s0 =	simm.s32 @p0 $0x1  }
0x13: {  	[smem:$0x3FB0] =	sst s0;
	s0 =	simm.s32 @!p1 $0x0  }
0x14: {  	s2 =	sld [smem:$0x3F94];
	s0 =	simm.s32 @p1 $0x1  }
0x15: {  	[smem:$0x3FB1] =	sst s0;
	s0 =	simm.s32 @!p2 $0x0  }
0x16: {  	s3 =	sld [smem:$0x3FDB];
	s0 =	simm.s32 @p2 $0x1  }
0x17: {  	s4 =	simm.s32 $0x1BF5;
	[smem:$0x3FB3] =	sst s0  }
0x18: {  	s0 =	sld [smem:$0x3F96];
	_ =	swait.ge [sflag:s4], $0x0  }
0x19: {  	s7 =	sld [smem:$0x3F97]  }
0x1a: {  	s8 =	sadd.s32 $0xFFFFE003, lr  }
0x1b: {  	s9 =	sadd.s32 $0xFFFFFEF7, lr;
	s5 =	simm.s32 $0xFFFFFFFF;
	p2 =	slt.u32 s8, $0xFFFFF086  }
0x1c: {  	p1 =	slt.u32 s9, $0xF7A;
	s5 =	simm.s32 @!p2 $0x0  }
0x1d: {  	s5 =	simm.s32 @p1 $0x1;
	p0 =	seq.s32 s7, s2  }
0x1e: {  	s7 =	smul.u32 @!p0 $0xF7A, s2;
	p2 =	seq.s32 @!p0 s5, $0x0  }
0x1f: {  	s9 =	smul.u32 $0xF7A, s1;
	s8 =	simm.s32 @!p0 $0x1BF5;
	p2 =	por !p2, p0  }
0x20: {  	[sflag:s8] =	ssyncset.s32 @!p0 $0xFFFFF086;
	s6 =	sadd.s32 @!p0 s3, s7;
	s7 =	simm.s32 @!p0 $0x108  }
0x21: {  	s3 =	sadd.s32 s3, s9;
	s6 =	sadd.s32 @!p0 $0x88, s6;
	s7 =	simm.s32 @p2 $0x1082  }
0x22: {  	[simem:s7], [sflag:s8] =	dma.local @!p0 [hbm:s6], $0xF7A  }
0x23: {  	s9 =	sor.u32 $0xD0000000, s2;
	s6 =	simm.s32 $0x108;
	_ =	swait.ge @!p0 [sflag:s8], $0x0  }
0x24: {  	s3 =	sadd.s32 $0x88, s3;
	s6 =	simm.s32 @!p1 $0x1082;
	[sflag:s4] =	ssyncset.s32 $0xFFFFF086  }
0x25: {  	[simem:s6], [sflag:s4] =	dma.local [hbm:s3], $0xF7A  }
0x26: {  	[smem:$0x3F97] =	sst s1;
	(tag) =	ssettag s2;
	_ =	strace s9  }
0x27: {  	s1 =	sld [smem:$0x3FA7]  }
0x28: {  	s2 =	sld [smem:$0x3FA8]  }
0x29: {  	s4 =	sld [smem:$0x3FAA]  }
0x2a: {  	p0 =	seq.s32 s5, $0x0;
	s5 =	sld [smem:$0x3FAB]  }
0x2b: {  	s6 =	sld [smem:$0x3FAC]  }
0x2c: {  	s7 =	sld [smem:$0x3FAD]  }
0x2d: {  	s3 =	simm.s32 $0x108;
	s8 =	sld [smem:$0x3FAE]  }
0x2e: {  	s3 =	simm.s32 @!p0 $0x1082;
	s9 =	sld [smem:$0x3FAF]  }
0x2f: {  	lr =	sadd.s32 s0, s3;
	s0 =	sld [smem:$0x3FA6]  }
0x30: {  	s3 =	sld [smem:$0x3FA9]  }
0x31: {  	[smem:$0x3FB2] =	sst s10  }
0x32: {  	s10 =	sld [smem:$0x3FB0];
	_ =	sdelay $0x3  }
0x33: {  	p0 =	seq.s32 s10, $0x1;
	s10 =	sld [smem:$0x3FB2];
	_ =	sdelay $0x3  }
0x34: {  	[smem:$0x3FB2] =	sst s10  }
0x35: {  	s10 =	sld [smem:$0x3FB1];
	_ =	sdelay $0x3  }
0x36: {  	p1 =	seq.s32 s10, $0x1;
	s10 =	sld [smem:$0x3FB2];
	_ =	sdelay $0x3  }
0x37: {  	[smem:$0x3FB2] =	sst s10  }
0x38: {  	s10 =	sld [smem:$0x3FB3]  }
0x39: {  	_ = 	snop;
	(pc) =	sbr.ind lr, $3  }
0x3a: {  	_ = 	snop  }
0x3b: {  	_ = 	snop  }
0x3c: {  	p2 =	seq.s32 s10, $0x1;
	s10 =	sld [smem:$0x3FB2]  }
0x3d: {  	_ =	shalt  }
0x3e: {  	_ =	shalt  }
0x3f: {  	_ =	shalt  }
0x40: {  	_ =	shalt  }
0x41: {  	_ =	shalt  }
0x42: {  	_ =	shalt  }
0x43: {  	_ =	shalt  }
0x44: {  	_ =	shalt  }
0x45: {  	_ =	shalt  }
0x46: {  	_ =	shalt  }
0x47: {  	_ =	shalt  }
0x48: {  	_ =	shalt  }
0x49: {  	_ =	shalt  }
0x4a: {  	_ =	shalt  }
0x4b: {  	_ =	shalt  }
0x4c: {  	_ =	shalt  }
0x4d: {  	_ =	shalt  }
0x4e: {  	_ =	shalt  }
0x4f: {  	_ =	shalt  }
0x50: {  	_ =	shalt  }
0x51: {  	_ =	shalt  }
0x52: {  	_ =	shalt  }
0x53: {  	_ =	shalt  }
0x54: {  	_ =	shalt  }
0x55: {  	_ =	shalt  }
0x56: {  	_ =	shalt  }
0x57: {  	_ =	shalt  }
0x58: {  	_ =	shalt  }
0x59: {  	_ =	shalt  }
0x5a: {  	_ =	shalt  }
0x5b: {  	_ =	shalt  }
0x5c: {  	_ =	shalt  }
0x5d: {  	_ =	shalt  }
0x5e: {  	_ =	shalt  }
0x5f: {  	_ =	shalt  }
0x60: {  	_ =	shalt  }
0x61: {  	_ =	shalt  }
0x62: {  	_ =	shalt  }
0x63: {  	_ =	shalt  }
0x64: {  	_ =	shalt  }
0x65: {  	_ =	shalt  }
0x66: {  	_ =	shalt  }
0x67: {  	_ =	shalt  }
0x68: {  	_ =	shalt  }
0x69: {  	_ =	shalt  }
0x6a: {  	_ =	shalt  }
0x6b: {  	_ =	shalt  }
0x6c: {  	_ =	shalt  }
0x6d: {  	_ =	shalt  }
0x6e: {  	_ =	shalt  }
0x6f: {  	_ =	shalt  }
0x70: {  	_ =	shalt  }
0x71: {  	_ =	shalt  }
0x72: {  	_ =	shalt  }
0x73: {  	_ =	shalt  }
0x74: {  	_ =	shalt  }
0x75: {  	_ =	shalt  }
0x76: {  	_ =	shalt  }
0x77: {  	_ =	shalt  }
0x78: {  	_ =	shalt  }
0x79: {  	_ =	shalt  }
0x7a: {  	_ =	shalt  }
0x7b: {  	_ =	shalt  }
0x7c: {  	_ =	shalt  }
0x7d: {  	_ =	shalt  }
0x7e: {  	_ =	shalt  }
0x7f: {  	_ =	shalt  }
0x80: {  	_ =	shalt  }
0x81: {  	_ =	shalt  }
0x82: {  	_ =	shalt  }
0x83: {  	_ =	shalt  }
0x84: {  	_ =	shalt  }
0x85: {  	_ =	shalt  }
0x86: {  	_ =	shalt  }
0x87: {  	_ =	shalt  }
.Lfunc_end0:
.L_simem_size_0:
called_computation.2_lowered:
.L_overlay_start_0:
0x88: {  	s0 =	sld [smem:$0x3FD9]  }
0x89: {  	s1 =	sld [smem:$0x3FFE];
	_ =	sdelay $0x3  }
0x8a: {  	s0 =	sadd.s32 s1, s0  }
0x8b: {  	[smem:$0x3FBE] =	sst s0  }
0x8c: {  	_ = 	snop  }
0x8d: {  	(tm) =	ssettm $0x1  }
0x8e: {  	s15 =	sld [smem:$0x3FFB];
	_ =	sdelay $0x3  }
0x8f: {  	_ =	strace s15  }
0x90: {  	s0 =	sld [smem:$0x3FFC];
	_ =	sdelay $0x3  }
0x91: {  	_ =	strace s0  }
0x92: {  	s0 =	sld [smem:$0x3FFD];
	_ =	sdelay $0x3  }
0x93: {  	_ =	strace s0  }
0x94: {  	_ =	strace $0x8FFFFFFF  }
0x95: {  	s16 =	sld [smem:$0x3FDB];
	_ =	sdelay $0x1  }
0x96: {  	s17 =	simm.s32 $_scs_section_size  }
0x97: {  	s2 =	simm.s32 $_size__tile_overlayer_lowered;
	s3 =	simm.s32 $_tile_overlayer_lowered  }
0x98: {  	s20 =	simm.s32 $0x1BFF;
	s19 =	sshll.u32 s3, $0x1;
	s0 =	sadd.s32 s17, s16  }
0x99: {  	s4 =	simm.s32 $0x0;
	s18 =	sshll.u32 s2, $0x1;
	s2 =	sadd.s32 s19, s0  }
0x9a: {  	[timem:s4], [sflag:s20] =	dma.local [hbm:s2], s18  }
0x9b: {  	_ =	swait.ge [sflag:s20], s18  }
0x9c: {  	s1 =	ssub.s32 $0x0, s18;
	[sflag:s20] =	ssyncset.done $0x0  }
0x9d: {  	[sflag:s20] =	ssyncadd.s32 s1;
	_ =	sdelay $0x1  }
0x9e: {  	s21 =	simm.s32 $0x1B8B  }
0x9f: {  	_ =	swait.ge [sflag:s21], $0x1  }
0xa0: {  	[sflag:s21] =	ssyncset.done $0x0  }
0xa1: {  	s23 =	simm.s32 $0x1B8E;
	s22 =	sld [smem:$0x3FFE];
	[sflag:s21] =	ssyncadd.s32 $0xFFFFFFFF  }
0xa2: {  	s24 =	simm.s32 $execute0_lowered;
	[smem:$0x3FD2] =	sst s23  }
0xa3: {  	s2 =	sshll.u32 s24, $0x1;
	_ =	strace $0x80000055;
	[dreg:$0x1] =	wrdreg $0xFFFFFFFF  }
0xa4: {  	s25 =	simm.s32 $_size_execute0_lowered;
	s0 =	sadd.s32 s0, s2;
	[dreg:$0x0] =	wrdreg $0x0  }
0xa5: {  	s2 =	sshll.u32 s25, $0x1;
	[dreg:$0x2] =	wrdreg s0  }
0xa6: {  	[dreg:$0x3] =	wrdreg s2  }
0xa7: {  	[dreg:$0x4] =	wrdreg $0xC0  }
0xa8: {  	_ =	task [dreg:s4], $0x5FFFF  }
0xa9: {  	[dreg:$0x1] =	wrdreg $0xFFFFFFFF  }
0xaa: {  	[dreg:$0x0] =	wrdreg $0x60  }
0xab: {  	[dreg:$0x2] =	wrdreg s22  }
0xac: {  	[dreg:$0x3] =	wrdreg $0x9  }
0xad: {  	_ =	task.clear_ibuf [dreg:s4], $0x4FFFF;
	_ =	strace $0x90000055  }
0xae: {  	s26 =	simm.s32 $0x9;
	_ =	strace $0x80000057  }
0xaf: {  	_ =	swait.ge [sflag:s26], $0x1  }
0xb0: {  	[sflag:s26] =	ssyncadd.s32 $0xFFFFFFFF  }
0xb1: {  	_ =	strace $0x90000057  }
0xb2: {  	_ =	sfence  }
0xb3: {  	s28 =	sld [smem:$0x0];
	_ =	sdelay $0x1  }
0xb4: {  	s29 =	srdreg.scid  }
0xb5: {  	s30 =	sshll.u32 s29, $0xD;
	s31 =	sshrl.u32 s29, $0x2  }
0xb6: {  	s1 =	sand.u32 $0x1, s29;
	s2 =	sand.u32 $0x4000, s30;
	s0 =	sadd.s32 s31, s28  }
0xb7: {  	s1 =	sor.u32 s2, s1;
	s0 =	sshll.u32 s0, $0x11  }
0xb8: {  	s0 =	sor.u32 s0, s1  }
0xb9: {  	s0 =	sadd.s32 $0x8F2B, s0  }
0xba: {  	[sflag:s0] =	ssyncadd.remote.s32 $0x1  }
0xbb: {  	_ =	sfence.sel $0xFFFF  }
0xbc: {  	[dreg:$0x0] =	wrdreg $0xFFFFFFFF;
	(pc) =	sbr.abs _section_cstart, $3  }
0xbd: {  	[dreg:$0x1] =	wrdreg $0xFFFFFFFF  }
0xbe: {  	_ =	task.clear_ibuf [dreg:s4], $0x2FFFF;
	_ =	strace $0x9FFFFFFF  }
0xbf: {  	(tm) =	ssettm $0x7FFFFFFF  }
tec
execute0_lowered:
.L_overlay_start_1:
0x0: {  	(tag) =	ssettag $0x1  }
0x1: {  	s2 =	rddreg [dreg:$0x0];
	_ =	strace $0x80000056;
	s0 =	simm.s32 $0x1  }
0x2: {  	v0 =	vimm.s32 $0x0;
	[sflag:s0] =	ssyncpa.u1 $0x0  }
0x3: {  	[tilespmem:$0x1A8] =	vst v0  }
0x4: {  	[tilespmem:$0x1B8] =	vst v0  }
0x5: {  	[tilespmem:$0x1C8] =	vst v0  }
0x6: {  	[tilespmem:$0x1D8] =	vst v0  }
0x7: {  	[tilespmem:$0x1E8] =	vst v0  }
0x8: {  	[tilespmem:$0x1F8] =	vst v0  }
0x9: {  	[tilespmem:$0x208] =	vst v0  }
0xa: {  	[tilespmem:$0x218] =	vst v0  }
0xb: {  	[tilespmem:$0x228] =	vst v0  }
0xc: {  	[tilespmem:$0x238] =	vst v0  }
0xd: {  	[tilespmem:$0x248] =	vst v0  }
0xe: {  	[tilespmem:$0x258] =	vst v0  }
0xf: {  	[tilespmem:$0x268] =	vst v0  }
0x10: {  	[tilespmem:$0x278] =	vst v0  }
0x11: {  	[tilespmem:$0x288] =	vst v0  }
0x12: {  	[tilespmem:$0x298] =	vst v0  }
0x13: {  	[tilespmem:$0x2A8] =	vst v0  }
0x14: {  	[tilespmem:$0x2B8] =	vst v0  }
0x15: {  	[tilespmem:$0x2C8] =	vst v0  }
0x16: {  	[tilespmem:$0x2D8] =	vst v0  }
0x17: {  	[tilespmem:$0x2E8] =	vst v0  }
0x18: {  	[tilespmem:$0x2F8] =	vst v0  }
0x19: {  	[tilespmem:$0x308] =	vst v0  }
0x1a: {  	[tilespmem:$0x318] =	vst v0  }
0x1b: {  	[tilespmem:$0x328] =	vst v0  }
0x1c: {  	[tilespmem:$0x338] =	vst v0  }
0x1d: {  	[tilespmem:$0x348] =	vst v0  }
0x1e: {  	[tilespmem:$0x358] =	vst v0  }
0x1f: {  	[tilespmem:$0x368] =	vst v0  }
0x20: {  	[tilespmem:$0x378] =	vst v0  }
0x21: {  	[tilespmem:$0x388] =	vst v0  }
0x22: {  	[tilespmem:$0x398] =	vst v0  }
0x23: {  	[tilespmem:$0x3A8] =	vst v0  }
0x24: {  	[tilespmem:$0x3B8] =	vst v0  }
0x25: {  	[tilespmem:$0x3C8] =	vst v0  }
0x26: {  	[tilespmem:$0x3D8] =	vst v0  }
0x27: {  	[tilespmem:$0x3E8] =	vst v0  }
0x28: {  	[tilespmem:$0x3F8] =	vst v0  }
0x29: {  	[tilespmem:$0x408] =	vst v0  }
0x2a: {  	[tilespmem:$0x418] =	vst v0  }
0x2b: {  	[tilespmem:$0x428] =	vst v0  }
0x2c: {  	[tilespmem:$0x438] =	vst v0  }
0x2d: {  	[tilespmem:$0x448] =	vst v0  }
0x2e: {  	[tilespmem:$0x458] =	vst v0  }
0x2f: {  	[tilespmem:$0x468] =	vst v0  }
0x30: {  	[tilespmem:$0x478] =	vst v0  }
0x31: {  	[tilespmem:$0x488] =	vst v0  }
0x32: {  	[tilespmem:$0x498] =	vst v0  }
0x33: {  	[tilespmem:$0x4A8] =	vst v0  }
0x34: {  	[tilespmem:$0x4B8] =	vst v0  }
0x35: {  	[tilespmem:$0x4C8] =	vst v0  }
0x36: {  	[tilespmem:$0x4D8] =	vst v0  }
0x37: {  	[tilespmem:$0x4E8] =	vst v0  }
0x38: {  	[tilespmem:$0x4F8] =	vst v0  }
0x39: {  	[tilespmem:$0x508] =	vst v0  }
0x3a: {  	[tilespmem:$0x518] =	vst v0  }
0x3b: {  	[tilespmem:$0x528] =	vst v0  }
0x3c: {  	[tilespmem:$0x538] =	vst v0  }
0x3d: {  	[tilespmem:$0x548] =	vst v0  }
0x3e: {  	[tilespmem:$0x558] =	vst v0  }
0x3f: {  	[tilespmem:$0x568] =	vst v0  }
0x40: {  	[tilespmem:$0x578] =	vst v0  }
0x41: {  	[tilespmem:$0x588] =	vst v0  }
0x42: {  	[tilespmem:$0x598] =	vst v0  }
0x43: {  	[tilespmem:$0x5A8] =	vst v0  }
0x44: {  	[tilespmem:$0x5B8] =	vst v0  }
0x45: {  	[tilespmem:$0x5C8] =	vst v0  }
0x46: {  	[tilespmem:$0x5D8] =	vst v0  }
0x47: {  	[tilespmem:$0x5E8] =	vst v0  }
0x48: {  	[tilespmem:$0x5F8] =	vst v0  }
0x49: {  	[tilespmem:$0x608] =	vst v0  }
0x4a: {  	[tilespmem:$0x618] =	vst v0  }
0x4b: {  	[tilespmem:$0x628] =	vst v0  }
0x4c: {  	[tilespmem:$0x638] =	vst v0  }
0x4d: {  	[tilespmem:$0x648] =	vst v0  }
0x4e: {  	[tilespmem:$0x658] =	vst v0  }
0x4f: {  	[tilespmem:$0x668] =	vst v0  }
0x50: {  	[tilespmem:$0x678] =	vst v0  }
0x51: {  	[tilespmem:$0x688] =	vst v0  }
0x52: {  	[tilespmem:$0x698] =	vst v0  }
0x53: {  	[tilespmem:$0x6A8] =	vst v0  }
0x54: {  	[tilespmem:$0x6B8] =	vst v0  }
0x55: {  	[tilespmem:$0x6C8] =	vst v0  }
0x56: {  	[tilespmem:$0x6D8] =	vst v0  }
0x57: {  	[tilespmem:$0x6E8] =	vst v0  }
0x58: {  	[tilespmem:$0x6F8] =	vst v0  }
0x59: {  	[tilespmem:$0x708] =	vst v0  }
0x5a: {  	[tilespmem:$0x718] =	vst v0  }
0x5b: {  	[tilespmem:$0x728] =	vst v0  }
0x5c: {  	[tilespmem:$0x738] =	vst v0  }
0x5d: {  	[tilespmem:$0x748] =	vst v0  }
0x5e: {  	[tilespmem:$0x758] =	vst v0  }
0x5f: {  	[tilespmem:$0x768] =	vst v0  }
0x60: {  	[tilespmem:$0x778] =	vst v0  }
0x61: {  	[tilespmem:$0x788] =	vst v0  }
0x62: {  	[tilespmem:$0x798] =	vst v0  }
0x63: {  	[tilespmem:$0x7A8] =	vst v0  }
0x64: {  	[tilespmem:$0x7B8] =	vst v0  }
0x65: {  	[tilespmem:$0x7C8] =	vst v0  }
0x66: {  	[tilespmem:$0x7D8] =	vst v0  }
0x67: {  	[tilespmem:$0x7E8] =	vst v0  }
0x68: {  	[tilespmem:$0x7F8] =	vst v0  }
0x69: {  	[tilespmem:$0x808] =	vst v0  }
0x6a: {  	[tilespmem:$0x818] =	vst v0  }
0x6b: {  	[tilespmem:$0x828] =	vst v0  }
0x6c: {  	[tilespmem:$0x838] =	vst v0  }
0x6d: {  	[tilespmem:$0x848] =	vst v0  }
0x6e: {  	[tilespmem:$0x858] =	vst v0  }
0x6f: {  	[tilespmem:$0x868] =	vst v0  }
0x70: {  	[tilespmem:$0x878] =	vst v0  }
0x71: {  	[tilespmem:$0x888] =	vst v0  }
0x72: {  	[tilespmem:$0x898] =	vst v0  }
0x73: {  	[tilespmem:$0x8A8] =	vst v0  }
0x74: {  	[tilespmem:$0x8B8] =	vst v0  }
0x75: {  	[tilespmem:$0x8C8] =	vst v0  }
0x76: {  	[tilespmem:$0x8D8] =	vst v0  }
0x77: {  	[tilespmem:$0x8E8] =	vst v0  }
0x78: {  	[tilespmem:$0x8F8] =	vst v0  }
0x79: {  	[tilespmem:$0x908] =	vst v0  }
0x7a: {  	[tilespmem:$0x918] =	vst v0  }
0x7b: {  	[tilespmem:$0x928] =	vst v0  }
0x7c: {  	[tilespmem:$0x938] =	vst v0  }
0x7d: {  	[tilespmem:$0x948] =	vst v0  }
0x7e: {  	[tilespmem:$0x958] =	vst v0  }
0x7f: {  	[tilespmem:$0x968] =	vst v0  }
0x80: {  	[tilespmem:$0x978] =	vst v0  }
0x81: {  	[tilespmem:$0x988] =	vst v0  }
0x82: {  	[tilespmem:$0x998] =	vst v0  }
0x83: {  	[tilespmem:$0x9A8] =	vst v0  }
0x84: {  	[tilespmem:$0x9B8] =	vst v0  }
0x85: {  	[tilespmem:$0x9C8] =	vst v0  }
0x86: {  	[tilespmem:$0x9D8] =	vst v0  }
0x87: {  	[tilespmem:$0x9E8] =	vst v0  }
0x88: {  	[tilespmem:$0x9F8] =	vst v0  }
0x89: {  	[tilespmem:$0xA08] =	vst v0  }
0x8a: {  	[tilespmem:$0xA18] =	vst v0  }
0x8b: {  	[tilespmem:$0xA28] =	vst v0  }
0x8c: {  	[tilespmem:$0xA38] =	vst v0  }
0x8d: {  	[tilespmem:$0xA48] =	vst v0  }
0x8e: {  	[tilespmem:$0xA58] =	vst v0  }
0x8f: {  	[tilespmem:$0xA68] =	vst v0  }
0x90: {  	[tilespmem:$0xA78] =	vst v0  }
0x91: {  	[tilespmem:$0xA88] =	vst v0  }
0x92: {  	[tilespmem:$0xA98] =	vst v0  }
0x93: {  	[tilespmem:$0xAA8] =	vst v0  }
0x94: {  	[tilespmem:$0xAB8] =	vst v0  }
0x95: {  	[tilespmem:$0xAC8] =	vst v0  }
0x96: {  	[tilespmem:$0xAD8] =	vst v0  }
0x97: {  	[tilespmem:$0xAE8] =	vst v0  }
0x98: {  	[tilespmem:$0xAF8] =	vst v0  }
0x99: {  	[tilespmem:$0xB08] =	vst v0  }
0x9a: {  	[tilespmem:$0xB18] =	vst v0  }
0x9b: {  	[tilespmem:$0xB28] =	vst v0  }
0x9c: {  	[tilespmem:$0xB38] =	vst v0  }
0x9d: {  	[tilespmem:$0xB48] =	vst v0  }
0x9e: {  	[tilespmem:$0xB58] =	vst v0  }
0x9f: {  	[tilespmem:$0xB68] =	vst v0  }
0xa0: {  	[tilespmem:$0xB78] =	vst v0  }
0xa1: {  	[tilespmem:$0xB88] =	vst v0  }
0xa2: {  	[tilespmem:$0xB98] =	vst v0  }
0xa3: {  	[tilespmem:$0xBA8] =	vst v0  }
0xa4: {  	[tilespmem:$0xBB8] =	vst v0  }
0xa5: {  	[tilespmem:$0xBC8] =	vst v0  }
0xa6: {  	[tilespmem:$0xBD8] =	vst v0  }
0xa7: {  	[tilespmem:$0xBE8] =	vst v0  }
0xa8: {  	[tilespmem:$0xBF8] =	vst v0  }
0xa9: {  	[tilespmem:$0xC08] =	vst v0  }
0xaa: {  	[tilespmem:$0xC18] =	vst v0  }
0xab: {  	[tilespmem:$0xC28] =	vst v0  }
0xac: {  	[tilespmem:$0xC38] =	vst v0  }
0xad: {  	[tilespmem:$0xC48] =	vst v0  }
0xae: {  	[tilespmem:$0xC58] =	vst v0  }
0xaf: {  	[tilespmem:$0xC68] =	vst v0  }
0xb0: {  	[tilespmem:$0xC78] =	vst v0  }
0xb1: {  	[tilespmem:$0xC88] =	vst v0  }
0xb2: {  	[tilespmem:$0xC98] =	vst v0  }
0xb3: {  	[tilespmem:$0xCA8] =	vst v0  }
0xb4: {  	[tilespmem:$0xCB8] =	vst v0  }
0xb5: {  	[tilespmem:$0xCC8] =	vst v0  }
0xb6: {  	[tilespmem:$0xCD8] =	vst v0  }
0xb7: {  	[tilespmem:$0xCE8] =	vst v0  }
0xb8: {  	[tilespmem:$0xCF8] =	vst v0  }
0xb9: {  	[tilespmem:$0xD08] =	vst v0  }
0xba: {  	[tilespmem:$0xD18] =	vst v0  }
0xbb: {  	[tilespmem:$0xD28] =	vst v0  }
0xbc: {  	[tilespmem:$0xD38] =	vst v0  }
0xbd: {  	[tilespmem:$0xD48] =	vst v0  }
0xbe: {  	[tilespmem:$0xD58] =	vst v0  }
0xbf: {  	[tilespmem:$0xD68] =	vst v0  }
0xc0: {  	[tilespmem:$0xD78] =	vst v0  }
0xc1: {  	[tilespmem:$0xD88] =	vst v0  }
0xc2: {  	[tilespmem:$0xD98] =	vst v0  }
0xc3: {  	[tilespmem:$0xDA8] =	vst v0  }
0xc4: {  	[tilespmem:$0xDB8] =	vst v0  }
0xc5: {  	[tilespmem:$0xDC8] =	vst v0  }
0xc6: {  	[tilespmem:$0xDD8] =	vst v0  }
0xc7: {  	[tilespmem:$0xDE8] =	vst v0  }
0xc8: {  	[tilespmem:$0xDF8] =	vst v0  }
0xc9: {  	[tilespmem:$0xE08] =	vst v0  }
0xca: {  	[tilespmem:$0xE18] =	vst v0  }
0xcb: {  	[tilespmem:$0xE28] =	vst v0  }
0xcc: {  	[tilespmem:$0xE38] =	vst v0  }
0xcd: {  	[tilespmem:$0xE48] =	vst v0  }
0xce: {  	[tilespmem:$0xE58] =	vst v0  }
0xcf: {  	[tilespmem:$0xE68] =	vst v0  }
0xd0: {  	[tilespmem:$0xE78] =	vst v0  }
0xd1: {  	[tilespmem:$0xE88] =	vst v0  }
0xd2: {  	[tilespmem:$0xE98] =	vst v0  }
0xd3: {  	[tilespmem:$0xEA8] =	vst v0  }
0xd4: {  	[tilespmem:$0xEB8] =	vst v0  }
0xd5: {  	[tilespmem:$0xEC8] =	vst v0  }
0xd6: {  	[tilespmem:$0xED8] =	vst v0  }
0xd7: {  	[tilespmem:$0xEE8] =	vst v0  }
0xd8: {  	[tilespmem:$0xEF8] =	vst v0  }
0xd9: {  	[tilespmem:$0xF08] =	vst v0  }
0xda: {  	[tilespmem:$0xF18] =	vst v0  }
0xdb: {  	[tilespmem:$0xF28] =	vst v0  }
0xdc: {  	[tilespmem:$0xF38] =	vst v0  }
0xdd: {  	[tilespmem:$0xF48] =	vst v0  }
0xde: {  	[tilespmem:$0xF58] =	vst v0  }
0xdf: {  	[tilespmem:$0xF68] =	vst v0  }
0xe0: {  	[tilespmem:$0xF78] =	vst v0  }
0xe1: {  	[tilespmem:$0xF88] =	vst v0  }
0xe2: {  	[tilespmem:$0xF98] =	vst v0  }
0xe3: {  	[tilespmem:$0xFA8] =	vst v0  }
0xe4: {  	[tilespmem:$0xFB8] =	vst v0  }
0xe5: {  	[tilespmem:$0xFC8] =	vst v0  }
0xe6: {  	[tilespmem:$0xFD8] =	vst v0  }
0xe7: {  	[tilespmem:$0xFE8] =	vst v0  }
0xe8: {  	[tilespmem:$0xFF8] =	vst v0  }
0xe9: {  	[tilespmem:$0x1008] =	vst v0  }
0xea: {  	[tilespmem:$0x1018] =	vst v0  }
0xeb: {  	[tilespmem:$0x1028] =	vst v0  }
0xec: {  	[tilespmem:$0x1038] =	vst v0  }
0xed: {  	[tilespmem:$0x1048] =	vst v0  }
0xee: {  	[tilespmem:$0x1058] =	vst v0  }
0xef: {  	[tilespmem:$0x1068] =	vst v0  }
0xf0: {  	[tilespmem:$0x1078] =	vst v0  }
0xf1: {  	[tilespmem:$0x1088] =	vst v0  }
0xf2: {  	[tilespmem:$0x1098] =	vst v0  }
0xf3: {  	[tilespmem:$0x10A8] =	vst v0  }
0xf4: {  	[tilespmem:$0x10B8] =	vst v0  }
0xf5: {  	[tilespmem:$0x10C8] =	vst v0  }
0xf6: {  	[tilespmem:$0x10D8] =	vst v0  }
0xf7: {  	[tilespmem:$0x10E8] =	vst v0  }
0xf8: {  	[tilespmem:$0x10F8] =	vst v0  }
0xf9: {  	[tilespmem:$0x1108] =	vst v0  }
0xfa: {  	[tilespmem:$0x1118] =	vst v0  }
0xfb: {  	[tilespmem:$0x1128] =	vst v0  }
0xfc: {  	[tilespmem:$0x1138] =	vst v0  }
0xfd: {  	[tilespmem:$0x1148] =	vst v0  }
0xfe: {  	[tilespmem:$0x1158] =	vst v0  }
0xff: {  	[tilespmem:$0x1168] =	vst v0  }
0x100: {  	[tilespmem:$0x1178] =	vst v0  }
0x101: {  	[tilespmem:$0x1188] =	vst v0  }
0x102: {  	[tilespmem:$0x1198] =	vst v0  }
0x103: {  	[tilespmem:$0x11A8] =	vst v0  }
0x104: {  	[tilespmem:$0x11B8] =	vst v0  }
0x105: {  	[tilespmem:$0x11C8] =	vst v0  }
0x106: {  	[tilespmem:$0x11D8] =	vst v0  }
0x107: {  	[tilespmem:$0x11E8] =	vst v0  }
0x108: {  	[tilespmem:$0x11F8] =	vst v0  }
0x109: {  	[tilespmem:$0x1208] =	vst v0  }
0x10a: {  	[tilespmem:$0x1218] =	vst v0  }
0x10b: {  	[tilespmem:$0x1228] =	vst v0  }
0x10c: {  	[tilespmem:$0x1238] =	vst v0  }
0x10d: {  	[tilespmem:$0x1248] =	vst v0  }
0x10e: {  	[tilespmem:$0x1258] =	vst v0  }
0x10f: {  	[tilespmem:$0x1268] =	vst v0  }
0x110: {  	[tilespmem:$0x1278] =	vst v0  }
0x111: {  	[tilespmem:$0x1288] =	vst v0  }
0x112: {  	[tilespmem:$0x1298] =	vst v0  }
0x113: {  	[tilespmem:$0x12A8] =	vst v0  }
0x114: {  	[tilespmem:$0x12B8] =	vst v0  }
0x115: {  	[tilespmem:$0x12C8] =	vst v0  }
0x116: {  	[tilespmem:$0x12D8] =	vst v0  }
0x117: {  	[tilespmem:$0x12E8] =	vst v0  }
0x118: {  	[tilespmem:$0x12F8] =	vst v0  }
0x119: {  	[tilespmem:$0x1308] =	vst v0  }
0x11a: {  	[tilespmem:$0x1318] =	vst v0  }
0x11b: {  	[tilespmem:$0x1328] =	vst v0  }
0x11c: {  	[tilespmem:$0x1338] =	vst v0  }
0x11d: {  	[tilespmem:$0x1348] =	vst v0  }
0x11e: {  	[tilespmem:$0x1358] =	vst v0  }
0x11f: {  	[tilespmem:$0x1368] =	vst v0  }
0x120: {  	[tilespmem:$0x1378] =	vst v0  }
0x121: {  	[tilespmem:$0x1388] =	vst v0  }
0x122: {  	[tilespmem:$0x1398] =	vst v0  }
0x123: {  	[tilespmem:$0x13A8] =	vst v0  }
0x124: {  	[tilespmem:$0x13B8] =	vst v0  }
0x125: {  	[tilespmem:$0x13C8] =	vst v0  }
0x126: {  	[tilespmem:$0x13D8] =	vst v0  }
0x127: {  	[tilespmem:$0x13E8] =	vst v0  }
0x128: {  	[tilespmem:$0x13F8] =	vst v0  }
0x129: {  	[tilespmem:$0x1408] =	vst v0  }
0x12a: {  	[tilespmem:$0x1418] =	vst v0  }
0x12b: {  	[tilespmem:$0x1428] =	vst v0  }
0x12c: {  	[tilespmem:$0x1438] =	vst v0  }
0x12d: {  	[tilespmem:$0x1448] =	vst v0  }
0x12e: {  	[tilespmem:$0x1458] =	vst v0  }
0x12f: {  	[tilespmem:$0x1468] =	vst v0  }
0x130: {  	[tilespmem:$0x1478] =	vst v0  }
0x131: {  	[tilespmem:$0x1488] =	vst v0  }
0x132: {  	[tilespmem:$0x1498] =	vst v0  }
0x133: {  	[tilespmem:$0x14A8] =	vst v0  }
0x134: {  	[tilespmem:$0x14B8] =	vst v0  }
0x135: {  	[tilespmem:$0x14C8] =	vst v0  }
0x136: {  	[tilespmem:$0x14D8] =	vst v0  }
0x137: {  	[tilespmem:$0x14E8] =	vst v0  }
0x138: {  	[tilespmem:$0x14F8] =	vst v0  }
0x139: {  	[tilespmem:$0x1508] =	vst v0  }
0x13a: {  	[tilespmem:$0x1518] =	vst v0  }
0x13b: {  	[tilespmem:$0x1528] =	vst v0  }
0x13c: {  	[tilespmem:$0x1538] =	vst v0  }
0x13d: {  	[tilespmem:$0x1548] =	vst v0  }
0x13e: {  	[tilespmem:$0x1558] =	vst v0  }
0x13f: {  	[tilespmem:$0x1568] =	vst v0  }
0x140: {  	[tilespmem:$0x1578] =	vst v0  }
0x141: {  	[tilespmem:$0x1588] =	vst v0  }
0x142: {  	[tilespmem:$0x1598] =	vst v0  }
0x143: {  	[tilespmem:$0x15A8] =	vst v0  }
0x144: {  	[tilespmem:$0x15B8] =	vst v0  }
0x145: {  	[tilespmem:$0x15C8] =	vst v0  }
0x146: {  	[tilespmem:$0x15D8] =	vst v0  }
0x147: {  	[tilespmem:$0x15E8] =	vst v0  }
0x148: {  	[tilespmem:$0x15F8] =	vst v0  }
0x149: {  	[tilespmem:$0x1608] =	vst v0  }
0x14a: {  	[tilespmem:$0x1618] =	vst v0  }
0x14b: {  	[tilespmem:$0x1628] =	vst v0  }
0x14c: {  	[tilespmem:$0x1638] =	vst v0  }
0x14d: {  	[tilespmem:$0x1648] =	vst v0  }
0x14e: {  	[tilespmem:$0x1658] =	vst v0  }
0x14f: {  	[tilespmem:$0x1668] =	vst v0  }
0x150: {  	[tilespmem:$0x1678] =	vst v0  }
0x151: {  	[tilespmem:$0x1688] =	vst v0  }
0x152: {  	[tilespmem:$0x1698] =	vst v0  }
0x153: {  	[tilespmem:$0x16A8] =	vst v0  }
0x154: {  	[tilespmem:$0x16B8] =	vst v0  }
0x155: {  	[tilespmem:$0x16C8] =	vst v0  }
0x156: {  	[tilespmem:$0x16D8] =	vst v0  }
0x157: {  	[tilespmem:$0x16E8] =	vst v0  }
0x158: {  	[tilespmem:$0x16F8] =	vst v0  }
0x159: {  	[tilespmem:$0x1708] =	vst v0  }
0x15a: {  	[tilespmem:$0x1718] =	vst v0  }
0x15b: {  	[tilespmem:$0x1728] =	vst v0  }
0x15c: {  	[tilespmem:$0x1738] =	vst v0  }
0x15d: {  	[tilespmem:$0x1748] =	vst v0  }
0x15e: {  	[tilespmem:$0x1758] =	vst v0  }
0x15f: {  	[tilespmem:$0x1768] =	vst v0  }
0x160: {  	[tilespmem:$0x1778] =	vst v0  }
0x161: {  	[tilespmem:$0x1788] =	vst v0  }
0x162: {  	[tilespmem:$0x1798] =	vst v0  }
0x163: {  	[tilespmem:$0x17A8] =	vst v0  }
0x164: {  	[tilespmem:$0x17B8] =	vst v0  }
0x165: {  	[tilespmem:$0x17C8] =	vst v0  }
0x166: {  	[tilespmem:$0x17D8] =	vst v0  }
0x167: {  	[tilespmem:$0x17E8] =	vst v0  }
0x168: {  	[tilespmem:$0x17F8] =	vst v0  }
0x169: {  	[tilespmem:$0x1808] =	vst v0  }
0x16a: {  	[tilespmem:$0x1818] =	vst v0  }
0x16b: {  	[tilespmem:$0x1828] =	vst v0  }
0x16c: {  	[tilespmem:$0x1838] =	vst v0  }
0x16d: {  	[tilespmem:$0x1848] =	vst v0  }
0x16e: {  	[tilespmem:$0x1858] =	vst v0  }
0x16f: {  	[tilespmem:$0x1868] =	vst v0  }
0x170: {  	[tilespmem:$0x1878] =	vst v0  }
0x171: {  	[tilespmem:$0x1888] =	vst v0  }
0x172: {  	[tilespmem:$0x1898] =	vst v0  }
0x173: {  	[tilespmem:$0x18A8] =	vst v0  }
0x174: {  	[tilespmem:$0x18B8] =	vst v0  }
0x175: {  	[tilespmem:$0x18C8] =	vst v0  }
0x176: {  	[tilespmem:$0x18D8] =	vst v0  }
0x177: {  	[tilespmem:$0x18E8] =	vst v0  }
0x178: {  	[tilespmem:$0x18F8] =	vst v0  }
0x179: {  	[tilespmem:$0x1908] =	vst v0  }
0x17a: {  	[tilespmem:$0x1918] =	vst v0  }
0x17b: {  	[tilespmem:$0x1928] =	vst v0  }
0x17c: {  	[tilespmem:$0x1938] =	vst v0  }
0x17d: {  	[tilespmem:$0x1948] =	vst v0  }
0x17e: {  	[tilespmem:$0x1958] =	vst v0  }
0x17f: {  	[tilespmem:$0x1968] =	vst v0  }
0x180: {  	[tilespmem:$0x1978] =	vst v0  }
0x181: {  	[tilespmem:$0x1988] =	vst v0  }
0x182: {  	[tilespmem:$0x1998] =	vst v0  }
0x183: {  	[tilespmem:$0x19A8] =	vst v0  }
0x184: {  	[tilespmem:$0x19B8] =	vst v0  }
0x185: {  	[tilespmem:$0x19C8] =	vst v0  }
0x186: {  	[tilespmem:$0x19D8] =	vst v0  }
0x187: {  	[tilespmem:$0x19E8] =	vst v0  }
0x188: {  	[tilespmem:$0x19F8] =	vst v0  }
0x189: {  	[tilespmem:$0x1A08] =	vst v0  }
0x18a: {  	[tilespmem:$0x1A18] =	vst v0  }
0x18b: {  	[tilespmem:$0x1A28] =	vst v0  }
0x18c: {  	[tilespmem:$0x1A38] =	vst v0  }
0x18d: {  	[tilespmem:$0x1A48] =	vst v0  }
0x18e: {  	[tilespmem:$0x1A58] =	vst v0  }
0x18f: {  	[tilespmem:$0x1A68] =	vst v0  }
0x190: {  	[tilespmem:$0x1A78] =	vst v0  }
0x191: {  	[tilespmem:$0x1A88] =	vst v0  }
0x192: {  	[tilespmem:$0x1A98] =	vst v0  }
0x193: {  	[tilespmem:$0x1AA8] =	vst v0  }
0x194: {  	[tilespmem:$0x1AB8] =	vst v0  }
0x195: {  	[tilespmem:$0x1AC8] =	vst v0  }
0x196: {  	[tilespmem:$0x1AD8] =	vst v0  }
0x197: {  	[tilespmem:$0x1AE8] =	vst v0  }
0x198: {  	[tilespmem:$0x1AF8] =	vst v0  }
0x199: {  	[tilespmem:$0x1B08] =	vst v0  }
0x19a: {  	[tilespmem:$0x1B18] =	vst v0  }
0x19b: {  	[tilespmem:$0x1B28] =	vst v0  }
0x19c: {  	[tilespmem:$0x1B38] =	vst v0  }
0x19d: {  	[tilespmem:$0x1B48] =	vst v0  }
0x19e: {  	[tilespmem:$0x1B58] =	vst v0  }
0x19f: {  	[tilespmem:$0x1B68] =	vst v0  }
0x1a0: {  	[tilespmem:$0x1B78] =	vst v0  }
0x1a1: {  	[tilespmem:$0x1B88] =	vst v0  }
0x1a2: {  	[tilespmem:$0x1B98] =	vst v0  }
0x1a3: {  	[tilespmem:$0x1BA8] =	vst v0  }
0x1a4: {  	[tilespmem:$0x1BB8] =	vst v0  }
0x1a5: {  	[tilespmem:$0x1BC8] =	vst v0  }
0x1a6: {  	[tilespmem:$0x1BD8] =	vst v0  }
0x1a7: {  	[tilespmem:$0x1BE8] =	vst v0  }
0x1a8: {  	[tilespmem:$0x1BF8] =	vst v0  }
0x1a9: {  	[tilespmem:$0x1C08] =	vst v0  }
0x1aa: {  	[tilespmem:$0x1C18] =	vst v0  }
0x1ab: {  	[tilespmem:$0x1C28] =	vst v0  }
0x1ac: {  	[tilespmem:$0x1C38] =	vst v0  }
0x1ad: {  	[tilespmem:$0x1C48] =	vst v0  }
0x1ae: {  	[tilespmem:$0x1C58] =	vst v0  }
0x1af: {  	[tilespmem:$0x1C68] =	vst v0  }
0x1b0: {  	[tilespmem:$0x1C78] =	vst v0  }
0x1b1: {  	[tilespmem:$0x1C88] =	vst v0  }
0x1b2: {  	[tilespmem:$0x1C98] =	vst v0  }
0x1b3: {  	[tilespmem:$0x1CA8] =	vst v0  }
0x1b4: {  	[tilespmem:$0x1CB8] =	vst v0  }
0x1b5: {  	[tilespmem:$0x1CC8] =	vst v0  }
0x1b6: {  	[tilespmem:$0x1CD8] =	vst v0  }
0x1b7: {  	[tilespmem:$0x1CE8] =	vst v0  }
0x1b8: {  	[tilespmem:$0x1CF8] =	vst v0  }
0x1b9: {  	[tilespmem:$0x1D08] =	vst v0  }
0x1ba: {  	[tilespmem:$0x1D18] =	vst v0  }
0x1bb: {  	[tilespmem:$0x1D28] =	vst v0  }
0x1bc: {  	[tilespmem:$0x1D38] =	vst v0  }
0x1bd: {  	[tilespmem:$0x1D48] =	vst v0  }
0x1be: {  	[tilespmem:$0x1D58] =	vst v0  }
0x1bf: {  	[tilespmem:$0x1D68] =	vst v0  }
0x1c0: {  	[tilespmem:$0x1D78] =	vst v0  }
0x1c1: {  	[tilespmem:$0x1D88] =	vst v0  }
0x1c2: {  	[tilespmem:$0x1D98] =	vst v0  }
0x1c3: {  	[tilespmem:$0x1DA8] =	vst v0  }
0x1c4: {  	[tilespmem:$0x1DB8] =	vst v0  }
0x1c5: {  	[tilespmem:$0x1DC8] =	vst v0  }
0x1c6: {  	[tilespmem:$0x1DD8] =	vst v0  }
0x1c7: {  	[tilespmem:$0x1DE8] =	vst v0  }
0x1c8: {  	[tilespmem:$0x1DF8] =	vst v0  }
0x1c9: {  	[tilespmem:$0x1E08] =	vst v0  }
0x1ca: {  	[tilespmem:$0x1E18] =	vst v0  }
0x1cb: {  	[tilespmem:$0x1E28] =	vst v0  }
0x1cc: {  	[tilespmem:$0x1E38] =	vst v0  }
0x1cd: {  	[tilespmem:$0x1E48] =	vst v0  }
0x1ce: {  	[tilespmem:$0x1E58] =	vst v0  }
0x1cf: {  	[tilespmem:$0x1E68] =	vst v0  }
0x1d0: {  	[tilespmem:$0x1E78] =	vst v0  }
0x1d1: {  	[tilespmem:$0x1E88] =	vst v0  }
0x1d2: {  	[tilespmem:$0x1E98] =	vst v0  }
0x1d3: {  	[tilespmem:$0x1EA8] =	vst v0  }
0x1d4: {  	[tilespmem:$0x1EB8] =	vst v0  }
0x1d5: {  	[tilespmem:$0x1EC8] =	vst v0  }
0x1d6: {  	[tilespmem:$0x1ED8] =	vst v0  }
0x1d7: {  	[tilespmem:$0x1EE8] =	vst v0  }
0x1d8: {  	[tilespmem:$0x1EF8] =	vst v0  }
0x1d9: {  	[tilespmem:$0x1F08] =	vst v0  }
0x1da: {  	[tilespmem:$0x1F18] =	vst v0  }
0x1db: {  	[tilespmem:$0x1F28] =	vst v0  }
0x1dc: {  	[tilespmem:$0x1F38] =	vst v0  }
0x1dd: {  	[tilespmem:$0x1F48] =	vst v0  }
0x1de: {  	[tilespmem:$0x1F58] =	vst v0  }
0x1df: {  	[tilespmem:$0x1F68] =	vst v0  }
0x1e0: {  	[tilespmem:$0x1F78] =	vst v0  }
0x1e1: {  	[tilespmem:$0x1F88] =	vst v0  }
0x1e2: {  	[tilespmem:$0x1F98] =	vst v0  }
0x1e3: {  	[tilespmem:$0x1FA8] =	vst v0  }
0x1e4: {  	[tilespmem:$0x1FB8] =	vst v0  }
0x1e5: {  	[tilespmem:$0x1FC8] =	vst v0  }
0x1e6: {  	[tilespmem:$0x1FD8] =	vst v0  }
0x1e7: {  	[tilespmem:$0x1FE8] =	vst v0  }
0x1e8: {  	[tilespmem:$0x1FF8] =	vst v0  }
0x1e9: {  	[tilespmem:$0x2008] =	vst v0  }
0x1ea: {  	[tilespmem:$0x2018] =	vst v0  }
0x1eb: {  	[tilespmem:$0x2028] =	vst v0  }
0x1ec: {  	[tilespmem:$0x2038] =	vst v0  }
0x1ed: {  	[tilespmem:$0x2048] =	vst v0  }
0x1ee: {  	[tilespmem:$0x2058] =	vst v0  }
0x1ef: {  	[tilespmem:$0x2068] =	vst v0  }
0x1f0: {  	[tilespmem:$0x2078] =	vst v0  }
0x1f1: {  	[tilespmem:$0x2088] =	vst v0  }
0x1f2: {  	[tilespmem:$0x2098] =	vst v0  }
0x1f3: {  	[tilespmem:$0x20A8] =	vst v0  }
0x1f4: {  	[tilespmem:$0x20B8] =	vst v0  }
0x1f5: {  	[tilespmem:$0x20C8] =	vst v0  }
0x1f6: {  	[tilespmem:$0x20D8] =	vst v0  }
0x1f7: {  	[tilespmem:$0x20E8] =	vst v0  }
0x1f8: {  	[tilespmem:$0x20F8] =	vst v0  }
0x1f9: {  	[tilespmem:$0x2108] =	vst v0  }
0x1fa: {  	[tilespmem:$0x2118] =	vst v0  }
0x1fb: {  	[tilespmem:$0x2128] =	vst v0  }
0x1fc: {  	[tilespmem:$0x2138] =	vst v0  }
0x1fd: {  	[tilespmem:$0x2148] =	vst v0  }
0x1fe: {  	[tilespmem:$0x2158] =	vst v0  }
0x1ff: {  	[tilespmem:$0x2168] =	vst v0  }
0x200: {  	[tilespmem:$0x2178] =	vst v0  }
0x201: {  	[tilespmem:$0x2188] =	vst v0  }
0x202: {  	[tilespmem:$0x2198] =	vst v0  }
0x203: {  	[tilespmem:$0x21A8] =	vst v0  }
0x204: {  	[tilespmem:$0x21B8] =	vst v0  }
0x205: {  	[tilespmem:$0x21C8] =	vst v0  }
0x206: {  	[tilespmem:$0x21D8] =	vst v0  }
0x207: {  	[tilespmem:$0x21E8] =	vst v0  }
0x208: {  	[tilespmem:$0x21F8] =	vst v0  }
0x209: {  	[tilespmem:$0x2208] =	vst v0  }
0x20a: {  	[tilespmem:$0x2218] =	vst v0  }
0x20b: {  	[tilespmem:$0x2228] =	vst v0  }
0x20c: {  	[tilespmem:$0x2238] =	vst v0  }
0x20d: {  	[tilespmem:$0x2248] =	vst v0  }
0x20e: {  	[tilespmem:$0x2258] =	vst v0  }
0x20f: {  	[tilespmem:$0x2268] =	vst v0  }
0x210: {  	[tilespmem:$0x2278] =	vst v0  }
0x211: {  	[tilespmem:$0x2288] =	vst v0  }
0x212: {  	[tilespmem:$0x2298] =	vst v0  }
0x213: {  	[tilespmem:$0x22A8] =	vst v0  }
0x214: {  	[tilespmem:$0x22B8] =	vst v0  }
0x215: {  	[tilespmem:$0x22C8] =	vst v0  }
0x216: {  	[tilespmem:$0x22D8] =	vst v0  }
0x217: {  	[tilespmem:$0x22E8] =	vst v0  }
0x218: {  	[tilespmem:$0x22F8] =	vst v0  }
0x219: {  	[tilespmem:$0x2308] =	vst v0  }
0x21a: {  	[tilespmem:$0x2318] =	vst v0  }
0x21b: {  	[tilespmem:$0x2328] =	vst v0  }
0x21c: {  	[tilespmem:$0x2338] =	vst v0  }
0x21d: {  	[tilespmem:$0x2348] =	vst v0  }
0x21e: {  	[tilespmem:$0x2358] =	vst v0  }
0x21f: {  	[tilespmem:$0x2368] =	vst v0  }
0x220: {  	[tilespmem:$0x2378] =	vst v0  }
0x221: {  	[tilespmem:$0x2388] =	vst v0  }
0x222: {  	[tilespmem:$0x2398] =	vst v0  }
0x223: {  	[tilespmem:$0x23A8] =	vst v0  }
0x224: {  	[tilespmem:$0x23B8] =	vst v0  }
0x225: {  	[tilespmem:$0x23C8] =	vst v0  }
0x226: {  	[tilespmem:$0x23D8] =	vst v0  }
0x227: {  	[tilespmem:$0x23E8] =	vst v0  }
0x228: {  	[tilespmem:$0x23F8] =	vst v0  }
0x229: {  	[tilespmem:$0x2408] =	vst v0  }
0x22a: {  	[tilespmem:$0x2418] =	vst v0  }
0x22b: {  	[tilespmem:$0x2428] =	vst v0  }
0x22c: {  	[tilespmem:$0x2438] =	vst v0  }
0x22d: {  	[tilespmem:$0x2448] =	vst v0  }
0x22e: {  	[tilespmem:$0x2458] =	vst v0  }
0x22f: {  	[tilespmem:$0x2468] =	vst v0  }
0x230: {  	[tilespmem:$0x2478] =	vst v0  }
0x231: {  	[tilespmem:$0x2488] =	vst v0  }
0x232: {  	[tilespmem:$0x2498] =	vst v0  }
0x233: {  	[tilespmem:$0x24A8] =	vst v0  }
0x234: {  	[tilespmem:$0x24B8] =	vst v0  }
0x235: {  	[tilespmem:$0x24C8] =	vst v0  }
0x236: {  	[tilespmem:$0x24D8] =	vst v0  }
0x237: {  	[tilespmem:$0x24E8] =	vst v0  }
0x238: {  	[tilespmem:$0x24F8] =	vst v0  }
0x239: {  	[tilespmem:$0x2508] =	vst v0  }
0x23a: {  	[tilespmem:$0x2518] =	vst v0  }
0x23b: {  	[tilespmem:$0x2528] =	vst v0  }
0x23c: {  	[tilespmem:$0x2538] =	vst v0  }
0x23d: {  	[tilespmem:$0x2548] =	vst v0  }
0x23e: {  	[tilespmem:$0x2558] =	vst v0  }
0x23f: {  	[tilespmem:$0x2568] =	vst v0  }
0x240: {  	[tilespmem:$0x2578] =	vst v0  }
0x241: {  	[tilespmem:$0x2588] =	vst v0  }
0x242: {  	[tilespmem:$0x2598] =	vst v0  }
0x243: {  	[tilespmem:$0x25A8] =	vst v0  }
0x244: {  	[tilespmem:$0x25B8] =	vst v0  }
0x245: {  	[tilespmem:$0x25C8] =	vst v0  }
0x246: {  	[tilespmem:$0x25D8] =	vst v0  }
0x247: {  	[tilespmem:$0x25E8] =	vst v0  }
0x248: {  	[tilespmem:$0x25F8] =	vst v0  }
0x249: {  	[tilespmem:$0x2608] =	vst v0  }
0x24a: {  	[tilespmem:$0x2618] =	vst v0  }
0x24b: {  	[tilespmem:$0x2628] =	vst v0  }
0x24c: {  	[tilespmem:$0x2638] =	vst v0  }
0x24d: {  	[tilespmem:$0x2648] =	vst v0  }
0x24e: {  	[tilespmem:$0x2658] =	vst v0  }
0x24f: {  	[tilespmem:$0x2668] =	vst v0  }
0x250: {  	[tilespmem:$0x2678] =	vst v0  }
0x251: {  	[tilespmem:$0x2688] =	vst v0  }
0x252: {  	[tilespmem:$0x2698] =	vst v0  }
0x253: {  	[tilespmem:$0x26A8] =	vst v0  }
0x254: {  	[tilespmem:$0x26B8] =	vst v0  }
0x255: {  	[tilespmem:$0x26C8] =	vst v0  }
0x256: {  	[tilespmem:$0x26D8] =	vst v0  }
0x257: {  	[tilespmem:$0x26E8] =	vst v0  }
0x258: {  	[tilespmem:$0x26F8] =	vst v0  }
0x259: {  	[tilespmem:$0x2708] =	vst v0  }
0x25a: {  	[tilespmem:$0x2718] =	vst v0  }
0x25b: {  	[tilespmem:$0x2728] =	vst v0  }
0x25c: {  	[tilespmem:$0x2738] =	vst v0  }
0x25d: {  	[tilespmem:$0x2748] =	vst v0  }
0x25e: {  	[tilespmem:$0x2758] =	vst v0  }
0x25f: {  	[tilespmem:$0x2768] =	vst v0  }
0x260: {  	[tilespmem:$0x2778] =	vst v0  }
0x261: {  	[tilespmem:$0x2788] =	vst v0  }
0x262: {  	[tilespmem:$0x2798] =	vst v0  }
0x263: {  	[tilespmem:$0x27A8] =	vst v0  }
0x264: {  	[tilespmem:$0x27B8] =	vst v0  }
0x265: {  	[tilespmem:$0x27C8] =	vst v0  }
0x266: {  	[tilespmem:$0x27D8] =	vst v0  }
0x267: {  	[tilespmem:$0x27E8] =	vst v0  }
0x268: {  	[tilespmem:$0x27F8] =	vst v0  }
0x269: {  	[tilespmem:$0x2808] =	vst v0  }
0x26a: {  	[tilespmem:$0x2818] =	vst v0  }
0x26b: {  	[tilespmem:$0x2828] =	vst v0  }
0x26c: {  	[tilespmem:$0x2838] =	vst v0  }
0x26d: {  	[tilespmem:$0x2848] =	vst v0  }
0x26e: {  	[tilespmem:$0x2858] =	vst v0  }
0x26f: {  	[tilespmem:$0x2868] =	vst v0  }
0x270: {  	[tilespmem:$0x2878] =	vst v0  }
0x271: {  	[tilespmem:$0x2888] =	vst v0  }
0x272: {  	[tilespmem:$0x2898] =	vst v0  }
0x273: {  	[tilespmem:$0x28A8] =	vst v0  }
0x274: {  	[tilespmem:$0x28B8] =	vst v0  }
0x275: {  	[tilespmem:$0x28C8] =	vst v0  }
0x276: {  	[tilespmem:$0x28D8] =	vst v0  }
0x277: {  	[tilespmem:$0x28E8] =	vst v0  }
0x278: {  	[tilespmem:$0x28F8] =	vst v0  }
0x279: {  	[tilespmem:$0x2908] =	vst v0  }
0x27a: {  	[tilespmem:$0x2918] =	vst v0  }
0x27b: {  	[tilespmem:$0x2928] =	vst v0  }
0x27c: {  	[tilespmem:$0x2938] =	vst v0  }
0x27d: {  	[tilespmem:$0x2948] =	vst v0  }
0x27e: {  	[tilespmem:$0x2958] =	vst v0  }
0x27f: {  	[tilespmem:$0x2968] =	vst v0  }
0x280: {  	[tilespmem:$0x2978] =	vst v0  }
0x281: {  	[tilespmem:$0x2988] =	vst v0  }
0x282: {  	[tilespmem:$0x2998] =	vst v0  }
0x283: {  	[tilespmem:$0x29A8] =	vst v0  }
0x284: {  	[tilespmem:$0x29B8] =	vst v0  }
0x285: {  	[tilespmem:$0x29C8] =	vst v0  }
0x286: {  	[tilespmem:$0x29D8] =	vst v0  }
0x287: {  	[tilespmem:$0x29E8] =	vst v0  }
0x288: {  	[tilespmem:$0x29F8] =	vst v0  }
0x289: {  	[tilespmem:$0x2A08] =	vst v0  }
0x28a: {  	[tilespmem:$0x2A18] =	vst v0  }
0x28b: {  	[tilespmem:$0x2A28] =	vst v0  }
0x28c: {  	[tilespmem:$0x2A38] =	vst v0  }
0x28d: {  	[tilespmem:$0x2A48] =	vst v0  }
0x28e: {  	[tilespmem:$0x2A58] =	vst v0  }
0x28f: {  	[tilespmem:$0x2A68] =	vst v0  }
0x290: {  	[tilespmem:$0x2A78] =	vst v0  }
0x291: {  	[tilespmem:$0x2A88] =	vst v0  }
0x292: {  	[tilespmem:$0x2A98] =	vst v0  }
0x293: {  	[tilespmem:$0x2AA8] =	vst v0  }
0x294: {  	[tilespmem:$0x2AB8] =	vst v0  }
0x295: {  	[tilespmem:$0x2AC8] =	vst v0  }
0x296: {  	[tilespmem:$0x2AD8] =	vst v0  }
0x297: {  	[tilespmem:$0x2AE8] =	vst v0  }
0x298: {  	[tilespmem:$0x2AF8] =	vst v0  }
0x299: {  	[tilespmem:$0x2B08] =	vst v0  }
0x29a: {  	[tilespmem:$0x2B18] =	vst v0  }
0x29b: {  	[tilespmem:$0x2B28] =	vst v0  }
0x29c: {  	[tilespmem:$0x2B38] =	vst v0  }
0x29d: {  	[tilespmem:$0x2B48] =	vst v0  }
0x29e: {  	[tilespmem:$0x2B58] =	vst v0  }
0x29f: {  	[tilespmem:$0x2B68] =	vst v0  }
0x2a0: {  	[tilespmem:$0x2B78] =	vst v0  }
0x2a1: {  	[tilespmem:$0x2B88] =	vst v0  }
0x2a2: {  	[tilespmem:$0x2B98] =	vst v0  }
0x2a3: {  	[tilespmem:$0x2BA8] =	vst v0  }
0x2a4: {  	[tilespmem:$0x2BB8] =	vst v0  }
0x2a5: {  	[tilespmem:$0x2BC8] =	vst v0  }
0x2a6: {  	[tilespmem:$0x2BD8] =	vst v0  }
0x2a7: {  	[tilespmem:$0x2BE8] =	vst v0  }
0x2a8: {  	[tilespmem:$0x2BF8] =	vst v0  }
0x2a9: {  	[tilespmem:$0x2C08] =	vst v0  }
0x2aa: {  	[tilespmem:$0x2C18] =	vst v0  }
0x2ab: {  	[tilespmem:$0x2C28] =	vst v0  }
0x2ac: {  	[tilespmem:$0x2C38] =	vst v0  }
0x2ad: {  	[tilespmem:$0x2C48] =	vst v0  }
0x2ae: {  	[tilespmem:$0x2C58] =	vst v0  }
0x2af: {  	[tilespmem:$0x2C68] =	vst v0  }
0x2b0: {  	[tilespmem:$0x2C78] =	vst v0  }
0x2b1: {  	[tilespmem:$0x2C88] =	vst v0  }
0x2b2: {  	[tilespmem:$0x2C98] =	vst v0  }
0x2b3: {  	[tilespmem:$0x2CA8] =	vst v0  }
0x2b4: {  	[tilespmem:$0x2CB8] =	vst v0  }
0x2b5: {  	[tilespmem:$0x2CC8] =	vst v0  }
0x2b6: {  	[tilespmem:$0x2CD8] =	vst v0  }
0x2b7: {  	[tilespmem:$0x2CE8] =	vst v0  }
0x2b8: {  	[tilespmem:$0x2CF8] =	vst v0  }
0x2b9: {  	[tilespmem:$0x2D08] =	vst v0  }
0x2ba: {  	[tilespmem:$0x2D18] =	vst v0  }
0x2bb: {  	[tilespmem:$0x2D28] =	vst v0  }
0x2bc: {  	[tilespmem:$0x2D38] =	vst v0  }
0x2bd: {  	[tilespmem:$0x2D48] =	vst v0  }
0x2be: {  	[tilespmem:$0x2D58] =	vst v0  }
0x2bf: {  	[tilespmem:$0x2D68] =	vst v0  }
0x2c0: {  	[tilespmem:$0x2D78] =	vst v0  }
0x2c1: {  	[tilespmem:$0x2D88] =	vst v0  }
0x2c2: {  	[tilespmem:$0x2D98] =	vst v0  }
0x2c3: {  	[tilespmem:$0x2DA8] =	vst v0  }
0x2c4: {  	[tilespmem:$0x2DB8] =	vst v0  }
0x2c5: {  	[tilespmem:$0x2DC8] =	vst v0  }
0x2c6: {  	[tilespmem:$0x2DD8] =	vst v0  }
0x2c7: {  	[tilespmem:$0x2DE8] =	vst v0  }
0x2c8: {  	[tilespmem:$0x2DF8] =	vst v0  }
0x2c9: {  	[tilespmem:$0x2E08] =	vst v0  }
0x2ca: {  	[tilespmem:$0x2E18] =	vst v0  }
0x2cb: {  	[tilespmem:$0x2E28] =	vst v0  }
0x2cc: {  	[tilespmem:$0x2E38] =	vst v0  }
0x2cd: {  	[tilespmem:$0x2E48] =	vst v0  }
0x2ce: {  	[tilespmem:$0x2E58] =	vst v0  }
0x2cf: {  	[tilespmem:$0x2E68] =	vst v0  }
0x2d0: {  	[tilespmem:$0x2E78] =	vst v0  }
0x2d1: {  	[tilespmem:$0x2E88] =	vst v0  }
0x2d2: {  	[tilespmem:$0x2E98] =	vst v0  }
0x2d3: {  	[tilespmem:$0x2EA8] =	vst v0  }
0x2d4: {  	[tilespmem:$0x2EB8] =	vst v0  }
0x2d5: {  	[tilespmem:$0x2EC8] =	vst v0  }
0x2d6: {  	[tilespmem:$0x2ED8] =	vst v0  }
0x2d7: {  	[tilespmem:$0x2EE8] =	vst v0  }
0x2d8: {  	[tilespmem:$0x2EF8] =	vst v0  }
0x2d9: {  	[tilespmem:$0x2F08] =	vst v0  }
0x2da: {  	[tilespmem:$0x2F18] =	vst v0  }
0x2db: {  	[tilespmem:$0x2F28] =	vst v0  }
0x2dc: {  	[tilespmem:$0x2F38] =	vst v0  }
0x2dd: {  	[tilespmem:$0x2F48] =	vst v0  }
0x2de: {  	[tilespmem:$0x2F58] =	vst v0  }
0x2df: {  	[tilespmem:$0x2F68] =	vst v0  }
0x2e0: {  	[tilespmem:$0x2F78] =	vst v0  }
0x2e1: {  	[tilespmem:$0x2F88] =	vst v0  }
0x2e2: {  	[tilespmem:$0x2F98] =	vst v0  }
0x2e3: {  	[tilespmem:$0x2FA8] =	vst v0  }
0x2e4: {  	[tilespmem:$0x2FB8] =	vst v0  }
0x2e5: {  	[tilespmem:$0x2FC8] =	vst v0  }
0x2e6: {  	[tilespmem:$0x2FD8] =	vst v0  }
0x2e7: {  	[tilespmem:$0x2FE8] =	vst v0  }
0x2e8: {  	[tilespmem:$0x2FF8] =	vst v0  }
0x2e9: {  	[tilespmem:$0x3008] =	vst v0  }
0x2ea: {  	[tilespmem:$0x3018] =	vst v0  }
0x2eb: {  	[tilespmem:$0x3028] =	vst v0  }
0x2ec: {  	[tilespmem:$0x3038] =	vst v0  }
0x2ed: {  	[tilespmem:$0x3048] =	vst v0  }
0x2ee: {  	[tilespmem:$0x3058] =	vst v0  }
0x2ef: {  	[tilespmem:$0x3068] =	vst v0  }
0x2f0: {  	[tilespmem:$0x3078] =	vst v0  }
0x2f1: {  	[tilespmem:$0x3088] =	vst v0  }
0x2f2: {  	[tilespmem:$0x3098] =	vst v0  }
0x2f3: {  	[tilespmem:$0x30A8] =	vst v0  }
0x2f4: {  	[tilespmem:$0x30B8] =	vst v0  }
0x2f5: {  	[tilespmem:$0x30C8] =	vst v0  }
0x2f6: {  	[tilespmem:$0x30D8] =	vst v0  }
0x2f7: {  	[tilespmem:$0x30E8] =	vst v0  }
0x2f8: {  	[tilespmem:$0x30F8] =	vst v0  }
0x2f9: {  	[tilespmem:$0x3108] =	vst v0  }
0x2fa: {  	[tilespmem:$0x3118] =	vst v0  }
0x2fb: {  	[tilespmem:$0x3128] =	vst v0  }
0x2fc: {  	[tilespmem:$0x3138] =	vst v0  }
0x2fd: {  	[tilespmem:$0x3148] =	vst v0  }
0x2fe: {  	[tilespmem:$0x3158] =	vst v0  }
0x2ff: {  	[tilespmem:$0x3168] =	vst v0  }
0x300: {  	[tilespmem:$0x3178] =	vst v0  }
0x301: {  	[tilespmem:$0x3188] =	vst v0  }
0x302: {  	[tilespmem:$0x3198] =	vst v0  }
0x303: {  	[tilespmem:$0x31A8] =	vst v0  }
0x304: {  	[tilespmem:$0x31B8] =	vst v0  }
0x305: {  	[tilespmem:$0x31C8] =	vst v0  }
0x306: {  	[tilespmem:$0x31D8] =	vst v0  }
0x307: {  	[tilespmem:$0x31E8] =	vst v0  }
0x308: {  	[tilespmem:$0x31F8] =	vst v0  }
0x309: {  	[tilespmem:$0x3208] =	vst v0  }
0x30a: {  	[tilespmem:$0x3218] =	vst v0  }
0x30b: {  	[tilespmem:$0x3228] =	vst v0  }
0x30c: {  	[tilespmem:$0x3238] =	vst v0  }
0x30d: {  	[tilespmem:$0x3248] =	vst v0  }
0x30e: {  	[tilespmem:$0x3258] =	vst v0  }
0x30f: {  	[tilespmem:$0x3268] =	vst v0  }
0x310: {  	[tilespmem:$0x3278] =	vst v0  }
0x311: {  	[tilespmem:$0x3288] =	vst v0  }
0x312: {  	[tilespmem:$0x3298] =	vst v0  }
0x313: {  	[tilespmem:$0x32A8] =	vst v0  }
0x314: {  	[tilespmem:$0x32B8] =	vst v0  }
0x315: {  	[tilespmem:$0x32C8] =	vst v0  }
0x316: {  	[tilespmem:$0x32D8] =	vst v0  }
0x317: {  	[tilespmem:$0x32E8] =	vst v0  }
0x318: {  	[tilespmem:$0x32F8] =	vst v0  }
0x319: {  	[tilespmem:$0x3308] =	vst v0  }
0x31a: {  	[tilespmem:$0x3318] =	vst v0  }
0x31b: {  	[tilespmem:$0x3328] =	vst v0  }
0x31c: {  	[tilespmem:$0x3338] =	vst v0  }
0x31d: {  	[tilespmem:$0x3348] =	vst v0  }
0x31e: {  	[tilespmem:$0x3358] =	vst v0  }
0x31f: {  	[tilespmem:$0x3368] =	vst v0  }
0x320: {  	[tilespmem:$0x3378] =	vst v0  }
0x321: {  	[tilespmem:$0x3388] =	vst v0  }
0x322: {  	[tilespmem:$0x3398] =	vst v0  }
0x323: {  	[tilespmem:$0x33A8] =	vst v0  }
0x324: {  	[tilespmem:$0x33B8] =	vst v0  }
0x325: {  	[tilespmem:$0x33C8] =	vst v0  }
0x326: {  	[tilespmem:$0x33D8] =	vst v0  }
0x327: {  	[tilespmem:$0x33E8] =	vst v0  }
0x328: {  	[tilespmem:$0x33F8] =	vst v0  }
0x329: {  	[tilespmem:$0x3408] =	vst v0  }
0x32a: {  	[tilespmem:$0x3418] =	vst v0  }
0x32b: {  	[tilespmem:$0x3428] =	vst v0  }
0x32c: {  	[tilespmem:$0x3438] =	vst v0  }
0x32d: {  	[tilespmem:$0x3448] =	vst v0  }
0x32e: {  	[tilespmem:$0x3458] =	vst v0  }
0x32f: {  	[tilespmem:$0x3468] =	vst v0  }
0x330: {  	[tilespmem:$0x3478] =	vst v0  }
0x331: {  	[tilespmem:$0x3488] =	vst v0  }
0x332: {  	[tilespmem:$0x3498] =	vst v0  }
0x333: {  	[tilespmem:$0x34A8] =	vst v0  }
0x334: {  	[tilespmem:$0x34B8] =	vst v0  }
0x335: {  	[tilespmem:$0x34C8] =	vst v0  }
0x336: {  	[tilespmem:$0x34D8] =	vst v0  }
0x337: {  	[tilespmem:$0x34E8] =	vst v0  }
0x338: {  	[tilespmem:$0x34F8] =	vst v0  }
0x339: {  	[tilespmem:$0x3508] =	vst v0  }
0x33a: {  	[tilespmem:$0x3518] =	vst v0  }
0x33b: {  	[tilespmem:$0x3528] =	vst v0  }
0x33c: {  	[tilespmem:$0x3538] =	vst v0  }
0x33d: {  	[tilespmem:$0x3548] =	vst v0  }
0x33e: {  	[tilespmem:$0x3558] =	vst v0  }
0x33f: {  	[tilespmem:$0x3568] =	vst v0  }
0x340: {  	[tilespmem:$0x3578] =	vst v0  }
0x341: {  	[tilespmem:$0x3588] =	vst v0  }
0x342: {  	[tilespmem:$0x3598] =	vst v0  }
0x343: {  	[tilespmem:$0x35A8] =	vst v0  }
0x344: {  	[tilespmem:$0x35B8] =	vst v0  }
0x345: {  	[tilespmem:$0x35C8] =	vst v0  }
0x346: {  	[tilespmem:$0x35D8] =	vst v0  }
0x347: {  	[tilespmem:$0x35E8] =	vst v0  }
0x348: {  	[tilespmem:$0x35F8] =	vst v0  }
0x349: {  	[tilespmem:$0x3608] =	vst v0  }
0x34a: {  	[tilespmem:$0x3618] =	vst v0  }
0x34b: {  	[tilespmem:$0x3628] =	vst v0  }
0x34c: {  	[tilespmem:$0x3638] =	vst v0  }
0x34d: {  	[tilespmem:$0x3648] =	vst v0  }
0x34e: {  	[tilespmem:$0x3658] =	vst v0  }
0x34f: {  	[tilespmem:$0x3668] =	vst v0  }
0x350: {  	[tilespmem:$0x3678] =	vst v0  }
0x351: {  	[tilespmem:$0x3688] =	vst v0  }
0x352: {  	[tilespmem:$0x3698] =	vst v0  }
0x353: {  	[tilespmem:$0x36A8] =	vst v0  }
0x354: {  	[tilespmem:$0x36B8] =	vst v0  }
0x355: {  	[tilespmem:$0x36C8] =	vst v0  }
0x356: {  	[tilespmem:$0x36D8] =	vst v0  }
0x357: {  	[tilespmem:$0x36E8] =	vst v0  }
0x358: {  	[tilespmem:$0x36F8] =	vst v0  }
0x359: {  	[tilespmem:$0x3708] =	vst v0  }
0x35a: {  	[tilespmem:$0x3718] =	vst v0  }
0x35b: {  	[tilespmem:$0x3728] =	vst v0  }
0x35c: {  	[tilespmem:$0x3738] =	vst v0  }
0x35d: {  	[tilespmem:$0x3748] =	vst v0  }
0x35e: {  	[tilespmem:$0x3758] =	vst v0  }
0x35f: {  	[tilespmem:$0x3768] =	vst v0  }
0x360: {  	[tilespmem:$0x3778] =	vst v0  }
0x361: {  	[tilespmem:$0x3788] =	vst v0  }
0x362: {  	[tilespmem:$0x3798] =	vst v0  }
0x363: {  	[tilespmem:$0x37A8] =	vst v0  }
0x364: {  	[tilespmem:$0x37B8] =	vst v0  }
0x365: {  	[tilespmem:$0x37C8] =	vst v0  }
0x366: {  	[tilespmem:$0x37D8] =	vst v0  }
0x367: {  	[tilespmem:$0x37E8] =	vst v0  }
0x368: {  	[tilespmem:$0x37F8] =	vst v0  }
0x369: {  	[tilespmem:$0x3808] =	vst v0  }
0x36a: {  	[tilespmem:$0x3818] =	vst v0  }
0x36b: {  	[tilespmem:$0x3828] =	vst v0  }
0x36c: {  	[tilespmem:$0x3838] =	vst v0  }
0x36d: {  	[tilespmem:$0x3848] =	vst v0  }
0x36e: {  	[tilespmem:$0x3858] =	vst v0  }
0x36f: {  	[tilespmem:$0x3868] =	vst v0  }
0x370: {  	[tilespmem:$0x3878] =	vst v0  }
0x371: {  	[tilespmem:$0x3888] =	vst v0  }
0x372: {  	[tilespmem:$0x3898] =	vst v0  }
0x373: {  	[tilespmem:$0x38A8] =	vst v0  }
0x374: {  	[tilespmem:$0x38B8] =	vst v0  }
0x375: {  	[tilespmem:$0x38C8] =	vst v0  }
0x376: {  	[tilespmem:$0x38D8] =	vst v0  }
0x377: {  	[tilespmem:$0x38E8] =	vst v0  }
0x378: {  	[tilespmem:$0x38F8] =	vst v0  }
0x379: {  	[tilespmem:$0x3908] =	vst v0  }
0x37a: {  	[tilespmem:$0x3918] =	vst v0  }
0x37b: {  	[tilespmem:$0x3928] =	vst v0  }
0x37c: {  	[tilespmem:$0x3938] =	vst v0  }
0x37d: {  	[tilespmem:$0x3948] =	vst v0  }
0x37e: {  	[tilespmem:$0x3958] =	vst v0  }
0x37f: {  	[tilespmem:$0x3968] =	vst v0  }
0x380: {  	[tilespmem:$0x3978] =	vst v0  }
0x381: {  	[tilespmem:$0x3988] =	vst v0  }
0x382: {  	[tilespmem:$0x3998] =	vst v0  }
0x383: {  	[tilespmem:$0x39A8] =	vst v0  }
0x384: {  	[tilespmem:$0x39B8] =	vst v0  }
0x385: {  	[tilespmem:$0x39C8] =	vst v0  }
0x386: {  	[tilespmem:$0x39D8] =	vst v0  }
0x387: {  	[tilespmem:$0x39E8] =	vst v0  }
0x388: {  	[tilespmem:$0x39F8] =	vst v0  }
0x389: {  	[tilespmem:$0x3A08] =	vst v0  }
0x38a: {  	[tilespmem:$0x3A18] =	vst v0  }
0x38b: {  	[tilespmem:$0x3A28] =	vst v0  }
0x38c: {  	[tilespmem:$0x3A38] =	vst v0  }
0x38d: {  	[tilespmem:$0x3A48] =	vst v0  }
0x38e: {  	[tilespmem:$0x3A58] =	vst v0  }
0x38f: {  	[tilespmem:$0x3A68] =	vst v0  }
0x390: {  	[tilespmem:$0x3A78] =	vst v0  }
0x391: {  	[tilespmem:$0x3A88] =	vst v0  }
0x392: {  	[tilespmem:$0x3A98] =	vst v0  }
0x393: {  	[tilespmem:$0x3AA8] =	vst v0  }
0x394: {  	[tilespmem:$0x3AB8] =	vst v0  }
0x395: {  	[tilespmem:$0x3AC8] =	vst v0  }
0x396: {  	[tilespmem:$0x3AD8] =	vst v0  }
0x397: {  	[tilespmem:$0x3AE8] =	vst v0  }
0x398: {  	[tilespmem:$0x3AF8] =	vst v0  }
0x399: {  	[tilespmem:$0x3B08] =	vst v0  }
0x39a: {  	[tilespmem:$0x3B18] =	vst v0  }
0x39b: {  	[tilespmem:$0x3B28] =	vst v0  }
0x39c: {  	[tilespmem:$0x3B38] =	vst v0  }
0x39d: {  	[tilespmem:$0x3B48] =	vst v0  }
0x39e: {  	[tilespmem:$0x3B58] =	vst v0  }
0x39f: {  	[tilespmem:$0x3B68] =	vst v0  }
0x3a0: {  	[tilespmem:$0x3B78] =	vst v0  }
0x3a1: {  	[tilespmem:$0x3B88] =	vst v0  }
0x3a2: {  	[tilespmem:$0x3B98] =	vst v0  }
0x3a3: {  	[tilespmem:$0x3BA8] =	vst v0  }
0x3a4: {  	[tilespmem:$0x3BB8] =	vst v0  }
0x3a5: {  	[tilespmem:$0x3BC8] =	vst v0  }
0x3a6: {  	[tilespmem:$0x3BD8] =	vst v0  }
0x3a7: {  	[tilespmem:$0x3BE8] =	vst v0  }
0x3a8: {  	[tilespmem:$0x3BF8] =	vst v0  }
0x3a9: {  	[tilespmem:$0x3C08] =	vst v0  }
0x3aa: {  	[tilespmem:$0x3C18] =	vst v0  }
0x3ab: {  	[tilespmem:$0x3C28] =	vst v0  }
0x3ac: {  	[tilespmem:$0x3C38] =	vst v0  }
0x3ad: {  	[tilespmem:$0x3C48] =	vst v0  }
0x3ae: {  	[tilespmem:$0x3C58] =	vst v0  }
0x3af: {  	[tilespmem:$0x3C68] =	vst v0  }
0x3b0: {  	[tilespmem:$0x3C78] =	vst v0  }
0x3b1: {  	[tilespmem:$0x3C88] =	vst v0  }
0x3b2: {  	[tilespmem:$0x3C98] =	vst v0  }
0x3b3: {  	[tilespmem:$0x3CA8] =	vst v0  }
0x3b4: {  	[tilespmem:$0x3CB8] =	vst v0  }
0x3b5: {  	[tilespmem:$0x3CC8] =	vst v0  }
0x3b6: {  	[tilespmem:$0x3CD8] =	vst v0  }
0x3b7: {  	[tilespmem:$0x3CE8] =	vst v0  }
0x3b8: {  	[tilespmem:$0x3CF8] =	vst v0  }
0x3b9: {  	[tilespmem:$0x3D08] =	vst v0  }
0x3ba: {  	[tilespmem:$0x3D18] =	vst v0  }
0x3bb: {  	[tilespmem:$0x3D28] =	vst v0  }
0x3bc: {  	[tilespmem:$0x3D38] =	vst v0  }
0x3bd: {  	[tilespmem:$0x3D48] =	vst v0  }
0x3be: {  	[tilespmem:$0x3D58] =	vst v0  }
0x3bf: {  	[tilespmem:$0x3D68] =	vst v0  }
0x3c0: {  	[tilespmem:$0x3D78] =	vst v0  }
0x3c1: {  	[tilespmem:$0x3D88] =	vst v0  }
0x3c2: {  	[tilespmem:$0x3D98] =	vst v0  }
0x3c3: {  	[tilespmem:$0x3DA8] =	vst v0  }
0x3c4: {  	[tilespmem:$0x3DB8] =	vst v0  }
0x3c5: {  	[tilespmem:$0x3DC8] =	vst v0  }
0x3c6: {  	[tilespmem:$0x3DD8] =	vst v0  }
0x3c7: {  	[tilespmem:$0x3DE8] =	vst v0  }
0x3c8: {  	[tilespmem:$0x3DF8] =	vst v0  }
0x3c9: {  	[tilespmem:$0x3E08] =	vst v0  }
0x3ca: {  	[tilespmem:$0x3E18] =	vst v0  }
0x3cb: {  	[tilespmem:$0x3E28] =	vst v0  }
0x3cc: {  	[tilespmem:$0x3E38] =	vst v0  }
0x3cd: {  	[tilespmem:$0x3E48] =	vst v0  }
0x3ce: {  	[tilespmem:$0x3E58] =	vst v0  }
0x3cf: {  	[tilespmem:$0x3E68] =	vst v0  }
0x3d0: {  	[tilespmem:$0x3E78] =	vst v0  }
0x3d1: {  	[tilespmem:$0x3E88] =	vst v0  }
0x3d2: {  	[tilespmem:$0x3E98] =	vst v0  }
0x3d3: {  	[tilespmem:$0x3EA8] =	vst v0  }
0x3d4: {  	[tilespmem:$0x3EB8] =	vst v0  }
0x3d5: {  	[tilespmem:$0x3EC8] =	vst v0  }
0x3d6: {  	[tilespmem:$0x3ED8] =	vst v0  }
0x3d7: {  	[tilespmem:$0x3EE8] =	vst v0  }
0x3d8: {  	[tilespmem:$0x3EF8] =	vst v0  }
0x3d9: {  	[tilespmem:$0x3F08] =	vst v0  }
0x3da: {  	[tilespmem:$0x3F18] =	vst v0  }
0x3db: {  	[tilespmem:$0x3F28] =	vst v0  }
0x3dc: {  	[tilespmem:$0x3F38] =	vst v0  }
0x3dd: {  	[tilespmem:$0x3F48] =	vst v0  }
0x3de: {  	[tilespmem:$0x3F58] =	vst v0  }
0x3df: {  	[tilespmem:$0x3F68] =	vst v0  }
0x3e0: {  	[tilespmem:$0x3F78] =	vst v0  }
0x3e1: {  	[tilespmem:$0x3F88] =	vst v0  }
0x3e2: {  	[tilespmem:$0x3F98] =	vst v0  }
0x3e3: {  	[tilespmem:$0x3FA8] =	vst v0  }
0x3e4: {  	[tilespmem:$0x3FB8] =	vst v0  }
0x3e5: {  	[tilespmem:$0x3FC8] =	vst v0  }
0x3e6: {  	[tilespmem:$0x3FD8] =	vst v0  }
0x3e7: {  	[tilespmem:$0x3FE8] =	vst v0  }
0x3e8: {  	[tilespmem:$0x3FF8] =	vst v0  }
0x3e9: {  	[tilespmem:$0x4008] =	vst v0  }
0x3ea: {  	[tilespmem:$0x4018] =	vst v0  }
0x3eb: {  	[tilespmem:$0x4028] =	vst v0  }
0x3ec: {  	[tilespmem:$0x4038] =	vst v0  }
0x3ed: {  	[tilespmem:$0x4048] =	vst v0  }
0x3ee: {  	[tilespmem:$0x4058] =	vst v0  }
0x3ef: {  	[tilespmem:$0x4068] =	vst v0  }
0x3f0: {  	[tilespmem:$0x4078] =	vst v0  }
0x3f1: {  	[tilespmem:$0x4088] =	vst v0  }
0x3f2: {  	[tilespmem:$0x4098] =	vst v0  }
0x3f3: {  	[tilespmem:$0x40A8] =	vst v0  }
0x3f4: {  	[tilespmem:$0x40B8] =	vst v0  }
0x3f5: {  	[tilespmem:$0x40C8] =	vst v0  }
0x3f6: {  	[tilespmem:$0x40D8] =	vst v0  }
0x3f7: {  	[tilespmem:$0x40E8] =	vst v0  }
0x3f8: {  	[tilespmem:$0x40F8] =	vst v0  }
0x3f9: {  	[tilespmem:$0x4108] =	vst v0  }
0x3fa: {  	[tilespmem:$0x4118] =	vst v0  }
0x3fb: {  	[tilespmem:$0x4128] =	vst v0  }
0x3fc: {  	[tilespmem:$0x4138] =	vst v0  }
0x3fd: {  	[tilespmem:$0x4148] =	vst v0  }
0x3fe: {  	[tilespmem:$0x4158] =	vst v0  }
0x3ff: {  	[tilespmem:$0x4168] =	vst v0  }
0x400: {  	[tilespmem:$0x4178] =	vst v0  }
0x401: {  	[tilespmem:$0x4188] =	vst v0  }
0x402: {  	[tilespmem:$0x4198] =	vst v0  }
0x403: {  	[tilespmem:$0x41A8] =	vst v0  }
0x404: {  	[tilespmem:$0x41B8] =	vst v0  }
0x405: {  	[tilespmem:$0x41C8] =	vst v0  }
0x406: {  	[tilespmem:$0x41D8] =	vst v0  }
0x407: {  	[tilespmem:$0x41E8] =	vst v0  }
0x408: {  	[tilespmem:$0x41F8] =	vst v0  }
0x409: {  	[tilespmem:$0x4208] =	vst v0  }
0x40a: {  	[tilespmem:$0x4218] =	vst v0  }
0x40b: {  	[tilespmem:$0x4228] =	vst v0  }
0x40c: {  	[tilespmem:$0x4238] =	vst v0  }
0x40d: {  	[tilespmem:$0x4248] =	vst v0  }
0x40e: {  	[tilespmem:$0x4258] =	vst v0  }
0x40f: {  	[tilespmem:$0x4268] =	vst v0  }
0x410: {  	[tilespmem:$0x4278] =	vst v0  }
0x411: {  	[tilespmem:$0x4288] =	vst v0  }
0x412: {  	[tilespmem:$0x4298] =	vst v0  }
0x413: {  	[tilespmem:$0x42A8] =	vst v0  }
0x414: {  	[tilespmem:$0x42B8] =	vst v0  }
0x415: {  	[tilespmem:$0x42C8] =	vst v0  }
0x416: {  	[tilespmem:$0x42D8] =	vst v0  }
0x417: {  	[tilespmem:$0x42E8] =	vst v0  }
0x418: {  	[tilespmem:$0x42F8] =	vst v0  }
0x419: {  	[tilespmem:$0x4308] =	vst v0  }
0x41a: {  	[tilespmem:$0x4318] =	vst v0  }
0x41b: {  	[tilespmem:$0x4328] =	vst v0  }
0x41c: {  	[tilespmem:$0x4338] =	vst v0  }
0x41d: {  	[tilespmem:$0x4348] =	vst v0  }
0x41e: {  	[tilespmem:$0x4358] =	vst v0  }
0x41f: {  	[tilespmem:$0x4368] =	vst v0  }
0x420: {  	[tilespmem:$0x4378] =	vst v0  }
0x421: {  	[tilespmem:$0x4388] =	vst v0  }
0x422: {  	[tilespmem:$0x4398] =	vst v0  }
0x423: {  	[tilespmem:$0x43A8] =	vst v0  }
0x424: {  	[tilespmem:$0x43B8] =	vst v0  }
0x425: {  	[tilespmem:$0x43C8] =	vst v0  }
0x426: {  	[tilespmem:$0x43D8] =	vst v0  }
0x427: {  	[tilespmem:$0x43E8] =	vst v0  }
0x428: {  	[tilespmem:$0x43F8] =	vst v0  }
0x429: {  	[tilespmem:$0x4408] =	vst v0  }
0x42a: {  	[tilespmem:$0x4418] =	vst v0  }
0x42b: {  	[tilespmem:$0x4428] =	vst v0  }
0x42c: {  	[tilespmem:$0x4438] =	vst v0  }
0x42d: {  	[tilespmem:$0x4448] =	vst v0  }
0x42e: {  	[tilespmem:$0x4458] =	vst v0  }
0x42f: {  	[tilespmem:$0x4468] =	vst v0  }
0x430: {  	[tilespmem:$0x4478] =	vst v0  }
0x431: {  	[tilespmem:$0x4488] =	vst v0  }
0x432: {  	[tilespmem:$0x4498] =	vst v0  }
0x433: {  	[tilespmem:$0x44A8] =	vst v0  }
0x434: {  	[tilespmem:$0x44B8] =	vst v0  }
0x435: {  	[tilespmem:$0x44C8] =	vst v0  }
0x436: {  	[tilespmem:$0x44D8] =	vst v0  }
0x437: {  	[tilespmem:$0x44E8] =	vst v0  }
0x438: {  	[tilespmem:$0x44F8] =	vst v0  }
0x439: {  	[tilespmem:$0x4508] =	vst v0  }
0x43a: {  	[tilespmem:$0x4518] =	vst v0  }
0x43b: {  	[tilespmem:$0x4528] =	vst v0  }
0x43c: {  	[tilespmem:$0x4538] =	vst v0  }
0x43d: {  	[tilespmem:$0x4548] =	vst v0  }
0x43e: {  	[tilespmem:$0x4558] =	vst v0  }
0x43f: {  	[tilespmem:$0x4568] =	vst v0  }
0x440: {  	[tilespmem:$0x4578] =	vst v0  }
0x441: {  	[tilespmem:$0x4588] =	vst v0  }
0x442: {  	[tilespmem:$0x4598] =	vst v0  }
0x443: {  	[tilespmem:$0x45A8] =	vst v0  }
0x444: {  	[tilespmem:$0x45B8] =	vst v0  }
0x445: {  	[tilespmem:$0x45C8] =	vst v0  }
0x446: {  	[tilespmem:$0x45D8] =	vst v0  }
0x447: {  	[tilespmem:$0x45E8] =	vst v0  }
0x448: {  	[tilespmem:$0x45F8] =	vst v0  }
0x449: {  	[tilespmem:$0x4608] =	vst v0  }
0x44a: {  	[tilespmem:$0x4618] =	vst v0  }
0x44b: {  	[tilespmem:$0x4628] =	vst v0  }
0x44c: {  	[tilespmem:$0x4638] =	vst v0  }
0x44d: {  	[tilespmem:$0x4648] =	vst v0  }
0x44e: {  	[tilespmem:$0x4658] =	vst v0  }
0x44f: {  	[tilespmem:$0x4668] =	vst v0  }
0x450: {  	[tilespmem:$0x4678] =	vst v0  }
0x451: {  	[tilespmem:$0x4688] =	vst v0  }
0x452: {  	[tilespmem:$0x4698] =	vst v0  }
0x453: {  	[tilespmem:$0x46A8] =	vst v0  }
0x454: {  	[tilespmem:$0x46B8] =	vst v0  }
0x455: {  	[tilespmem:$0x46C8] =	vst v0  }
0x456: {  	[tilespmem:$0x46D8] =	vst v0  }
0x457: {  	[tilespmem:$0x46E8] =	vst v0  }
0x458: {  	[tilespmem:$0x46F8] =	vst v0  }
0x459: {  	[tilespmem:$0x4708] =	vst v0  }
0x45a: {  	[tilespmem:$0x4718] =	vst v0  }
0x45b: {  	[tilespmem:$0x4728] =	vst v0  }
0x45c: {  	[tilespmem:$0x4738] =	vst v0  }
0x45d: {  	[tilespmem:$0x4748] =	vst v0  }
0x45e: {  	[tilespmem:$0x4758] =	vst v0  }
0x45f: {  	[tilespmem:$0x4768] =	vst v0  }
0x460: {  	[tilespmem:$0x4778] =	vst v0  }
0x461: {  	[tilespmem:$0x4788] =	vst v0  }
0x462: {  	[tilespmem:$0x4798] =	vst v0  }
0x463: {  	[tilespmem:$0x47A8] =	vst v0  }
0x464: {  	[tilespmem:$0x47B8] =	vst v0  }
0x465: {  	[tilespmem:$0x47C8] =	vst v0  }
0x466: {  	[tilespmem:$0x47D8] =	vst v0  }
0x467: {  	[tilespmem:$0x47E8] =	vst v0  }
0x468: {  	[tilespmem:$0x47F8] =	vst v0  }
0x469: {  	[tilespmem:$0x4808] =	vst v0  }
0x46a: {  	[tilespmem:$0x4818] =	vst v0  }
0x46b: {  	[tilespmem:$0x4828] =	vst v0  }
0x46c: {  	[tilespmem:$0x4838] =	vst v0  }
0x46d: {  	[tilespmem:$0x4848] =	vst v0  }
0x46e: {  	[tilespmem:$0x4858] =	vst v0  }
0x46f: {  	[tilespmem:$0x4868] =	vst v0  }
0x470: {  	[tilespmem:$0x4878] =	vst v0  }
0x471: {  	[tilespmem:$0x4888] =	vst v0  }
0x472: {  	[tilespmem:$0x4898] =	vst v0  }
0x473: {  	[tilespmem:$0x48A8] =	vst v0  }
0x474: {  	[tilespmem:$0x48B8] =	vst v0  }
0x475: {  	[tilespmem:$0x48C8] =	vst v0  }
0x476: {  	[tilespmem:$0x48D8] =	vst v0  }
0x477: {  	[tilespmem:$0x48E8] =	vst v0  }
0x478: {  	[tilespmem:$0x48F8] =	vst v0  }
0x479: {  	[tilespmem:$0x4908] =	vst v0  }
0x47a: {  	[tilespmem:$0x4918] =	vst v0  }
0x47b: {  	[tilespmem:$0x4928] =	vst v0  }
0x47c: {  	[tilespmem:$0x4938] =	vst v0  }
0x47d: {  	[tilespmem:$0x4948] =	vst v0  }
0x47e: {  	[tilespmem:$0x4958] =	vst v0  }
0x47f: {  	[tilespmem:$0x4968] =	vst v0  }
0x480: {  	[tilespmem:$0x4978] =	vst v0  }
0x481: {  	[tilespmem:$0x4988] =	vst v0  }
0x482: {  	[tilespmem:$0x4998] =	vst v0  }
0x483: {  	[tilespmem:$0x49A8] =	vst v0  }
0x484: {  	[tilespmem:$0x49B8] =	vst v0  }
0x485: {  	[tilespmem:$0x49C8] =	vst v0  }
0x486: {  	[tilespmem:$0x49D8] =	vst v0  }
0x487: {  	[tilespmem:$0x49E8] =	vst v0  }
0x488: {  	[tilespmem:$0x49F8] =	vst v0  }
0x489: {  	[tilespmem:$0x4A08] =	vst v0  }
0x48a: {  	[tilespmem:$0x4A18] =	vst v0  }
0x48b: {  	[tilespmem:$0x4A28] =	vst v0  }
0x48c: {  	[tilespmem:$0x4A38] =	vst v0  }
0x48d: {  	[tilespmem:$0x4A48] =	vst v0  }
0x48e: {  	[tilespmem:$0x4A58] =	vst v0  }
0x48f: {  	[tilespmem:$0x4A68] =	vst v0  }
0x490: {  	[tilespmem:$0x4A78] =	vst v0  }
0x491: {  	[tilespmem:$0x4A88] =	vst v0  }
0x492: {  	[tilespmem:$0x4A98] =	vst v0  }
0x493: {  	[tilespmem:$0x4AA8] =	vst v0  }
0x494: {  	[tilespmem:$0x4AB8] =	vst v0  }
0x495: {  	[tilespmem:$0x4AC8] =	vst v0  }
0x496: {  	[tilespmem:$0x4AD8] =	vst v0  }
0x497: {  	[tilespmem:$0x4AE8] =	vst v0  }
0x498: {  	[tilespmem:$0x4AF8] =	vst v0  }
0x499: {  	[tilespmem:$0x4B08] =	vst v0  }
0x49a: {  	[tilespmem:$0x4B18] =	vst v0  }
0x49b: {  	[tilespmem:$0x4B28] =	vst v0  }
0x49c: {  	[tilespmem:$0x4B38] =	vst v0  }
0x49d: {  	[tilespmem:$0x4B48] =	vst v0  }
0x49e: {  	[tilespmem:$0x4B58] =	vst v0  }
0x49f: {  	[tilespmem:$0x4B68] =	vst v0  }
0x4a0: {  	[tilespmem:$0x4B78] =	vst v0  }
0x4a1: {  	[tilespmem:$0x4B88] =	vst v0  }
0x4a2: {  	[tilespmem:$0x4B98] =	vst v0  }
0x4a3: {  	[tilespmem:$0x4BA8] =	vst v0  }
0x4a4: {  	[tilespmem:$0x4BB8] =	vst v0  }
0x4a5: {  	[tilespmem:$0x4BC8] =	vst v0  }
0x4a6: {  	[tilespmem:$0x4BD8] =	vst v0  }
0x4a7: {  	[tilespmem:$0x4BE8] =	vst v0  }
0x4a8: {  	[tilespmem:$0x4BF8] =	vst v0  }
0x4a9: {  	[tilespmem:$0x4C08] =	vst v0  }
0x4aa: {  	[tilespmem:$0x4C18] =	vst v0  }
0x4ab: {  	[tilespmem:$0x4C28] =	vst v0  }
0x4ac: {  	[tilespmem:$0x4C38] =	vst v0  }
0x4ad: {  	[tilespmem:$0x4C48] =	vst v0  }
0x4ae: {  	[tilespmem:$0x4C58] =	vst v0  }
0x4af: {  	[tilespmem:$0x4C68] =	vst v0  }
0x4b0: {  	[tilespmem:$0x4C78] =	vst v0  }
0x4b1: {  	[tilespmem:$0x4C88] =	vst v0  }
0x4b2: {  	[tilespmem:$0x4C98] =	vst v0  }
0x4b3: {  	[tilespmem:$0x4CA8] =	vst v0  }
0x4b4: {  	[tilespmem:$0x4CB8] =	vst v0  }
0x4b5: {  	[tilespmem:$0x4CC8] =	vst v0  }
0x4b6: {  	[tilespmem:$0x4CD8] =	vst v0  }
0x4b7: {  	[tilespmem:$0x4CE8] =	vst v0  }
0x4b8: {  	[tilespmem:$0x4CF8] =	vst v0  }
0x4b9: {  	[tilespmem:$0x4D08] =	vst v0  }
0x4ba: {  	[tilespmem:$0x4D18] =	vst v0  }
0x4bb: {  	[tilespmem:$0x4D28] =	vst v0  }
0x4bc: {  	[tilespmem:$0x4D38] =	vst v0  }
0x4bd: {  	[tilespmem:$0x4D48] =	vst v0  }
0x4be: {  	[tilespmem:$0x4D58] =	vst v0  }
0x4bf: {  	[tilespmem:$0x4D68] =	vst v0  }
0x4c0: {  	[tilespmem:$0x4D78] =	vst v0  }
0x4c1: {  	[tilespmem:$0x4D88] =	vst v0  }
0x4c2: {  	[tilespmem:$0x4D98] =	vst v0  }
0x4c3: {  	[tilespmem:$0x4DA8] =	vst v0  }
0x4c4: {  	[tilespmem:$0x4DB8] =	vst v0  }
0x4c5: {  	[tilespmem:$0x4DC8] =	vst v0  }
0x4c6: {  	[tilespmem:$0x4DD8] =	vst v0  }
0x4c7: {  	[tilespmem:$0x4DE8] =	vst v0  }
0x4c8: {  	[tilespmem:$0x4DF8] =	vst v0  }
0x4c9: {  	[tilespmem:$0x4E08] =	vst v0  }
0x4ca: {  	[tilespmem:$0x4E18] =	vst v0  }
0x4cb: {  	[tilespmem:$0x4E28] =	vst v0  }
0x4cc: {  	[tilespmem:$0x4E38] =	vst v0  }
0x4cd: {  	[tilespmem:$0x4E48] =	vst v0  }
0x4ce: {  	[tilespmem:$0x4E58] =	vst v0  }
0x4cf: {  	[tilespmem:$0x4E68] =	vst v0  }
0x4d0: {  	[tilespmem:$0x4E78] =	vst v0  }
0x4d1: {  	[tilespmem:$0x4E88] =	vst v0  }
0x4d2: {  	[tilespmem:$0x4E98] =	vst v0  }
0x4d3: {  	[tilespmem:$0x4EA8] =	vst v0  }
0x4d4: {  	[tilespmem:$0x4EB8] =	vst v0  }
0x4d5: {  	[tilespmem:$0x4EC8] =	vst v0  }
0x4d6: {  	[tilespmem:$0x4ED8] =	vst v0  }
0x4d7: {  	[tilespmem:$0x4EE8] =	vst v0  }
0x4d8: {  	[tilespmem:$0x4EF8] =	vst v0  }
0x4d9: {  	[tilespmem:$0x4F08] =	vst v0  }
0x4da: {  	[tilespmem:$0x4F18] =	vst v0  }
0x4db: {  	[tilespmem:$0x4F28] =	vst v0  }
0x4dc: {  	[tilespmem:$0x4F38] =	vst v0  }
0x4dd: {  	[tilespmem:$0x4F48] =	vst v0  }
0x4de: {  	[tilespmem:$0x4F58] =	vst v0  }
0x4df: {  	[tilespmem:$0x4F68] =	vst v0  }
0x4e0: {  	[tilespmem:$0x4F78] =	vst v0  }
0x4e1: {  	[tilespmem:$0x4F88] =	vst v0  }
0x4e2: {  	[tilespmem:$0x4F98] =	vst v0  }
0x4e3: {  	[tilespmem:$0x4FA8] =	vst v0  }
0x4e4: {  	[tilespmem:$0x4FB8] =	vst v0  }
0x4e5: {  	[tilespmem:$0x4FC8] =	vst v0  }
0x4e6: {  	[tilespmem:$0x4FD8] =	vst v0  }
0x4e7: {  	[tilespmem:$0x4FE8] =	vst v0  }
0x4e8: {  	[tilespmem:$0x4FF8] =	vst v0  }
0x4e9: {  	[tilespmem:$0x5008] =	vst v0  }
0x4ea: {  	[tilespmem:$0x5018] =	vst v0  }
0x4eb: {  	[tilespmem:$0x5028] =	vst v0  }
0x4ec: {  	[tilespmem:$0x5038] =	vst v0  }
0x4ed: {  	[tilespmem:$0x5048] =	vst v0  }
0x4ee: {  	[tilespmem:$0x5058] =	vst v0  }
0x4ef: {  	[tilespmem:$0x5068] =	vst v0  }
0x4f0: {  	[tilespmem:$0x5078] =	vst v0  }
0x4f1: {  	[tilespmem:$0x5088] =	vst v0  }
0x4f2: {  	[tilespmem:$0x5098] =	vst v0  }
0x4f3: {  	[tilespmem:$0x50A8] =	vst v0  }
0x4f4: {  	[tilespmem:$0x50B8] =	vst v0  }
0x4f5: {  	[tilespmem:$0x50C8] =	vst v0  }
0x4f6: {  	[tilespmem:$0x50D8] =	vst v0  }
0x4f7: {  	[tilespmem:$0x50E8] =	vst v0  }
0x4f8: {  	[tilespmem:$0x50F8] =	vst v0  }
0x4f9: {  	[tilespmem:$0x5108] =	vst v0  }
0x4fa: {  	[tilespmem:$0x5118] =	vst v0  }
0x4fb: {  	[tilespmem:$0x5128] =	vst v0  }
0x4fc: {  	[tilespmem:$0x5138] =	vst v0  }
0x4fd: {  	[tilespmem:$0x5148] =	vst v0  }
0x4fe: {  	[tilespmem:$0x5158] =	vst v0  }
0x4ff: {  	[tilespmem:$0x5168] =	vst v0  }
0x500: {  	[tilespmem:$0x5178] =	vst v0  }
0x501: {  	[tilespmem:$0x5188] =	vst v0  }
0x502: {  	[tilespmem:$0x5198] =	vst v0  }
0x503: {  	[tilespmem:$0x51A8] =	vst v0  }
0x504: {  	[tilespmem:$0x51B8] =	vst v0  }
0x505: {  	[tilespmem:$0x51C8] =	vst v0  }
0x506: {  	[tilespmem:$0x51D8] =	vst v0  }
0x507: {  	[tilespmem:$0x51E8] =	vst v0  }
0x508: {  	[tilespmem:$0x51F8] =	vst v0  }
0x509: {  	[tilespmem:$0x5208] =	vst v0  }
0x50a: {  	[tilespmem:$0x5218] =	vst v0  }
0x50b: {  	[tilespmem:$0x5228] =	vst v0  }
0x50c: {  	[tilespmem:$0x5238] =	vst v0  }
0x50d: {  	[tilespmem:$0x5248] =	vst v0  }
0x50e: {  	[tilespmem:$0x5258] =	vst v0  }
0x50f: {  	[tilespmem:$0x5268] =	vst v0  }
0x510: {  	[tilespmem:$0x5278] =	vst v0  }
0x511: {  	[tilespmem:$0x5288] =	vst v0  }
0x512: {  	[tilespmem:$0x5298] =	vst v0  }
0x513: {  	[tilespmem:$0x52A8] =	vst v0  }
0x514: {  	[tilespmem:$0x52B8] =	vst v0  }
0x515: {  	[tilespmem:$0x52C8] =	vst v0  }
0x516: {  	[tilespmem:$0x52D8] =	vst v0  }
0x517: {  	[tilespmem:$0x52E8] =	vst v0  }
0x518: {  	[tilespmem:$0x52F8] =	vst v0  }
0x519: {  	[tilespmem:$0x5308] =	vst v0  }
0x51a: {  	[tilespmem:$0x5318] =	vst v0  }
0x51b: {  	[tilespmem:$0x5328] =	vst v0  }
0x51c: {  	[tilespmem:$0x5338] =	vst v0  }
0x51d: {  	[tilespmem:$0x5348] =	vst v0  }
0x51e: {  	[tilespmem:$0x5358] =	vst v0  }
0x51f: {  	[tilespmem:$0x5368] =	vst v0  }
0x520: {  	[tilespmem:$0x5378] =	vst v0  }
0x521: {  	[tilespmem:$0x5388] =	vst v0  }
0x522: {  	[tilespmem:$0x5398] =	vst v0  }
0x523: {  	[tilespmem:$0x53A8] =	vst v0  }
0x524: {  	[tilespmem:$0x53B8] =	vst v0  }
0x525: {  	[tilespmem:$0x53C8] =	vst v0  }
0x526: {  	[tilespmem:$0x53D8] =	vst v0  }
0x527: {  	[tilespmem:$0x53E8] =	vst v0  }
0x528: {  	[tilespmem:$0x53F8] =	vst v0  }
0x529: {  	[tilespmem:$0x5408] =	vst v0  }
0x52a: {  	[tilespmem:$0x5418] =	vst v0  }
0x52b: {  	[tilespmem:$0x5428] =	vst v0  }
0x52c: {  	[tilespmem:$0x5438] =	vst v0  }
0x52d: {  	[tilespmem:$0x5448] =	vst v0  }
0x52e: {  	[tilespmem:$0x5458] =	vst v0  }
0x52f: {  	[tilespmem:$0x5468] =	vst v0  }
0x530: {  	[tilespmem:$0x5478] =	vst v0  }
0x531: {  	[tilespmem:$0x5488] =	vst v0  }
0x532: {  	[tilespmem:$0x5498] =	vst v0  }
0x533: {  	[tilespmem:$0x54A8] =	vst v0  }
0x534: {  	[tilespmem:$0x54B8] =	vst v0  }
0x535: {  	[tilespmem:$0x54C8] =	vst v0  }
0x536: {  	[tilespmem:$0x54D8] =	vst v0  }
0x537: {  	[tilespmem:$0x54E8] =	vst v0  }
0x538: {  	[tilespmem:$0x54F8] =	vst v0  }
0x539: {  	[tilespmem:$0x5508] =	vst v0  }
0x53a: {  	[tilespmem:$0x5518] =	vst v0  }
0x53b: {  	[tilespmem:$0x5528] =	vst v0  }
0x53c: {  	[tilespmem:$0x5538] =	vst v0  }
0x53d: {  	[tilespmem:$0x5548] =	vst v0  }
0x53e: {  	[tilespmem:$0x5558] =	vst v0  }
0x53f: {  	[tilespmem:$0x5568] =	vst v0  }
0x540: {  	[tilespmem:$0x5578] =	vst v0  }
0x541: {  	[tilespmem:$0x5588] =	vst v0  }
0x542: {  	[tilespmem:$0x5598] =	vst v0  }
0x543: {  	[tilespmem:$0x55A8] =	vst v0  }
0x544: {  	[tilespmem:$0x55B8] =	vst v0  }
0x545: {  	[tilespmem:$0x55C8] =	vst v0  }
0x546: {  	[tilespmem:$0x55D8] =	vst v0  }
0x547: {  	[tilespmem:$0x55E8] =	vst v0  }
0x548: {  	[tilespmem:$0x55F8] =	vst v0  }
0x549: {  	[tilespmem:$0x5608] =	vst v0  }
0x54a: {  	[tilespmem:$0x5618] =	vst v0  }
0x54b: {  	[tilespmem:$0x5628] =	vst v0  }
0x54c: {  	[tilespmem:$0x5638] =	vst v0  }
0x54d: {  	[tilespmem:$0x5648] =	vst v0  }
0x54e: {  	[tilespmem:$0x5658] =	vst v0  }
0x54f: {  	[tilespmem:$0x5668] =	vst v0  }
0x550: {  	[tilespmem:$0x5678] =	vst v0  }
0x551: {  	[tilespmem:$0x5688] =	vst v0  }
0x552: {  	[tilespmem:$0x5698] =	vst v0  }
0x553: {  	[tilespmem:$0x56A8] =	vst v0  }
0x554: {  	[tilespmem:$0x56B8] =	vst v0  }
0x555: {  	[tilespmem:$0x56C8] =	vst v0  }
0x556: {  	[tilespmem:$0x56D8] =	vst v0  }
0x557: {  	[tilespmem:$0x56E8] =	vst v0  }
0x558: {  	[tilespmem:$0x56F8] =	vst v0  }
0x559: {  	[tilespmem:$0x5708] =	vst v0  }
0x55a: {  	[tilespmem:$0x5718] =	vst v0  }
0x55b: {  	[tilespmem:$0x5728] =	vst v0  }
0x55c: {  	[tilespmem:$0x5738] =	vst v0  }
0x55d: {  	[tilespmem:$0x5748] =	vst v0  }
0x55e: {  	[tilespmem:$0x5758] =	vst v0  }
0x55f: {  	[tilespmem:$0x5768] =	vst v0  }
0x560: {  	[tilespmem:$0x5778] =	vst v0  }
0x561: {  	[tilespmem:$0x5788] =	vst v0  }
0x562: {  	[tilespmem:$0x5798] =	vst v0  }
0x563: {  	[tilespmem:$0x57A8] =	vst v0  }
0x564: {  	[tilespmem:$0x57B8] =	vst v0  }
0x565: {  	[tilespmem:$0x57C8] =	vst v0  }
0x566: {  	[tilespmem:$0x57D8] =	vst v0  }
0x567: {  	[tilespmem:$0x57E8] =	vst v0  }
0x568: {  	[tilespmem:$0x57F8] =	vst v0  }
0x569: {  	[tilespmem:$0x5808] =	vst v0  }
0x56a: {  	[tilespmem:$0x5818] =	vst v0  }
0x56b: {  	[tilespmem:$0x5828] =	vst v0  }
0x56c: {  	[tilespmem:$0x5838] =	vst v0  }
0x56d: {  	[tilespmem:$0x5848] =	vst v0  }
0x56e: {  	[tilespmem:$0x5858] =	vst v0  }
0x56f: {  	[tilespmem:$0x5868] =	vst v0  }
0x570: {  	[tilespmem:$0x5878] =	vst v0  }
0x571: {  	[tilespmem:$0x5888] =	vst v0  }
0x572: {  	[tilespmem:$0x5898] =	vst v0  }
0x573: {  	[tilespmem:$0x58A8] =	vst v0  }
0x574: {  	[tilespmem:$0x58B8] =	vst v0  }
0x575: {  	[tilespmem:$0x58C8] =	vst v0  }
0x576: {  	[tilespmem:$0x58D8] =	vst v0  }
0x577: {  	[tilespmem:$0x58E8] =	vst v0  }
0x578: {  	[tilespmem:$0x58F8] =	vst v0  }
0x579: {  	[tilespmem:$0x5908] =	vst v0  }
0x57a: {  	[tilespmem:$0x5918] =	vst v0  }
0x57b: {  	[tilespmem:$0x5928] =	vst v0  }
0x57c: {  	[tilespmem:$0x5938] =	vst v0  }
0x57d: {  	[tilespmem:$0x5948] =	vst v0  }
0x57e: {  	[tilespmem:$0x5958] =	vst v0  }
0x57f: {  	[tilespmem:$0x5968] =	vst v0  }
0x580: {  	[tilespmem:$0x5978] =	vst v0  }
0x581: {  	[tilespmem:$0x5988] =	vst v0  }
0x582: {  	[tilespmem:$0x5998] =	vst v0  }
0x583: {  	[tilespmem:$0x59A8] =	vst v0  }
0x584: {  	[tilespmem:$0x59B8] =	vst v0  }
0x585: {  	[tilespmem:$0x59C8] =	vst v0  }
0x586: {  	[tilespmem:$0x59D8] =	vst v0  }
0x587: {  	[tilespmem:$0x59E8] =	vst v0  }
0x588: {  	[tilespmem:$0x59F8] =	vst v0  }
0x589: {  	[tilespmem:$0x5A08] =	vst v0  }
0x58a: {  	[tilespmem:$0x5A18] =	vst v0  }
0x58b: {  	[tilespmem:$0x5A28] =	vst v0  }
0x58c: {  	[tilespmem:$0x5A38] =	vst v0  }
0x58d: {  	[tilespmem:$0x5A48] =	vst v0  }
0x58e: {  	[tilespmem:$0x5A58] =	vst v0  }
0x58f: {  	[tilespmem:$0x5A68] =	vst v0  }
0x590: {  	[tilespmem:$0x5A78] =	vst v0  }
0x591: {  	[tilespmem:$0x5A88] =	vst v0  }
0x592: {  	[tilespmem:$0x5A98] =	vst v0  }
0x593: {  	[tilespmem:$0x5AA8] =	vst v0  }
0x594: {  	[tilespmem:$0x5AB8] =	vst v0  }
0x595: {  	[tilespmem:$0x5AC8] =	vst v0  }
0x596: {  	[tilespmem:$0x5AD8] =	vst v0  }
0x597: {  	[tilespmem:$0x5AE8] =	vst v0  }
0x598: {  	[tilespmem:$0x5AF8] =	vst v0  }
0x599: {  	[tilespmem:$0x5B08] =	vst v0  }
0x59a: {  	[tilespmem:$0x5B18] =	vst v0  }
0x59b: {  	[tilespmem:$0x5B28] =	vst v0  }
0x59c: {  	[tilespmem:$0x5B38] =	vst v0  }
0x59d: {  	[tilespmem:$0x5B48] =	vst v0  }
0x59e: {  	[tilespmem:$0x5B58] =	vst v0  }
0x59f: {  	[tilespmem:$0x5B78] =	vst v0  }
0x5a0: {  	[tilespmem:$0x5B88] =	vst v0  }
0x5a1: {  	[tilespmem:$0x5BC8] =	vst v0  }
0x5a2: {  	[tilespmem:$0x6A68] =	vst v0  }
0x5a3: {  	[tilespmem:$0x6A58] =	vst v0  }
0x5a4: {  	[tilespmem:$0x6A48] =	vst v0  }
0x5a5: {  	[tilespmem:$0x6A38] =	vst v0  }
0x5a6: {  	[tilespmem:$0x6A28] =	vst v0  }
0x5a7: {  	[tilespmem:$0x6A18] =	vst v0  }
0x5a8: {  	[tilespmem:$0x6A08] =	vst v0  }
0x5a9: {  	[tilespmem:$0x69F8] =	vst v0  }
0x5aa: {  	[tilespmem:$0x69E8] =	vst v0  }
0x5ab: {  	[tilespmem:$0x69D8] =	vst v0  }
0x5ac: {  	[tilespmem:$0x69C8] =	vst v0  }
0x5ad: {  	[tilespmem:$0x69B8] =	vst v0  }
0x5ae: {  	[tilespmem:$0x69A8] =	vst v0  }
0x5af: {  	[tilespmem:$0x6998] =	vst v0  }
0x5b0: {  	[tilespmem:$0x6988] =	vst v0  }
0x5b1: {  	[tilespmem:$0x6978] =	vst v0  }
0x5b2: {  	[tilespmem:$0x6968] =	vst v0  }
0x5b3: {  	[tilespmem:$0x6958] =	vst v0  }
0x5b4: {  	[tilespmem:$0x6948] =	vst v0  }
0x5b5: {  	[tilespmem:$0x6938] =	vst v0  }
0x5b6: {  	[tilespmem:$0x6928] =	vst v0  }
0x5b7: {  	[tilespmem:$0x6918] =	vst v0  }
0x5b8: {  	[tilespmem:$0x6908] =	vst v0  }
0x5b9: {  	[tilespmem:$0x68F8] =	vst v0  }
0x5ba: {  	[tilespmem:$0x68E8] =	vst v0  }
0x5bb: {  	[tilespmem:$0x68D8] =	vst v0  }
0x5bc: {  	[tilespmem:$0x68C8] =	vst v0  }
0x5bd: {  	[tilespmem:$0x68B8] =	vst v0  }
0x5be: {  	[tilespmem:$0x68A8] =	vst v0  }
0x5bf: {  	[tilespmem:$0x6898] =	vst v0  }
0x5c0: {  	[tilespmem:$0x6888] =	vst v0  }
0x5c1: {  	[tilespmem:$0x6878] =	vst v0  }
0x5c2: {  	[tilespmem:$0x6868] =	vst v0  }
0x5c3: {  	[tilespmem:$0x6858] =	vst v0  }
0x5c4: {  	[tilespmem:$0x6848] =	vst v0  }
0x5c5: {  	[tilespmem:$0x6838] =	vst v0  }
0x5c6: {  	[tilespmem:$0x6828] =	vst v0  }
0x5c7: {  	[tilespmem:$0x6818] =	vst v0  }
0x5c8: {  	[tilespmem:$0x6808] =	vst v0  }
0x5c9: {  	[tilespmem:$0x67F8] =	vst v0  }
0x5ca: {  	[tilespmem:$0x67E8] =	vst v0  }
0x5cb: {  	[tilespmem:$0x67D8] =	vst v0  }
0x5cc: {  	[tilespmem:$0x67C8] =	vst v0  }
0x5cd: {  	[tilespmem:$0x67B8] =	vst v0  }
0x5ce: {  	[tilespmem:$0x67A8] =	vst v0  }
0x5cf: {  	[tilespmem:$0x6798] =	vst v0  }
0x5d0: {  	[tilespmem:$0x6788] =	vst v0  }
0x5d1: {  	[tilespmem:$0x6778] =	vst v0  }
0x5d2: {  	[tilespmem:$0x6768] =	vst v0  }
0x5d3: {  	[tilespmem:$0x6758] =	vst v0  }
0x5d4: {  	[tilespmem:$0x6748] =	vst v0  }
0x5d5: {  	[tilespmem:$0x6738] =	vst v0  }
0x5d6: {  	[tilespmem:$0x6728] =	vst v0  }
0x5d7: {  	[tilespmem:$0x6718] =	vst v0  }
0x5d8: {  	[tilespmem:$0x6708] =	vst v0  }
0x5d9: {  	[tilespmem:$0x66F8] =	vst v0  }
0x5da: {  	[tilespmem:$0x66E8] =	vst v0  }
0x5db: {  	[tilespmem:$0x66D8] =	vst v0  }
0x5dc: {  	[tilespmem:$0x66C8] =	vst v0  }
0x5dd: {  	[tilespmem:$0x66B8] =	vst v0  }
0x5de: {  	[tilespmem:$0x66A8] =	vst v0  }
0x5df: {  	[tilespmem:$0x6698] =	vst v0  }
0x5e0: {  	[tilespmem:$0x6688] =	vst v0  }
0x5e1: {  	[tilespmem:$0x6678] =	vst v0  }
0x5e2: {  	[tilespmem:$0x6668] =	vst v0  }
0x5e3: {  	[tilespmem:$0x6658] =	vst v0  }
0x5e4: {  	[tilespmem:$0x6648] =	vst v0  }
0x5e5: {  	[tilespmem:$0x6638] =	vst v0  }
0x5e6: {  	[tilespmem:$0x6628] =	vst v0  }
0x5e7: {  	[tilespmem:$0x6618] =	vst v0  }
0x5e8: {  	[tilespmem:$0x6608] =	vst v0  }
0x5e9: {  	[tilespmem:$0x65F8] =	vst v0  }
0x5ea: {  	[tilespmem:$0x65E8] =	vst v0  }
0x5eb: {  	[tilespmem:$0x65D8] =	vst v0  }
0x5ec: {  	[tilespmem:$0x65C8] =	vst v0  }
0x5ed: {  	[tilespmem:$0x65B8] =	vst v0  }
0x5ee: {  	[tilespmem:$0x65A8] =	vst v0  }
0x5ef: {  	[tilespmem:$0x6598] =	vst v0  }
0x5f0: {  	[tilespmem:$0x6588] =	vst v0  }
0x5f1: {  	[tilespmem:$0x6578] =	vst v0  }
0x5f2: {  	[tilespmem:$0x6568] =	vst v0  }
0x5f3: {  	[tilespmem:$0x6558] =	vst v0  }
0x5f4: {  	[tilespmem:$0x6548] =	vst v0  }
0x5f5: {  	[tilespmem:$0x6538] =	vst v0  }
0x5f6: {  	[tilespmem:$0x6528] =	vst v0  }
0x5f7: {  	[tilespmem:$0x6518] =	vst v0  }
0x5f8: {  	[tilespmem:$0x6508] =	vst v0  }
0x5f9: {  	[tilespmem:$0x64F8] =	vst v0  }
0x5fa: {  	[tilespmem:$0x64E8] =	vst v0  }
0x5fb: {  	[tilespmem:$0x64D8] =	vst v0  }
0x5fc: {  	[tilespmem:$0x64C8] =	vst v0  }
0x5fd: {  	[tilespmem:$0x64B8] =	vst v0  }
0x5fe: {  	[tilespmem:$0x64A8] =	vst v0  }
0x5ff: {  	[tilespmem:$0x6498] =	vst v0  }
0x600: {  	[tilespmem:$0x6488] =	vst v0  }
0x601: {  	[tilespmem:$0x6478] =	vst v0  }
0x602: {  	[tilespmem:$0x6468] =	vst v0  }
0x603: {  	[tilespmem:$0x6458] =	vst v0  }
0x604: {  	[tilespmem:$0x6448] =	vst v0  }
0x605: {  	[tilespmem:$0x6438] =	vst v0  }
0x606: {  	[tilespmem:$0x6428] =	vst v0  }
0x607: {  	[tilespmem:$0x6418] =	vst v0  }
0x608: {  	[tilespmem:$0x6408] =	vst v0  }
0x609: {  	[tilespmem:$0x63F8] =	vst v0  }
0x60a: {  	[tilespmem:$0x63E8] =	vst v0  }
0x60b: {  	[tilespmem:$0x63D8] =	vst v0  }
0x60c: {  	[tilespmem:$0x63C8] =	vst v0  }
0x60d: {  	[tilespmem:$0x63B8] =	vst v0  }
0x60e: {  	[tilespmem:$0x63A8] =	vst v0  }
0x60f: {  	[tilespmem:$0x6398] =	vst v0  }
0x610: {  	[tilespmem:$0x6388] =	vst v0  }
0x611: {  	[tilespmem:$0x6378] =	vst v0  }
0x612: {  	[tilespmem:$0x6368] =	vst v0  }
0x613: {  	[tilespmem:$0x6358] =	vst v0  }
0x614: {  	[tilespmem:$0x6348] =	vst v0  }
0x615: {  	[tilespmem:$0x6338] =	vst v0  }
0x616: {  	[tilespmem:$0x6328] =	vst v0  }
0x617: {  	[tilespmem:$0x6318] =	vst v0  }
0x618: {  	[tilespmem:$0x6308] =	vst v0  }
0x619: {  	[tilespmem:$0x62F8] =	vst v0  }
0x61a: {  	[tilespmem:$0x62E8] =	vst v0  }
0x61b: {  	[tilespmem:$0x62D8] =	vst v0  }
0x61c: {  	[tilespmem:$0x62C8] =	vst v0  }
0x61d: {  	[tilespmem:$0x62B8] =	vst v0  }
0x61e: {  	[tilespmem:$0x62A8] =	vst v0  }
0x61f: {  	[tilespmem:$0x6298] =	vst v0  }
0x620: {  	[tilespmem:$0x6288] =	vst v0  }
0x621: {  	[tilespmem:$0x6278] =	vst v0  }
0x622: {  	[tilespmem:$0x6268] =	vst v0  }
0x623: {  	[tilespmem:$0x6258] =	vst v0  }
0x624: {  	[tilespmem:$0x6248] =	vst v0  }
0x625: {  	[tilespmem:$0x6238] =	vst v0  }
0x626: {  	[tilespmem:$0x6228] =	vst v0  }
0x627: {  	[tilespmem:$0x6218] =	vst v0  }
0x628: {  	[tilespmem:$0x6208] =	vst v0  }
0x629: {  	[tilespmem:$0x61F8] =	vst v0  }
0x62a: {  	[tilespmem:$0x61E8] =	vst v0  }
0x62b: {  	[tilespmem:$0x61D8] =	vst v0  }
0x62c: {  	[tilespmem:$0x61C8] =	vst v0  }
0x62d: {  	[tilespmem:$0x61B8] =	vst v0  }
0x62e: {  	[tilespmem:$0x61A8] =	vst v0  }
0x62f: {  	[tilespmem:$0x6198] =	vst v0  }
0x630: {  	[tilespmem:$0x6188] =	vst v0  }
0x631: {  	[tilespmem:$0x6178] =	vst v0  }
0x632: {  	[tilespmem:$0x6168] =	vst v0  }
0x633: {  	[tilespmem:$0x6158] =	vst v0  }
0x634: {  	[tilespmem:$0x6148] =	vst v0  }
0x635: {  	[tilespmem:$0x6138] =	vst v0  }
0x636: {  	[tilespmem:$0x6128] =	vst v0  }
0x637: {  	[tilespmem:$0x6118] =	vst v0  }
0x638: {  	[tilespmem:$0x6108] =	vst v0  }
0x639: {  	[tilespmem:$0x60F8] =	vst v0  }
0x63a: {  	[tilespmem:$0x60E8] =	vst v0  }
0x63b: {  	[tilespmem:$0x60D8] =	vst v0  }
0x63c: {  	[tilespmem:$0x60C8] =	vst v0  }
0x63d: {  	[tilespmem:$0x60B8] =	vst v0  }
0x63e: {  	[tilespmem:$0x60A8] =	vst v0  }
0x63f: {  	[tilespmem:$0x6098] =	vst v0  }
0x640: {  	[tilespmem:$0x6088] =	vst v0  }
0x641: {  	[tilespmem:$0x6078] =	vst v0  }
0x642: {  	[tilespmem:$0x6068] =	vst v0  }
0x643: {  	[tilespmem:$0x6058] =	vst v0  }
0x644: {  	[tilespmem:$0x6048] =	vst v0  }
0x645: {  	[tilespmem:$0x6038] =	vst v0  }
0x646: {  	[tilespmem:$0x6028] =	vst v0  }
0x647: {  	[tilespmem:$0x6018] =	vst v0  }
0x648: {  	[tilespmem:$0x6008] =	vst v0  }
0x649: {  	[tilespmem:$0x5FF8] =	vst v0  }
0x64a: {  	[tilespmem:$0x5FE8] =	vst v0  }
0x64b: {  	[tilespmem:$0x5FD8] =	vst v0  }
0x64c: {  	[tilespmem:$0x5FC8] =	vst v0  }
0x64d: {  	[tilespmem:$0x5FB8] =	vst v0  }
0x64e: {  	[tilespmem:$0x5FA8] =	vst v0  }
0x64f: {  	[tilespmem:$0x5F98] =	vst v0  }
0x650: {  	[tilespmem:$0x5F88] =	vst v0  }
0x651: {  	[tilespmem:$0x5F78] =	vst v0  }
0x652: {  	[tilespmem:$0x5F68] =	vst v0  }
0x653: {  	[tilespmem:$0x5F58] =	vst v0  }
0x654: {  	[tilespmem:$0x5F48] =	vst v0  }
0x655: {  	[tilespmem:$0x5F38] =	vst v0  }
0x656: {  	[tilespmem:$0x5F28] =	vst v0  }
0x657: {  	[tilespmem:$0x5F18] =	vst v0  }
0x658: {  	[tilespmem:$0x5F08] =	vst v0  }
0x659: {  	[tilespmem:$0x5EF8] =	vst v0  }
0x65a: {  	[tilespmem:$0x5EE8] =	vst v0  }
0x65b: {  	[tilespmem:$0x5ED8] =	vst v0  }
0x65c: {  	[tilespmem:$0x5EC8] =	vst v0  }
0x65d: {  	[tilespmem:$0x5EB8] =	vst v0  }
0x65e: {  	[tilespmem:$0x5EA8] =	vst v0  }
0x65f: {  	[tilespmem:$0x5E98] =	vst v0  }
0x660: {  	[tilespmem:$0x5E88] =	vst v0  }
0x661: {  	[tilespmem:$0x5E78] =	vst v0  }
0x662: {  	[tilespmem:$0x5E68] =	vst v0  }
0x663: {  	[tilespmem:$0x5E58] =	vst v0  }
0x664: {  	[tilespmem:$0x5E48] =	vst v0  }
0x665: {  	[tilespmem:$0x5E38] =	vst v0  }
0x666: {  	[tilespmem:$0x5E28] =	vst v0  }
0x667: {  	[tilespmem:$0x5E18] =	vst v0  }
0x668: {  	[tilespmem:$0x5E08] =	vst v0  }
0x669: {  	[tilespmem:$0x5DF8] =	vst v0  }
0x66a: {  	[tilespmem:$0x5DE8] =	vst v0  }
0x66b: {  	[tilespmem:$0x5DD8] =	vst v0  }
0x66c: {  	[tilespmem:$0x5DC8] =	vst v0  }
0x66d: {  	[tilespmem:$0x5DB8] =	vst v0  }
0x66e: {  	[tilespmem:$0x5DA8] =	vst v0  }
0x66f: {  	[tilespmem:$0x5D98] =	vst v0  }
0x670: {  	[tilespmem:$0x5D88] =	vst v0  }
0x671: {  	[tilespmem:$0x5D78] =	vst v0  }
0x672: {  	[tilespmem:$0x5D68] =	vst v0  }
0x673: {  	[tilespmem:$0x5D58] =	vst v0  }
0x674: {  	[tilespmem:$0x5D48] =	vst v0  }
0x675: {  	[tilespmem:$0x5D38] =	vst v0  }
0x676: {  	[tilespmem:$0x5D28] =	vst v0  }
0x677: {  	[tilespmem:$0x5D18] =	vst v0  }
0x678: {  	[tilespmem:$0x5D08] =	vst v0  }
0x679: {  	[tilespmem:$0x5CF8] =	vst v0  }
0x67a: {  	[tilespmem:$0x5CE8] =	vst v0  }
0x67b: {  	[tilespmem:$0x5CD8] =	vst v0  }
0x67c: {  	[tilespmem:$0x5CC8] =	vst v0  }
0x67d: {  	[tilespmem:$0x5CB8] =	vst v0  }
0x67e: {  	[tilespmem:$0x5CA8] =	vst v0  }
0x67f: {  	[tilespmem:$0x5C98] =	vst v0  }
0x680: {  	[tilespmem:$0x5C88] =	vst v0  }
0x681: {  	[tilespmem:$0x5C78] =	vst v0  }
0x682: {  	[tilespmem:$0x5C68] =	vst v0  }
0x683: {  	[tilespmem:$0x5C58] =	vst v0  }
0x684: {  	[tilespmem:$0x5C48] =	vst v0  }
0x685: {  	[tilespmem:$0x5C38] =	vst v0  }
0x686: {  	[tilespmem:$0x5C28] =	vst v0  }
0x687: {  	s1 =	stileid.u32;
	s4 =	simm.s32 $0x5100;
	s26 =	simm.s32 $0x2;
	[tilespmem:$0x5C18] =	vst v0  }
0x688: {  	s28 =	simm.s32 $0x7;
	s29 =	simm.s32 $0x8;
	s25 =	smul.u32 $0xA1, s1;
	[tilespmem:$0x5C08] =	vst v0  }
0x689: {  	s31 =	simm.s32 $0x9;
	s21 =	simm.s32 $0x0;
	s3 =	smin.u32 s1, $0x3;
	[tilespmem:$0x5BF8] =	vst v0  }
0x68a: {  	p1 =	por $0x0, $0x0;
	p0 =	slt.u32 s1, $0x3;
	[tilespmem:$0x5BE8] =	vst v0;
	s0 =	sadd.s32 s3, s25  }
0x68b: {  	s15 =	simm.s32 $0x80;
	[tilespmem:$0x5BD8] =	vst v0;
	s4 =	simm.s32 @!p0 $0x5080;
	s5 =	sshll.u32 s0, $0x7  }
0x68c: {  	s16 =	simm.s32 $0x400;
	s17 =	simm.s32 $0xA;
	[tilespmem:$0x5BB8] =	vst v0;
	s0 =	sadd.s32 s4, s5  }
0x68d: {  	s18 =	simm.s32 $0x0;
	s20 =	simm.s32 $0x0;
	[tilespmem:$0x5BA8] =	vst v0;
	s8 =	smin.u32 s0, $0x50910  }
0x68e: {  	s6 =	sadd.s32 $0xBA00, s2;
	s9 =	sadd.s32 $0x34A00, s2;
	[tilespmem:$0x5B98] =	vst v0;
	s0 =	ssub.s32 s8, s5  }
0x68f: {  	s7 =	smul.u32 $0x680, s1;
	[tilespmem:$0x5B68] =	vst v0;
	[sflag:s26] =	ssyncpa.u1 $0x0;
	p0 =	sgt.s32 s0, $0x0  }
.Ltmp0:
0x690: {  	v0 =	vimm.s32 $0xFFFFFFFF;
	s3 =	sadd.s32 $0xA46C00, s2;
	s0 =	simm.s32 @!p0 $0x0;
	(pc) =	sbr.rel .LBB2_1-.Ltmp0, $4  }
0x691: {  	s2 =	sadd.s32 $0x15C00, s2;
	[tilespmem:$0xD348] =	vst v0;
	[sflag:s28] =	ssyncpa.u1 $0x0;
	s30 =	sshrl.u32 s0, $0x4  }
0x692: {  	[sflag:s29] =	ssyncpa.u1 $0x0;
	s0 =	sshrl.u32 s0, $0x7;
	s4 =	sand.u32 $0x1, s30  }
0x693: {  	s13 =	sshrl.u32 s7, $0x2;
	[sflag:s31] =	ssyncpa.u1 $0x0;
	s12 =	sadd.s32 s0, s4  }
0x694: {  	v0 =	vlaneseq.u32;
	s19 =	smov.u32 s5;
	p0 =	por $0x1, $0x1;
	s14 =	sadd.s32 $0x1, s12  }
.LBB2_22:
0x695: {  	s0 =	sshrl.u32 s30, $0x2  }
.LBB2_24:
0x696: {  	_ =	swait.ge [sflag:s17], s0  }
0x697: {  	s31 =	ssub.s32 $0x0, s0;
	v1 =	vmov s23;
	vm0 =	veq.s32 v0, $0x0;
	[sflag:s17] =	ssyncset.done $0x0  }
0x698: {  	vm15 =	veq.s32 v0, $0x2;
	v1 =	vsel vm0, s29, v1;
	[sflag:s17] =	ssyncadd.s32 s31  }
0x699: {  	v1 =	vsel vm15, s21, v1;
	[sflag:s17] =	ssyncpa.u1 $0x1  }
0x69a: {  	[tilespmem:$0xD348] =	vst v1  }
.LBB2_25:
0x69b: {  	s0 =	sadd.s32 $0x80, s19  }
0x69c: {  	s1 =	smov.u32 s5;
	p2 =	slt.s32 s0, s8  }
0x69d: {  	s1 =	smov.u32 @p2 s0;
	p2 =	sne.s32 s20, s14  }
.Ltmp1:
0x69e: {  	_ = 	snop;
	(pc) =	sbr.rel @!p2 .LBB2_26-.Ltmp1, $4  }
0x69f: {  	_ = 	snop  }
0x6a0: {  	s21 =	smov.u32 s18  }
0x6a1: {  	s31 =	sadd.s32 $0x1, s20;
	s18 =	smov.u32 s19;
	p0 =	por !p0, !p0  }
0x6a2: {  	p1 =	por !p1, !p1;
	s20 =	smov.u32 s31;
	s19 =	smov.u32 s1  }
.LBB2_1:
0x6a3: {  	p2 =	sge.u32 s20, s12  }
0x6a4: {  	s0 =	smov.u32 s19;
	p3 =	sgt.s32 @!p2 s19, $0x50890  }
0x6a5: {  	s4 =	sshra.s32 @!p2 s19, $0x1F;
	s7 =	smulhi.u32 @!p2 $0xAAAAAAAB, s20;
	p3 =	por !p3, p2  }
0x6a6: {  	s4 =	sand.u32 @!p2 s4, s19;
	s0 =	simm.s32 @p3 $0x50890  }
0x6a7: {  	s0 =	ssub.s32 @!p2 s0, s4;
	s4 =	sshrl.u32 @!p2 s7, $0x1  }
0x6a8: {  	s0 =	sadd.s32 @!p2 $0xFFFAF770, s0;
	s4 =	smul.u32 @!p2 $0x3, s4  }
0x6a9: {  	s10 =	sand.u32 @!p2 $0x7, s19;
	s7 =	sshll.u32 @!p2 s0, $0x2;
	p3 =	sgt.s32 @!p2 s0, $0x7F  }
0x6aa: {  	s0 =	ssub.s32 @!p2 $0x200, s7;
	s4 =	ssub.s32 @!p2 s20, s4;
	p3 =	por !p3, p2  }
0x6ab: {  	s7 =	sshrl.u32 @!p2 s19, $0x3;
	s0 =	sshrl.u32 @!p2 s0, $0x2;
	s4 =	sshll.u32 @!p2 s4, $0x7  }
0x6ac: {  	s7 =	sadd.s32 @!p2 s2, s7;
	s0 =	simm.s32 @!p3 $0x0;
	s4 =	sadd.s32 @!p2 $0xED78, s4  }
0x6ad: {  	[tilespmem:s4], [sflag:$0x8] =	stream.linear.gather @!p2 [hbm4b:s7+s10], s0, $0x38;
	[tilespmem:$0x1EFF8] =	vst v63  }
0x6ae: {  	s0 =	sadd.s32 $0xFFFFFFFF, s20  }
0x6af: {  	p2 =	sge.u32 s0, s12  }
0x6b0: {  	p3 =	sgt.s32 @!p2 s18, $0x50890  }
0x6b1: {  	s4 =	smov.u32 s18;
	s7 =	sshra.s32 @!p2 s18, $0x1F;
	p3 =	por !p3, p2  }
0x6b2: {  	s7 =	sand.u32 @!p2 s7, s18;
	s4 =	simm.s32 @p3 $0x50890  }
0x6b3: {  	s4 =	ssub.s32 @!p2 s4, s7  }
0x6b4: {  	s4 =	sadd.s32 @!p2 $0xFFFAF770, s4  }
0x6b5: {  	s7 =	sshll.u32 @!p2 s4, $0x2  }
0x6b6: {  	p3 =	sgt.s32 @!p2 s4, $0x7F;
	s4 =	ssub.s32 @!p2 $0x200, s7  }
0x6b7: {  	p3 =	por !p3, p2;
	s4 =	sshrl.u32 @!p2 s4, $0x2  }
0x6b8: {  	s7 =	simm.s32 @!p2 $0x8;
	s4 =	simm.s32 @!p3 $0x0  }
0x6b9: {  	_ =	swait.ge @!p2 [sflag:s7], s4  }
0x6ba: {  	s10 =	sand.u32 @!p2 $0x1, s0;
	s22 =	ssub.s32 @!p2 $0x0, s4;
	[sflag:s7] =	ssyncset.done @!p2 $0x0  }
0x6bb: {  	s10 =	sshll.u32 @!p2 s10, $0x7;
	[sflag:s7] =	ssyncadd.s32 @!p2 s22;
	s7 =	sshrl.u32 @!p2 s18, $0x3  }
0x6bc: {  	s10 =	sadd.s32 @!p2 $0xEEF8, s10;
	s22 =	sand.u32 @!p2 $0x7, s18;
	s7 =	sadd.s32 @!p2 s6, s7  }
0x6bd: {  	[tilespmem:s10], [sflag:$0x9] =	stream.linear.gather @!p2 [hbm4b:s7+s22], s4, $0x38;
	[tilespmem:$0x1EFF8] =	vst v63  }
0x6be: {  	s22 =	ssub.s32 @!p2 $0x50910, s18  }
0x6bf: {  	p3 =	slt.s32 @!p2 s22, $0x1  }
0x6c0: {  	p3 =	por p2, p3  }
.Ltmp2:
0x6c1: {  	_ = 	snop;
	(pc) =	sbr.rel @p3 .LBB2_7-.Ltmp2, $1  }
0x6c2: {  	_ =	sdelay $0x3  }
0x6c3: {  	s4 =	smulhi.u32 $0xAAAAAAAB, s0;
	_ =	sdelay $0x1  }
0x6c4: {  	s4 =	sshrl.u32 s4, $0x1  }
0x6c5: {  	s4 =	smul.u32 $0x3, s4  }
.Ltmp3:
0x6c6: {  	_ = 	snop;
	(pc) =	sbr.rel .LBB2_4-.Ltmp3, $4  }
0x6c7: {  	s7 =	simm.s32 $0x1;
	s29 =	ssub.s32 s0, s4  }
0x6c8: {  	p3 =	slt.s32 @!p2 s22, $0x80;
	s7 =	simm.s32 @!p0 $0x0;
	s0 =	sshll.u32 s29, $0x7  }
0x6c9: {  	p2 =	por !p3, p2;
	s30 =	sshll.u32 s7, $0xF;
	s31 =	sadd.s32 $0xED78, s0  }
0x6ca: {  	s22 =	simm.s32 @p2 $0x80;
	s23 =	sadd.s32 $0xEFF8, s30;
	s0 =	simm.s32 $0x0;
	v1 =	vmov s31  }
.LBB2_3:
0x6cb: {  	p2 =	sge.s32 s0, s22  }
.Ltmp4:
0x6cc: {  	_ = 	snop;
	(pc) =	sbr.rel @p2 .LBB2_7-.Ltmp4, $2  }
0x6cd: {  	_ =	sdelay $0x2  }
0x6ce: {  	s23 =	sadd.s32 $0x1000, s23  }
.LBB2_4:
0x6cf: {  	p2 =	sle.s32 s22, s0  }
.Ltmp5:
0x6d0: {  	_ = 	snop;
	(pc) =	sbr.rel @p2 .LBB2_3-.Ltmp5, $2  }
0x6d1: {  	_ =	sdelay $0x2  }
0x6d2: {  	s24 =	smov.u32 s0;
	s0 =	sadd.s32 $0x10, s0  }
0x6d3: {  	s4 =	ssub.s32 s22, s24  }
0x6d4: {  	p2 =	slt.s32 s4, $0x10  }
0x6d5: {  	s4 =	simm.s32 @!p2 $0x10  }
0x6d6: {  	v2 =	vmov s4  }
0x6d7: {  	vm0 =	vgt.s32 v2, v0;
	_ =	sdelay $0x5  }
0x6d8: {  	v2 =	vld.idx.msk [tilespmem:v1+s24+$0x0 ss:$0x1], vm0;
	_ =	sdelay $0x2  }
0x6d9: {  	p2 =	slt.s32 s0, s22;
	s4 =	smov.u32 s22  }
0x6da: {  	s7 =	smov.u32 s23;
	s25 =	simm.s32 $0x0;
	s4 =	smov.u32 @p2 s0  }
.LBB2_6:
0x6db: {  	(v2sf) =	vpush v2, s25;
	_ =	sdelay $0xe  }
0x6dc: {  	s25 =	sadd.s32 $0x1, s25;
	s10 =	spop (v2sf)  }
0x6dd: {  	s31 =	sadd.s32 s25, s24;
	s26 =	sshll.u32 s10, $0x8;
	s10 =	sshll.u32 s10, $0x7  }
0x6de: {  	p2 =	slt.s32 s31, s4;
	s26 =	sand.u32 $0xFFFFF800, s26;
	s10 =	sand.u32 $0x380, s10  }
.Ltmp6:
0x6df: {  	s10 =	sor.u32 s10, s26;
	(pc) =	sbr.rel @p2 .LBB2_6-.Ltmp6, $4  }
0x6e0: {  	s10 =	sshrl.u32 s10, $0x3  }
0x6e1: {  	s10 =	sadd.s32 s9, s10  }
0x6e2: {  	[tilespmem:s7], [sflag:$0x7] =	stream.strided.gather [hbm4b:s10+s15], $0x100, s16, s15, $0x38;
	[tilespmem:$0x1EFF8] =	vst v63  }
0x6e3: {  	s7 =	sadd.s32 $0x100, s7  }
.Ltmp7:
0x6e4: {  	_ = 	snop;
	(pc) =	sbr.rel .LBB2_3-.Ltmp7, $1  }
0x6e5: {  	_ =	sdelay $0x3  }
.LBB2_7:
0x6e6: {  	p2 =	slt.u32 s20, $0x2  }
.Ltmp8:
0x6e7: {  	_ = 	snop;
	(pc) =	sbr.rel @p2 .LBB2_25-.Ltmp8, $1  }
0x6e8: {  	_ =	sdelay $0x3  }
0x6e9: {  	p2 =	sgt.s32 s21, $0x50890;
	s0 =	smov.u32 s21  }
0x6ea: {  	s4 =	sshra.s32 s21, $0x1F;
	s7 =	ssub.s32 $0x50910, s21;
	s0 =	simm.s32 @!p2 $0x50890  }
0x6eb: {  	s4 =	sand.u32 s4, s21;
	p2 =	slt.s32 s7, $0x80;
	s10 =	smov.u32 s7  }
0x6ec: {  	s0 =	ssub.s32 s0, s4;
	s10 =	simm.s32 @!p2 $0x80  }
0x6ed: {  	s0 =	sadd.s32 $0xFFFAF770, s0;
	s25 =	sshll.u32 s10, $0x8  }
0x6ee: {  	s1 =	simm.s32 $0x7;
	s26 =	sshll.u32 s0, $0x2;
	s4 =	sand.u32 $0x3FFFFF00, s25  }
0x6ef: {  	p2 =	sgt.s32 s0, $0x7F;
	s28 =	ssub.s32 $0x200, s26;
	_ =	swait.ge [sflag:s1], s4  }
0x6f0: {  	s4 =	ssub.s32 $0x0, s4;
	[sflag:s1] =	ssyncset.done $0x0;
	s0 =	sshrl.u32 s28, $0x2  }
0x6f1: {  	s30 =	simm.s32 $0x9;
	[sflag:s1] =	ssyncadd.s32 s4;
	s0 =	simm.s32 @p2 $0x0  }
0x6f2: {  	_ =	swait.ge [sflag:s30], s0  }
0x6f3: {  	s0 =	ssub.s32 $0x0, s0;
	[sflag:s30] =	ssyncset.done $0x0  }
0x6f4: {  	[sflag:s30] =	ssyncadd.s32 s0  }
0x6f5: {  	v1 =	vld [tilespmem:$0xD348];
	_ =	sdelay $0x4  }
0x6f6: {  	(v2sf) =	vpush v1, $0x0  }
0x6f7: {  	(v2sf) =	vpush v1, $0x1  }
0x6f8: {  	(v2sf) =	vpush v1, $0x2;
	_ =	sdelay $0x3  }
0x6f9: {  	s0 =	sadd.s32 $0x80, s21  }
0x6fa: {  	p2 =	slt.s32 s8, s0  }
0x6fb: {  	s0 =	smov.u32 @p2 s8;
	p2 =	sgt.s32 s7, $0x0  }
0x6fc: {  	s26 =	ssub.s32 s0, s21;
	s7 =	simm.s32 @!p2 $0x0  }
0x6fd: {  	p2 =	slt.s32 s7, s26  }
0x6fe: {  	s26 =	smov.u32 @p2 s7  }
0x6ff: {  	p2 =	slt.s32 s26, $0x1  }
.Ltmp9:
0x700: {  	_ = 	snop;
	(pc) =	sbr.rel @p2 .LBB2_12-.Ltmp9, $4  }
0x701: {  	s25 =	simm.s32 $0x1  }
0x702: {  	s25 =	simm.s32 @!p1 $0x0;
	s24 =	spop (v2sf)  }
0x703: {  	s31 =	sshll.u32 s25, $0x7;
	s29 =	spop (v2sf)  }
0x704: {  	s22 =	sadd.s32 $0xEEF8, s31;
	s21 =	spop (v2sf)  }
0x705: {  	s0 =	smin.u32 s26, $0x10  }
0x706: {  	v1 =	vmov s0  }
0x707: {  	vm1 =	vgt.u32 v1, v0  }
0x708: {  	p3 =	sgt.s32 s26, $0x10  }
.Ltmp10:
0x709: {  	_ = 	snop;
	(pc) =	sbr.rel @!p3 .LBB2_11-.Ltmp10, $2  }
0x70a: {  	_ =	sdelay $0x2  }
0x70b: {  	s23 =	simm.s32 $0x10;
	s28 =	sadd.s32 $0xFFFFFFF0, s26;
	s0 =	smov.u32 s22;
	vm0 =	vmmov vm1;
	v1 =	vld.msk [tilespmem:s22+$0x0 ss:$0x1], vm1  }
.LBB2_10:
0x70c: {  	s4 =	smin.u32 s28, $0x10;
	s23 =	sadd.s32 $0x10, s23  }
0x70d: {  	v2 =	vmov s4;
	p3 =	slt.s32 s23, s26  }
0x70e: {  	vm1 =	vgt.u32 v2, v0;
	_ =	sdelay $0x1  }
0x70f: {  	v2 =	vshll.u32 v1, $0x5;
	v1 =	vshll.u32 v1, $0x4  }
.Ltmp11:
0x710: {  	v2 =	vand.u32 $0xFFFFFF00, v2;
	v1 =	vand.u32 $0x70, v1;
	(pc) =	sbr.rel @p3 .LBB2_10-.Ltmp11, $4  }
0x711: {  	v1 =	vor.u32 v1, v2  }
0x712: {  	[tilespmem:s0+$0x0] =	vst.msk vm0, v1;
	s0 =	sadd.s32 $0x10, s0;
	vm0 =	vmmov vm1  }
0x713: {  	v1 =	vld.msk [tilespmem:s0+$0x0 ss:$0x1], vm1  }
0x714: {  	s28 =	sadd.s32 $0xFFFFFFF0, s28  }
.LBB2_11:
0x715: {  	_ =	sdelay $0x3  }
0x716: {  	v2 =	vshll.u32 v1, $0x5;
	v1 =	vshll.u32 v1, $0x4  }
0x717: {  	v2 =	vand.u32 $0xFFFFFF00, v2;
	v1 =	vand.u32 $0x70, v1  }
0x718: {  	v1 =	vor.u32 v1, v2  }
0x719: {  	[tilespmem:s0+$0x0] =	vst.msk vm0, v1  }
.LBB2_12:
0x71a: {  	s0 =	sand.u32 $0x1, s20  }
0x71b: {  	p3 =	sne.s32 s29, $0xFFFFFFFF;
	s0 =	sshll.u32 s0, $0x7  }
0x71c: {  	v1 =	vld.msk @!p3 [tilespmem:s0+$0xEEF8], $0x1;
	_ =	sdelay $0x4  }
0x71d: {  	(v2sf) =	vpush @!p3 v1, $0x0;
	_ =	sdelay $0xc  }
.Ltmp12:
0x71e: {  	_ = 	snop;
	(pc) =	sbr.rel @p2 .LBB2_23-.Ltmp12, $4  }
0x71f: {  	_ = 	snop  }
0x720: {  	s28 =	spop @!p3 (v2sf)  }
0x721: {  	s21 =	simm.s32 @!p3 $0x0;
	s23 =	smov.u32 s28  }
0x722: {  	[sflag:s17] =	ssyncpa.u1 $0x0;
	s28 =	smov.u32 @p3 s24;
	s23 =	smov.u32 @p3 s29  }
0x723: {  	v1 =	vld.msk [tilespmem:s22+$0x0], $0x1;
	_ =	sdelay $0x4  }
0x724: {  	(v2sf) =	vpush v1, $0x0;
	_ =	sdelay $0xe  }
0x725: {  	s24 =	simm.s32 $0x0;
	s0 =	sshll.u32 s25, $0xF;
	s30 =	spop (v2sf)  }
0x726: {  	s7 =	smov.u32 s28;
	s26 =	ssub.s32 $0x0, s26;
	p2 =	seq.s32 s28, s30  }
0x727: {  	s25 =	sadd.s32 $0xF058, s0;
	s29 =	sadd.s32 $0x1, s26;
	p3 =	sgt.s32 @!p2 s28, $0x0  }
0x728: {  	s4 =	smul.u32 @!p2 $0x340, s24;
	s0 =	simm.s32 @!p2 $0x1;
	p3 =	por !p3, p2  }
0x729: {  	s0 =	smov.u32 @p2 s24;
	s7 =	simm.s32 @p3 $0x0;
	p3 =	seq.s32 s29, $0x0  }
.Ltmp13:
0x72a: {  	s10 =	sshra.s32 @!p2 s4, $0x2;
	s4 =	smin.u32 @!p2 s7, $0x4E177;
	(pc) =	sbr.rel @p3 .LBB2_15-.Ltmp13, $4  }
0x72b: {  	s7 =	sadd.s32 @!p2 $0x6A78, s10;
	s31 =	sand.u32 @!p2 $0x7FFF8, s4;
	s11 =	sadd.s32 @!p2 $0x80, s4  }
0x72c: {  	s4 =	sand.u32 @!p2 $0x7, s4;
	s31 =	sadd.s32 @!p2 s3, s31;
	s11 =	sand.u32 @!p2 $0xFFFF8, s11  }
0x72d: {  	[tilespmem:s7], [sflag:$0x2] =	stream.linear.gather @!p2 [hbm4b:s31+s4], $0x80, $0x38;
	[tilespmem:$0x1EFF8] =	vst v63  }
0x72e: {  	s7 =	sadd.s32 @!p2 $0x6AF8, s10;
	s10 =	sadd.s32 @!p2 s3, s11;
	s31 =	sadd.s32 $0x1, s22  }
.LBB2_14:
0x72f: {  	s11 =	smov.u32 s0  }
0x730: {  	[tilespmem:s7], [sflag:$0x2] =	stream.linear.gather @!p2 [hbm4b:s10+s4], $0x48, $0x38;
	[tilespmem:$0x1EFF8] =	vst v63  }
0x731: {  	s29 =	sadd.s32 $0x1, s29;
	s4 =	smov.u32 s30;
	v1 =	vld.msk [tilespmem:s31+$0x0], $0x1  }
0x732: {  	p3 =	seq.s32 s29, $0x0;
	_ =	sdelay $0x3  }
0x733: {  	(v2sf) =	vpush v1, $0x0;
	_ =	sdelay $0xe  }
0x734: {  	s30 =	spop (v2sf)  }
0x735: {  	p2 =	seq.s32 s4, s30  }
0x736: {  	p4 =	sgt.s32 @!p2 s4, $0x0;
	s7 =	smul.u32 @!p2 $0x340, s0;
	s0 =	sadd.s32 @!p2 $0x1, s0  }
0x737: {  	p4 =	por !p4, p2;
	s0 =	smov.u32 @p2 s11  }
0x738: {  	s4 =	simm.s32 @p4 $0x0;
	s7 =	sshra.s32 @!p2 s7, $0x2  }
.Ltmp14:
0x739: {  	s4 =	smin.u32 @!p2 s4, $0x4E177;
	s10 =	sadd.s32 @!p2 $0x6A78, s7;
	(pc) =	sbr.rel @!p3 .LBB2_14-.Ltmp14, $4  }
0x73a: {  	s7 =	sadd.s32 @!p2 $0x6AF8, s7;
	s11 =	sand.u32 @!p2 $0x7FFF8, s4;
	s1 =	sadd.s32 @!p2 $0x80, s4  }
0x73b: {  	s4 =	sand.u32 @!p2 $0x7, s4;
	s11 =	sadd.s32 @!p2 s3, s11;
	s1 =	sand.u32 @!p2 $0xFFFF8, s1  }
0x73c: {  	[tilespmem:s10], [sflag:$0x2] =	stream.linear.gather @!p2 [hbm4b:s11+s4], $0x80, $0x38;
	[tilespmem:$0x1EFF8] =	vst v63  }
0x73d: {  	s31 =	sadd.s32 $0x1, s31;
	s10 =	sadd.s32 @!p2 s3, s1  }
.LBB2_15:
0x73e: {  	s0 =	smul.u32 $0x320, s0  }
0x73f: {  	[tilespmem:s7], [sflag:$0x2] =	stream.linear.gather @!p2 [hbm4b:s10+s4], $0x48, $0x38;
	[tilespmem:$0x1EFF8] =	vst v63  }
.Ltmp15:
0x740: {  	_ = 	snop;
	(pc) =	sbr.rel .LBB2_16-.Ltmp15, $4  }
0x741: {  	s1 =	simm.s32 $0x2;
	s0 =	sshrl.u32 s0, $0x2  }
0x742: {  	_ =	swait.ge [sflag:s1], s0  }
0x743: {  	s0 =	ssub.s32 $0x0, s0;
	[sflag:s1] =	ssyncset.done $0x0  }
0x744: {  	s30 =	simm.s32 $0x0;
	s7 =	simm.s32 $0x1;
	[sflag:s1] =	ssyncadd.s32 s0  }
.LBB2_17:
0x745: {  	v1 =	vld [tilespmem:s25+$0xFFFFFFA0];
	_ =	sdelay $0x4  }
0x746: {  	[tilespmem:s31+$0x1A8] =	vst.add.f32.msk $0xffff, v1  }
0x747: {  	v1 =	vld [tilespmem:s25+$0xFFFFFFB0];
	_ =	sdelay $0x4  }
0x748: {  	[tilespmem:s31+$0x1B8] =	vst.add.f32.msk $0xffff, v1  }
0x749: {  	v1 =	vld [tilespmem:s25+$0xFFFFFFC0];
	_ =	sdelay $0x4  }
0x74a: {  	[tilespmem:s31+$0x1C8] =	vst.add.f32.msk $0xffff, v1  }
0x74b: {  	v1 =	vld [tilespmem:s25+$0xFFFFFFD0];
	_ =	sdelay $0x4  }
0x74c: {  	[tilespmem:s31+$0x1D8] =	vst.add.f32.msk $0xffff, v1  }
0x74d: {  	v1 =	vld [tilespmem:s25+$0xFFFFFFE0];
	_ =	sdelay $0x4  }
0x74e: {  	[tilespmem:s31+$0x1E8] =	vst.add.f32.msk $0xffff, v1  }
0x74f: {  	v1 =	vld [tilespmem:s25+$0xFFFFFFF0];
	_ =	sdelay $0x4  }
0x750: {  	[tilespmem:s31+$0x1F8] =	vst.add.f32.msk $0xffff, v1  }
0x751: {  	v1 =	vld [tilespmem:s25+$0x0];
	_ =	sdelay $0x4  }
0x752: {  	[tilespmem:s31+$0x208] =	vst.add.f32.msk $0xffff, v1  }
0x753: {  	v1 =	vld [tilespmem:s25+$0x10];
	_ =	sdelay $0x4  }
0x754: {  	[tilespmem:s31+$0x218] =	vst.add.f32.msk $0xffff, v1  }
0x755: {  	v1 =	vld [tilespmem:s25+$0x20];
	_ =	sdelay $0x4  }
0x756: {  	[tilespmem:s31+$0x228] =	vst.add.f32.msk $0xffff, v1  }
0x757: {  	v1 =	vld [tilespmem:s25+$0x30];
	_ =	sdelay $0x4  }
0x758: {  	[tilespmem:s31+$0x238] =	vst.add.f32.msk $0xffff, v1  }
0x759: {  	v1 =	vld [tilespmem:s25+$0x40];
	_ =	sdelay $0x4  }
0x75a: {  	[tilespmem:s31+$0x248] =	vst.add.f32.msk $0xffff, v1  }
0x75b: {  	v1 =	vld [tilespmem:s25+$0x50];
	_ =	sdelay $0x4  }
0x75c: {  	[tilespmem:s31+$0x258] =	vst.add.f32.msk $0xffff, v1  }
0x75d: {  	v1 =	vld.msk [tilespmem:s25+$0x60], $0xff;
	_ =	sdelay $0x4  }
0x75e: {  	[tilespmem:s31+$0x268] =	vst.add.f32.msk $0xff, v1  }
.LBB2_21:
0x75f: {  	s26 =	sadd.s32 $0x1, s26  }
0x760: {  	p2 =	seq.s32 s26, $0x0  }
.Ltmp16:
0x761: {  	_ = 	snop;
	(pc) =	sbr.rel @p2 .LBB2_22-.Ltmp16, $2  }
0x762: {  	_ =	sdelay $0x2  }
0x763: {  	s22 =	sadd.s32 $0x1, s22;
	s25 =	sadd.s32 $0x100, s25;
	s28 =	smov.u32 s29  }
.LBB2_16:
0x764: {  	v1 =	vld.msk [tilespmem:s22+$0x0], $0x1;
	_ =	sdelay $0x4  }
0x765: {  	(v2sf) =	vpush v1, $0x0;
	_ =	sdelay $0xe  }
0x766: {  	s29 =	spop (v2sf)  }
0x767: {  	p2 =	sne.s32 s28, s29  }
.Ltmp17:
0x768: {  	_ = 	snop;
	(pc) =	sbr.rel @!p2 .LBB2_17-.Ltmp17, $3  }
0x769: {  	_ = 	snop  }
0x76a: {  	s0 =	smul.u32 $0x340, s21;
	_ =	sdelay $0x1  }
0x76b: {  	s31 =	sshra.s32 s0, $0x2  }
0x76c: {  	p2 =	seq.s32 s28, s23  }
.Ltmp18:
0x76d: {  	_ = 	snop;
	(pc) =	sbr.rel @!p2 .LBB2_19-.Ltmp18, $1  }
0x76e: {  	_ =	sdelay $0x3  }
.Ltmp19:
0x76f: {  	s0 =	sadd.s32 $0x1A8, s31;
	(pc) =	sbr.rel .LBB2_20-.Ltmp19, $4  }
0x770: {  	[spmem:s13] =	stream.linear.scatter [tilespmem:s0], [sflag:$0x1], $0xC8, $0x38;
	[tilespmem:$0x1EFF8] =	vst v63  }
0x771: {  	_ =	swait.ge [sflag:s7], $0xC8  }
0x772: {  	[sflag:s7] =	ssyncset.done $0x0  }
0x773: {  	[sflag:s7] =	ssyncadd.s32 $0xFFFFFF38  }
.LBB2_19:
0x774: {  	s0 =	smul.u32 $0x340, s24;
	_ =	sdelay $0x1  }
0x775: {  	s0 =	sshra.s32 s0, $0x2  }
0x776: {  	v1 =	vld [tilespmem:s0+$0x6A78];
	_ =	sdelay $0x4  }
0x777: {  	[tilespmem:s31+$0x1A8] =	vst.add.f32.msk $0xffff, v1  }
0x778: {  	v1 =	vld [tilespmem:s0+$0x6A88];
	_ =	sdelay $0x4  }
0x779: {  	[tilespmem:s31+$0x1B8] =	vst.add.f32.msk $0xffff, v1  }
0x77a: {  	v1 =	vld [tilespmem:s0+$0x6A98];
	_ =	sdelay $0x4  }
0x77b: {  	[tilespmem:s31+$0x1C8] =	vst.add.f32.msk $0xffff, v1  }
0x77c: {  	v1 =	vld [tilespmem:s0+$0x6AA8];
	_ =	sdelay $0x4  }
0x77d: {  	[tilespmem:s31+$0x1D8] =	vst.add.f32.msk $0xffff, v1  }
0x77e: {  	v1 =	vld [tilespmem:s0+$0x6AB8];
	_ =	sdelay $0x4  }
0x77f: {  	[tilespmem:s31+$0x1E8] =	vst.add.f32.msk $0xffff, v1  }
0x780: {  	v1 =	vld [tilespmem:s0+$0x6AC8];
	_ =	sdelay $0x4  }
0x781: {  	[tilespmem:s31+$0x1F8] =	vst.add.f32.msk $0xffff, v1  }
0x782: {  	v1 =	vld [tilespmem:s0+$0x6AD8];
	_ =	sdelay $0x4  }
0x783: {  	[tilespmem:s31+$0x208] =	vst.add.f32.msk $0xffff, v1  }
0x784: {  	v1 =	vld [tilespmem:s0+$0x6AE8];
	_ =	sdelay $0x4  }
0x785: {  	[tilespmem:s31+$0x218] =	vst.add.f32.msk $0xffff, v1  }
0x786: {  	v1 =	vld [tilespmem:s0+$0x6AF8];
	_ =	sdelay $0x4  }
0x787: {  	[tilespmem:s31+$0x228] =	vst.add.f32.msk $0xffff, v1  }
0x788: {  	v1 =	vld [tilespmem:s0+$0x6B08];
	_ =	sdelay $0x4  }
0x789: {  	[tilespmem:s31+$0x238] =	vst.add.f32.msk $0xffff, v1  }
0x78a: {  	v1 =	vld [tilespmem:s0+$0x6B18];
	_ =	sdelay $0x4  }
0x78b: {  	[tilespmem:s31+$0x248] =	vst.add.f32.msk $0xffff, v1  }
0x78c: {  	v1 =	vld [tilespmem:s0+$0x6B28];
	_ =	sdelay $0x4  }
0x78d: {  	[tilespmem:s31+$0x258] =	vst.add.f32.msk $0xffff, v1  }
0x78e: {  	v1 =	vld.msk [tilespmem:s0+$0x6B38], $0xff;
	_ =	sdelay $0x2  }
0x78f: {  	p2 =	sgt.u32 s28, $0x4E177  }
0x790: {  	s0 =	sand.u32 @!p2 $0x7FFF8, s28  }
0x791: {  	s1 =	sadd.s32 $0x1A8, s31;
	s4 =	sand.u32 @!p2 $0x7, s28;
	s0 =	sadd.s32 @!p2 s3, s0;
	[tilespmem:s31+$0x268] =	vst.add.f32.msk $0xff, v1  }
0x792: {  	[hbm4b:s0+s4] =	stream.linear.scatter @!p2 [tilespmem:s1], [sflag:$0xA], $0x80, $0x38;
	[tilespmem:$0x1EFF8] =	vst v63  }
0x793: {  	s0 =	sadd.s32 @!p2 $0x80, s28  }
0x794: {  	s0 =	sand.u32 @!p2 $0xFFFF8, s0  }
0x795: {  	s1 =	sadd.s32 $0x228, s31;
	s0 =	sadd.s32 @!p2 s3, s0  }
0x796: {  	[hbm4b:s0+s4] =	stream.linear.scatter @!p2 [tilespmem:s1], [sflag:$0xA], $0x48, $0x38;
	[tilespmem:$0x1EFF8] =	vst v63  }
0x797: {  	s0 =	simm.s32 $0x0  }
0x798: {  	s0 =	simm.s32 @!p2 $0x320  }
0x799: {  	s30 =	sadd.s32 s0, s30  }
.LBB2_20:
0x79a: {  	s0 =	sadd.s32 $0x1, s21;
	v1 =	vld [tilespmem:s25+$0xFFFFFFA0]  }
0x79b: {  	s21 =	sand.u32 $0x7F, s0  }
0x79c: {  	s0 =	smul.u32 $0x340, s21;
	_ =	sdelay $0x1  }
0x79d: {  	s0 =	sshrl.u32 s0, $0x2  }
0x79e: {  	[tilespmem:s0+$0x1A8] =	vst v1  }
0x79f: {  	v1 =	vld [tilespmem:s25+$0xFFFFFFB0];
	_ =	sdelay $0x4  }
0x7a0: {  	[tilespmem:s0+$0x1B8] =	vst v1  }
0x7a1: {  	v1 =	vld [tilespmem:s25+$0xFFFFFFC0];
	_ =	sdelay $0x4  }
0x7a2: {  	[tilespmem:s0+$0x1C8] =	vst v1  }
0x7a3: {  	v1 =	vld [tilespmem:s25+$0xFFFFFFD0];
	_ =	sdelay $0x4  }
0x7a4: {  	[tilespmem:s0+$0x1D8] =	vst v1  }
0x7a5: {  	v1 =	vld [tilespmem:s25+$0xFFFFFFE0];
	_ =	sdelay $0x4  }
0x7a6: {  	[tilespmem:s0+$0x1E8] =	vst v1  }
0x7a7: {  	v1 =	vld [tilespmem:s25+$0xFFFFFFF0];
	_ =	sdelay $0x4  }
0x7a8: {  	[tilespmem:s0+$0x1F8] =	vst v1  }
0x7a9: {  	v1 =	vld [tilespmem:s25+$0x0];
	_ =	sdelay $0x4  }
0x7aa: {  	[tilespmem:s0+$0x208] =	vst v1  }
0x7ab: {  	v1 =	vld [tilespmem:s25+$0x10];
	_ =	sdelay $0x4  }
0x7ac: {  	[tilespmem:s0+$0x218] =	vst v1  }
0x7ad: {  	v1 =	vld [tilespmem:s25+$0x20];
	_ =	sdelay $0x4  }
0x7ae: {  	[tilespmem:s0+$0x228] =	vst v1  }
0x7af: {  	v1 =	vld [tilespmem:s25+$0x30];
	_ =	sdelay $0x4  }
0x7b0: {  	[tilespmem:s0+$0x238] =	vst v1  }
0x7b1: {  	v1 =	vld [tilespmem:s25+$0x40];
	_ =	sdelay $0x4  }
0x7b2: {  	[tilespmem:s0+$0x248] =	vst v1  }
0x7b3: {  	v1 =	vld [tilespmem:s25+$0x50];
	_ =	sdelay $0x4  }
0x7b4: {  	[tilespmem:s0+$0x258] =	vst v1  }
0x7b5: {  	v1 =	vld.msk [tilespmem:s25+$0x60], $0xff  }
.Ltmp20:
0x7b6: {  	_ = 	snop;
	(pc) =	sbr.rel .LBB2_21-.Ltmp20, $2  }
0x7b7: {  	_ =	sdelay $0x2  }
0x7b8: {  	s24 =	sadd.s32 $0x1, s24;
	[tilespmem:s0+$0x268] =	vst.msk $0xff, v1  }
.LBB2_23:
.Ltmp21:
0x7b9: {  	(pc) =	sbr.rel .LBB2_24-.Ltmp21, $4  }
0x7ba: {  	_ = 	snop  }
0x7bb: {  	s0 =	simm.s32 $0x2  }
0x7bc: {  	_ =	swait.ge [sflag:s0], $0x0  }
0x7bd: {  	s29 =	smov.u32 s28;
	[sflag:s0] =	ssyncset.done $0x0;
	s0 =	simm.s32 $0x0  }
.LBB2_26:
0x7be: {  	_ =	sfence.sel $0x180000  }
0x7bf: {  	s0 =	simm.s32 $0x7;
	[bflag:$0x0] =	sbarrier.arrive $0xFFFF  }
0x7c0: {  	s25 =	simm.s32 $0x8;
	[sflag:s0] =	ssyncpa.u1 $0x1  }
0x7c1: {  	s26 =	simm.s32 $0x9;
	[sflag:s25] =	ssyncpa.u1 $0x1  }
0x7c2: {  	s28 =	simm.s32 $0x2;
	[sflag:s26] =	ssyncpa.u1 $0x1  }
0x7c3: {  	[sflag:s28] =	ssyncpa.u1 $0x1  }
0x7c4: {  	v0 =	vld [tilespmem:$0xD348];
	_ =	sdelay $0x4  }
0x7c5: {  	(v2sf) =	vpush v0, $0x0  }
0x7c6: {  	(v2sf) =	vpush v0, $0x1  }
0x7c7: {  	(v2sf) =	vpush v0, $0x2;
	_ =	sdelay $0xc  }
0x7c8: {  	s0 =	spop (v2sf)  }
0x7c9: {  	s1 =	spop (v2sf)  }
0x7ca: {  	s2 =	smov.u32 s0;
	p0 =	sne.s32 s0, s1;
	s4 =	spop (v2sf)  }
0x7cb: {  	s2 =	simm.s32 @!p0 $0xFFFFFFFF;
	p0 =	seq.s32 s4, $0xFFFFFFFF  }
0x7cc: {  	v2 =	vimm.s32 $0x1;
	v3 =	vlaneseq.u32;
	v1 =	vmov s2;
	p1 =	sne.s32 @!p0 s0, s1  }
0x7cd: {  	s7 =	stileid.u32;
	v0 =	vperm.xlane v0, v2;
	s0 =	simm.s32 @!p0 $0x1;
	v1 =	vperm.xlane v1, v3;
	p1 =	por !p1, p0  }
0x7ce: {  	vm0 =	vcmask $0x3F04;
	s2 =	sshll.u32 s7, $0x1;
	s1 =	smul.u32 @!p0 $0x340, s4;
	s0 =	simm.s32 @p1 $0x0  }
0x7cf: {  	s6 =	simm.s32 $0xD348;
	v0 =	vsel vm0, v1, v0;
	s0 =	sor.u32 @!p0 s0, s2  }
0x7d0: {  	s5 =	sor.u32 $0x1A00, s2;
	s1 =	sshra.s32 @!p0 s1, $0x2;
	[tilespmem:$0xD348] =	vst v0;
	s0 =	smul.u32 @!p0 $0x340, s0  }
0x7d1: {  	[spmem:s5] =	stream.linear.scatter [tilespmem:s6], [sflag:$0x1], $0x2, $0x38;
	[tilespmem:$0x1EFF8] =	vst v63  }
0x7d2: {  	s1 =	sadd.s32 @!p0 $0x1A8, s1;
	s0 =	sshrl.u32 @!p0 s0, $0x2  }
0x7d3: {  	[spmem:s0] =	stream.linear.scatter @!p0 [tilespmem:s1], [sflag:$0x1], $0xD0, $0x38;
	[tilespmem:$0x1EFF8] =	vst v63  }
0x7d4: {  	s1 =	simm.s32 @!p0 $0xD2  }
0x7d5: {  	s0 =	simm.s32 $0x1;
	s1 =	simm.s32 @p0 $0x2  }
0x7d6: {  	_ =	swait.ge [sflag:s0], s1  }
0x7d7: {  	s1 =	ssub.s32 $0x0, s1;
	[sflag:s0] =	ssyncset.done $0x0  }
0x7d8: {  	[sflag:s0] =	ssyncadd.s32 s1  }
0x7d9: {  	_ =	sfence.stream.spmem  }
0x7da: {  	s29 =	simm.s32 $0x3;
	[bflag:$0x0] =	sbarrier.arrive $0xFFFF  }
0x7db: {  	s30 =	simm.s32 $0x4;
	[sflag:s29] =	ssyncpa.u1 $0x1  }
0x7dc: {  	s31 =	simm.s32 $0x3C;
	[sflag:s30] =	ssyncpa.u1 $0x1  }
0x7dd: {  	p0 =	sne.s32 s7, $0x0;
	[sflag:s31] =	ssyncpa.u1 $0x1  }
0x7de: {  	_ =	sfence @p0  }
0x7df: {  	[sflag:s0] =	ssyncpa.u1 @p0 $0x1  }
0x7e0: {  	_ =	strace @p0 $0x90000056  }
0x7e1: {  	[bflag:$0x2] =	sbarrier.arrive @p0 $0xFFFF  }
0x7e2: {  	_ =	shalt @p0  }
.LBB2_27:
0x7e3: {  	_ =	sfence.stream.spmem;
	s0 =	simm.s32 $0x5  }
0x7e4: {  	s1 =	simm.s32 $0x1A00;
	s2 =	simm.s32 $0xD358;
	[sflag:s0] =	ssyncpa.u1 $0x0  }
0x7e5: {  	[tilespmem:s2], [sflag:$0x5] =	stream.linear.gather [spmem:s1], $0x20, $0x38;
	[tilespmem:$0x1EFF8] =	vst v63  }
0x7e6: {  	s30 =	simm.s32 $0xD378;
	s1 =	simm.s32 $0x0  }
0x7e7: {  	[tilespmem:s30], [sflag:$0x5] =	stream.linear.gather [spmem:s1], $0x1A00, $0x38;
	[tilespmem:$0x1EFF8] =	vst v63  }
.Ltmp22:
0x7e8: {  	_ = 	snop;
	(pc) =	sbr.rel .LBB2_28-.Ltmp22, $4  }
0x7e9: {  	_ =	swait.ge [sflag:s0], $0x1A20  }
0x7ea: {  	[sflag:s0] =	ssyncset.done $0x0  }
0x7eb: {  	s31 =	simm.s32 $0x6;
	[sflag:s0] =	ssyncadd.s32 $0xFFFFE5E0  }
0x7ec: {  	s2 =	simm.s32 $0x0;
	[sflag:s31] =	ssyncpa.u1 $0x0  }
.LBB2_34:
0x7ed: {  	p0 =	slt.u32 s4, $0x4E178  }
0x7ee: {  	s0 =	sand.u32 @p0 $0x7FFF8, s4  }
0x7ef: {  	s5 =	sand.u32 @p0 $0x7, s4;
	s6 =	simm.s32 @p0 $0xD278;
	s0 =	sadd.s32 @p0 s3, s0  }
0x7f0: {  	[tilespmem:s6], [sflag:$0x6] =	stream.linear.gather @p0 [hbm4b:s0+s5], $0x80, $0x38;
	[tilespmem:$0x1EFF8] =	vst v63  }
0x7f1: {  	s0 =	sadd.s32 @p0 $0x80, s4  }
0x7f2: {  	s0 =	sand.u32 @p0 $0xFFFF8, s0  }
0x7f3: {  	s4 =	simm.s32 @p0 $0xD2F8;
	s0 =	sadd.s32 @p0 s3, s0  }
0x7f4: {  	[tilespmem:s4], [sflag:$0x6] =	stream.linear.gather @p0 [hbm4b:s0+s5], $0x48, $0x38;
	[tilespmem:$0x1EFF8] =	vst v63  }
0x7f5: {  	s0 =	simm.s32 @p0 $0x6  }
0x7f6: {  	_ =	swait.ge @p0 [sflag:s0], $0xC8  }
0x7f7: {  	[sflag:s0] =	ssyncset.done @p0 $0x0  }
0x7f8: {  	[sflag:s0] =	ssyncadd.s32 @p0 $0xFFFFFF38  }
0x7f9: {  	v1 =	vld @p0 [tilespmem:$0xD278];
	_ =	sdelay $0x1  }
0x7fa: {  	s0 =	smul.u32 @p0 $0x340, s2;
	_ =	sdelay $0x1  }
0x7fb: {  	s4 =	sshra.s32 @p0 s0, $0x2  }
0x7fc: {  	[tilespmem:s4+$0xD378] =	vst.add.f32.msk @p0 $0xffff, v1  }
0x7fd: {  	v1 =	vld @p0 [tilespmem:$0xD288];
	_ =	sdelay $0x4  }
0x7fe: {  	[tilespmem:s4+$0xD388] =	vst.add.f32.msk @p0 $0xffff, v1  }
0x7ff: {  	v1 =	vld @p0 [tilespmem:$0xD298];
	_ =	sdelay $0x4  }
0x800: {  	[tilespmem:s4+$0xD398] =	vst.add.f32.msk @p0 $0xffff, v1  }
0x801: {  	v1 =	vld @p0 [tilespmem:$0xD2A8];
	_ =	sdelay $0x4  }
0x802: {  	[tilespmem:s4+$0xD3A8] =	vst.add.f32.msk @p0 $0xffff, v1  }
0x803: {  	v1 =	vld @p0 [tilespmem:$0xD2B8];
	_ =	sdelay $0x4  }
0x804: {  	[tilespmem:s4+$0xD3B8] =	vst.add.f32.msk @p0 $0xffff, v1  }
0x805: {  	v1 =	vld @p0 [tilespmem:$0xD2C8];
	_ =	sdelay $0x4  }
0x806: {  	[tilespmem:s4+$0xD3C8] =	vst.add.f32.msk @p0 $0xffff, v1  }
0x807: {  	v1 =	vld @p0 [tilespmem:$0xD2D8];
	_ =	sdelay $0x4  }
0x808: {  	[tilespmem:s4+$0xD3D8] =	vst.add.f32.msk @p0 $0xffff, v1  }
0x809: {  	v1 =	vld @p0 [tilespmem:$0xD2E8];
	_ =	sdelay $0x4  }
0x80a: {  	[tilespmem:s4+$0xD3E8] =	vst.add.f32.msk @p0 $0xffff, v1  }
0x80b: {  	v1 =	vld @p0 [tilespmem:$0xD2F8];
	_ =	sdelay $0x4  }
0x80c: {  	[tilespmem:s4+$0xD3F8] =	vst.add.f32.msk @p0 $0xffff, v1  }
0x80d: {  	v1 =	vld @p0 [tilespmem:$0xD308];
	_ =	sdelay $0x4  }
0x80e: {  	[tilespmem:s4+$0xD408] =	vst.add.f32.msk @p0 $0xffff, v1  }
0x80f: {  	v1 =	vld @p0 [tilespmem:$0xD318];
	_ =	sdelay $0x4  }
0x810: {  	[tilespmem:s4+$0xD418] =	vst.add.f32.msk @p0 $0xffff, v1  }
0x811: {  	v1 =	vld @p0 [tilespmem:$0xD328];
	_ =	sdelay $0x4  }
0x812: {  	[tilespmem:s4+$0xD428] =	vst.add.f32.msk @p0 $0xffff, v1  }
0x813: {  	v1 =	vld @p0 [tilespmem:$0xD338];
	_ =	sdelay $0x2  }
0x814: {  	s5 =	smul.u32 @!p0 $0x340, s2;
	_ =	sdelay $0x1  }
0x815: {  	s5 =	smov.u32 @p0 s0;
	[tilespmem:s4+$0xD438] =	vst.add.f32.msk @p0 $0xffff, v1  }
0x816: {  	s0 =	sshra.s32 s5, $0x2;
	[tilespmem:s1+$0xD358] =	vst.msk $0x1, v0  }
0x817: {  	v0 =	vld [tilespmem:s0+$0xD378];
	_ =	sdelay $0x1  }
0x818: {  	s31 =	smul.u32 $0x340, s1;
	_ =	sdelay $0x1  }
0x819: {  	s4 =	sshra.s32 s31, $0x2  }
0x81a: {  	[tilespmem:s4+$0xD378] =	vst v0  }
0x81b: {  	v0 =	vld [tilespmem:s0+$0xD388];
	_ =	sdelay $0x4  }
0x81c: {  	[tilespmem:s4+$0xD388] =	vst v0  }
0x81d: {  	v0 =	vld [tilespmem:s0+$0xD398];
	_ =	sdelay $0x4  }
0x81e: {  	[tilespmem:s4+$0xD398] =	vst v0  }
0x81f: {  	v0 =	vld [tilespmem:s0+$0xD3A8];
	_ =	sdelay $0x4  }
0x820: {  	[tilespmem:s4+$0xD3A8] =	vst v0  }
0x821: {  	v0 =	vld [tilespmem:s0+$0xD3B8];
	_ =	sdelay $0x4  }
0x822: {  	[tilespmem:s4+$0xD3B8] =	vst v0  }
0x823: {  	v0 =	vld [tilespmem:s0+$0xD3C8];
	_ =	sdelay $0x4  }
0x824: {  	[tilespmem:s4+$0xD3C8] =	vst v0  }
0x825: {  	v0 =	vld [tilespmem:s0+$0xD3D8];
	_ =	sdelay $0x4  }
0x826: {  	[tilespmem:s4+$0xD3D8] =	vst v0  }
0x827: {  	v0 =	vld [tilespmem:s0+$0xD3E8];
	_ =	sdelay $0x4  }
0x828: {  	[tilespmem:s4+$0xD3E8] =	vst v0  }
0x829: {  	v0 =	vld [tilespmem:s0+$0xD3F8];
	_ =	sdelay $0x4  }
0x82a: {  	[tilespmem:s4+$0xD3F8] =	vst v0  }
0x82b: {  	v0 =	vld [tilespmem:s0+$0xD408];
	_ =	sdelay $0x4  }
0x82c: {  	[tilespmem:s4+$0xD408] =	vst v0  }
0x82d: {  	v0 =	vld [tilespmem:s0+$0xD418];
	_ =	sdelay $0x4  }
0x82e: {  	[tilespmem:s4+$0xD418] =	vst v0  }
0x82f: {  	v0 =	vld [tilespmem:s0+$0xD428];
	_ =	sdelay $0x4  }
0x830: {  	[tilespmem:s4+$0xD428] =	vst v0  }
0x831: {  	v0 =	vld [tilespmem:s0+$0xD438];
	_ =	sdelay $0x4  }
0x832: {  	s1 =	sadd.s32 $0x1, s1;
	[tilespmem:s4+$0xD438] =	vst v0  }
.LBB2_35:
0x833: {  	s2 =	sadd.s32 $0x1, s2  }
0x834: {  	p0 =	sne.s32 s2, $0x20  }
.Ltmp23:
0x835: {  	_ = 	snop;
	(pc) =	sbr.rel @!p0 .LBB2_36-.Ltmp23, $1  }
0x836: {  	_ =	sdelay $0x3  }
.LBB2_28:
0x837: {  	v0 =	vld.msk [tilespmem:s2+$0xD358], $0x1;
	_ =	sdelay $0x4  }
0x838: {  	(v2sf) =	vpush v0, $0x0;
	_ =	sdelay $0xe  }
0x839: {  	s4 =	spop (v2sf)  }
0x83a: {  	p0 =	seq.s32 s4, $0xFFFFFFFF  }
.Ltmp24:
0x83b: {  	_ = 	snop;
	(pc) =	sbr.rel @p0 .LBB2_35-.Ltmp24, $1  }
0x83c: {  	_ =	sdelay $0x3  }
0x83d: {  	p0 =	slt.s32 s1, $0x1  }
.Ltmp25:
0x83e: {  	_ = 	snop;
	(pc) =	sbr.rel @p0 .LBB2_34-.Ltmp25, $1  }
0x83f: {  	_ =	sdelay $0x3  }
0x840: {  	s5 =	simm.s32 $0xD358;
	p0 =	por $0x0, $0x0  }
0x841: {  	v1 =	vld.msk @!p0 [tilespmem:s5+$0x0], $0x1;
	_ =	sdelay $0x4  }
0x842: {  	(v2sf) =	vpush @!p0 v1, $0x0;
	_ =	sdelay $0xd  }
0x843: {  	p2 =	sne.s32 s1, $0x1  }
.Ltmp26:
0x844: {  	s0 =	spop @!p0 (v2sf);
	(pc) =	sbr.rel @!p2 .LBB2_32-.Ltmp26, $4  }
0x845: {  	p1 =	seq.s32 @!p0 s4, s0  }
0x846: {  	s6 =	simm.s32 $0x0;
	p1 =	por !p1, p0  }
0x847: {  	s0 =	simm.s32 $0xFFFFFFFF;
	s6 =	simm.s32 @p1 $0xFFFFFFFF  }
0x848: {  	s7 =	simm.s32 $0x1;
	s6 =	smov.u32 @p0 s0  }
.LBB2_31:
0x849: {  	s0 =	smov.u32 s6;
	p0 =	sne.s32 s6, $0xFFFFFFFF  }
0x84a: {  	s5 =	sadd.s32 $0x1, s5;
	s6 =	smov.u32 s7;
	s7 =	sadd.s32 $0x1, s7  }
0x84b: {  	p1 =	sne.s32 s1, s7;
	v1 =	vld.msk @!p0 [tilespmem:s5+$0x0], $0x1;
	_ =	sdelay $0x4  }
0x84c: {  	(v2sf) =	vpush @!p0 v1, $0x0;
	_ =	sdelay $0xe  }
.Ltmp27:
0x84d: {  	s8 =	spop @!p0 (v2sf);
	(pc) =	sbr.rel @p1 .LBB2_31-.Ltmp27, $4  }
0x84e: {  	p2 =	seq.s32 @!p0 s4, s8  }
0x84f: {  	p2 =	por !p2, p0  }
0x850: {  	s6 =	simm.s32 @p2 $0xFFFFFFFF  }
0x851: {  	s6 =	smov.u32 @p0 s0  }
.LBB2_32:
0x852: {  	p0 =	seq.s32 s6, $0xFFFFFFFF  }
.Ltmp28:
0x853: {  	_ = 	snop;
	(pc) =	sbr.rel @p0 .LBB2_34-.Ltmp28, $1  }
0x854: {  	_ =	sdelay $0x3  }
0x855: {  	s0 =	smul.u32 $0x340, s2;
	_ =	sdelay $0x1  }
0x856: {  	s0 =	sshra.s32 s0, $0x2  }
0x857: {  	v0 =	vld [tilespmem:s0+$0xD378];
	_ =	sdelay $0x1  }
0x858: {  	s4 =	smul.u32 $0x340, s6;
	_ =	sdelay $0x1  }
0x859: {  	s4 =	sshra.s32 s4, $0x2  }
0x85a: {  	[tilespmem:s4+$0xD378] =	vst.add.f32.msk $0xffff, v0  }
0x85b: {  	v0 =	vld [tilespmem:s0+$0xD388];
	_ =	sdelay $0x4  }
0x85c: {  	[tilespmem:s4+$0xD388] =	vst.add.f32.msk $0xffff, v0  }
0x85d: {  	v0 =	vld [tilespmem:s0+$0xD398];
	_ =	sdelay $0x4  }
0x85e: {  	[tilespmem:s4+$0xD398] =	vst.add.f32.msk $0xffff, v0  }
0x85f: {  	v0 =	vld [tilespmem:s0+$0xD3A8];
	_ =	sdelay $0x4  }
0x860: {  	[tilespmem:s4+$0xD3A8] =	vst.add.f32.msk $0xffff, v0  }
0x861: {  	v0 =	vld [tilespmem:s0+$0xD3B8];
	_ =	sdelay $0x4  }
0x862: {  	[tilespmem:s4+$0xD3B8] =	vst.add.f32.msk $0xffff, v0  }
0x863: {  	v0 =	vld [tilespmem:s0+$0xD3C8];
	_ =	sdelay $0x4  }
0x864: {  	[tilespmem:s4+$0xD3C8] =	vst.add.f32.msk $0xffff, v0  }
0x865: {  	v0 =	vld [tilespmem:s0+$0xD3D8];
	_ =	sdelay $0x4  }
0x866: {  	[tilespmem:s4+$0xD3D8] =	vst.add.f32.msk $0xffff, v0  }
0x867: {  	v0 =	vld [tilespmem:s0+$0xD3E8];
	_ =	sdelay $0x4  }
0x868: {  	[tilespmem:s4+$0xD3E8] =	vst.add.f32.msk $0xffff, v0  }
0x869: {  	v0 =	vld [tilespmem:s0+$0xD3F8];
	_ =	sdelay $0x4  }
0x86a: {  	[tilespmem:s4+$0xD3F8] =	vst.add.f32.msk $0xffff, v0  }
0x86b: {  	v0 =	vld [tilespmem:s0+$0xD408];
	_ =	sdelay $0x4  }
0x86c: {  	[tilespmem:s4+$0xD408] =	vst.add.f32.msk $0xffff, v0  }
0x86d: {  	v0 =	vld [tilespmem:s0+$0xD418];
	_ =	sdelay $0x4  }
0x86e: {  	[tilespmem:s4+$0xD418] =	vst.add.f32.msk $0xffff, v0  }
0x86f: {  	v0 =	vld [tilespmem:s0+$0xD428];
	_ =	sdelay $0x4  }
0x870: {  	[tilespmem:s4+$0xD428] =	vst.add.f32.msk $0xffff, v0  }
0x871: {  	v0 =	vld [tilespmem:s0+$0xD438]  }
.Ltmp29:
0x872: {  	_ = 	snop;
	(pc) =	sbr.rel .LBB2_35-.Ltmp29, $2  }
0x873: {  	_ =	sdelay $0x2  }
0x874: {  	[tilespmem:s4+$0xD438] =	vst.add.f32.msk $0xffff, v0  }
.LBB2_36:
0x875: {  	p0 =	slt.s32 s1, $0x1  }
.Ltmp30:
0x876: {  	_ = 	snop;
	(pc) =	sbr.rel @p0 .LBB2_40-.Ltmp30, $3  }
0x877: {  	_ =	sdelay $0x1  }
0x878: {  	s0 =	simm.s32 $0x6  }
0x879: {  	[sflag:s0] =	ssyncpa.u1 $0x1;
	s0 =	simm.s32 $0x0  }
0x87a: {  	s2 =	simm.s32 $0xD358  }
0x87b: {  	v0 =	vld.msk [tilespmem:s2+$0x0], $0x1;
	_ =	sdelay $0x4  }
0x87c: {  	(v2sf) =	vpush v0, $0x0;
	_ =	sdelay $0xe  }
0x87d: {  	s1 =	sadd.s32 $0xFFFFFFFF, s1;
	s4 =	spop (v2sf)  }
0x87e: {  	s5 =	simm.s32 $0xD378;
	p0 =	sne.s32 s1, $0x0;
	p1 =	sgt.u32 s4, $0x4E177  }
.Ltmp31:
0x87f: {  	s2 =	simm.s32 $0xD448;
	s6 =	sand.u32 @!p1 $0x7FFF8, s4;
	(pc) =	sbr.rel @!p0 .LBB2_39-.Ltmp31, $4  }
0x880: {  	s7 =	sadd.s32 @!p1 $0x80, s4;
	s8 =	sadd.s32 @!p1 s3, s6;
	s6 =	sand.u32 @!p1 $0x7, s4  }
0x881: {  	[hbm4b:s8+s6] =	stream.linear.scatter @!p1 [tilespmem:s5], [sflag:$0x5], $0x80, $0x38;
	[tilespmem:$0x1EFF8] =	vst v63  }
0x882: {  	s0 =	simm.s32 @!p1 $0x320;
	s4 =	simm.s32 $0xD359;
	s5 =	sand.u32 @!p1 $0xFFFF8, s7  }
0x883: {  	s7 =	simm.s32 @!p1 $0xD3F8;
	s8 =	sadd.s32 @!p1 s3, s5;
	s5 =	sadd.s32 $0x0, s0  }
.LBB2_38:
0x884: {  	[hbm4b:s8+s6] =	stream.linear.scatter @!p1 [tilespmem:s7], [sflag:$0x5], $0x48, $0x38;
	[tilespmem:$0x1EFF8] =	vst v63  }
0x885: {  	s1 =	sadd.s32 $0xFFFFFFFF, s1;
	s0 =	smov.u32 s2;
	v0 =	vld.msk [tilespmem:s4+$0x0], $0x1  }
0x886: {  	p0 =	sne.s32 s1, $0x0;
	_ =	sdelay $0x3  }
0x887: {  	(v2sf) =	vpush v0, $0x0;
	_ =	sdelay $0xe  }
0x888: {  	s2 =	sadd.s32 $0xD0, s2;
	s9 =	simm.s32 $0x0;
	s6 =	spop (v2sf)  }
.Ltmp32:
0x889: {  	s4 =	sadd.s32 $0x1, s4;
	p1 =	sgt.u32 s6, $0x4E177;
	(pc) =	sbr.rel @p0 .LBB2_38-.Ltmp32, $4  }
0x88a: {  	s9 =	simm.s32 @!p1 $0x320;
	s7 =	sand.u32 @!p1 $0x7FFF8, s6;
	s8 =	sadd.s32 @!p1 $0x80, s6  }
0x88b: {  	s6 =	sand.u32 @!p1 $0x7, s6;
	s7 =	sadd.s32 @!p1 s3, s7;
	s8 =	sand.u32 @!p1 $0xFFFF8, s8  }
0x88c: {  	[hbm4b:s7+s6] =	stream.linear.scatter @!p1 [tilespmem:s0], [sflag:$0x5], $0x80, $0x38;
	[tilespmem:$0x1EFF8] =	vst v63  }
0x88d: {  	s5 =	sadd.s32 s5, s9;
	s7 =	sadd.s32 @!p1 $0x80, s0;
	s8 =	sadd.s32 @!p1 s3, s8  }
.LBB2_39:
0x88e: {  	[hbm4b:s8+s6] =	stream.linear.scatter @!p1 [tilespmem:s7], [sflag:$0x5], $0x48, $0x38;
	[tilespmem:$0x1EFF8] =	vst v63  }
0x88f: {  	s0 =	sshrl.u32 s5, $0x2  }
.LBB2_40:
0x890: {  	s1 =	simm.s32 $0x5  }
0x891: {  	_ =	swait.ge [sflag:s1], s0  }
0x892: {  	s29 =	ssub.s32 $0x0, s0;
	[sflag:s1] =	ssyncset.done $0x0  }
0x893: {  	[sflag:s1] =	ssyncadd.s32 s29  }
0x894: {  	[sflag:s1] =	ssyncpa.u1 $0x1  }
0x895: {  	s30 =	simm.s32 $0x1;
	_ =	sfence  }
0x896: {  	[sflag:s30] =	ssyncpa.u1 $0x1  }
0x897: {  	_ =	strace $0x90000056  }
0x898: {  	[bflag:$0x2] =	sbarrier.arrive $0xFFFF  }
0x899: {  	s31 =	rddreg [dreg:$0x1]  }
0x89a: {  	s0 =	sadd.s32 $0x100000, s31  }
0x89b: {  	[sflag:s0] =	ssyncadd.tile.s32 $0x1;
	_ =	shalt  }
.Lfunc_end2:
_tile_overlayer_lowered:
.L_overlay_start_2:
0x89c: {  	(tag) =	ssettag $0x2  }
0x89d: {  	s0 =	rddreg [dreg:$0x0];
	s2 =	stileid.u32  }
0x89e: {  	s1 =	rddreg [dreg:$0x1];
	p0 =	sne.s32 s2, $0x0  }
0x89f: {  	s3 =	rddreg [dreg:$0x2];
	[bflag:$0x3] =	sbarrier.arrive $0xFFFF;
	s2 =	simm.s32 @!p0 $0x1C01  }
0x8a0: {  	[timem:s3], [sflag:s2] =	dma.local @!p0 [hbm:s0], s1  }
0x8a1: {  	s0 =	simm.s32 @!p0 $0x1  }
0x8a2: {  	_ =	swait.ge @!p0 [sflag:s0], s1  }
0x8a3: {  	s1 =	ssub.s32 @!p0 $0x0, s1;
	[sflag:s0] =	ssyncset.done @!p0 $0x0  }
0x8a4: {  	[sflag:s0] =	ssyncadd.s32 @!p0 s1  }
0x8a5: {  	[bflag:$0x3] =	sbarrier.arrive $0xFFFF  }
0x8a6: {  	_ =	shalt  }

// kernel: scatter_offload_async_start
scs
__scs_entry_jumppad:
0x0: {  	(pc) =	sbr.rel $0x88, $3  }
0x1: {  	(tag) =	ssettag $0x0;
	lr =	simm.s32 $0x1  }
0x2: {  	[smem:$0x3F97] =	sst lr;
	_ =	strace $0xD0000000  }
0x3: {  	_ = 	snop  }
0x4: {  	_ = 	snop  }
0x5: {  	_ = 	snop  }
0x6: {  	_ = 	snop  }
0x7: {  	_ = 	snop  }
__scs_overlays_trampoline_lowered:
0x8: {  	[smem:$0x3FA6] =	sst s0  }
0x9: {  	[smem:$0x3FA7] =	sst s1  }
0xa: {  	[smem:$0x3FA8] =	sst s2  }
0xb: {  	[smem:$0x3FA9] =	sst s3  }
0xc: {  	[smem:$0x3FAA] =	sst s4  }
0xd: {  	[smem:$0x3FAB] =	sst s5  }
0xe: {  	[smem:$0x3FAC] =	sst s6  }
0xf: {  	[smem:$0x3FAD] =	sst s7  }
0x10: {  	[smem:$0x3FAE] =	sst s8  }
0x11: {  	[smem:$0x3FAF] =	sst s9;
	s0 =	simm.s32 @!p0 $0x0  }
0x12: {  	s1 =	sld [smem:$0x3F95];
	s0 =	simm.s32 @p0 $0x1  }
0x13: {  	[smem:$0x3FB0] =	sst s0;
	s0 =	simm.s32 @!p1 $0x0  }
0x14: {  	s2 =	sld [smem:$0x3F94];
	s0 =	simm.s32 @p1 $0x1  }
0x15: {  	[smem:$0x3FB1] =	sst s0;
	s0 =	simm.s32 @!p2 $0x0  }
0x16: {  	s3 =	sld [smem:$0x3FDB];
	s0 =	simm.s32 @p2 $0x1  }
0x17: {  	s4 =	simm.s32 $0x1BF5;
	[smem:$0x3FB3] =	sst s0  }
0x18: {  	s0 =	sld [smem:$0x3F96];
	_ =	swait.ge [sflag:s4], $0x0  }
0x19: {  	s7 =	sld [smem:$0x3F97]  }
0x1a: {  	s8 =	sadd.s32 $0xFFFFE003, lr  }
0x1b: {  	s9 =	sadd.s32 $0xFFFFFEF7, lr;
	s5 =	simm.s32 $0xFFFFFFFF;
	p2 =	slt.u32 s8, $0xFFFFF086  }
0x1c: {  	p1 =	slt.u32 s9, $0xF7A;
	s5 =	simm.s32 @!p2 $0x0  }
0x1d: {  	s5 =	simm.s32 @p1 $0x1;
	p0 =	seq.s32 s7, s2  }
0x1e: {  	s7 =	smul.u32 @!p0 $0xF7A, s2;
	p2 =	seq.s32 @!p0 s5, $0x0  }
0x1f: {  	s9 =	smul.u32 $0xF7A, s1;
	s8 =	simm.s32 @!p0 $0x1BF5;
	p2 =	por !p2, p0  }
0x20: {  	[sflag:s8] =	ssyncset.s32 @!p0 $0xFFFFF086;
	s6 =	sadd.s32 @!p0 s3, s7;
	s7 =	simm.s32 @!p0 $0x108  }
0x21: {  	s3 =	sadd.s32 s3, s9;
	s6 =	sadd.s32 @!p0 $0x88, s6;
	s7 =	simm.s32 @p2 $0x1082  }
0x22: {  	[simem:s7], [sflag:s8] =	dma.local @!p0 [hbm:s6], $0xF7A  }
0x23: {  	s9 =	sor.u32 $0xD0000000, s2;
	s6 =	simm.s32 $0x108;
	_ =	swait.ge @!p0 [sflag:s8], $0x0  }
0x24: {  	s3 =	sadd.s32 $0x88, s3;
	s6 =	simm.s32 @!p1 $0x1082;
	[sflag:s4] =	ssyncset.s32 $0xFFFFF086  }
0x25: {  	[simem:s6], [sflag:s4] =	dma.local [hbm:s3], $0xF7A  }
0x26: {  	[smem:$0x3F97] =	sst s1;
	(tag) =	ssettag s2;
	_ =	strace s9  }
0x27: {  	s1 =	sld [smem:$0x3FA7]  }
0x28: {  	s2 =	sld [smem:$0x3FA8]  }
0x29: {  	s4 =	sld [smem:$0x3FAA]  }
0x2a: {  	p0 =	seq.s32 s5, $0x0;
	s5 =	sld [smem:$0x3FAB]  }
0x2b: {  	s6 =	sld [smem:$0x3FAC]  }
0x2c: {  	s7 =	sld [smem:$0x3FAD]  }
0x2d: {  	s3 =	simm.s32 $0x108;
	s8 =	sld [smem:$0x3FAE]  }
0x2e: {  	s3 =	simm.s32 @!p0 $0x1082;
	s9 =	sld [smem:$0x3FAF]  }
0x2f: {  	lr =	sadd.s32 s0, s3;
	s0 =	sld [smem:$0x3FA6]  }
0x30: {  	s3 =	sld [smem:$0x3FA9]  }
0x31: {  	[smem:$0x3FB2] =	sst s10  }
0x32: {  	s10 =	sld [smem:$0x3FB0];
	_ =	sdelay $0x3  }
0x33: {  	p0 =	seq.s32 s10, $0x1;
	s10 =	sld [smem:$0x3FB2];
	_ =	sdelay $0x3  }
0x34: {  	[smem:$0x3FB2] =	sst s10  }
0x35: {  	s10 =	sld [smem:$0x3FB1];
	_ =	sdelay $0x3  }
0x36: {  	p1 =	seq.s32 s10, $0x1;
	s10 =	sld [smem:$0x3FB2];
	_ =	sdelay $0x3  }
0x37: {  	[smem:$0x3FB2] =	sst s10  }
0x38: {  	s10 =	sld [smem:$0x3FB3]  }
0x39: {  	_ = 	snop;
	(pc) =	sbr.ind lr, $3  }
0x3a: {  	_ = 	snop  }
0x3b: {  	_ = 	snop  }
0x3c: {  	p2 =	seq.s32 s10, $0x1;
	s10 =	sld [smem:$0x3FB2]  }
0x3d: {  	_ =	shalt  }
0x3e: {  	_ =	shalt  }
0x3f: {  	_ =	shalt  }
0x40: {  	_ =	shalt  }
0x41: {  	_ =	shalt  }
0x42: {  	_ =	shalt  }
0x43: {  	_ =	shalt  }
0x44: {  	_ =	shalt  }
0x45: {  	_ =	shalt  }
0x46: {  	_ =	shalt  }
0x47: {  	_ =	shalt  }
0x48: {  	_ =	shalt  }
0x49: {  	_ =	shalt  }
0x4a: {  	_ =	shalt  }
0x4b: {  	_ =	shalt  }
0x4c: {  	_ =	shalt  }
0x4d: {  	_ =	shalt  }
0x4e: {  	_ =	shalt  }
0x4f: {  	_ =	shalt  }
0x50: {  	_ =	shalt  }
0x51: {  	_ =	shalt  }
0x52: {  	_ =	shalt  }
0x53: {  	_ =	shalt  }
0x54: {  	_ =	shalt  }
0x55: {  	_ =	shalt  }
0x56: {  	_ =	shalt  }
0x57: {  	_ =	shalt  }
0x58: {  	_ =	shalt  }
0x59: {  	_ =	shalt  }
0x5a: {  	_ =	shalt  }
0x5b: {  	_ =	shalt  }
0x5c: {  	_ =	shalt  }
0x5d: {  	_ =	shalt  }
0x5e: {  	_ =	shalt  }
0x5f: {  	_ =	shalt  }
0x60: {  	_ =	shalt  }
0x61: {  	_ =	shalt  }
0x62: {  	_ =	shalt  }
0x63: {  	_ =	shalt  }
0x64: {  	_ =	shalt  }
0x65: {  	_ =	shalt  }
0x66: {  	_ =	shalt  }
0x67: {  	_ =	shalt  }
0x68: {  	_ =	shalt  }
0x69: {  	_ =	shalt  }
0x6a: {  	_ =	shalt  }
0x6b: {  	_ =	shalt  }
0x6c: {  	_ =	shalt  }
0x6d: {  	_ =	shalt  }
0x6e: {  	_ =	shalt  }
0x6f: {  	_ =	shalt  }
0x70: {  	_ =	shalt  }
0x71: {  	_ =	shalt  }
0x72: {  	_ =	shalt  }
0x73: {  	_ =	shalt  }
0x74: {  	_ =	shalt  }
0x75: {  	_ =	shalt  }
0x76: {  	_ =	shalt  }
0x77: {  	_ =	shalt  }
0x78: {  	_ =	shalt  }
0x79: {  	_ =	shalt  }
0x7a: {  	_ =	shalt  }
0x7b: {  	_ =	shalt  }
0x7c: {  	_ =	shalt  }
0x7d: {  	_ =	shalt  }
0x7e: {  	_ =	shalt  }
0x7f: {  	_ =	shalt  }
0x80: {  	_ =	shalt  }
0x81: {  	_ =	shalt  }
0x82: {  	_ =	shalt  }
0x83: {  	_ =	shalt  }
0x84: {  	_ =	shalt  }
0x85: {  	_ =	shalt  }
0x86: {  	_ =	shalt  }
0x87: {  	_ =	shalt  }
.Lfunc_end0:
.L_simem_size_0:
called_computation_lowered:
.L_overlay_start_0:
0x88: {  	s0 =	sld [smem:$0x3FD9]  }
0x89: {  	s1 =	sld [smem:$0x3FFE];
	_ =	sdelay $0x3  }
0x8a: {  	s0 =	sadd.s32 s1, s0  }
0x8b: {  	[smem:$0x3FBE] =	sst s0  }
0x8c: {  	_ = 	snop  }
0x8d: {  	s0 =	sld [smem:$0x3FD0];
	(tm) =	ssettm $0x1  }
0x8e: {  	s16 =	sld [smem:$0x3FFB];
	_ =	sdelay $0x3  }
0x8f: {  	_ =	strace s16  }
0x90: {  	s1 =	sld [smem:$0x3FFC];
	_ =	sdelay $0x3  }
0x91: {  	_ =	strace s1  }
0x92: {  	s1 =	sld [smem:$0x3FFD];
	_ =	sdelay $0x3  }
0x93: {  	_ =	strace s1  }
0x94: {  	_ =	strace $0x8FFFFFFF  }
0x95: {  	s17 =	sld [smem:$0x3FDB];
	_ =	sdelay $0x1  }
0x96: {  	s2 =	simm.s32 $_scs_section_size  }
0x97: {  	s3 =	simm.s32 $_size__tile_overlayer_lowered;
	s4 =	simm.s32 $_tile_overlayer_lowered  }
0x98: {  	s20 =	simm.s32 $0x1BFF;
	s19 =	sshll.u32 s4, $0x1;
	s1 =	sadd.s32 s2, s17  }
0x99: {  	s5 =	simm.s32 $0x0;
	s18 =	sshll.u32 s3, $0x1;
	s3 =	sadd.s32 s19, s1  }
0x9a: {  	[timem:s5], [sflag:s20] =	dma.local [hbm:s3], s18  }
0x9b: {  	_ =	swait.ge [sflag:s20], s18  }
0x9c: {  	s2 =	ssub.s32 $0x0, s18;
	[sflag:s20] =	ssyncset.done $0x0  }
0x9d: {  	[sflag:s20] =	ssyncadd.s32 s2;
	_ =	sdelay $0x1  }
0x9e: {  	s21 =	simm.s32 $0x1B8B  }
0x9f: {  	_ =	swait.ge [sflag:s21], $0x1  }
0xa0: {  	[sflag:s21] =	ssyncset.done $0x0  }
0xa1: {  	s23 =	simm.s32 $0x1B8E;
	s22 =	sld [smem:$0x3FFE];
	[sflag:s21] =	ssyncadd.s32 $0xFFFFFFFF  }
0xa2: {  	s24 =	simm.s32 $execute0_lowered;
	[smem:$0x3FD2] =	sst s23  }
0xa3: {  	s3 =	sshll.u32 s24, $0x1;
	_ =	strace $0x8000004C;
	[dreg:$0x1] =	wrdreg $0xFFFFFFFF  }
0xa4: {  	s25 =	simm.s32 $_size_execute0_lowered;
	s1 =	sadd.s32 s1, s3;
	[dreg:$0x0] =	wrdreg $0x0  }
0xa5: {  	s3 =	sshll.u32 s25, $0x1;
	[dreg:$0x2] =	wrdreg s1  }
0xa6: {  	[dreg:$0x3] =	wrdreg s3  }
0xa7: {  	[dreg:$0x4] =	wrdreg $0xC0  }
0xa8: {  	_ =	task [dreg:s5], $0x5FFFF  }
0xa9: {  	[dreg:$0x1] =	wrdreg $0xFFFFFFFF  }
0xaa: {  	[dreg:$0x0] =	wrdreg $0x60  }
0xab: {  	[dreg:$0x2] =	wrdreg s0  }
0xac: {  	[dreg:$0x3] =	wrdreg s22  }
0xad: {  	[dreg:$0x4] =	wrdreg $0x9  }
0xae: {  	_ =	task.clear_ibuf [dreg:s5], $0x5FFFF;
	_ =	strace $0x9000004C  }
0xaf: {  	s26 =	simm.s32 $0x9;
	_ =	strace $0x8000004E  }
0xb0: {  	_ =	swait.ge [sflag:s26], $0x1  }
0xb1: {  	[sflag:s26] =	ssyncadd.s32 $0xFFFFFFFF  }
0xb2: {  	_ =	strace $0x9000004E  }
0xb3: {  	_ =	sfence  }
0xb4: {  	s28 =	sld [smem:$0x0];
	_ =	sdelay $0x1  }
0xb5: {  	s29 =	srdreg.scid  }
0xb6: {  	s30 =	sshll.u32 s29, $0xD;
	s31 =	sshrl.u32 s29, $0x2  }
0xb7: {  	s2 =	sand.u32 $0x4000, s30;
	s1 =	sand.u32 $0x1, s29;
	s0 =	sadd.s32 s31, s28  }
0xb8: {  	s1 =	sor.u32 s2, s1;
	s0 =	sshll.u32 s0, $0x11  }
0xb9: {  	s0 =	sor.u32 s0, s1  }
0xba: {  	s0 =	sadd.s32 $0x8F2B, s0  }
0xbb: {  	[sflag:s0] =	ssyncadd.remote.s32 $0x1  }
0xbc: {  	_ =	sfence.sel $0xFFFF  }
0xbd: {  	[dreg:$0x0] =	wrdreg $0xFFFFFFFF;
	(pc) =	sbr.abs _section_cstart, $3  }
0xbe: {  	[dreg:$0x1] =	wrdreg $0xFFFFFFFF  }
0xbf: {  	_ =	task.clear_ibuf [dreg:s5], $0x2FFFF;
	_ =	strace $0x9FFFFFFF  }
0xc0: {  	(tm) =	ssettm $0x7FFFFFFF  }
0xc1: {  	_ =	shalt  }
tec
execute0_lowered:
.L_overlay_start_1:
0x0: {  	(tag) =	ssettag $0x1  }
0x1: {  	s1 =	rddreg [dreg:$0x0]  }
0x2: {  	s8 =	rddreg [dreg:$0x1];
	_ =	strace $0x8000004D;
	s11 =	simm.s32 $0x1  }
0x3: {  	v0 =	vimm.s32 $0x0;
	[sflag:s11] =	ssyncpa.u1 $0x0  }
0x4: {  	[tilespmem:$0x28] =	vst v0  }
0x5: {  	[tilespmem:$0x38] =	vst v0  }
0x6: {  	[tilespmem:$0x48] =	vst v0  }
0x7: {  	[tilespmem:$0x58] =	vst v0  }
0x8: {  	[tilespmem:$0x68] =	vst v0  }
0x9: {  	[tilespmem:$0x78] =	vst v0  }
0xa: {  	[tilespmem:$0x88] =	vst v0  }
0xb: {  	[tilespmem:$0x98] =	vst v0  }
0xc: {  	[tilespmem:$0xA8] =	vst v0  }
0xd: {  	[tilespmem:$0xB8] =	vst v0  }
0xe: {  	[tilespmem:$0xC8] =	vst v0  }
0xf: {  	[tilespmem:$0xD8] =	vst v0  }
0x10: {  	[tilespmem:$0xE8] =	vst v0  }
0x11: {  	[tilespmem:$0xF8] =	vst v0  }
0x12: {  	[tilespmem:$0x108] =	vst v0  }
0x13: {  	[tilespmem:$0x118] =	vst v0  }
0x14: {  	[tilespmem:$0x128] =	vst v0  }
0x15: {  	[tilespmem:$0x138] =	vst v0  }
0x16: {  	[tilespmem:$0x148] =	vst v0  }
0x17: {  	[tilespmem:$0x158] =	vst v0  }
0x18: {  	[tilespmem:$0x168] =	vst v0  }
0x19: {  	[tilespmem:$0x178] =	vst v0  }
0x1a: {  	[tilespmem:$0x188] =	vst v0  }
0x1b: {  	[tilespmem:$0x198] =	vst v0  }
0x1c: {  	[tilespmem:$0x1A8] =	vst v0  }
0x1d: {  	[tilespmem:$0x1B8] =	vst v0  }
0x1e: {  	[tilespmem:$0x1C8] =	vst v0  }
0x1f: {  	[tilespmem:$0x1D8] =	vst v0  }
0x20: {  	[tilespmem:$0x1E8] =	vst v0  }
0x21: {  	[tilespmem:$0x1F8] =	vst v0  }
0x22: {  	[tilespmem:$0x208] =	vst v0  }
0x23: {  	[tilespmem:$0x218] =	vst v0  }
0x24: {  	[tilespmem:$0x228] =	vst v0  }
0x25: {  	[tilespmem:$0x238] =	vst v0  }
0x26: {  	[tilespmem:$0x248] =	vst v0  }
0x27: {  	[tilespmem:$0x258] =	vst v0  }
0x28: {  	[tilespmem:$0x268] =	vst v0  }
0x29: {  	[tilespmem:$0x278] =	vst v0  }
0x2a: {  	[tilespmem:$0x288] =	vst v0  }
0x2b: {  	[tilespmem:$0x298] =	vst v0  }
0x2c: {  	[tilespmem:$0x2A8] =	vst v0  }
0x2d: {  	[tilespmem:$0x2B8] =	vst v0  }
0x2e: {  	[tilespmem:$0x2C8] =	vst v0  }
0x2f: {  	[tilespmem:$0x2D8] =	vst v0  }
0x30: {  	[tilespmem:$0x2E8] =	vst v0  }
0x31: {  	[tilespmem:$0x2F8] =	vst v0  }
0x32: {  	[tilespmem:$0x308] =	vst v0  }
0x33: {  	[tilespmem:$0x318] =	vst v0  }
0x34: {  	[tilespmem:$0x328] =	vst v0  }
0x35: {  	[tilespmem:$0x338] =	vst v0  }
0x36: {  	[tilespmem:$0x348] =	vst v0  }
0x37: {  	[tilespmem:$0x358] =	vst v0  }
0x38: {  	[tilespmem:$0x368] =	vst v0  }
0x39: {  	[tilespmem:$0x378] =	vst v0  }
0x3a: {  	[tilespmem:$0x388] =	vst v0  }
0x3b: {  	[tilespmem:$0x398] =	vst v0  }
0x3c: {  	[tilespmem:$0x3A8] =	vst v0  }
0x3d: {  	[tilespmem:$0x3B8] =	vst v0  }
0x3e: {  	[tilespmem:$0x3C8] =	vst v0  }
0x3f: {  	[tilespmem:$0x3D8] =	vst v0  }
0x40: {  	[tilespmem:$0x3E8] =	vst v0  }
0x41: {  	[tilespmem:$0x3F8] =	vst v0  }
0x42: {  	[tilespmem:$0x408] =	vst v0  }
0x43: {  	[tilespmem:$0x418] =	vst v0  }
0x44: {  	[tilespmem:$0x428] =	vst v0  }
0x45: {  	[tilespmem:$0x438] =	vst v0  }
0x46: {  	[tilespmem:$0x448] =	vst v0  }
0x47: {  	[tilespmem:$0x458] =	vst v0  }
0x48: {  	[tilespmem:$0x468] =	vst v0  }
0x49: {  	[tilespmem:$0x478] =	vst v0  }
0x4a: {  	[tilespmem:$0x488] =	vst v0  }
0x4b: {  	[tilespmem:$0x498] =	vst v0  }
0x4c: {  	[tilespmem:$0x4A8] =	vst v0  }
0x4d: {  	[tilespmem:$0x4B8] =	vst v0  }
0x4e: {  	[tilespmem:$0x4C8] =	vst v0  }
0x4f: {  	[tilespmem:$0x4D8] =	vst v0  }
0x50: {  	[tilespmem:$0x4E8] =	vst v0  }
0x51: {  	[tilespmem:$0x4F8] =	vst v0  }
0x52: {  	[tilespmem:$0x508] =	vst v0  }
0x53: {  	[tilespmem:$0x518] =	vst v0  }
0x54: {  	[tilespmem:$0x528] =	vst v0  }
0x55: {  	[tilespmem:$0x538] =	vst v0  }
0x56: {  	[tilespmem:$0x548] =	vst v0  }
0x57: {  	[tilespmem:$0x558] =	vst v0  }
0x58: {  	[tilespmem:$0x568] =	vst v0  }
0x59: {  	[tilespmem:$0x578] =	vst v0  }
0x5a: {  	[tilespmem:$0x588] =	vst v0  }
0x5b: {  	[tilespmem:$0x598] =	vst v0  }
0x5c: {  	[tilespmem:$0x5A8] =	vst v0  }
0x5d: {  	[tilespmem:$0x5B8] =	vst v0  }
0x5e: {  	[tilespmem:$0x5C8] =	vst v0  }
0x5f: {  	[tilespmem:$0x5D8] =	vst v0  }
0x60: {  	[tilespmem:$0x5E8] =	vst v0  }
0x61: {  	[tilespmem:$0x5F8] =	vst v0  }
0x62: {  	[tilespmem:$0x608] =	vst v0  }
0x63: {  	[tilespmem:$0x618] =	vst v0  }
0x64: {  	[tilespmem:$0x628] =	vst v0  }
0x65: {  	[tilespmem:$0x638] =	vst v0  }
0x66: {  	[tilespmem:$0x648] =	vst v0  }
0x67: {  	[tilespmem:$0x658] =	vst v0  }
0x68: {  	[tilespmem:$0x668] =	vst v0  }
0x69: {  	[tilespmem:$0x678] =	vst v0  }
0x6a: {  	[tilespmem:$0x688] =	vst v0  }
0x6b: {  	[tilespmem:$0x698] =	vst v0  }
0x6c: {  	[tilespmem:$0x6A8] =	vst v0  }
0x6d: {  	[tilespmem:$0x6B8] =	vst v0  }
0x6e: {  	[tilespmem:$0x6C8] =	vst v0  }
0x6f: {  	[tilespmem:$0x6D8] =	vst v0  }
0x70: {  	[tilespmem:$0x6E8] =	vst v0  }
0x71: {  	[tilespmem:$0x6F8] =	vst v0  }
0x72: {  	[tilespmem:$0x708] =	vst v0  }
0x73: {  	[tilespmem:$0x718] =	vst v0  }
0x74: {  	[tilespmem:$0x728] =	vst v0  }
0x75: {  	[tilespmem:$0x738] =	vst v0  }
0x76: {  	[tilespmem:$0x748] =	vst v0  }
0x77: {  	[tilespmem:$0x758] =	vst v0  }
0x78: {  	[tilespmem:$0x768] =	vst v0  }
0x79: {  	[tilespmem:$0x778] =	vst v0  }
0x7a: {  	[tilespmem:$0x788] =	vst v0  }
0x7b: {  	[tilespmem:$0x798] =	vst v0  }
0x7c: {  	[tilespmem:$0x7A8] =	vst v0  }
0x7d: {  	[tilespmem:$0x7B8] =	vst v0  }
0x7e: {  	[tilespmem:$0x7C8] =	vst v0  }
0x7f: {  	[tilespmem:$0x7D8] =	vst v0  }
0x80: {  	[tilespmem:$0x7E8] =	vst v0  }
0x81: {  	[tilespmem:$0x7F8] =	vst v0  }
0x82: {  	[tilespmem:$0x808] =	vst v0  }
0x83: {  	[tilespmem:$0x818] =	vst v0  }
0x84: {  	[tilespmem:$0x828] =	vst v0  }
0x85: {  	[tilespmem:$0x838] =	vst v0  }
0x86: {  	[tilespmem:$0x848] =	vst v0  }
0x87: {  	[tilespmem:$0x858] =	vst v0  }
0x88: {  	[tilespmem:$0x868] =	vst v0  }
0x89: {  	[tilespmem:$0x878] =	vst v0  }
0x8a: {  	[tilespmem:$0x888] =	vst v0  }
0x8b: {  	[tilespmem:$0x898] =	vst v0  }
0x8c: {  	[tilespmem:$0x8A8] =	vst v0  }
0x8d: {  	[tilespmem:$0x8B8] =	vst v0  }
0x8e: {  	[tilespmem:$0x8C8] =	vst v0  }
0x8f: {  	[tilespmem:$0x8D8] =	vst v0  }
0x90: {  	[tilespmem:$0x8E8] =	vst v0  }
0x91: {  	[tilespmem:$0x8F8] =	vst v0  }
0x92: {  	[tilespmem:$0x908] =	vst v0  }
0x93: {  	[tilespmem:$0x918] =	vst v0  }
0x94: {  	[tilespmem:$0x928] =	vst v0  }
0x95: {  	[tilespmem:$0x938] =	vst v0  }
0x96: {  	[tilespmem:$0x948] =	vst v0  }
0x97: {  	[tilespmem:$0x958] =	vst v0  }
0x98: {  	[tilespmem:$0x968] =	vst v0  }
0x99: {  	[tilespmem:$0x978] =	vst v0  }
0x9a: {  	[tilespmem:$0x988] =	vst v0  }
0x9b: {  	[tilespmem:$0x998] =	vst v0  }
0x9c: {  	[tilespmem:$0x9A8] =	vst v0  }
0x9d: {  	[tilespmem:$0x9B8] =	vst v0  }
0x9e: {  	[tilespmem:$0x9C8] =	vst v0  }
0x9f: {  	[tilespmem:$0x9D8] =	vst v0  }
0xa0: {  	[tilespmem:$0x9E8] =	vst v0  }
0xa1: {  	[tilespmem:$0x9F8] =	vst v0  }
0xa2: {  	[tilespmem:$0xA08] =	vst v0  }
0xa3: {  	[tilespmem:$0xA18] =	vst v0  }
0xa4: {  	[tilespmem:$0xA28] =	vst v0  }
0xa5: {  	[tilespmem:$0xA38] =	vst v0  }
0xa6: {  	[tilespmem:$0xA48] =	vst v0  }
0xa7: {  	[tilespmem:$0xA58] =	vst v0  }
0xa8: {  	[tilespmem:$0xA68] =	vst v0  }
0xa9: {  	[tilespmem:$0xA78] =	vst v0  }
0xaa: {  	[tilespmem:$0xA88] =	vst v0  }
0xab: {  	[tilespmem:$0xA98] =	vst v0  }
0xac: {  	[tilespmem:$0xAA8] =	vst v0  }
0xad: {  	[tilespmem:$0xAB8] =	vst v0  }
0xae: {  	[tilespmem:$0xAC8] =	vst v0  }
0xaf: {  	[tilespmem:$0xAD8] =	vst v0  }
0xb0: {  	[tilespmem:$0xAE8] =	vst v0  }
0xb1: {  	[tilespmem:$0xAF8] =	vst v0  }
0xb2: {  	[tilespmem:$0xB08] =	vst v0  }
0xb3: {  	[tilespmem:$0xB18] =	vst v0  }
0xb4: {  	[tilespmem:$0xB28] =	vst v0  }
0xb5: {  	[tilespmem:$0xB38] =	vst v0  }
0xb6: {  	[tilespmem:$0xB48] =	vst v0  }
0xb7: {  	[tilespmem:$0xB58] =	vst v0  }
0xb8: {  	[tilespmem:$0xB68] =	vst v0  }
0xb9: {  	[tilespmem:$0xB78] =	vst v0  }
0xba: {  	[tilespmem:$0xB88] =	vst v0  }
0xbb: {  	[tilespmem:$0xB98] =	vst v0  }
0xbc: {  	[tilespmem:$0xBA8] =	vst v0  }
0xbd: {  	[tilespmem:$0xBB8] =	vst v0  }
0xbe: {  	[tilespmem:$0xBC8] =	vst v0  }
0xbf: {  	[tilespmem:$0xBD8] =	vst v0  }
0xc0: {  	[tilespmem:$0xBE8] =	vst v0  }
0xc1: {  	[tilespmem:$0xBF8] =	vst v0  }
0xc2: {  	[tilespmem:$0xC08] =	vst v0  }
0xc3: {  	[tilespmem:$0xC18] =	vst v0  }
0xc4: {  	[tilespmem:$0xC28] =	vst v0  }
0xc5: {  	[tilespmem:$0xC38] =	vst v0  }
0xc6: {  	[tilespmem:$0xC48] =	vst v0  }
0xc7: {  	[tilespmem:$0xC58] =	vst v0  }
0xc8: {  	[tilespmem:$0xC68] =	vst v0  }
0xc9: {  	[tilespmem:$0xC78] =	vst v0  }
0xca: {  	[tilespmem:$0xC88] =	vst v0  }
0xcb: {  	[tilespmem:$0xC98] =	vst v0  }
0xcc: {  	[tilespmem:$0xCA8] =	vst v0  }
0xcd: {  	[tilespmem:$0xCB8] =	vst v0  }
0xce: {  	[tilespmem:$0xCC8] =	vst v0  }
0xcf: {  	[tilespmem:$0xCD8] =	vst v0  }
0xd0: {  	[tilespmem:$0xCE8] =	vst v0  }
0xd1: {  	[tilespmem:$0xCF8] =	vst v0  }
0xd2: {  	[tilespmem:$0xD08] =	vst v0  }
0xd3: {  	[tilespmem:$0xD18] =	vst v0  }
0xd4: {  	[tilespmem:$0xD28] =	vst v0  }
0xd5: {  	[tilespmem:$0xD38] =	vst v0  }
0xd6: {  	[tilespmem:$0xD48] =	vst v0  }
0xd7: {  	[tilespmem:$0xD58] =	vst v0  }
0xd8: {  	[tilespmem:$0xD68] =	vst v0  }
0xd9: {  	[tilespmem:$0xD78] =	vst v0  }
0xda: {  	[tilespmem:$0xD88] =	vst v0  }
0xdb: {  	[tilespmem:$0xD98] =	vst v0  }
0xdc: {  	[tilespmem:$0xDA8] =	vst v0  }
0xdd: {  	[tilespmem:$0xDB8] =	vst v0  }
0xde: {  	[tilespmem:$0xDC8] =	vst v0  }
0xdf: {  	[tilespmem:$0xDD8] =	vst v0  }
0xe0: {  	[tilespmem:$0xDE8] =	vst v0  }
0xe1: {  	[tilespmem:$0xDF8] =	vst v0  }
0xe2: {  	[tilespmem:$0xE08] =	vst v0  }
0xe3: {  	[tilespmem:$0xE18] =	vst v0  }
0xe4: {  	[tilespmem:$0xE28] =	vst v0  }
0xe5: {  	[tilespmem:$0xE38] =	vst v0  }
0xe6: {  	[tilespmem:$0xE48] =	vst v0  }
0xe7: {  	[tilespmem:$0xE58] =	vst v0  }
0xe8: {  	[tilespmem:$0xE68] =	vst v0  }
0xe9: {  	[tilespmem:$0xE78] =	vst v0  }
0xea: {  	[tilespmem:$0xE88] =	vst v0  }
0xeb: {  	[tilespmem:$0xE98] =	vst v0  }
0xec: {  	[tilespmem:$0xEA8] =	vst v0  }
0xed: {  	[tilespmem:$0xEB8] =	vst v0  }
0xee: {  	[tilespmem:$0xEC8] =	vst v0  }
0xef: {  	[tilespmem:$0xED8] =	vst v0  }
0xf0: {  	[tilespmem:$0xEE8] =	vst v0  }
0xf1: {  	[tilespmem:$0xEF8] =	vst v0  }
0xf2: {  	[tilespmem:$0xF08] =	vst v0  }
0xf3: {  	[tilespmem:$0xF18] =	vst v0  }
0xf4: {  	[tilespmem:$0xF28] =	vst v0  }
0xf5: {  	[tilespmem:$0xF38] =	vst v0  }
0xf6: {  	[tilespmem:$0xF48] =	vst v0  }
0xf7: {  	[tilespmem:$0xF58] =	vst v0  }
0xf8: {  	[tilespmem:$0xF68] =	vst v0  }
0xf9: {  	[tilespmem:$0xF78] =	vst v0  }
0xfa: {  	[tilespmem:$0xF88] =	vst v0  }
0xfb: {  	[tilespmem:$0xF98] =	vst v0  }
0xfc: {  	[tilespmem:$0xFA8] =	vst v0  }
0xfd: {  	[tilespmem:$0xFB8] =	vst v0  }
0xfe: {  	[tilespmem:$0xFC8] =	vst v0  }
0xff: {  	[tilespmem:$0xFD8] =	vst v0  }
0x100: {  	[tilespmem:$0xFE8] =	vst v0  }
0x101: {  	[tilespmem:$0xFF8] =	vst v0  }
0x102: {  	[tilespmem:$0x1008] =	vst v0  }
0x103: {  	[tilespmem:$0x10D8] =	vst v0  }
0x104: {  	[tilespmem:$0x1B28] =	vst v0  }
0x105: {  	[tilespmem:$0x1B18] =	vst v0  }
0x106: {  	[tilespmem:$0x1B08] =	vst v0  }
0x107: {  	[tilespmem:$0x1AF8] =	vst v0  }
0x108: {  	[tilespmem:$0x1AE8] =	vst v0  }
0x109: {  	[tilespmem:$0x1AD8] =	vst v0  }
0x10a: {  	[tilespmem:$0x1AC8] =	vst v0  }
0x10b: {  	[tilespmem:$0x1AB8] =	vst v0  }
0x10c: {  	[tilespmem:$0x1AA8] =	vst v0  }
0x10d: {  	[tilespmem:$0x1A98] =	vst v0  }
0x10e: {  	[tilespmem:$0x1A88] =	vst v0  }
0x10f: {  	[tilespmem:$0x1A78] =	vst v0  }
0x110: {  	[tilespmem:$0x1A68] =	vst v0  }
0x111: {  	[tilespmem:$0x1A58] =	vst v0  }
0x112: {  	[tilespmem:$0x1A48] =	vst v0  }
0x113: {  	[tilespmem:$0x1A38] =	vst v0  }
0x114: {  	[tilespmem:$0x1A28] =	vst v0  }
0x115: {  	[tilespmem:$0x1A18] =	vst v0  }
0x116: {  	[tilespmem:$0x1A08] =	vst v0  }
0x117: {  	[tilespmem:$0x19F8] =	vst v0  }
0x118: {  	[tilespmem:$0x19E8] =	vst v0  }
0x119: {  	[tilespmem:$0x19D8] =	vst v0  }
0x11a: {  	[tilespmem:$0x19C8] =	vst v0  }
0x11b: {  	[tilespmem:$0x19B8] =	vst v0  }
0x11c: {  	[tilespmem:$0x19A8] =	vst v0  }
0x11d: {  	[tilespmem:$0x1998] =	vst v0  }
0x11e: {  	[tilespmem:$0x1988] =	vst v0  }
0x11f: {  	[tilespmem:$0x1978] =	vst v0  }
0x120: {  	[tilespmem:$0x1968] =	vst v0  }
0x121: {  	[tilespmem:$0x1958] =	vst v0  }
0x122: {  	[tilespmem:$0x1948] =	vst v0  }
0x123: {  	[tilespmem:$0x1938] =	vst v0  }
0x124: {  	[tilespmem:$0x1928] =	vst v0  }
0x125: {  	[tilespmem:$0x1918] =	vst v0  }
0x126: {  	[tilespmem:$0x1908] =	vst v0  }
0x127: {  	[tilespmem:$0x18F8] =	vst v0  }
0x128: {  	[tilespmem:$0x18E8] =	vst v0  }
0x129: {  	[tilespmem:$0x18D8] =	vst v0  }
0x12a: {  	[tilespmem:$0x18C8] =	vst v0  }
0x12b: {  	[tilespmem:$0x18B8] =	vst v0  }
0x12c: {  	[tilespmem:$0x18A8] =	vst v0  }
0x12d: {  	[tilespmem:$0x1898] =	vst v0  }
0x12e: {  	[tilespmem:$0x1888] =	vst v0  }
0x12f: {  	[tilespmem:$0x1878] =	vst v0  }
0x130: {  	[tilespmem:$0x1868] =	vst v0  }
0x131: {  	[tilespmem:$0x1858] =	vst v0  }
0x132: {  	[tilespmem:$0x1848] =	vst v0  }
0x133: {  	[tilespmem:$0x1838] =	vst v0  }
0x134: {  	[tilespmem:$0x1828] =	vst v0  }
0x135: {  	[tilespmem:$0x1818] =	vst v0  }
0x136: {  	[tilespmem:$0x1808] =	vst v0  }
0x137: {  	[tilespmem:$0x17F8] =	vst v0  }
0x138: {  	[tilespmem:$0x17E8] =	vst v0  }
0x139: {  	[tilespmem:$0x17D8] =	vst v0  }
0x13a: {  	[tilespmem:$0x17C8] =	vst v0  }
0x13b: {  	[tilespmem:$0x17B8] =	vst v0  }
0x13c: {  	[tilespmem:$0x17A8] =	vst v0  }
0x13d: {  	[tilespmem:$0x1798] =	vst v0  }
0x13e: {  	[tilespmem:$0x1788] =	vst v0  }
0x13f: {  	[tilespmem:$0x1778] =	vst v0  }
0x140: {  	[tilespmem:$0x1768] =	vst v0  }
0x141: {  	[tilespmem:$0x1758] =	vst v0  }
0x142: {  	[tilespmem:$0x1748] =	vst v0  }
0x143: {  	[tilespmem:$0x1738] =	vst v0  }
0x144: {  	[tilespmem:$0x1728] =	vst v0  }
0x145: {  	[tilespmem:$0x1718] =	vst v0  }
0x146: {  	[tilespmem:$0x1708] =	vst v0  }
0x147: {  	[tilespmem:$0x16F8] =	vst v0  }
0x148: {  	[tilespmem:$0x16E8] =	vst v0  }
0x149: {  	[tilespmem:$0x16D8] =	vst v0  }
0x14a: {  	[tilespmem:$0x16C8] =	vst v0  }
0x14b: {  	[tilespmem:$0x16B8] =	vst v0  }
0x14c: {  	[tilespmem:$0x16A8] =	vst v0  }
0x14d: {  	[tilespmem:$0x1698] =	vst v0  }
0x14e: {  	[tilespmem:$0x1688] =	vst v0  }
0x14f: {  	[tilespmem:$0x1678] =	vst v0  }
0x150: {  	[tilespmem:$0x1668] =	vst v0  }
0x151: {  	[tilespmem:$0x1658] =	vst v0  }
0x152: {  	[tilespmem:$0x1648] =	vst v0  }
0x153: {  	[tilespmem:$0x1638] =	vst v0  }
0x154: {  	[tilespmem:$0x1628] =	vst v0  }
0x155: {  	[tilespmem:$0x1618] =	vst v0  }
0x156: {  	[tilespmem:$0x1608] =	vst v0  }
0x157: {  	[tilespmem:$0x15F8] =	vst v0  }
0x158: {  	[tilespmem:$0x15E8] =	vst v0  }
0x159: {  	[tilespmem:$0x15D8] =	vst v0  }
0x15a: {  	[tilespmem:$0x15C8] =	vst v0  }
0x15b: {  	[tilespmem:$0x15B8] =	vst v0  }
0x15c: {  	[tilespmem:$0x15A8] =	vst v0  }
0x15d: {  	[tilespmem:$0x1598] =	vst v0  }
0x15e: {  	[tilespmem:$0x1588] =	vst v0  }
0x15f: {  	[tilespmem:$0x1578] =	vst v0  }
0x160: {  	[tilespmem:$0x1568] =	vst v0  }
0x161: {  	[tilespmem:$0x1558] =	vst v0  }
0x162: {  	[tilespmem:$0x1548] =	vst v0  }
0x163: {  	[tilespmem:$0x1538] =	vst v0  }
0x164: {  	[tilespmem:$0x1528] =	vst v0  }
0x165: {  	[tilespmem:$0x1518] =	vst v0  }
0x166: {  	[tilespmem:$0x1508] =	vst v0  }
0x167: {  	[tilespmem:$0x14F8] =	vst v0  }
0x168: {  	[tilespmem:$0x14E8] =	vst v0  }
0x169: {  	[tilespmem:$0x14D8] =	vst v0  }
0x16a: {  	[tilespmem:$0x14C8] =	vst v0  }
0x16b: {  	[tilespmem:$0x14B8] =	vst v0  }
0x16c: {  	[tilespmem:$0x14A8] =	vst v0  }
0x16d: {  	[tilespmem:$0x1498] =	vst v0  }
0x16e: {  	[tilespmem:$0x1488] =	vst v0  }
0x16f: {  	[tilespmem:$0x1478] =	vst v0  }
0x170: {  	[tilespmem:$0x1468] =	vst v0  }
0x171: {  	[tilespmem:$0x1458] =	vst v0  }
0x172: {  	[tilespmem:$0x1448] =	vst v0  }
0x173: {  	[tilespmem:$0x1438] =	vst v0  }
0x174: {  	[tilespmem:$0x1428] =	vst v0  }
0x175: {  	[tilespmem:$0x1418] =	vst v0  }
0x176: {  	[tilespmem:$0x1408] =	vst v0  }
0x177: {  	[tilespmem:$0x13F8] =	vst v0  }
0x178: {  	[tilespmem:$0x13E8] =	vst v0  }
0x179: {  	[tilespmem:$0x13D8] =	vst v0  }
0x17a: {  	[tilespmem:$0x13C8] =	vst v0  }
0x17b: {  	[tilespmem:$0x13B8] =	vst v0  }
0x17c: {  	[tilespmem:$0x13A8] =	vst v0  }
0x17d: {  	[tilespmem:$0x1398] =	vst v0  }
0x17e: {  	[tilespmem:$0x1388] =	vst v0  }
0x17f: {  	[tilespmem:$0x1378] =	vst v0  }
0x180: {  	[tilespmem:$0x1368] =	vst v0  }
0x181: {  	[tilespmem:$0x1358] =	vst v0  }
0x182: {  	[tilespmem:$0x1348] =	vst v0  }
0x183: {  	[tilespmem:$0x1338] =	vst v0  }
0x184: {  	[tilespmem:$0x1328] =	vst v0  }
0x185: {  	[tilespmem:$0x1318] =	vst v0  }
0x186: {  	[tilespmem:$0x1308] =	vst v0  }
0x187: {  	[tilespmem:$0x12F8] =	vst v0  }
0x188: {  	[tilespmem:$0x12E8] =	vst v0  }
0x189: {  	[tilespmem:$0x12D8] =	vst v0  }
0x18a: {  	[tilespmem:$0x12C8] =	vst v0  }
0x18b: {  	[tilespmem:$0x12B8] =	vst v0  }
0x18c: {  	[tilespmem:$0x12A8] =	vst v0  }
0x18d: {  	[tilespmem:$0x1298] =	vst v0  }
0x18e: {  	[tilespmem:$0x1288] =	vst v0  }
0x18f: {  	[tilespmem:$0x1278] =	vst v0  }
0x190: {  	[tilespmem:$0x1268] =	vst v0  }
0x191: {  	[tilespmem:$0x1258] =	vst v0  }
0x192: {  	[tilespmem:$0x1248] =	vst v0  }
0x193: {  	[tilespmem:$0x1238] =	vst v0  }
0x194: {  	[tilespmem:$0x1228] =	vst v0  }
0x195: {  	[tilespmem:$0x1218] =	vst v0  }
0x196: {  	[tilespmem:$0x1208] =	vst v0  }
0x197: {  	[tilespmem:$0x11F8] =	vst v0  }
0x198: {  	[tilespmem:$0x11E8] =	vst v0  }
0x199: {  	[tilespmem:$0x11D8] =	vst v0  }
0x19a: {  	[tilespmem:$0x11C8] =	vst v0  }
0x19b: {  	[tilespmem:$0x11B8] =	vst v0  }
0x19c: {  	[tilespmem:$0x11A8] =	vst v0  }
0x19d: {  	[tilespmem:$0x1198] =	vst v0  }
0x19e: {  	[tilespmem:$0x1188] =	vst v0  }
0x19f: {  	[tilespmem:$0x1178] =	vst v0  }
0x1a0: {  	[tilespmem:$0x1168] =	vst v0  }
0x1a1: {  	[tilespmem:$0x1158] =	vst v0  }
0x1a2: {  	[tilespmem:$0x1148] =	vst v0  }
0x1a3: {  	[tilespmem:$0x1138] =	vst v0  }
0x1a4: {  	[tilespmem:$0x1128] =	vst v0  }
0x1a5: {  	[tilespmem:$0x1118] =	vst v0  }
0x1a6: {  	s2 =	stileid.u32;
	[tilespmem:$0x1108] =	vst v0  }
0x1a7: {  	s0 =	smul.u32 $0x2F, s2;
	[tilespmem:$0x10F8] =	vst v0  }
0x1a8: {  	s3 =	smin.u32 s2, $0xC;
	[tilespmem:$0x10E8] =	vst v0  }
0x1a9: {  	[tilespmem:$0x10B8] =	vst v0;
	s0 =	sadd.s32 s3, s0  }
0x1aa: {  	s4 =	simm.s32 $0x5100;
	p0 =	slt.u32 s2, $0xC;
	[tilespmem:$0x10C8] =	vst v0;
	s3 =	smul.u32 $0x1B0, s0  }
0x1ab: {  	s4 =	simm.s32 @!p0 $0x4F50;
	[tilespmem:$0x10A8] =	vst v0  }
0x1ac: {  	[tilespmem:$0x1038] =	vst v0;
	s0 =	sadd.s32 s4, s3  }
0x1ad: {  	[tilespmem:$0x1098] =	vst v0;
	s4 =	smin.u32 s0, $0x50910  }
0x1ae: {  	[tilespmem:$0x1088] =	vst v0;
	s0 =	ssub.s32 s4, s3  }
0x1af: {  	s5 =	simm.s32 $0x2;
	[tilespmem:$0x1078] =	vst v0;
	p0 =	sgt.s32 s0, $0x0  }
0x1b0: {  	s29 =	simm.s32 $0x7;
	s13 =	simm.s32 $0x8;
	[tilespmem:$0x1068] =	vst v0;
	s0 =	simm.s32 @!p0 $0x0  }
0x1b1: {  	s30 =	simm.s32 $0x9;
	p4 =	por $0x0, $0x0;
	[tilespmem:$0x1058] =	vst v0;
	s6 =	smulhi.u32 $0x4BDA12F7, s0  }
0x1b2: {  	s14 =	simm.s32 $0xA;
	s18 =	simm.s32 $0x0;
	s15 =	simm.s32 $0x0;
	[tilespmem:$0x1048] =	vst v0  }
0x1b3: {  	s17 =	simm.s32 $0x0;
	s7 =	sadd.s32 $0x7FBE00, s8;
	[tilespmem:$0x1028] =	vst v0;
	s12 =	sshrl.u32 s6, $0x7  }
0x1b4: {  	s31 =	sshll.u32 s2, $0x5;
	[tilespmem:$0x1018] =	vst v0;
	[sflag:s5] =	ssyncpa.u1 $0x0;
	v0 =	vimm.s32 $0xFFFFFFFF;
	s10 =	smul.u32 $0x1B0, s12  }
.Ltmp0:
0x1b5: {  	s5 =	sadd.s32 $0x15C00, s8;
	[tilespmem:$0x3648] =	vst v0;
	[sflag:s29] =	ssyncpa.u1 $0x0;
	(pc) =	sbr.rel .LBB2_1-.Ltmp0, $4  }
0x1b6: {  	[dreg:$0x3] =	wrdreg s31;
	[sflag:s13] =	ssyncpa.u1 $0x0;
	p0 =	sne.s32 s0, s10  }
0x1b7: {  	s13 =	simm.s32 $0x0;
	[sflag:s30] =	ssyncpa.u1 $0x0;
	s11 =	simm.s32 @!p0 $0x0  }
0x1b8: {  	s16 =	smov.u32 s3;
	[dreg:$0x4] =	wrdreg s3;
	s11 =	sadd.s32 s11, s12  }
0x1b9: {  	v0 =	vlaneseq.u32;
	s6 =	sadd.s32 $0xBA00, s8;
	p0 =	por $0x1, $0x1;
	s8 =	sadd.s32 $0x1, s11  }
.LBB2_18:
0x1ba: {  	s0 =	simm.s32 $0x2  }
0x1bb: {  	_ =	swait.ge [sflag:s0], $0x0  }
0x1bc: {  	[sflag:s0] =	ssyncset.done $0x0;
	s0 =	simm.s32 $0x0  }
.LBB2_19:
0x1bd: {  	_ =	swait.ge [sflag:s14], s0  }
0x1be: {  	s31 =	ssub.s32 $0x0, s0;
	v1 =	vmov s20;
	vm0 =	veq.s32 v0, $0x0;
	[sflag:s14] =	ssyncset.done $0x0  }
0x1bf: {  	vm15 =	veq.s32 v0, $0x2;
	v1 =	vsel vm0, s24, v1;
	[sflag:s14] =	ssyncadd.s32 s31  }
0x1c0: {  	v1 =	vsel vm15, s18, v1;
	[sflag:s14] =	ssyncpa.u1 $0x1  }
0x1c1: {  	[tilespmem:$0x3648] =	vst v1  }
.LBB2_20:
0x1c2: {  	s0 =	sadd.s32 $0x1B0, s16  }
0x1c3: {  	s2 =	smov.u32 s3;
	p1 =	slt.s32 s0, s4  }
0x1c4: {  	s2 =	smov.u32 @p1 s0;
	p1 =	sne.s32 s17, s8  }
.Ltmp1:
0x1c5: {  	_ = 	snop;
	(pc) =	sbr.rel @!p1 .LBB2_21-.Ltmp1, $4  }
0x1c6: {  	_ = 	snop  }
0x1c7: {  	s18 =	smov.u32 s15  }
0x1c8: {  	s31 =	sadd.s32 $0x1, s17;
	s15 =	smov.u32 s16;
	p0 =	por !p0, !p0  }
0x1c9: {  	p4 =	por !p4, !p4;
	s17 =	smov.u32 s31;
	s16 =	smov.u32 s2  }
.LBB2_1:
0x1ca: {  	p2 =	sge.u32 s17, s11  }
0x1cb: {  	s0 =	smulhi.u32 @!p2 $0xAAAAAAAB, s17  }
0x1cc: {  	s19 =	smov.u32 s16;
	p3 =	sgt.s32 @!p2 s16, $0x50760  }
0x1cd: {  	s20 =	sshra.s32 @!p2 s16, $0x1F;
	p3 =	por !p3, p2;
	s0 =	sshrl.u32 @!p2 s0, $0x1  }
0x1ce: {  	s20 =	sand.u32 @!p2 s20, s16;
	s19 =	simm.s32 @p3 $0x50760;
	s0 =	smul.u32 @!p2 $0x3, s0  }
0x1cf: {  	s19 =	ssub.s32 @!p2 s19, s20  }
0x1d0: {  	s19 =	sadd.s32 @!p2 $0xFFFAF8A0, s19;
	s0 =	ssub.s32 @!p2 s17, s0  }
0x1d1: {  	s20 =	sshll.u32 @!p2 s19, $0x2;
	p3 =	sgt.s32 @!p2 s19, $0x1AF;
	s0 =	smul.u32 @!p2 $0x6C0, s0  }
0x1d2: {  	s21 =	sand.u32 @!p2 $0x7, s16;
	s19 =	ssub.s32 @!p2 $0x6C0, s20;
	p3 =	por !p3, p2  }
0x1d3: {  	s20 =	sshrl.u32 @!p2 s16, $0x3;
	s19 =	sshrl.u32 @!p2 s19, $0x2;
	s0 =	sshrl.u32 @!p2 s0, $0x2  }
0x1d4: {  	s20 =	sadd.s32 @!p2 s5, s20;
	s19 =	simm.s32 @!p3 $0x0;
	s0 =	sadd.s32 @!p2 $0x3878, s0  }
0x1d5: {  	[tilespmem:s0], [sflag:$0x8] =	stream.linear.gather @!p2 [hbm4b:s20+s21], s19, $0x38;
	[tilespmem:$0x1F0E8] =	vst v63  }
0x1d6: {  	s20 =	sadd.s32 $0xFFFFFFFF, s17  }
0x1d7: {  	p2 =	sge.u32 s20, s11  }
0x1d8: {  	p3 =	sgt.s32 @!p2 s15, $0x50760  }
0x1d9: {  	s0 =	smov.u32 s15;
	s19 =	sshra.s32 @!p2 s15, $0x1F;
	p3 =	por !p3, p2  }
0x1da: {  	s19 =	sand.u32 @!p2 s19, s15;
	s0 =	simm.s32 @p3 $0x50760  }
0x1db: {  	s0 =	ssub.s32 @!p2 s0, s19  }
0x1dc: {  	s0 =	sadd.s32 @!p2 $0xFFFAF8A0, s0  }
0x1dd: {  	s19 =	sshll.u32 @!p2 s0, $0x2  }
0x1de: {  	p3 =	sgt.s32 @!p2 s0, $0x1AF;
	s0 =	ssub.s32 @!p2 $0x6C0, s19  }
0x1df: {  	p3 =	por !p3, p2;
	s0 =	sshrl.u32 @!p2 s0, $0x2  }
0x1e0: {  	s21 =	simm.s32 @!p2 $0x8;
	s19 =	sand.u32 @!p2 $0x1, s20;
	s0 =	simm.s32 @!p3 $0x0  }
0x1e1: {  	s19 =	smul.u32 @!p2 $0x6C0, s19;
	_ =	swait.ge @!p2 [sflag:s21], s0  }
0x1e2: {  	s22 =	ssub.s32 @!p2 $0x0, s0;
	[sflag:s21] =	ssyncset.done @!p2 $0x0  }
0x1e3: {  	s19 =	sshrl.u32 @!p2 s19, $0x2;
	[sflag:s21] =	ssyncadd.s32 @!p2 s22;
	s21 =	sshrl.u32 @!p2 s15, $0x3  }
0x1e4: {  	s19 =	sadd.s32 @!p2 $0x3D88, s19;
	s22 =	sand.u32 @!p2 $0x7, s15;
	s21 =	sadd.s32 @!p2 s6, s21  }
0x1e5: {  	[tilespmem:s19], [sflag:$0x9] =	stream.linear.gather @!p2 [hbm4b:s21+s22], s0, $0x38;
	[tilespmem:$0x1F0E8] =	vst v63  }
0x1e6: {  	s19 =	ssub.s32 @!p2 $0x50910, s15  }
0x1e7: {  	p3 =	slt.s32 @!p2 s19, $0x1  }
0x1e8: {  	p3 =	por p2, p3  }
.Ltmp2:
0x1e9: {  	_ = 	snop;
	(pc) =	sbr.rel @p3 .LBB2_7-.Ltmp2, $1  }
0x1ea: {  	_ =	sdelay $0x3  }
0x1eb: {  	s0 =	smulhi.u32 $0xAAAAAAAB, s20;
	_ =	sdelay $0x1  }
0x1ec: {  	s0 =	sshrl.u32 s0, $0x1  }
0x1ed: {  	s0 =	smul.u32 $0x3, s0;
	_ =	sdelay $0x1  }
0x1ee: {  	s0 =	ssub.s32 s20, s0  }
0x1ef: {  	s21 =	simm.s32 $0x1;
	s0 =	smul.u32 $0x6C0, s0  }
.Ltmp3:
0x1f0: {  	s21 =	simm.s32 @!p0 $0x0;
	(pc) =	sbr.rel .LBB2_4-.Ltmp3, $4  }
0x1f1: {  	s31 =	smul.u32 $0x36000, s21  }
0x1f2: {  	p3 =	slt.s32 @!p2 s19, $0x1B0;
	s0 =	sshrl.u32 s0, $0x2  }
0x1f3: {  	p2 =	por !p3, p2;
	s20 =	sshrl.u32 s31, $0x2;
	s0 =	sadd.s32 $0x3878, s0  }
0x1f4: {  	s19 =	simm.s32 @p2 $0x1B0;
	s21 =	simm.s32 $0x0;
	s20 =	sadd.s32 $0x40E8, s20;
	v1 =	vmov s0  }
.LBB2_3:
0x1f5: {  	p2 =	sge.s32 s21, s19  }
.Ltmp4:
0x1f6: {  	_ = 	snop;
	(pc) =	sbr.rel @p2 .LBB2_7-.Ltmp4, $2  }
0x1f7: {  	_ =	sdelay $0x2  }
0x1f8: {  	s20 =	sadd.s32 $0x800, s20  }
.LBB2_4:
0x1f9: {  	p2 =	sle.s32 s19, s21  }
.Ltmp5:
0x1fa: {  	_ = 	snop;
	(pc) =	sbr.rel @p2 .LBB2_3-.Ltmp5, $2  }
0x1fb: {  	_ =	sdelay $0x2  }
0x1fc: {  	s22 =	smov.u32 s21;
	s21 =	sadd.s32 $0x10, s21  }
0x1fd: {  	s0 =	ssub.s32 s19, s22  }
0x1fe: {  	p2 =	slt.s32 s0, $0x10  }
0x1ff: {  	s0 =	simm.s32 @!p2 $0x10  }
0x200: {  	v2 =	vmov s0  }
0x201: {  	vm0 =	vgt.s32 v2, v0;
	_ =	sdelay $0x5  }
0x202: {  	v2 =	vld.idx.msk [tilespmem:v1+s22+$0x0 ss:$0x1], vm0;
	_ =	sdelay $0x2  }
0x203: {  	s23 =	smov.u32 s19;
	p2 =	slt.s32 s21, s19  }
0x204: {  	s24 =	smov.u32 s20;
	s25 =	simm.s32 $0x0;
	s23 =	smov.u32 @p2 s21  }
.LBB2_6:
0x205: {  	(v2sf) =	vpush v2, s25;
	_ =	sdelay $0xc  }
0x206: {  	s25 =	sadd.s32 $0x1, s25  }
0x207: {  	s31 =	sadd.s32 s25, s22  }
0x208: {  	p2 =	slt.s32 s31, s23;
	s0 =	spop (v2sf)  }
.Ltmp6:
0x209: {  	s0 =	sshll.u32 s0, $0x4;
	(pc) =	sbr.rel @p2 .LBB2_6-.Ltmp6, $4  }
0x20a: {  	s0 =	sand.u32 $0x1FFFFFF0, s0  }
0x20b: {  	s0 =	sadd.s32 s7, s0  }
0x20c: {  	[tilespmem:s24], [sflag:$0x7] =	stream.linear.gather [hbm4b:s0+s13], $0x8, $0x38;
	[tilespmem:$0x1F0E8] =	vst v63  }
0x20d: {  	s24 =	sadd.s32 $0x80, s24  }
.Ltmp7:
0x20e: {  	_ = 	snop;
	(pc) =	sbr.rel .LBB2_3-.Ltmp7, $1  }
0x20f: {  	_ =	sdelay $0x3  }
.LBB2_7:
0x210: {  	p2 =	slt.u32 s17, $0x2  }
.Ltmp8:
0x211: {  	_ = 	snop;
	(pc) =	sbr.rel @p2 .LBB2_20-.Ltmp8, $1  }
0x212: {  	_ =	sdelay $0x3  }
0x213: {  	p2 =	sgt.s32 s18, $0x50760;
	s0 =	smov.u32 s18  }
0x214: {  	s19 =	sshra.s32 s18, $0x1F;
	s20 =	ssub.s32 $0x50910, s18;
	s0 =	simm.s32 @!p2 $0x50760  }
0x215: {  	s19 =	sand.u32 s19, s18;
	p2 =	slt.s32 s20, $0x1B0;
	s21 =	smov.u32 s20  }
0x216: {  	s0 =	ssub.s32 s0, s19;
	s21 =	simm.s32 @!p2 $0x1B0  }
0x217: {  	s0 =	sadd.s32 $0xFFFAF8A0, s0;
	s26 =	sshll.u32 s21, $0x3  }
0x218: {  	s2 =	simm.s32 $0x7;
	s28 =	sshll.u32 s0, $0x2;
	s19 =	sand.u32 $0x3FFFFFF8, s26  }
0x219: {  	p2 =	sgt.s32 s0, $0x1AF;
	s29 =	ssub.s32 $0x6C0, s28;
	_ =	swait.ge [sflag:s2], s19  }
0x21a: {  	s19 =	ssub.s32 $0x0, s19;
	[sflag:s2] =	ssyncset.done $0x0;
	s0 =	sshrl.u32 s29, $0x2  }
0x21b: {  	s30 =	simm.s32 $0x9;
	[sflag:s2] =	ssyncadd.s32 s19;
	s0 =	simm.s32 @p2 $0x0  }
0x21c: {  	_ =	swait.ge [sflag:s30], s0  }
0x21d: {  	s0 =	ssub.s32 $0x0, s0;
	[sflag:s30] =	ssyncset.done $0x0  }
0x21e: {  	[sflag:s30] =	ssyncadd.s32 s0  }
0x21f: {  	v1 =	vld [tilespmem:$0x3648];
	_ =	sdelay $0x4  }
0x220: {  	(v2sf) =	vpush v1, $0x0  }
0x221: {  	(v2sf) =	vpush v1, $0x1  }
0x222: {  	(v2sf) =	vpush v1, $0x2;
	_ =	sdelay $0x3  }
0x223: {  	s0 =	sadd.s32 $0x1B0, s18  }
0x224: {  	p2 =	slt.s32 s4, s0  }
0x225: {  	s0 =	smov.u32 @p2 s4;
	p2 =	sgt.s32 s20, $0x0  }
0x226: {  	s22 =	ssub.s32 s0, s18;
	s20 =	simm.s32 @!p2 $0x0  }
0x227: {  	p2 =	slt.s32 s20, s22  }
0x228: {  	s22 =	smov.u32 @p2 s20  }
0x229: {  	s21 =	simm.s32 $0x1;
	p2 =	slt.s32 s22, $0x1  }
.Ltmp9:
0x22a: {  	s21 =	simm.s32 @!p4 $0x0;
	(pc) =	sbr.rel @p2 .LBB2_12-.Ltmp9, $4  }
0x22b: {  	s31 =	smul.u32 $0x6C0, s21  }
0x22c: {  	s23 =	spop (v2sf)  }
0x22d: {  	s0 =	sshrl.u32 s31, $0x2;
	s25 =	spop (v2sf)  }
0x22e: {  	s19 =	sadd.s32 $0x3D88, s0;
	s18 =	spop (v2sf)  }
0x22f: {  	s0 =	smin.u32 s22, $0x10  }
0x230: {  	v1 =	vmov s0  }
0x231: {  	p3 =	sgt.s32 s22, $0x10;
	vm1 =	vgt.u32 v1, v0  }
.Ltmp10:
0x232: {  	_ = 	snop;
	(pc) =	sbr.rel @!p3 .LBB2_11-.Ltmp10, $2  }
0x233: {  	_ =	sdelay $0x2  }
0x234: {  	s24 =	simm.s32 $0x10;
	s26 =	sadd.s32 $0xFFFFFFF0, s22;
	s20 =	smov.u32 s19;
	vm0 =	vmmov vm1  }
.LBB2_10:
0x235: {  	s0 =	smin.u32 s26, $0x10;
	s24 =	sadd.s32 $0x10, s24;
	v1 =	vld.msk [tilespmem:s20+$0x0 ss:$0x1], vm1  }
0x236: {  	v2 =	vmov s0;
	p3 =	slt.s32 s24, s22  }
0x237: {  	vm1 =	vgt.u32 v2, v0  }
.Ltmp11:
0x238: {  	(pc) =	sbr.rel @p3 .LBB2_10-.Ltmp11, $3  }
0x239: {  	_ =	sdelay $0x1  }
0x23a: {  	v1 =	vshll.u32 v1, $0x4  }
0x23b: {  	s26 =	sadd.s32 $0xFFFFFFF0, s26;
	[tilespmem:s20+$0x0] =	vst.msk vm0, v1;
	s20 =	sadd.s32 $0x10, s20;
	vm0 =	vmmov vm1  }
.LBB2_11:
0x23c: {  	_ =	sdelay $0x4  }
0x23d: {  	v1 =	vld.msk [tilespmem:s20+$0x0 ss:$0x1], vm1;
	_ =	sdelay $0x4  }
0x23e: {  	v1 =	vshll.u32 v1, $0x4  }
0x23f: {  	[tilespmem:s20+$0x0] =	vst.msk vm0, v1  }
.LBB2_12:
0x240: {  	s0 =	sand.u32 $0x1, s17  }
0x241: {  	s0 =	smul.u32 $0x1B0, s0  }
0x242: {  	p3 =	sne.s32 s25, $0xFFFFFFFF  }
0x243: {  	v1 =	vld.msk @!p3 [tilespmem:s0+$0x3D88], $0x1;
	_ =	sdelay $0x4  }
0x244: {  	(v2sf) =	vpush @!p3 v1, $0x0;
	_ =	sdelay $0xc  }
.Ltmp12:
0x245: {  	_ = 	snop;
	(pc) =	sbr.rel @p2 .LBB2_18-.Ltmp12, $4  }
0x246: {  	_ = 	snop  }
0x247: {  	s24 =	spop @!p3 (v2sf)  }
0x248: {  	s18 =	simm.s32 @!p3 $0x0;
	s20 =	smov.u32 s24  }
0x249: {  	[sflag:s14] =	ssyncpa.u1 $0x0;
	s24 =	smov.u32 @p3 s23;
	s20 =	smov.u32 @p3 s25  }
0x24a: {  	v1 =	vld.msk [tilespmem:s19+$0x0], $0x1;
	_ =	sdelay $0x4  }
0x24b: {  	(v2sf) =	vpush v1, $0x0;
	_ =	sdelay $0xd  }
0x24c: {  	s0 =	simm.s32 @!p4 $0x0  }
0x24d: {  	s26 =	smul.u32 $0x36000, s21;
	s25 =	ssub.s32 $0x0, s22;
	s28 =	spop (v2sf)  }
0x24e: {  	s0 =	simm.s32 @p4 $0x1;
	s23 =	sadd.s32 $0x1, s25;
	p2 =	seq.s32 s24, s28  }
0x24f: {  	[smem:$0x7FD] =	sst s0;
	s0 =	sshrl.u32 s26, $0x2;
	p3 =	sgt.s32 @!p2 s24, $0x0  }
0x250: {  	s21 =	sadd.s32 $0x40E8, s0;
	s0 =	smov.u32 s24;
	p3 =	por !p3, p2  }
0x251: {  	s0 =	simm.s32 @p3 $0x0;
	p3 =	seq.s32 s23, $0x0  }
.Ltmp13:
0x252: {  	_ = 	snop;
	(pc) =	sbr.rel @p3 .LBB2_15-.Ltmp13, $4  }
0x253: {  	s3 =	smov.u32 s8;
	s12 =	smov.u32 s5;
	s8 =	smov.u32 s6  }
0x254: {  	s22 =	simm.s32 $0x0;
	s29 =	simm.s32 @!p2 $0x1;
	s0 =	smin.u32 @!p2 s0, $0x270FF  }
0x255: {  	s30 =	simm.s32 @!p2 $0x1B38;
	s29 =	smov.u32 @p2 s22;
	s26 =	sand.u32 @!p2 $0x3FFF8, s0  }
0x256: {  	s31 =	sand.u32 @!p2 $0x7, s0;
	s0 =	sadd.s32 @!p2 s1, s26;
	s26 =	sadd.s32 $0x1, s19  }
.LBB2_14:
0x257: {  	s2 =	smov.u32 s29  }
0x258: {  	[tilespmem:s30], [sflag:$0x2] =	stream.linear.gather @!p2 [hbm4b:s0+s31], $0x8, $0x38;
	[tilespmem:$0x1F0E8] =	vst v63  }
0x259: {  	s23 =	sadd.s32 $0x1, s23;
	s0 =	smov.u32 s28;
	v1 =	vld.msk [tilespmem:s26+$0x0], $0x1  }
0x25a: {  	p3 =	seq.s32 s23, $0x0;
	_ =	sdelay $0x3  }
0x25b: {  	(v2sf) =	vpush v1, $0x0;
	_ =	sdelay $0xe  }
0x25c: {  	s28 =	spop (v2sf)  }
0x25d: {  	p2 =	seq.s32 s0, s28  }
0x25e: {  	p4 =	sgt.s32 @!p2 s0, $0x0;
	s30 =	sshll.u32 @!p2 s29, $0x6;
	s29 =	sadd.s32 @!p2 $0x1, s29  }
.Ltmp14:
0x25f: {  	p4 =	por !p4, p2;
	s30 =	sshra.s32 @!p2 s30, $0x2;
	(pc) =	sbr.rel @!p3 .LBB2_14-.Ltmp14, $4  }
0x260: {  	s29 =	smov.u32 @p2 s2;
	s0 =	simm.s32 @p4 $0x0;
	s30 =	sadd.s32 @!p2 $0x1B38, s30  }
0x261: {  	s0 =	smin.u32 @!p2 s0, $0x270FF  }
0x262: {  	s2 =	sand.u32 @!p2 $0x3FFF8, s0;
	s31 =	sand.u32 @!p2 $0x7, s0  }
0x263: {  	s26 =	sadd.s32 $0x1, s26;
	s0 =	sadd.s32 @!p2 s1, s2  }
.LBB2_15:
0x264: {  	[tilespmem:s30], [sflag:$0x2] =	stream.linear.gather @!p2 [hbm4b:s0+s31], $0x8, $0x38;
	[tilespmem:$0x1F0E8] =	vst v63  }
0x265: {  	s31 =	sshll.u32 s29, $0x3  }
0x266: {  	s2 =	simm.s32 $0x2;
	s0 =	sand.u32 $0x3FFFFFF8, s31  }
0x267: {  	_ =	swait.ge [sflag:s2], s0  }
0x268: {  	s0 =	ssub.s32 $0x0, s0;
	[sflag:s2] =	ssyncset.done $0x0  }
0x269: {  	[sflag:s2] =	ssyncadd.s32 s0  }
0x26a: {  	v1 =	vld.msk [tilespmem:s19+$0x0], $0x1;
	_ =	sdelay $0x4  }
0x26b: {  	(v2sf) =	vpush v1, $0x0;
	_ =	sdelay $0xe  }
0x26c: {  	s23 =	spop (v2sf)  }
0x26d: {  	p2 =	sne.s32 s24, s23  }
0x26e: {  	p4 =	sne.s32 @p2 s24, s20  }
0x26f: {  	p3 =	por !p4, !p2  }
0x270: {  	s0 =	simm.s32 @!p3 $0x0  }
0x271: {  	v1 =	vld.msk @!p3 [tilespmem:s0+$0x1B38], $0xff  }
0x272: {  	p5 =	sgt.u32 @!p3 s24, $0x270FF  }
0x273: {  	s2 =	sshll.u32 @!p3 s18, $0x6;
	p6 =	por @p2 p5, !p4  }
0x274: {  	s2 =	sshra.s32 @!p3 s2, $0x2;
	p1 =	por p6, !p2;
	p6 =	por p4, !p2  }
0x275: {  	s26 =	sadd.s32 @!p3 $0x28, s2;
	s28 =	sand.u32 @!p1 $0x3FFF8, s24;
	s29 =	sshll.u32 @!p6 s18, $0x6  }
0x276: {  	s24 =	sand.u32 @!p1 $0x7, s24;
	[tilespmem:s2+$0x28] =	vst.add.f32.msk @!p3 $0xff, v1;
	s2 =	sadd.s32 @!p1 s1, s28;
	s28 =	sshra.s32 @!p6 s29, $0x2  }
0x277: {  	[hbm4b:s2+s24] =	stream.linear.scatter @!p1 [tilespmem:s26], [sflag:$0xA], $0x8, $0x38;
	[tilespmem:$0x1F0E8] =	vst v63  }
0x278: {  	s0 =	rddreg [dreg:$0x3];
	s2 =	sadd.s32 @!p6 $0x28, s28;
	s24 =	simm.s32 @!p6 $0x1  }
0x279: {  	[spmem:s0] =	stream.linear.scatter @!p6 [tilespmem:s2], [sflag:$0x1], $0x8, $0x38;
	[tilespmem:$0x1F0E8] =	vst v63  }
0x27a: {  	s0 =	sadd.s32 @p2 $0x1, s18;
	_ =	swait.ge @!p6 [sflag:s24], $0x8  }
0x27b: {  	s2 =	sshrl.u32 @p2 s0, $0x4;
	[sflag:s24] =	ssyncset.done @!p6 $0x0  }
0x27c: {  	s2 =	smulhi.u32 @p2 $0x97B425F, s2;
	[sflag:s24] =	ssyncadd.s32 @!p6 $0xFFFFFFF8  }
0x27d: {  	s24 =	sadd.s32 $0x1, s25;
	v1 =	vld.msk @p2 [tilespmem:s21+$0x0], $0xff  }
0x27e: {  	p1 =	por @p2 !p5, !p4;
	s2 =	smul.u32 @p2 $0x1B0, s2;
	p4 =	seq.s32 s24, $0x0  }
.Ltmp15:
0x27f: {  	p1 =	por !p1, !p2;
	s25 =	simm.s32 @!p3 $0x0;
	(pc) =	sbr.rel @p4 .LBB2_17-.Ltmp15, $4  }
0x280: {  	s26 =	sshll.u32 @!p2 s18, $0x6;
	s25 =	simm.s32 @!p1 $0x20;
	s0 =	ssub.s32 @p2 s0, s2  }
0x281: {  	s26 =	sshra.s32 @!p2 s26, $0x2;
	s28 =	sadd.s32 @!p3 $0x0, s25;
	s29 =	sshll.u32 @p2 s0, $0x4  }
0x282: {  	s25 =	simm.s32 $0x0;
	s2 =	simm.s32 @p2 $0x1;
	s28 =	smov.u32 @p3 s22;
	[tilespmem:s29+$0x28] =	vst.msk @p2 $0xff, v1  }
0x283: {  	s18 =	smov.u32 @p2 s0;
	s25 =	smov.u32 @p2 s28;
	s22 =	smov.u32 @p2 s2;
	v1 =	vld.msk @!p2 [tilespmem:s21+$0x0], $0xff  }
.LBB2_16:
0x284: {  	_ =	sdelay $0x3  }
0x285: {  	s19 =	sadd.s32 $0x1, s19;
	[tilespmem:s26+$0x28] =	vst.add.f32.msk @!p2 $0xff, v1  }
0x286: {  	v1 =	vld.msk [tilespmem:s19+$0x0], $0x1;
	_ =	sdelay $0x4  }
0x287: {  	(v2sf) =	vpush v1, $0x0;
	_ =	sdelay $0xe  }
0x288: {  	s0 =	smov.u32 s23;
	s23 =	spop (v2sf)  }
0x289: {  	p2 =	sne.s32 s0, s23  }
0x28a: {  	p5 =	sne.s32 @p2 s0, s20  }
0x28b: {  	p4 =	por !p5, !p2  }
0x28c: {  	s30 =	sshll.u32 @!p4 s22, $0x6  }
0x28d: {  	s30 =	sshra.s32 @!p4 s30, $0x2  }
0x28e: {  	p1 =	sgt.u32 @!p4 s0, $0x270FF;
	v1 =	vld.msk @!p4 [tilespmem:s30+$0x1B38], $0xff  }
0x28f: {  	s31 =	sshll.u32 @!p4 s18, $0x6;
	p6 =	por @p2 p1, !p5;
	p1 =	por @p2 !p1, !p5  }
0x290: {  	s5 =	simm.s32 @!p4 $0x0;
	s31 =	sshra.s32 @!p4 s31, $0x2;
	p1 =	por !p1, !p2  }
0x291: {  	p5 =	por p5, !p2;
	s5 =	simm.s32 @!p1 $0x20;
	p1 =	por p6, !p2  }
0x292: {  	s30 =	sadd.s32 @!p4 $0x28, s31;
	s6 =	sshll.u32 @!p5 s18, $0x6;
	s10 =	sand.u32 @!p1 $0x3FFF8, s0  }
0x293: {  	s6 =	sshra.s32 @!p5 s6, $0x2;
	s0 =	sand.u32 @!p1 $0x7, s0;
	s10 =	sadd.s32 @!p1 s1, s10;
	[tilespmem:s31+$0x28] =	vst.add.f32.msk @!p4 $0xff, v1  }
0x294: {  	[hbm4b:s10+s0] =	stream.linear.scatter @!p1 [tilespmem:s30], [sflag:$0xA], $0x8, $0x38;
	[tilespmem:$0x1F0E8] =	vst v63  }
0x295: {  	s2 =	rddreg [dreg:$0x3];
	s0 =	sadd.s32 @!p5 $0x28, s6;
	s6 =	simm.s32 @!p5 $0x1  }
0x296: {  	[spmem:s2] =	stream.linear.scatter @!p5 [tilespmem:s0], [sflag:$0x1], $0x8, $0x38;
	[tilespmem:$0x1F0E8] =	vst v63  }
0x297: {  	s28 =	sadd.s32 @p2 $0x1, s18;
	_ =	swait.ge @!p5 [sflag:s6], $0x8  }
0x298: {  	s29 =	sshrl.u32 @p2 s28, $0x4;
	[sflag:s6] =	ssyncset.done @!p5 $0x0  }
0x299: {  	s21 =	sadd.s32 $0x80, s21;
	s29 =	smulhi.u32 @p2 $0x97B425F, s29;
	[sflag:s6] =	ssyncadd.s32 @!p5 $0xFFFFFFF8  }
0x29a: {  	s24 =	sadd.s32 $0x1, s24;
	v1 =	vld.msk @p2 [tilespmem:s21+$0x0], $0xff  }
0x29b: {  	p3 =	seq.s32 s24, $0x0;
	s29 =	smul.u32 @p2 $0x1B0, s29  }
.Ltmp16:
0x29c: {  	_ = 	snop;
	(pc) =	sbr.rel @!p3 .LBB2_16-.Ltmp16, $4  }
0x29d: {  	s28 =	ssub.s32 @p2 s28, s29  }
0x29e: {  	s26 =	sshll.u32 @!p2 s18, $0x6;
	s5 =	sadd.s32 @!p4 s5, s25;
	s10 =	sshll.u32 @p2 s28, $0x4  }
0x29f: {  	s9 =	sadd.s32 @p2 $0x1, s22;
	s26 =	sshra.s32 @!p2 s26, $0x2;
	s5 =	smov.u32 @p4 s25;
	[tilespmem:s10+$0x28] =	vst.msk @p2 $0xff, v1  }
0x2a0: {  	s22 =	smov.u32 @p2 s9;
	s18 =	smov.u32 @p2 s28;
	s25 =	smov.u32 @p2 s5;
	v1 =	vld.msk @!p2 [tilespmem:s21+$0x0], $0xff  }
.LBB2_17:
.Ltmp17:
0x2a1: {  	_ = 	snop;
	(pc) =	sbr.rel .LBB2_19-.Ltmp17, $4  }
0x2a2: {  	s2 =	sld [smem:$0x7FD]  }
0x2a3: {  	s0 =	sshrl.u32 s25, $0x2  }
0x2a4: {  	s24 =	smov.u32 s23;
	s6 =	smov.u32 s8;
	s5 =	smov.u32 s12  }
0x2a5: {  	s8 =	smov.u32 s3;
	s3 =	rddreg [dreg:$0x4];
	p4 =	seq.s32 s2, $0x1;
	[tilespmem:s26+$0x28] =	vst.add.f32.msk @!p2 $0xff, v1  }
.LBB2_21:
0x2a6: {  	_ =	sfence.sel $0x180000  }
0x2a7: {  	s0 =	simm.s32 $0x7;
	[bflag:$0x0] =	sbarrier.arrive $0xFFFF  }
0x2a8: {  	s25 =	simm.s32 $0x8;
	[sflag:s0] =	ssyncpa.u1 $0x1  }
0x2a9: {  	s26 =	simm.s32 $0x9;
	[sflag:s25] =	ssyncpa.u1 $0x1  }
0x2aa: {  	s28 =	simm.s32 $0x2;
	[sflag:s26] =	ssyncpa.u1 $0x1  }
0x2ab: {  	[sflag:s28] =	ssyncpa.u1 $0x1  }
0x2ac: {  	v0 =	vld [tilespmem:$0x3648];
	_ =	sdelay $0x4  }
0x2ad: {  	(v2sf) =	vpush v0, $0x0  }
0x2ae: {  	(v2sf) =	vpush v0, $0x1;
	_ =	sdelay $0x1  }
0x2af: {  	(v2sf) =	vpush v0, $0x2;
	_ =	sdelay $0xb  }
0x2b0: {  	s0 =	spop (v2sf)  }
0x2b1: {  	s2 =	spop (v2sf)  }
0x2b2: {  	s3 =	smov.u32 s0;
	p0 =	sne.s32 s0, s2  }
0x2b3: {  	s4 =	spop (v2sf);
	s3 =	simm.s32 @!p0 $0xFFFFFFFF  }
0x2b4: {  	v2 =	vimm.s32 $0x1;
	v3 =	vlaneseq.u32;
	p0 =	seq.s32 s4, $0xFFFFFFFF;
	v1 =	vmov s3  }
0x2b5: {  	s7 =	stileid.u32;
	v0 =	vperm.xlane v0, v2;
	p1 =	sne.s32 @!p0 s0, s2;
	v1 =	vperm.xlane v1, v3  }
0x2b6: {  	vm0 =	vcmask $0x3F04;
	s6 =	simm.s32 $0x3648;
	s0 =	simm.s32 @!p0 $0x1;
	p1 =	por !p1, p0  }
0x2b7: {  	s3 =	sshll.u32 s7, $0x1;
	s2 =	sshll.u32 @!p0 s4, $0x6;
	s0 =	simm.s32 @p1 $0x0;
	v0 =	vsel vm0, v1, v0  }
0x2b8: {  	s5 =	sor.u32 $0x200, s3;
	s2 =	sshra.s32 @!p0 s2, $0x2;
	s0 =	sor.u32 @!p0 s0, s3;
	[tilespmem:$0x3648] =	vst v0  }
0x2b9: {  	[spmem:s5] =	stream.linear.scatter [tilespmem:s6], [sflag:$0x1], $0x2, $0x38;
	[tilespmem:$0x1F0E8] =	vst v63  }
0x2ba: {  	s2 =	sadd.s32 @!p0 $0x28, s2;
	s0 =	sshll.u32 @!p0 s0, $0x4  }
0x2bb: {  	[spmem:s0] =	stream.linear.scatter @!p0 [tilespmem:s2], [sflag:$0x1], $0x10, $0x38;
	[tilespmem:$0x1F0E8] =	vst v63  }
0x2bc: {  	s0 =	simm.s32 @!p0 $0x12  }
0x2bd: {  	s3 =	simm.s32 $0x1;
	s0 =	simm.s32 @p0 $0x2  }
0x2be: {  	_ =	swait.ge [sflag:s3], s0  }
0x2bf: {  	s0 =	ssub.s32 $0x0, s0;
	[sflag:s3] =	ssyncset.done $0x0  }
0x2c0: {  	[sflag:s3] =	ssyncadd.s32 s0  }
0x2c1: {  	_ =	sfence.stream.spmem  }
0x2c2: {  	s29 =	simm.s32 $0x3;
	[bflag:$0x0] =	sbarrier.arrive $0xFFFF  }
0x2c3: {  	s30 =	simm.s32 $0x4;
	[sflag:s29] =	ssyncpa.u1 $0x1  }
0x2c4: {  	s31 =	simm.s32 $0x3C;
	[sflag:s30] =	ssyncpa.u1 $0x1  }
0x2c5: {  	p0 =	sne.s32 s7, $0x0;
	[sflag:s31] =	ssyncpa.u1 $0x1  }
0x2c6: {  	_ =	sfence @p0  }
0x2c7: {  	[sflag:s3] =	ssyncpa.u1 @p0 $0x1  }
0x2c8: {  	_ =	strace @p0 $0x9000004D  }
0x2c9: {  	[bflag:$0x2] =	sbarrier.arrive @p0 $0xFFFF  }
0x2ca: {  	_ =	shalt @p0  }
.LBB2_22:
0x2cb: {  	_ =	sfence.stream.spmem;
	s0 =	simm.s32 $0x5  }
0x2cc: {  	s2 =	simm.s32 $0x200;
	s3 =	simm.s32 $0x3658;
	[sflag:s0] =	ssyncpa.u1 $0x0  }
0x2cd: {  	[tilespmem:s3], [sflag:$0x5] =	stream.linear.gather [spmem:s2], $0x20, $0x38;
	[tilespmem:$0x1F0E8] =	vst v63  }
0x2ce: {  	s30 =	simm.s32 $0x3678;
	s2 =	simm.s32 $0x0  }
0x2cf: {  	[tilespmem:s30], [sflag:$0x5] =	stream.linear.gather [spmem:s2], $0x200, $0x38;
	[tilespmem:$0x1F0E8] =	vst v63  }
.Ltmp18:
0x2d0: {  	_ = 	snop;
	(pc) =	sbr.rel .LBB2_23-.Ltmp18, $4  }
0x2d1: {  	_ =	swait.ge [sflag:s0], $0x220  }
0x2d2: {  	[sflag:s0] =	ssyncset.done $0x0  }
0x2d3: {  	s31 =	simm.s32 $0x6;
	[sflag:s0] =	ssyncadd.s32 $0xFFFFFDE0  }
0x2d4: {  	s3 =	simm.s32 $0x0;
	[sflag:s31] =	ssyncpa.u1 $0x0  }
.LBB2_28:
0x2d5: {  	p0 =	slt.u32 s4, $0x27100  }
0x2d6: {  	s0 =	sand.u32 @p0 $0x3FFF8, s4  }
0x2d7: {  	s4 =	sand.u32 @p0 $0x7, s4;
	s5 =	simm.s32 @p0 $0x3638;
	s0 =	sadd.s32 @p0 s1, s0  }
0x2d8: {  	[tilespmem:s5], [sflag:$0x6] =	stream.linear.gather @p0 [hbm4b:s0+s4], $0x8, $0x38;
	[tilespmem:$0x1F0E8] =	vst v63  }
0x2d9: {  	s0 =	simm.s32 @p0 $0x6  }
0x2da: {  	_ =	swait.ge @p0 [sflag:s0], $0x8  }
0x2db: {  	[sflag:s0] =	ssyncset.done @p0 $0x0  }
0x2dc: {  	[sflag:s0] =	ssyncadd.s32 @p0 $0xFFFFFFF8  }
0x2dd: {  	v1 =	vld @p0 [tilespmem:$0x3638];
	_ =	sdelay $0x2  }
0x2de: {  	s0 =	sshll.u32 @p0 s3, $0x6  }
0x2df: {  	s5 =	sshll.u32 @!p0 s3, $0x6;
	s4 =	sshrl.u32 @p0 s0, $0x2  }
0x2e0: {  	s5 =	smov.u32 @p0 s0;
	[tilespmem:s4+$0x3678] =	vst.add.f32.msk @p0 $0xffff, v1  }
0x2e1: {  	s0 =	sshrl.u32 s5, $0x2;
	[tilespmem:s2+$0x3658] =	vst.msk $0x1, v0  }
0x2e2: {  	v0 =	vld [tilespmem:s0+$0x3678];
	_ =	sdelay $0x2  }
0x2e3: {  	s31 =	sshll.u32 s2, $0x6  }
0x2e4: {  	s0 =	sshra.s32 s31, $0x2  }
0x2e5: {  	s2 =	sadd.s32 $0x1, s2;
	[tilespmem:s0+$0x3678] =	vst v0  }
.LBB2_30:
0x2e6: {  	s3 =	sadd.s32 $0x1, s3  }
0x2e7: {  	p0 =	sne.s32 s3, $0x20  }
.Ltmp19:
0x2e8: {  	_ = 	snop;
	(pc) =	sbr.rel @!p0 .LBB2_31-.Ltmp19, $1  }
0x2e9: {  	_ =	sdelay $0x3  }
.LBB2_23:
0x2ea: {  	v0 =	vld.msk [tilespmem:s3+$0x3658], $0x1;
	_ =	sdelay $0x4  }
0x2eb: {  	(v2sf) =	vpush v0, $0x0;
	_ =	sdelay $0xe  }
0x2ec: {  	s4 =	spop (v2sf)  }
0x2ed: {  	p0 =	seq.s32 s4, $0xFFFFFFFF  }
.Ltmp20:
0x2ee: {  	_ = 	snop;
	(pc) =	sbr.rel @p0 .LBB2_30-.Ltmp20, $1  }
0x2ef: {  	_ =	sdelay $0x3  }
0x2f0: {  	p0 =	slt.s32 s2, $0x1  }
.Ltmp21:
0x2f1: {  	_ = 	snop;
	(pc) =	sbr.rel @p0 .LBB2_28-.Ltmp21, $1  }
0x2f2: {  	_ =	sdelay $0x3  }
0x2f3: {  	s5 =	simm.s32 $0x3658;
	p0 =	por $0x0, $0x0  }
0x2f4: {  	v1 =	vld.msk @!p0 [tilespmem:s5+$0x0], $0x1;
	_ =	sdelay $0x4  }
0x2f5: {  	(v2sf) =	vpush @!p0 v1, $0x0;
	_ =	sdelay $0xd  }
0x2f6: {  	p2 =	sne.s32 s2, $0x1  }
.Ltmp22:
0x2f7: {  	s0 =	spop @!p0 (v2sf);
	(pc) =	sbr.rel @!p2 .LBB2_27-.Ltmp22, $4  }
0x2f8: {  	p1 =	seq.s32 @!p0 s4, s0  }
0x2f9: {  	s6 =	simm.s32 $0x0;
	p1 =	por !p1, p0  }
0x2fa: {  	s0 =	simm.s32 $0xFFFFFFFF;
	s6 =	simm.s32 @p1 $0xFFFFFFFF  }
0x2fb: {  	s7 =	simm.s32 $0x1;
	s6 =	smov.u32 @p0 s0  }
.LBB2_26:
0x2fc: {  	s0 =	smov.u32 s6;
	p0 =	sne.s32 s6, $0xFFFFFFFF  }
0x2fd: {  	s5 =	sadd.s32 $0x1, s5;
	s6 =	smov.u32 s7;
	s7 =	sadd.s32 $0x1, s7  }
0x2fe: {  	p1 =	sne.s32 s2, s7;
	v1 =	vld.msk @!p0 [tilespmem:s5+$0x0], $0x1;
	_ =	sdelay $0x4  }
0x2ff: {  	(v2sf) =	vpush @!p0 v1, $0x0;
	_ =	sdelay $0xe  }
.Ltmp23:
0x300: {  	s8 =	spop @!p0 (v2sf);
	(pc) =	sbr.rel @p1 .LBB2_26-.Ltmp23, $4  }
0x301: {  	p2 =	seq.s32 @!p0 s4, s8  }
0x302: {  	p2 =	por !p2, p0  }
0x303: {  	s6 =	simm.s32 @p2 $0xFFFFFFFF  }
0x304: {  	s6 =	smov.u32 @p0 s0  }
.LBB2_27:
0x305: {  	p0 =	sne.s32 s6, $0xFFFFFFFF  }
.Ltmp24:
0x306: {  	_ = 	snop;
	(pc) =	sbr.rel @!p0 .LBB2_28-.Ltmp24, $1  }
0x307: {  	_ =	sdelay $0x3  }
0x308: {  	s0 =	sshll.u32 s3, $0x4  }
0x309: {  	s0 =	sand.u32 $0x3FFFFFF0, s0  }
0x30a: {  	v0 =	vld [tilespmem:s0+$0x3678]  }
.Ltmp25:
0x30b: {  	_ = 	snop;
	(pc) =	sbr.rel .LBB2_30-.Ltmp25, $4  }
0x30c: {  	_ = 	snop  }
0x30d: {  	s31 =	sshll.u32 s6, $0x6  }
0x30e: {  	s0 =	sshra.s32 s31, $0x2  }
0x30f: {  	[tilespmem:s0+$0x3678] =	vst.add.f32.msk $0xffff, v0  }
.LBB2_31:
0x310: {  	p0 =	slt.s32 s2, $0x1  }
.Ltmp26:
0x311: {  	_ = 	snop;
	(pc) =	sbr.rel @p0 .LBB2_35-.Ltmp26, $3  }
0x312: {  	_ =	sdelay $0x1  }
0x313: {  	s0 =	simm.s32 $0x6  }
0x314: {  	s3 =	simm.s32 $0x0;
	[sflag:s0] =	ssyncpa.u1 $0x1  }
0x315: {  	s0 =	simm.s32 $0x3658  }
0x316: {  	v0 =	vld.msk [tilespmem:s0+$0x0], $0x1;
	_ =	sdelay $0x4  }
0x317: {  	(v2sf) =	vpush v0, $0x0;
	_ =	sdelay $0xd  }
0x318: {  	s2 =	sadd.s32 $0xFFFFFFFF, s2  }
0x319: {  	p1 =	sne.s32 s2, $0x0;
	s0 =	spop (v2sf)  }
.Ltmp27:
0x31a: {  	p0 =	sgt.u32 s0, $0x270FF;
	(pc) =	sbr.rel @!p1 .LBB2_34-.Ltmp27, $4  }
0x31b: {  	s4 =	simm.s32 $0x3678;
	s5 =	sand.u32 @!p0 $0x3FFF8, s0  }
0x31c: {  	s6 =	simm.s32 $0x0;
	s0 =	sand.u32 @!p0 $0x7, s0;
	s5 =	sadd.s32 @!p0 s1, s5  }
0x31d: {  	[hbm4b:s5+s0] =	stream.linear.scatter @!p0 [tilespmem:s4], [sflag:$0x5], $0x8, $0x38;
	[tilespmem:$0x1F0E8] =	vst v63  }
0x31e: {  	s6 =	simm.s32 @!p0 $0x20;
	s5 =	simm.s32 $0x3659  }
.LBB2_33:
0x31f: {  	v0 =	vld.msk [tilespmem:s5+$0x0], $0x1;
	s2 =	sadd.s32 $0xFFFFFFFF, s2;
	s3 =	sadd.s32 s3, s6  }
0x320: {  	p0 =	sne.s32 s2, $0x0;
	_ =	sdelay $0x3  }
0x321: {  	(v2sf) =	vpush v0, $0x0;
	_ =	sdelay $0xe  }
.Ltmp28:
0x322: {  	s0 =	spop (v2sf);
	(pc) =	sbr.rel @p0 .LBB2_33-.Ltmp28, $4  }
0x323: {  	s6 =	simm.s32 $0x0;
	p1 =	sgt.u32 s0, $0x270FF  }
0x324: {  	s4 =	sadd.s32 $0x10, s4;
	s6 =	simm.s32 @!p1 $0x20;
	s7 =	sand.u32 @!p1 $0x3FFF8, s0  }
0x325: {  	s5 =	sadd.s32 $0x1, s5;
	s0 =	sand.u32 @!p1 $0x7, s0;
	s7 =	sadd.s32 @!p1 s1, s7  }
0x326: {  	[hbm4b:s7+s0] =	stream.linear.scatter @!p1 [tilespmem:s4], [sflag:$0x5], $0x8, $0x38;
	[tilespmem:$0x1F0E8] =	vst v63  }
.LBB2_34:
0x327: {  	s0 =	sadd.s32 s3, s6  }
0x328: {  	s3 =	sshrl.u32 s0, $0x2  }
.LBB2_35:
0x329: {  	s0 =	simm.s32 $0x5  }
0x32a: {  	_ =	swait.ge [sflag:s0], s3  }
0x32b: {  	s1 =	ssub.s32 $0x0, s3;
	[sflag:s0] =	ssyncset.done $0x0  }
0x32c: {  	[sflag:s0] =	ssyncadd.s32 s1  }
0x32d: {  	[sflag:s0] =	ssyncpa.u1 $0x1  }
0x32e: {  	s30 =	simm.s32 $0x1;
	_ =	sfence  }
0x32f: {  	[sflag:s30] =	ssyncpa.u1 $0x1  }
0x330: {  	_ =	strace $0x9000004D  }
0x331: {  	[bflag:$0x2] =	sbarrier.arrive $0xFFFF  }
0x332: {  	s31 =	rddreg [dreg:$0x2]  }
0x333: {  	s0 =	sadd.s32 $0x100000, s31  }
0x334: {  	[sflag:s0] =	ssyncadd.tile.s32 $0x1;
	_ =	shalt  }
.Lfunc_end2:
_tile_overlayer_lowered:
.L_overlay_start_2:
0x335: {  	(tag) =	ssettag $0x2  }
0x336: {  	s0 =	rddreg [dreg:$0x0];
	s2 =	stileid.u32  }
0x337: {  	s1 =	rddreg [dreg:$0x1];
	p0 =	sne.s32 s2, $0x0  }
0x338: {  	s3 =	rddreg [dreg:$0x2];
	[bflag:$0x3] =	sbarrier.arrive $0xFFFF;
	s2 =	simm.s32 @!p0 $0x1C01  }
0x339: {  	[timem:s3], [sflag:s2] =	dma.local @!p0 [hbm:s0], s1  }
0x33a: {  	s0 =	simm.s32 @!p0 $0x1  }
0x33b: {  	_ =	swait.ge @!p0 [sflag:s0], s1  }
0x33c: {  	s1 =	ssub.s32 @!p0 $0x0, s1;
	[sflag:s0] =	ssyncset.done @!p0 $0x0  }
0x33d: {  	[sflag:s0] =	ssyncadd.s32 @!p0 s1  }
0x33e: {  	[bflag:$0x3] =	sbarrier.arrive $0xFFFF  }
0x33f: {  	_ =	shalt  }

// kernel: sparse-core-data-format-call.1.cloned.1.call-start
scs
called_computation.4_lowered:
.L_overlay_start_0:
0x0: {  	s1 =	sld [smem:$0x3FD9]  }
0x1: {  	s2 =	sld [smem:$0x3FFE];
	_ =	sdelay $0x1  }
0x2: {  	s3 =	srdreg.scid  }
0x3: {  	s0 =	sand.u32 $0x1, s3  }
0x4: {  	s17 =	sshll.u32 s0, $0xA;
	s1 =	sadd.s32 s2, s1  }
0x5: {  	s1 =	sadd.s32 s1, s17  }
0x6: {  	[smem:$0x3FBE] =	sst s1  }
0x7: {  	_ = 	snop  }
0x8: {  	(tm) =	ssettm $0x1  }
0x9: {  	s18 =	sld [smem:$0x3FFB];
	_ =	sdelay $0x3  }
0xa: {  	_ =	strace s18  }
0xb: {  	s1 =	sld [smem:$0x3FFC];
	_ =	sdelay $0x3  }
0xc: {  	_ =	strace s1  }
0xd: {  	s1 =	sld [smem:$0x3FFD];
	_ =	sdelay $0x3  }
0xe: {  	_ =	strace s1  }
0xf: {  	_ =	strace $0x8FFFFFFF  }
0x10: {  	s19 =	sld [smem:$0x3FDB];
	_ =	sdelay $0x1  }
0x11: {  	s20 =	simm.s32 $_scs_section_size  }
0x12: {  	s4 =	simm.s32 $_size__tile_overlayer_lowered;
	s5 =	simm.s32 $_tile_overlayer_lowered  }
0x13: {  	s23 =	simm.s32 $0x1BFF;
	s22 =	sshll.u32 s5, $0x1;
	s1 =	sadd.s32 s20, s19  }
0x14: {  	s6 =	simm.s32 $0x0;
	s21 =	sshll.u32 s4, $0x1;
	s4 =	sadd.s32 s22, s1  }
0x15: {  	[timem:s6], [sflag:s23] =	dma.local [hbm:s4], s21  }
0x16: {  	_ =	swait.ge [sflag:s23], s21  }
0x17: {  	s2 =	ssub.s32 $0x0, s21;
	[sflag:s23] =	ssyncset.done $0x0  }
0x18: {  	[sflag:s23] =	ssyncadd.s32 s2;
	_ =	sdelay $0x1  }
0x19: {  	s24 =	simm.s32 $0x1B8B  }
0x1a: {  	_ =	swait.ge [sflag:s24], $0x1  }
0x1b: {  	[sflag:s24] =	ssyncset.done $0x0  }
0x1c: {  	s26 =	simm.s32 $0x1B8E;
	s25 =	sld [smem:$0x3FFE];
	[sflag:s24] =	ssyncadd.s32 $0xFFFFFFFF  }
0x1d: {  	s27 =	simm.s32 $execute0_lowered;
	[smem:$0x3FD2] =	sst s26  }
0x1e: {  	s4 =	sshll.u32 s27, $0x1;
	_ =	strace $0x80000049;
	[dreg:$0x1] =	wrdreg $0xFFFFFFFF  }
0x1f: {  	s28 =	simm.s32 $_size_execute0_lowered;
	s1 =	sadd.s32 s1, s4;
	[dreg:$0x0] =	wrdreg $0x0  }
0x20: {  	s4 =	sshll.u32 s28, $0x1;
	[dreg:$0x2] =	wrdreg s1  }
0x21: {  	[dreg:$0x3] =	wrdreg s4  }
0x22: {  	[dreg:$0x4] =	wrdreg $0xC0  }
0x23: {  	_ =	task [dreg:s6], $0x5FFFF  }
0x24: {  	[dreg:$0x1] =	wrdreg $0xFFFFFFFF  }
0x25: {  	[dreg:$0x0] =	wrdreg $0x60  }
0x26: {  	[dreg:$0x2] =	wrdreg s25  }
0x27: {  	[dreg:$0x3] =	wrdreg $0x9  }
0x28: {  	_ =	task.clear_ibuf [dreg:s6], $0x4FFFF;
	_ =	strace $0x90000049  }
0x29: {  	s29 =	simm.s32 $0x9;
	_ =	strace $0x8000004B  }
0x2a: {  	_ =	swait.ge [sflag:s29], $0x1  }
0x2b: {  	[sflag:s29] =	ssyncadd.s32 $0xFFFFFFFF  }
0x2c: {  	_ =	strace $0x9000004B  }
0x2d: {  	_ =	sfence  }
0x2e: {  	s30 =	sld [smem:$0x0];
	_ =	sdelay $0x2  }
0x2f: {  	s31 =	sshll.u32 s3, $0xD;
	s3 =	sshrl.u32 s3, $0x2  }
0x30: {  	s2 =	sand.u32 $0x4000, s31;
	s1 =	sadd.s32 s3, s30  }
0x31: {  	s0 =	sor.u32 s2, s0;
	s1 =	sshll.u32 s1, $0x11  }
0x32: {  	s0 =	sor.u32 s1, s0  }
0x33: {  	s0 =	sadd.s32 $0x8F2B, s0  }
0x34: {  	[sflag:s0] =	ssyncadd.remote.s32 $0x1  }
0x35: {  	_ =	sfence.sel $0xFFFF  }
0x36: {  	[dreg:$0x0] =	wrdreg $0xFFFFFFFF;
	(pc) =	sbr.abs _section_cstart, $3  }
0x37: {  	[dreg:$0x1] =	wrdreg $0xFFFFFFFF  }
0x38: {  	_ =	task.clear_ibuf [dreg:s6], $0x2FFFF;
	_ =	strace $0x9FFFFFFF  }
0x39: {  	(tm) =	ssettm $0x7FFFFFFF  }
tec
execute0_lowered:
.L_overlay_start_1:
0x0: {  	(tag) =	ssettag $0x1  }
0x1: {  	s0 =	rddreg [dreg:$0x0]  }
0x2: {  	_ =	strace $0x8000004A;
	s1 =	stileid.u32;
	s30 =	srdreg.scid  }
0x3: {  	s2 =	simm.s32 $0x1;
	s31 =	simm.s32 $0x2;
	s17 =	simm.s32 $0x0  }
0x4: {  	p0 =	por $0x0, $0x0;
	s16 =	simm.s32 $0x0;
	s18 =	simm.s32 $0x0  }
0x5: {  	s9 =	simm.s32 $0x0;
	s11 =	simm.s32 $0x0;
	s12 =	simm.s32 $0x0  }
0x6: {  	s13 =	simm.s32 $0x0;
	s10 =	simm.s32 $0x0;
	s6 =	sadd.s32 $0x420600, s0  }
.Ltmp0:
0x7: {  	s0 =	sadd.s32 $0x120E200, s0;
	s7 =	sand.u32 $0x7, s1;
	(pc) =	sbr.rel .LBB1_1-.Ltmp0, $4  }
0x8: {  	s1 =	sshll.u32 s1, $0x4;
	[dreg:$0x3] =	wrdreg s0;
	s0 =	sshll.u32 s30, $0x8  }
0x9: {  	[sflag:s2] =	ssyncpa.u1 $0x0;
	[dreg:$0x2] =	wrdreg s6;
	s0 =	sor.u32 s1, s0  }
0xa: {  	[sflag:s31] =	ssyncpa.u1 $0x0;
	[dreg:$0x4] =	wrdreg s7;
	s8 =	sand.u32 $0x180, s0  }
0xb: {  	s15 =	smov.u32 s7;
	s14 =	smov.u32 s8;
	[dreg:$0x5] =	wrdreg s8  }
.LBB1_14:
0xc: {  	s11 =	rddreg [dreg:$0x8]  }
0xd: {  	s9 =	rddreg [dreg:$0x6]  }
0xe: {  	s2 =	rddreg [dreg:$0x11]  }
0xf: {  	s3 =	rddreg [dreg:$0x12]  }
0x10: {  	s24 =	rddreg [dreg:$0x10]  }
0x11: {  	s25 =	rddreg [dreg:$0x13]  }
0x12: {  	s12 =	rddreg [dreg:$0x9]  }
0x13: {  	s5 =	rddreg [dreg:$0x3]  }
0x14: {  	s6 =	rddreg [dreg:$0x2]  }
0x15: {  	s7 =	rddreg [dreg:$0x4]  }
0x16: {  	s8 =	rddreg [dreg:$0x5]  }
0x17: {  	s10 =	rddreg [dreg:$0x7]  }
0x18: {  	s13 =	rddreg [dreg:$0xa]  }
0x19: {  	s14 =	rddreg [dreg:$0xb]  }
0x1a: {  	s15 =	rddreg [dreg:$0xc]  }
0x1b: {  	s16 =	rddreg [dreg:$0xd]  }
0x1c: {  	s31 =	simm.s32 $0x1000;
	s17 =	rddreg [dreg:$0xe]  }
0x1d: {  	s18 =	rddreg [dreg:$0xf];
	p1 =	sgt.s32 s11, $0x180;
	s0 =	smov.u32 s11  }
0x1e: {  	s1 =	smov.u32 s9;
	s26 =	sshll.u32 s12, $0x7;
	s0 =	simm.s32 @!p1 $0x180  }
0x1f: {  	s27 =	sand.u32 $0x78, s11;
	p1 =	sgt.s32 s9, $0x2690;
	s0 =	sadd.s32 s2, s0  }
0x20: {  	s4 =	sshll.u32 s11, $0x3;
	s1 =	simm.s32 @!p1 $0x2690;
	s2 =	sadd.s32 $0xFFFFFE80, s0  }
0x21: {  	s1 =	sadd.s32 s3, s1;
	s0 =	ssub.s32 $0x200, s0;
	p1 =	sgt.s32 s2, $0x7F  }
0x22: {  	s28 =	sshll.u32 s9, $0x9;
	s23 =	sadd.s32 $0xFFFFD970, s1;
	s0 =	simm.s32 @p1 $0x0  }
0x23: {  	s1 =	ssub.s32 $0x2710, s1;
	p1 =	sgt.s32 s23, $0x7F;
	s0 =	smul.u32 s24, s0  }
0x24: {  	s3 =	sand.u32 $0x380, s26;
	s2 =	smul.u32 $0x4080, s25;
	s1 =	simm.s32 @p1 $0x0  }
0x25: {  	s4 =	sand.u32 $0xC00, s4;
	s0 =	smul.u32 s1, s0;
	s1 =	sor.u32 s27, s3  }
0x26: {  	s29 =	sand.u32 $0x7, s11;
	s2 =	sor.u32 $0x8000, s2;
	s1 =	sor.u32 s4, s1  }
0x27: {  	s3 =	sadd.s32 s5, s28;
	s4 =	sshll.u32 s29, $0x12;
	s1 =	sshrl.u32 s1, $0x3  }
0x28: {  	s0 =	sand.u32 $0x3FFFFFFF, s0;
	s30 =	sor.u32 $0x80, s4;
	s1 =	sadd.s32 s1, s3  }
0x29: {  	[hbm4b:s1+s30] =	stream.strided.scatter [tilespmem:s2], [sflag:$0x2], s0, s31, s30, $0x20;
	[tilespmem:$0x10100] =	vst v63  }
.LBB1_15:
0x2a: {  	p1 =	slt.u32 s10, $0x2;
	s1 =	smov.u32 s18;
	s3 =	smov.u32 s17  }
0x2b: {  	p2 =	sgt.s32 @!p1 s17, $0x2690;
	s0 =	sshra.s32 @!p1 s17, $0x1F;
	p3 =	sgt.s32 @!p1 s18, $0x7  }
0x2c: {  	s2 =	sshra.s32 @!p1 s18, $0x1F;
	s4 =	sshra.s32 @!p1 s16, $0x1F;
	p2 =	por !p2, p1  }
0x2d: {  	s0 =	sand.u32 @!p1 s0, s17;
	p3 =	por !p3, p1;
	s2 =	sand.u32 @!p1 s2, s18  }
0x2e: {  	s1 =	simm.s32 @p3 $0x7;
	p3 =	sgt.s32 @!p1 s16, $0x180;
	s3 =	simm.s32 @p2 $0x2690  }
0x2f: {  	s1 =	ssub.s32 @!p1 s1, s2;
	p3 =	por !p3, p1;
	s2 =	smov.u32 s16  }
0x30: {  	s4 =	sand.u32 @!p1 s4, s16;
	s0 =	ssub.s32 @!p1 s3, s0;
	s2 =	simm.s32 @p3 $0x180  }
0x31: {  	s3 =	sadd.s32 @!p1 $0xFFFFFFF9, s1;
	s1 =	ssub.s32 @!p1 $0x8, s1;
	s2 =	ssub.s32 @!p1 s2, s4  }
0x32: {  	s4 =	sadd.s32 @!p1 $0xFFFFD970, s0;
	p2 =	sgt.s32 @!p1 s3, $0x0;
	s3 =	sadd.s32 @!p1 $0xFFFFFE80, s2  }
0x33: {  	s0 =	ssub.s32 @!p1 $0x2710, s0;
	p2 =	por !p2, p1;
	p3 =	sgt.s32 @!p1 s3, $0x7F  }
0x34: {  	s2 =	ssub.s32 @!p1 $0x200, s2;
	s1 =	simm.s32 @!p2 $0x0;
	p2 =	por !p3, p1  }
0x35: {  	s3 =	sadd.s32 $0x200, s14;
	p3 =	sgt.s32 @!p1 s4, $0x7F;
	s2 =	simm.s32 @!p2 $0x0  }
0x36: {  	p2 =	por !p3, p1;
	s1 =	smul.u32 @!p1 s1, s2;
	s2 =	sadd.s32 $0x80, s13  }
0x37: {  	s4 =	smov.u32 s14;
	s0 =	simm.s32 @!p2 $0x0;
	p2 =	sgt.s32 s2, $0x270F  }
0x38: {  	s0 =	smul.u32 @!p1 s0, s1;
	s4 =	smov.u32 @p2 s3  }
0x39: {  	s1 =	sadd.s32 $0x8, s15;
	s3 =	smov.u32 s15;
	p3 =	sgt.s32 s4, $0x18F  }
0x3a: {  	s10 =	sadd.s32 $0x1, s10;
	p0 =	por !p0, !p0;
	s3 =	smov.u32 @p3 s1  }
0x3b: {  	s17 =	smov.u32 s9;
	s2 =	simm.s32 @p2 $0x0;
	p2 =	sgt.s32 s3, $0x7  }
0x3c: {  	s18 =	smov.u32 s12;
	s3 =	smov.u32 @p2 s7;
	p2 =	sne.s32 s10, $0x51  }
.Ltmp1:
0x3d: {  	s9 =	smov.u32 s13;
	s12 =	smov.u32 s15;
	(pc) =	sbr.rel @!p2 .LBB1_16-.Ltmp1, $4  }
0x3e: {  	s16 =	smov.u32 s11;
	s0 =	sand.u32 @!p1 $0x3FFFFFFF, s0;
	s1 =	simm.s32 @!p1 $0x2  }
0x3f: {  	s11 =	smov.u32 s14;
	s13 =	smov.u32 s2;
	_ =	swait.ge @!p1 [sflag:s1], s0  }
0x40: {  	s4 =	smov.u32 @p3 s8;
	s0 =	ssub.s32 @!p1 $0x0, s0;
	[sflag:s1] =	ssyncset.done @!p1 $0x0  }
0x41: {  	s14 =	smov.u32 s4;
	[sflag:s1] =	ssyncadd.s32 @!p1 s0;
	s15 =	smov.u32 s3  }
.LBB1_1:
0x42: {  	p1 =	sgt.u32 s10, $0x4E  }
0x43: {  	s5 =	smov.u32 s13;
	s0 =	sshrl.u32 @!p1 s14, $0x3  }
0x44: {  	s1 =	sshll.u32 @!p1 s13, $0x3;
	p2 =	sgt.s32 @!p1 s15, $0x7;
	s0 =	smul.u32 @!p1 $0x13C00, s0  }
0x45: {  	s2 =	sshra.s32 @!p1 s15, $0x1F;
	s3 =	sshll.u32 @!p1 s14, $0x7;
	s1 =	sand.u32 @!p1 $0xFFFFFC00, s1  }
0x46: {  	p2 =	por !p2, p1;
	s0 =	sadd.s32 @!p1 s0, s1;
	s1 =	smov.u32 s15  }
0x47: {  	s2 =	sand.u32 @!p1 s2, s15;
	s3 =	sand.u32 @!p1 $0x380, s3;
	s1 =	simm.s32 @p2 $0x7  }
0x48: {  	p2 =	sgt.s32 @!p1 s14, $0x110;
	s0 =	sor.u32 @!p1 s3, s0;
	s1 =	ssub.s32 @!p1 s1, s2  }
0x49: {  	s3 =	smov.u32 s14;
	p2 =	por !p2, p1;
	s2 =	sadd.s32 @!p1 $0xFFFFFFF9, s1  }
0x4a: {  	s3 =	simm.s32 @p2 $0x110;
	p2 =	sgt.s32 @!p1 s2, $0x0;
	s2 =	sshra.s32 @!p1 s14, $0x1F  }
0x4b: {  	s1 =	ssub.s32 @!p1 $0x8, s1;
	p2 =	por !p2, p1;
	s2 =	sand.u32 @!p1 s2, s14  }
0x4c: {  	s1 =	simm.s32 @!p2 $0x0;
	s2 =	ssub.s32 @!p1 s3, s2;
	p2 =	sgt.s32 @!p1 s13, $0x2700  }
0x4d: {  	s3 =	smulhi.u32 @!p1 $0xCF6474A9, s0;
	s4 =	sadd.s32 @!p1 $0xFFFFFEF0, s2;
	p2 =	por !p2, p1  }
0x4e: {  	s5 =	simm.s32 @p2 $0x2700;
	p2 =	sgt.s32 @!p1 s4, $0x7F;
	s4 =	sshra.s32 @!p1 s13, $0x1F  }
0x4f: {  	s2 =	ssub.s32 @!p1 $0x190, s2;
	p2 =	por !p2, p1;
	s4 =	sand.u32 @!p1 s4, s13  }
0x50: {  	s3 =	sshrl.u32 @!p1 s3, $0xD;
	s4 =	ssub.s32 @!p1 s5, s4;
	s2 =	simm.s32 @!p2 $0x0  }
0x51: {  	s5 =	sand.u32 @!p1 $0x7F, s13;
	s1 =	smul.u32 @!p1 s1, s2;
	s2 =	sadd.s32 @!p1 $0xFFFFD900, s4  }
0x52: {  	s0 =	sor.u32 @!p1 s5, s0;
	s5 =	smulhi.u32 @!p1 $0xA3D70B, s3;
	p2 =	sgt.s32 @!p1 s2, $0x7F  }
0x53: {  	s4 =	ssub.s32 @!p1 $0x2780, s4;
	s2 =	smulhi.u32 @!p1 $0xCF6474A9, s0;
	p2 =	por !p2, p1  }
0x54: {  	s5 =	smul.u32 @!p1 $0x190, s5;
	s4 =	simm.s32 @!p2 $0x0  }
0x55: {  	s2 =	sshrl.u32 @!p1 s2, $0xD;
	s1 =	smul.u32 @!p1 s4, s1  }
0x56: {  	s4 =	sxor.u32 @!p1 $0xFFFFFFFF, s10;
	s2 =	smul.u32 @!p1 $0x2780, s2  }
0x57: {  	s3 =	ssub.s32 @!p1 s3, s5;
	s5 =	smul.u32 @!p1 $0x7B700, s15;
	s4 =	sshll.u32 @!p1 s4, $0xE  }
0x58: {  	s4 =	sand.u32 @!p1 $0x4000, s4;
	s0 =	ssub.s32 @!p1 s0, s2;
	s2 =	smul.u32 @!p1 $0x4F0, s3  }
0x59: {  	s1 =	sand.u32 @!p1 $0x3FFFFFFF, s1;
	s3 =	sadd.s32 @!p1 s6, s5;
	s5 =	sand.u32 @!p1 $0x7, s0  }
0x5a: {  	s0 =	sshrl.u32 @!p1 s0, $0x3;
	s2 =	sadd.s32 @!p1 s2, s3;
	s3 =	sshll.u32 @!p1 s5, $0x12  }
0x5b: {  	s0 =	sadd.s32 @!p1 s0, s2;
	s2 =	sor.u32 @!p1 $0x400, s3;
	s3 =	simm.s32 @!p1 $0x13C00  }
0x5c: {  	[tilespmem:s4], [sflag:$0x1] =	stream.strided.gather @!p1 [hbm4b:s0+s2], s1, s3, s2, $0x38;
	[tilespmem:$0x10100] =	vst v63  }
0x5d: {  	p1 =	seq.s32 s10, $0x0  }
0x5e: {  	p2 =	seq.s32 @!p1 s10, $0x50  }
0x5f: {  	p1 =	por p1, p2  }
.Ltmp2:
0x60: {  	_ = 	snop;
	(pc) =	sbr.rel @p1 .LBB1_15-.Ltmp2, $1  }
0x61: {  	_ =	sdelay $0x3  }
0x62: {  	[dreg:$0xf] =	wrdreg s18  }
0x63: {  	[dreg:$0xe] =	wrdreg s17  }
0x64: {  	[dreg:$0xd] =	wrdreg s16  }
0x65: {  	[dreg:$0xc] =	wrdreg s15  }
0x66: {  	[dreg:$0xb] =	wrdreg s14  }
0x67: {  	[dreg:$0xa] =	wrdreg s13;
	p1 =	sgt.s32 s12, $0x7;
	s0 =	smov.u32 s12  }
0x68: {  	s1 =	sshra.s32 s12, $0x1F;
	s25 =	ssub.s32 $0x0, s11;
	s2 =	sshra.s32 s11, $0x1F  }
0x69: {  	s3 =	smov.u32 s11;
	p2 =	sgt.s32 s9, $0x2700;
	s27 =	ssub.s32 $0x0, s9  }
0x6a: {  	s28 =	sshra.s32 s9, $0x1F;
	s0 =	simm.s32 @!p1 $0x7;
	s1 =	sand.u32 s1, s12  }
0x6b: {  	p1 =	sgt.s32 s11, $0x110;
	s29 =	sand.u32 s27, s28;
	s0 =	ssub.s32 s0, s1  }
0x6c: {  	s1 =	sand.u32 s25, s2;
	s3 =	simm.s32 @!p1 $0x110;
	s2 =	smov.u32 s9  }
0x6d: {  	s4 =	sadd.s32 $0xFFFFFFF9, s0;
	[dreg:$0x11] =	wrdreg s1;
	s1 =	sadd.s32 s1, s3  }
0x6e: {  	s5 =	ssub.s32 $0x8, s0;
	s2 =	simm.s32 @!p2 $0x2700;
	p1 =	sgt.s32 s4, $0x0  }
0x6f: {  	s26 =	sadd.s32 $0xFFFFFEF0, s1;
	s0 =	ssub.s32 $0x190, s1;
	s1 =	sadd.s32 s29, s2  }
0x70: {  	[dreg:$0x6] =	wrdreg s9;
	s5 =	simm.s32 @p1 $0x0;
	s2 =	sadd.s32 $0xFFFFD900, s1  }
0x71: {  	s1 =	ssub.s32 $0x2780, s1;
	p1 =	sgt.s32 s2, $0x7F;
	s2 =	sadd.s32 $0x1, s12  }
0x72: {  	s3 =	sadd.s32 $0x80, s11;
	s1 =	simm.s32 @p1 $0x0;
	p1 =	slt.s32 s2, $0x8  }
0x73: {  	p2 =	sgt.s32 s26, $0x7F;
	s2 =	simm.s32 @!p1 $0x8;
	p1 =	slt.s32 s3, $0x190  }
0x74: {  	s0 =	simm.s32 @p2 $0x0;
	s22 =	ssub.s32 s2, s12;
	s3 =	simm.s32 @!p1 $0x190  }
0x75: {  	s0 =	smul.u32 s5, s0;
	s23 =	ssub.s32 s3, s11;
	p1 =	slt.s32 s22, $0x1  }
0x76: {  	[dreg:$0x9] =	wrdreg s12;
	p2 =	slt.s32 @!p1 s23, $0x1  }
0x77: {  	[dreg:$0x8] =	wrdreg s11;
	s0 =	smul.u32 s1, s0;
	p2 =	por p1, p2  }
.Ltmp3:
0x78: {  	[dreg:$0x12] =	wrdreg s29;
	(pc) =	sbr.rel @p2 .LBB1_14-.Ltmp3, $4  }
0x79: {  	s30 =	simm.s32 $0x1;
	[dreg:$0x10] =	wrdreg s5;
	s0 =	sand.u32 $0x3FFFFFFF, s0  }
0x7a: {  	s31 =	sand.u32 $0x1, s10;
	_ =	swait.ge [sflag:s30], s0  }
0x7b: {  	s0 =	ssub.s32 $0x0, s0;
	[dreg:$0x7] =	wrdreg s10;
	[sflag:s30] =	ssyncset.done $0x0  }
0x7c: {  	[dreg:$0x13] =	wrdreg s31;
	[sflag:s30] =	ssyncadd.s32 s0  }
0x7d: {  	s2 =	rddreg [dreg:$0x6]  }
0x7e: {  	s0 =	sadd.s32 $0x80, s2  }
0x7f: {  	p2 =	slt.s32 s0, $0x2710  }
0x80: {  	s0 =	simm.s32 @!p2 $0x2710  }
0x81: {  	s1 =	simm.s32 $0x1;
	s0 =	ssub.s32 s0, s2  }
0x82: {  	s1 =	simm.s32 @!p0 $0x0;
	s0 =	sadd.s32 $0xF, s0  }
0x83: {  	s1 =	smul.u32 $0x10200, s1;
	s21 =	sshrl.u32 s0, $0x8  }
0x84: {  	s3 =	smul.u32 $0x20400, s21  }
.Ltmp4:
0x85: {  	s30 =	simm.s32 $0x0;
	s4 =	sshrl.u32 s1, $0x2;
	(pc) =	sbr.rel .LBB1_4-.Ltmp4, $4  }
0x86: {  	s31 =	simm.s32 $0x0;
	s27 =	sor.u32 $0x8000, s4;
	s24 =	sand.u32 $0xFFFFFFF0, s0  }
0x87: {  	s25 =	sand.u32 @!p1 $0xFFFFFF00, s0;
	s29 =	sshll.u32 s21, $0xB;
	s1 =	sadd.s32 s1, s3  }
0x88: {  	p2 =	sge.s32 s25, s24;
	s3 =	rddreg [dreg:$0x13];
	s1 =	sshra.s32 s1, $0x2  }
0x89: {  	s26 =	sshll.u32 @!p1 s3, $0xE;
	p1 =	slt.s32 s0, $0x100;
	s28 =	sadd.s32 $0x8000, s1  }
.LBB1_13:
0x8a: {  	s31 =	sadd.s32 $0x1, s31  }
0x8b: {  	p3 =	sne.s32 s31, s22  }
.Ltmp5:
0x8c: {  	_ = 	snop;
	(pc) =	sbr.rel @!p3 .LBB1_14-.Ltmp5, $2  }
0x8d: {  	_ =	sdelay $0x2  }
0x8e: {  	s30 =	sadd.s32 $0x1, s30  }
.LBB1_4:
.Ltmp6:
0x8f: {  	s0 =	sand.u32 $0x7, s30;
	(pc) =	sbr.rel .LBB1_5-.Ltmp6, $4  }
0x90: {  	s1 =	sshll.u32 s31, $0x10;
	s0 =	smul.u32 $0x204, s0  }
0x91: {  	s3 =	simm.s32 $0x0;
	s1 =	sshra.s32 s1, $0x2  }
0x92: {  	s5 =	simm.s32 $0x0;
	s2 =	sshrl.u32 s0, $0x2;
	s0 =	sadd.s32 s1, s26  }
0x93: {  	s1 =	sadd.s32 s2, s27;
	s7 =	sadd.s32 s2, s28;
	s2 =	simm.s32 $0x0  }
.LBB1_12:
0x94: {  	s2 =	sadd.s32 $0x1, s2  }
0x95: {  	p3 =	sne.s32 s2, s23  }
.Ltmp7:
0x96: {  	_ = 	snop;
	(pc) =	sbr.rel @!p3 .LBB1_13-.Ltmp7, $2  }
0x97: {  	_ =	sdelay $0x2  }
0x98: {  	s5 =	sadd.s32 $0x1, s5;
	s3 =	sadd.s32 $0x80, s3  }
.LBB1_5:
.Ltmp8:
0x99: {  	(pc) =	sbr.rel @p1 .LBB1_9-.Ltmp8, $2  }
0x9a: {  	_ =	sdelay $0x2  }
0x9b: {  	s6 =	sand.u32 $0x7F, s5;
	s4 =	sshll.u32 s2, $0x7  }
0x9c: {  	s11 =	sand.u32 $0x380, s4  }
0x9d: {  	s15 =	sadd.s32 s11, s0  }
0x9e: {  	s21 =	sadd.s32 s6, s1;
	s17 =	simm.s32 $0x480;
	s16 =	simm.s32 $0x700;
	v0 =	vmov s15  }
0x9f: {  	s18 =	simm.s32 $0x500;
	s19 =	simm.s32 $0x580;
	s20 =	simm.s32 $0x600  }
0xa0: {  	s13 =	sadd.s32 $0x780, s3;
	p3 =	sgt.s32 s25, $0x100;
	s16 =	sand.u32 $0x3C00, s16  }
0xa1: {  	s18 =	sand.u32 $0x3C00, s18;
	s16 =	sadd.s32 s4, s16;
	s15 =	sand.u32 $0x3C00, s17  }
0xa2: {  	s19 =	sand.u32 $0x3C00, s19;
	s16 =	sand.u32 $0x3C00, s16;
	s15 =	sadd.s32 s4, s15  }
0xa3: {  	s20 =	sand.u32 $0x3C00, s20;
	s18 =	sadd.s32 s4, s18;
	s15 =	sand.u32 $0x3C00, s15;
	v3 =	vld.idx.msk [tilespmem:v0+s16+$0x60 ss:$0x1], $0xffff  }
0xa4: {  	s14 =	sadd.s32 $0xFFFFF880, s13;
	s19 =	sadd.s32 s4, s19;
	s8 =	sand.u32 $0x3C00, s18;
	v7 =	vld.idx.msk [tilespmem:v0+s15+$0x10 ss:$0x1], $0xffff  }
0xa5: {  	s17 =	simm.s32 $0x680;
	s10 =	sadd.s32 s4, s20;
	s12 =	sand.u32 $0x3C00, s19;
	v1 =	vld.idx.msk [tilespmem:v0+s8+$0x20 ss:$0x1], $0xffff  }
.Ltmp9:
0xa6: {  	s9 =	sand.u32 $0x3C00, s17;
	s17 =	sand.u32 $0x3C00, s10;
	v6 =	vld.idx.msk [tilespmem:v0+s12+$0x30 ss:$0x1], $0xffff;
	(pc) =	sbr.rel @!p3 .LBB1_8-.Ltmp9, $4  }
0xa7: {  	s11 =	simm.s32 $0x780;
	s18 =	sand.u32 $0x3C00, s14;
	s16 =	sadd.s32 s4, s9;
	v4 =	vld.idx.msk [tilespmem:v0+s17+$0x40 ss:$0x1], $0xffff  }
0xa8: {  	s11 =	sand.u32 $0x3C00, s11;
	s15 =	sadd.s32 $0xFFFFFC80, s13;
	v5 =	vld.idx.msk [tilespmem:v0+s18+$0x10 ss:$0x1], $0xffff;
	s16 =	sand.u32 $0x3C00, s16  }
0xa9: {  	s20 =	simm.s32 $0x100;
	s19 =	sadd.s32 s4, s11;
	s11 =	sand.u32 $0x3C00, s15;
	v2 =	vld.idx.msk [tilespmem:v0+s16+$0x50 ss:$0x1], $0xffff;
	[tilespmem:s21+$0x70E0 ss:$0x81] =	vst.msk $0xffff, v3  }
0xaa: {  	s15 =	sand.u32 $0x3C00, s19;
	s19 =	smov.u32 s21;
	s16 =	simm.s32 $0xF80;
	v3 =	vld.idx.msk [tilespmem:v0+s18+$0x0 ss:$0x1], $0xffff;
	[tilespmem:s21+$0x4890 ss:$0x81] =	vst.msk $0xffff, v7  }
.LBB1_7:
0xab: {  	s17 =	sadd.s32 $0xFFFFFD00, s16;
	s8 =	sadd.s32 $0xFFFFFF80, s16;
	s20 =	sadd.s32 $0x100, s20;
	v7 =	vld.idx.msk [tilespmem:v0+s18+$0x20 ss:$0x1], $0xffff;
	[tilespmem:s21+$0x50A0 ss:$0x81] =	vst.msk $0xffff, v1  }
0xac: {  	s10 =	sadd.s32 $0xFFFFFD80, s16;
	s8 =	sand.u32 $0x3C00, s8;
	p3 =	slt.s32 s20, s25;
	v1 =	vld.idx.msk [tilespmem:v0+s18+$0x30 ss:$0x1], $0xffff;
	[tilespmem:s21+$0x58B0 ss:$0x81] =	vst.msk $0xffff, v6  }
0xad: {  	s12 =	sadd.s32 $0xFFFFFE00, s16;
	s14 =	sadd.s32 $0xFFFFFE80, s16;
	s8 =	sadd.s32 s4, s8;
	v6 =	vld.idx.msk [tilespmem:v0+s18+$0x40 ss:$0x1], $0xffff;
	[tilespmem:s21+$0x60C0 ss:$0x81] =	vst.msk $0xffff, v4  }
0xae: {  	s13 =	sadd.s32 $0xFFFFFF00, s16;
	s17 =	sand.u32 $0x3C00, s17;
	s8 =	sand.u32 $0x3C00, s8;
	v4 =	vld.idx.msk [tilespmem:v0+s18+$0x50 ss:$0x1], $0xffff;
	[tilespmem:s21+$0x68D0 ss:$0x81] =	vst.msk $0xffff, v2  }
0xaf: {  	s10 =	sand.u32 $0x3C00, s10;
	s12 =	sand.u32 $0x3C00, s12;
	s14 =	sand.u32 $0x3C00, s14;
	v2 =	vld.idx.msk [tilespmem:v0+s8+$0x60 ss:$0x1], $0xffff;
	[tilespmem:s21+$0x0 ss:$0x81] =	vst.msk $0xffff, v3  }
0xb0: {  	s9 =	sand.u32 $0x3C00, s16;
	s13 =	sand.u32 $0x3C00, s13;
	s8 =	sadd.s32 s16, s3;
	[tilespmem:s21+$0x810 ss:$0x81] =	vst.msk $0xffff, v5;
	v3 =	vld.idx.msk [tilespmem:v0+s18+$0x60 ss:$0x1], $0xffff  }
0xb1: {  	s17 =	sadd.s32 s4, s17;
	s10 =	sadd.s32 s4, s10;
	s12 =	sadd.s32 s4, s12;
	[tilespmem:s21+$0x1020 ss:$0x81] =	vst.msk $0xffff, v7;
	v5 =	vld.idx.msk [tilespmem:v0+s18+$0x70 ss:$0x1], $0xffff  }
0xb2: {  	s14 =	sadd.s32 s4, s14;
	s13 =	sadd.s32 s4, s13;
	s18 =	sadd.s32 $0xFFFFF880, s8;
	[tilespmem:s21+$0x1830 ss:$0x81] =	vst.msk $0xffff, v1;
	v7 =	vld.idx.msk [tilespmem:v0+s11+$0x0 ss:$0x1], $0xffff  }
0xb3: {  	s9 =	sadd.s32 s4, s9;
	s8 =	sadd.s32 $0xFFFFFC80, s8;
	s11 =	sand.u32 $0x3C00, s17;
	[tilespmem:s21+$0x2040 ss:$0x81] =	vst.msk $0xffff, v6;
	v8 =	vld.idx.msk [tilespmem:v0+s15+$0x70 ss:$0x1], $0xffff  }
0xb4: {  	s10 =	sand.u32 $0x3C00, s10;
	s12 =	sand.u32 $0x3C00, s12;
	s21 =	sadd.s32 $0x8100, s21;
	v9 =	vld.idx.msk [tilespmem:v0+s11+$0x10 ss:$0x1], $0xffff;
	[tilespmem:s19+$0x2850 ss:$0x81] =	vst.msk $0xffff, v4  }
0xb5: {  	s13 =	sand.u32 $0x3C00, s13;
	s18 =	sand.u32 $0x3C00, s18;
	v1 =	vld.idx.msk [tilespmem:v0+s10+$0x20 ss:$0x1], $0xffff;
	s10 =	sand.u32 $0x3C00, s14;
	[tilespmem:s21+$0x70E0 ss:$0x81] =	vst.msk $0xffff, v2  }
.Ltmp10:
0xb6: {  	s15 =	sand.u32 $0x3C00, s9;
	s11 =	sand.u32 $0x3C00, s8;
	v6 =	vld.idx.msk [tilespmem:v0+s12+$0x30 ss:$0x1], $0xffff;
	[tilespmem:s19+$0x3060 ss:$0x81] =	vst.msk $0xffff, v3;
	(pc) =	sbr.rel @p3 .LBB1_7-.Ltmp10, $4  }
0xb7: {  	v4 =	vld.idx.msk [tilespmem:v0+s10+$0x40 ss:$0x1], $0xffff;
	[tilespmem:s19+$0x3870 ss:$0x81] =	vst.msk $0xffff, v5  }
0xb8: {  	v2 =	vld.idx.msk [tilespmem:v0+s13+$0x50 ss:$0x1], $0xffff;
	[tilespmem:s19+$0x4080 ss:$0x81] =	vst.msk $0xffff, v7  }
0xb9: {  	v3 =	vld.idx.msk [tilespmem:v0+s18+$0x0 ss:$0x1], $0xffff;
	[tilespmem:s19+$0x78F0 ss:$0x81] =	vst.msk $0xffff, v8;
	s19 =	smov.u32 s21  }
0xba: {  	s16 =	sadd.s32 $0x800, s16;
	v5 =	vld.idx.msk [tilespmem:v0+s18+$0x10 ss:$0x1], $0xffff;
	[tilespmem:s21+$0x4890 ss:$0x81] =	vst.msk $0xffff, v9  }
.LBB1_8:
0xbb: {  	_ =	sdelay $0x2  }
0xbc: {  	[tilespmem:s21+$0x50A0 ss:$0x81] =	vst.msk $0xffff, v1  }
0xbd: {  	v56 =	vld.idx.msk [tilespmem:v0+s18+$0x20 ss:$0x1], $0xffff;
	[tilespmem:s21+$0x58B0 ss:$0x81] =	vst.msk $0xffff, v6  }
0xbe: {  	v57 =	vld.idx.msk [tilespmem:v0+s18+$0x30 ss:$0x1], $0xffff;
	[tilespmem:s21+$0x60C0 ss:$0x81] =	vst.msk $0xffff, v4  }
0xbf: {  	v58 =	vld.idx.msk [tilespmem:v0+s18+$0x40 ss:$0x1], $0xffff;
	[tilespmem:s21+$0x68D0 ss:$0x81] =	vst.msk $0xffff, v2  }
0xc0: {  	v59 =	vld.idx.msk [tilespmem:v0+s18+$0x50 ss:$0x1], $0xffff;
	[tilespmem:s21+$0x0 ss:$0x81] =	vst.msk $0xffff, v3  }
0xc1: {  	v60 =	vld.idx.msk [tilespmem:v0+s18+$0x60 ss:$0x1], $0xffff;
	[tilespmem:s21+$0x810 ss:$0x81] =	vst.msk $0xffff, v5  }
0xc2: {  	v61 =	vld.idx.msk [tilespmem:v0+s18+$0x70 ss:$0x1], $0xffff;
	[tilespmem:s21+$0x1020 ss:$0x81] =	vst.msk $0xffff, v56  }
0xc3: {  	v62 =	vld.idx.msk [tilespmem:v0+s11+$0x0 ss:$0x1], $0xffff;
	[tilespmem:s21+$0x1830 ss:$0x81] =	vst.msk $0xffff, v57  }
0xc4: {  	v63 =	vld.idx.msk [tilespmem:v0+s15+$0x70 ss:$0x1], $0xffff;
	[tilespmem:s21+$0x2040 ss:$0x81] =	vst.msk $0xffff, v58  }
0xc5: {  	[tilespmem:s19+$0x2850 ss:$0x81] =	vst.msk $0xffff, v59  }
0xc6: {  	[tilespmem:s19+$0x3060 ss:$0x81] =	vst.msk $0xffff, v60  }
0xc7: {  	[tilespmem:s19+$0x3870 ss:$0x81] =	vst.msk $0xffff, v61  }
0xc8: {  	[tilespmem:s19+$0x4080 ss:$0x81] =	vst.msk $0xffff, v62  }
0xc9: {  	[tilespmem:s19+$0x78F0 ss:$0x81] =	vst.msk $0xffff, v63  }
.LBB1_9:
.Ltmp11:
0xca: {  	(pc) =	sbr.rel @p2 .LBB1_12-.Ltmp11, $1  }
0xcb: {  	_ =	sdelay $0x3  }
0xcc: {  	s11 =	sand.u32 $0x380, s4;
	s6 =	sadd.s32 s6, s7  }
0xcd: {  	s15 =	smov.u32 s29;
	s16 =	smov.u32 s25;
	s11 =	sadd.s32 s11, s0  }
.LBB1_11:
0xce: {  	s8 =	sand.u32 $0x3C00, s15  }
0xcf: {  	s8 =	sadd.s32 s4, s8  }
0xd0: {  	s8 =	sand.u32 $0x3C00, s8  }
0xd1: {  	s9 =	sand.u32 $0x70, s16;
	s8 =	sadd.s32 s8, s11  }
0xd2: {  	s16 =	sadd.s32 $0x10, s16;
	s8 =	sadd.s32 s9, s8  }
0xd3: {  	p3 =	slt.s32 s16, s24;
	v0 =	vld [tilespmem:s8+$0x0]  }
.Ltmp12:
0xd4: {  	_ = 	snop;
	(pc) =	sbr.rel @p3 .LBB1_11-.Ltmp12, $2  }
0xd5: {  	_ =	sdelay $0x2  }
0xd6: {  	s15 =	sadd.s32 $0x80, s15;
	[tilespmem:s6+$0x0 ss:$0x81] =	vst.msk $0xffff, v0;
	s6 =	sadd.s32 $0x810, s6  }
.Ltmp13:
0xd7: {  	_ = 	snop;
	(pc) =	sbr.rel .LBB1_12-.Ltmp13, $1  }
0xd8: {  	_ =	sdelay $0x3  }
.LBB1_16:
0xd9: {  	_ =	sfence.sel $0x180000  }
0xda: {  	s0 =	simm.s32 $0x1;
	[bflag:$0x0] =	sbarrier.arrive $0xFFFF  }
0xdb: {  	s30 =	simm.s32 $0x2;
	[sflag:s0] =	ssyncpa.u1 $0x1  }
0xdc: {  	[sflag:s30] =	ssyncpa.u1 $0x1  }
0xdd: {  	_ =	strace $0x9000004A  }
0xde: {  	s31 =	stileid.u32;
	[bflag:$0x2] =	sbarrier.arrive $0xFFFF  }
0xdf: {  	p0 =	sne.s32 s31, $0x0;
	s0 =	rddreg [dreg:$0x1]  }
0xe0: {  	s0 =	sadd.s32 @!p0 $0x100000, s0  }
0xe1: {  	[sflag:s0] =	ssyncadd.tile.s32 @!p0 $0x1;
	_ =	shalt  }
.Lfunc_end1:
_tile_overlayer_lowered:
.L_overlay_start_2:
0xe2: {  	(tag) =	ssettag $0x2  }
0xe3: {  	s0 =	rddreg [dreg:$0x0];
	s2 =	stileid.u32  }
0xe4: {  	s1 =	rddreg [dreg:$0x1];
	p0 =	sne.s32 s2, $0x0  }
0xe5: {  	s3 =	rddreg [dreg:$0x2];
	[bflag:$0x3] =	sbarrier.arrive $0xFFFF;
	s2 =	simm.s32 @!p0 $0x1C01  }
0xe6: {  	[timem:s3], [sflag:s2] =	dma.local @!p0 [hbm:s0], s1  }
0xe7: {  	s0 =	simm.s32 @!p0 $0x1  }
0xe8: {  	_ =	swait.ge @!p0 [sflag:s0], s1  }
0xe9: {  	s1 =	ssub.s32 @!p0 $0x0, s1;
	[sflag:s0] =	ssyncset.done @!p0 $0x0  }
0xea: {  	[sflag:s0] =	ssyncadd.s32 @!p0 s1  }
0xeb: {  	[bflag:$0x3] =	sbarrier.arrive $0xFFFF  }
0xec: {  	_ =	shalt  }

// kernel: sparse-core-data-format-call.2.cloned.1.call-start
scs
called_computation.5_lowered:
.L_overlay_start_0:
0x0: {  	s1 =	sld [smem:$0x3FD9]  }
0x1: {  	s2 =	sld [smem:$0x3FFE];
	_ =	sdelay $0x1  }
0x2: {  	s3 =	srdreg.scid  }
0x3: {  	s0 =	sand.u32 $0x1, s3  }
0x4: {  	s17 =	sshll.u32 s0, $0xA;
	s1 =	sadd.s32 s2, s1  }
0x5: {  	s1 =	sadd.s32 s1, s17  }
0x6: {  	[smem:$0x3FBE] =	sst s1  }
0x7: {  	_ = 	snop  }
0x8: {  	(tm) =	ssettm $0x1  }
0x9: {  	s18 =	sld [smem:$0x3FFB];
	_ =	sdelay $0x3  }
0xa: {  	_ =	strace s18  }
0xb: {  	s1 =	sld [smem:$0x3FFC];
	_ =	sdelay $0x3  }
0xc: {  	_ =	strace s1  }
0xd: {  	s1 =	sld [smem:$0x3FFD];
	_ =	sdelay $0x3  }
0xe: {  	_ =	strace s1  }
0xf: {  	_ =	strace $0x8FFFFFFF  }
0x10: {  	s19 =	sld [smem:$0x3FDB];
	_ =	sdelay $0x1  }
0x11: {  	s20 =	simm.s32 $_scs_section_size  }
0x12: {  	s4 =	simm.s32 $_size__tile_overlayer_lowered;
	s5 =	simm.s32 $_tile_overlayer_lowered  }
0x13: {  	s23 =	simm.s32 $0x1BFF;
	s22 =	sshll.u32 s5, $0x1;
	s1 =	sadd.s32 s20, s19  }
0x14: {  	s6 =	simm.s32 $0x0;
	s21 =	sshll.u32 s4, $0x1;
	s4 =	sadd.s32 s22, s1  }
0x15: {  	[timem:s6], [sflag:s23] =	dma.local [hbm:s4], s21  }
0x16: {  	_ =	swait.ge [sflag:s23], s21  }
0x17: {  	s2 =	ssub.s32 $0x0, s21;
	[sflag:s23] =	ssyncset.done $0x0  }
0x18: {  	[sflag:s23] =	ssyncadd.s32 s2;
	_ =	sdelay $0x1  }
0x19: {  	s24 =	simm.s32 $0x1B8B  }
0x1a: {  	_ =	swait.ge [sflag:s24], $0x1  }
0x1b: {  	[sflag:s24] =	ssyncset.done $0x0  }
0x1c: {  	s26 =	simm.s32 $0x1B8E;
	s25 =	sld [smem:$0x3FFE];
	[sflag:s24] =	ssyncadd.s32 $0xFFFFFFFF  }
0x1d: {  	s27 =	simm.s32 $execute0_lowered;
	[smem:$0x3FD2] =	sst s26  }
0x1e: {  	s4 =	sshll.u32 s27, $0x1;
	_ =	strace $0x80000046;
	[dreg:$0x1] =	wrdreg $0xFFFFFFFF  }
0x1f: {  	s28 =	simm.s32 $_size_execute0_lowered;
	s1 =	sadd.s32 s1, s4;
	[dreg:$0x0] =	wrdreg $0x0  }
0x20: {  	s4 =	sshll.u32 s28, $0x1;
	[dreg:$0x2] =	wrdreg s1  }
0x21: {  	[dreg:$0x3] =	wrdreg s4  }
0x22: {  	[dreg:$0x4] =	wrdreg $0xC0  }
0x23: {  	_ =	task [dreg:s6], $0x5FFFF  }
0x24: {  	[dreg:$0x1] =	wrdreg $0xFFFFFFFF  }
0x25: {  	[dreg:$0x0] =	wrdreg $0x60  }
0x26: {  	[dreg:$0x2] =	wrdreg s25  }
0x27: {  	[dreg:$0x3] =	wrdreg $0x9  }
0x28: {  	_ =	task.clear_ibuf [dreg:s6], $0x4FFFF;
	_ =	strace $0x90000046  }
0x29: {  	s29 =	simm.s32 $0x9;
	_ =	strace $0x80000048  }
0x2a: {  	_ =	swait.ge [sflag:s29], $0x1  }
0x2b: {  	[sflag:s29] =	ssyncadd.s32 $0xFFFFFFFF  }
0x2c: {  	_ =	strace $0x90000048  }
0x2d: {  	_ =	sfence  }
0x2e: {  	s30 =	sld [smem:$0x0];
	_ =	sdelay $0x2  }
0x2f: {  	s31 =	sshll.u32 s3, $0xD;
	s3 =	sshrl.u32 s3, $0x2  }
0x30: {  	s2 =	sand.u32 $0x4000, s31;
	s1 =	sadd.s32 s3, s30  }
0x31: {  	s0 =	sor.u32 s2, s0;
	s1 =	sshll.u32 s1, $0x11  }
0x32: {  	s0 =	sor.u32 s1, s0  }
0x33: {  	s0 =	sadd.s32 $0x8F2B, s0  }
0x34: {  	[sflag:s0] =	ssyncadd.remote.s32 $0x1  }
0x35: {  	_ =	sfence.sel $0xFFFF  }
0x36: {  	[dreg:$0x0] =	wrdreg $0xFFFFFFFF;
	(pc) =	sbr.abs _section_cstart, $3  }
0x37: {  	[dreg:$0x1] =	wrdreg $0xFFFFFFFF  }
0x38: {  	_ =	task.clear_ibuf [dreg:s6], $0x2FFFF;
	_ =	strace $0x9FFFFFFF  }
0x39: {  	(tm) =	ssettm $0x7FFFFFFF  }
tec
execute0_lowered:
.L_overlay_start_1:
0x0: {  	(tag) =	ssettag $0x1  }
0x1: {  	s0 =	srdreg.scid  }
0x2: {  	s5 =	rddreg [dreg:$0x0];
	s4 =	simm.s32 $0x1;
	s1 =	sshll.u32 s0, $0x4  }
0x3: {  	s31 =	simm.s32 $0x2;
	s0 =	stileid.u32;
	s1 =	sand.u32 $0x10, s1  }
0x4: {  	s13 =	simm.s32 $0x0;
	p0 =	por $0x0, $0x0;
	s1 =	sor.u32 s0, s1  }
0x5: {  	s8 =	simm.s32 $0x13C00;
	s12 =	simm.s32 $0x0;
	s2 =	sshll.u32 s1, $0x7  }
.Ltmp0:
0x6: {  	s10 =	simm.s32 $0x0;
	s3 =	ssub.s32 $0x2700, s2;
	(pc) =	sbr.rel .LBB1_1-.Ltmp0, $4  }
0x7: {  	s1 =	rddreg [dreg:$0x1];
	_ =	strace $0x80000047;
	s6 =	sshrl.u32 s3, $0xC  }
0x8: {  	s11 =	simm.s32 $0x0;
	[sflag:s4] =	ssyncpa.u1 $0x0;
	s7 =	smul.u32 $0x19, s6  }
0x9: {  	s9 =	smov.u32 s2;
	s3 =	sadd.s32 $0x4FC00, s5;
	s5 =	sadd.s32 $0x420600, s5  }
0xa: {  	[sflag:s31] =	ssyncpa.u1 $0x0;
	s6 =	sadd.s32 $0x19, s7;
	s7 =	sadd.s32 $0x1A, s7  }
.LBB1_5:
0xb: {  	s14 =	sadd.s32 $0x1000, s9  }
0xc: {  	s12 =	simm.s32 $0x1;
	p2 =	sgt.s32 s14, $0x270F  }
0xd: {  	s12 =	simm.s32 @!p2 $0x0  }
0xe: {  	s16 =	sadd.s32 s12, s10  }
0xf: {  	s14 =	smov.u32 @p2 s2;
	p2 =	sgt.s32 s16, $0x18  }
0x10: {  	s16 =	simm.s32 @p2 $0x0;
	p2 =	sne.s32 s11, s7  }
.Ltmp1:
0x11: {  	p1 =	slt.u32 s11, $0x2;
	(pc) =	sbr.rel @!p2 .LBB1_6-.Ltmp1, $4  }
0x12: {  	s15 =	simm.s32 @!p1 $0x2  }
0x13: {  	s13 =	smov.u32 s9;
	p0 =	por !p0, !p0;
	_ =	swait.ge @!p1 [sflag:s15], $0x4000  }
0x14: {  	[sflag:s15] =	ssyncset.done @!p1 $0x0;
	s12 =	smov.u32 s10;
	s9 =	smov.u32 s14  }
0x15: {  	[sflag:s15] =	ssyncadd.s32 @!p1 $0xFFFFC000;
	s11 =	sadd.s32 $0x1, s11;
	s10 =	smov.u32 s16  }
.LBB1_1:
0x16: {  	p1 =	sge.u32 s11, s6;
	s15 =	smov.u32 s10  }
0x17: {  	s18 =	smov.u32 s9;
	p2 =	sgt.s32 @!p1 s10, $0x18;
	s14 =	sand.u32 @!p1 $0x1FFFFFF, s9  }
0x18: {  	s17 =	sshra.s32 @!p1 s10, $0x1F;
	s19 =	sshra.s32 @!p1 s9, $0x1F;
	p2 =	por !p2, p1  }
0x19: {  	s16 =	smulhi.u32 @!p1 $0x1A36E2F, s14;
	s15 =	simm.s32 @p2 $0x18;
	p2 =	sgt.s32 @!p1 s9, $0x2690  }
0x1a: {  	s17 =	sand.u32 @!p1 s17, s10;
	s19 =	sand.u32 @!p1 s19, s9;
	p2 =	por !p2, p1  }
0x1b: {  	s15 =	ssub.s32 @!p1 s15, s17;
	s16 =	sshrl.u32 @!p1 s16, $0x6;
	s18 =	simm.s32 @p2 $0x2690  }
0x1c: {  	s15 =	sadd.s32 @!p1 $0xFFFFFFE8, s15;
	s16 =	smul.u32 @!p1 $0x2710, s16;
	s17 =	ssub.s32 @!p1 s18, s19  }
0x1d: {  	p2 =	sgt.s32 @!p1 s15, $0x0;
	s15 =	sshll.u32 @!p1 s15, $0x7;
	s18 =	sadd.s32 @!p1 $0xFFFFD970, s17  }
0x1e: {  	s19 =	smul.u32 @!p1 $0x27100, s10;
	s17 =	ssub.s32 @!p1 $0x2710, s17;
	p3 =	sgt.s32 @!p1 s18, $0x7F  }
0x1f: {  	s15 =	ssub.s32 @!p1 $0x80, s15;
	p2 =	por !p2, p1;
	p3 =	por !p3, p1  }
0x20: {  	s18 =	sxor.u32 @!p1 $0xFFFFFFFF, s11;
	s15 =	simm.s32 @!p2 $0x0;
	s17 =	simm.s32 @!p3 $0x0  }
0x21: {  	s14 =	ssub.s32 @!p1 s14, s16;
	s16 =	sshll.u32 @!p1 s18, $0xE;
	s15 =	smul.u32 @!p1 s17, s15  }
0x22: {  	s14 =	sshll.u32 @!p1 s14, $0x4;
	s16 =	sand.u32 @!p1 $0x4000, s16;
	s17 =	sadd.s32 @!p1 s3, s19  }
0x23: {  	s14 =	sadd.s32 @!p1 s14, s17;
	s17 =	simm.s32 @!p1 $0x0;
	s15 =	sand.u32 @!p1 $0x3FFFFF80, s15  }
0x24: {  	[tilespmem:s16], [sflag:$0x1] =	stream.linear.gather @!p1 [hbm4b:s14+s17], s15, $0x38;
	[tilespmem:$0x10100] =	vst v63  }
0x25: {  	p1 =	seq.s32 s11, $0x0  }
0x26: {  	p2 =	sge.u32 @!p1 s11, s7  }
0x27: {  	p1 =	por p1, p2  }
.Ltmp2:
0x28: {  	_ = 	snop;
	(pc) =	sbr.rel @p1 .LBB1_5-.Ltmp2, $1  }
0x29: {  	_ =	sdelay $0x3  }
0x2a: {  	p1 =	sgt.s32 s12, $0x18;
	s14 =	smov.u32 s12  }
0x2b: {  	s15 =	sshra.s32 s12, $0x1F;
	s16 =	smov.u32 s13;
	s17 =	sshra.s32 s13, $0x1F  }
0x2c: {  	s14 =	simm.s32 @!p1 $0x18;
	s15 =	sand.u32 s15, s12;
	p1 =	sgt.s32 s13, $0x2690  }
0x2d: {  	s27 =	sand.u32 s17, s13;
	s14 =	ssub.s32 s14, s15;
	s16 =	simm.s32 @!p1 $0x2690  }
0x2e: {  	s14 =	sadd.s32 $0xFFFFFFE8, s14;
	s15 =	ssub.s32 s16, s27  }
0x2f: {  	p1 =	sgt.s32 s14, $0x0;
	s16 =	sadd.s32 $0xFFFFD970, s15;
	s14 =	sshll.u32 s14, $0x7  }
0x30: {  	s15 =	ssub.s32 $0x2710, s15;
	p2 =	sgt.s32 s16, $0x7F;
	s14 =	ssub.s32 $0x80, s14  }
0x31: {  	s15 =	simm.s32 @p2 $0x0;
	s14 =	simm.s32 @p1 $0x0  }
0x32: {  	s14 =	smul.u32 s15, s14;
	_ =	sdelay $0x1  }
0x33: {  	s15 =	simm.s32 $0x1;
	s14 =	sand.u32 $0x3FFFFF80, s14  }
0x34: {  	s15 =	simm.s32 @!p0 $0x0;
	_ =	swait.ge [sflag:s4], s14  }
0x35: {  	s28 =	sshll.u32 s15, $0xE;
	s14 =	ssub.s32 $0x0, s14;
	[sflag:s4] =	ssyncset.done $0x0  }
0x36: {  	s29 =	sor.u32 $0x40, s28;
	[sflag:s4] =	ssyncadd.s32 s14  }
0x37: {  	s30 =	smul.u32 $0x10200, s15;
	v0 =	vld [tilespmem:s29+$0x30]  }
0x38: {  	v1 =	vld [tilespmem:s29+$0xFFFFFFD0]  }
0x39: {  	s14 =	sshrl.u32 s30, $0x2;
	v5 =	vld [tilespmem:s29+$0xFFFFFFE0]  }
0x3a: {  	s15 =	sor.u32 $0x8000, s14;
	v6 =	vld [tilespmem:s29+$0xFFFFFFF0]  }
0x3b: {  	s31 =	sand.u32 $0x1, s11;
	v3 =	vld [tilespmem:s29+$0x0];
	s16 =	sadd.s32 $0x0, s15  }
0x3c: {  	s14 =	smul.u32 $0x10200, s31;
	v4 =	vld [tilespmem:s29+$0x10];
	[tilespmem:s16+$0x3870 ss:$0x81] =	vst.msk $0xffff, v0  }
0x3d: {  	v2 =	vld [tilespmem:s29+$0x20];
	[tilespmem:s16+$0x810 ss:$0x81] =	vst.msk $0xffff, v1  }
0x3e: {  	s17 =	sadd.s32 $0x80, s29;
	s14 =	sshrl.u32 s14, $0x2;
	v0 =	vld [tilespmem:s29+$0xFFFFFFC0];
	[tilespmem:s16+$0x1020 ss:$0x81] =	vst.msk $0xffff, v5  }
0x3f: {  	s18 =	simm.s32 $0x4;
	s19 =	simm.s32 $0x8;
	s14 =	sor.u32 $0x8000, s14;
	v1 =	vld [tilespmem:s17+$0x30];
	[tilespmem:s16+$0x1830 ss:$0x81] =	vst.msk $0xffff, v6  }
.LBB1_3:
0x40: {  	p1 =	sne.s32 s19, $0x1FC;
	v5 =	vld [tilespmem:s17+$0xFFFFFFD0];
	[tilespmem:s16+$0x2040 ss:$0x81] =	vst.msk $0xffff, v3  }
0x41: {  	v6 =	vld [tilespmem:s17+$0xFFFFFFE0];
	[tilespmem:s16+$0x2850 ss:$0x81] =	vst.msk $0xffff, v4  }
0x42: {  	s20 =	sshra.s32 s18, $0x2;
	s18 =	smov.u32 s19;
	v7 =	vld [tilespmem:s17+$0xFFFFFFF0];
	[tilespmem:s16+$0x3060 ss:$0x81] =	vst.msk $0xffff, v2  }
.Ltmp3:
0x43: {  	v3 =	vld [tilespmem:s17+$0x0];
	[tilespmem:s16+$0x0 ss:$0x81] =	vst.msk $0xffff, v0;
	s16 =	sadd.s32 s20, s15;
	(pc) =	sbr.rel @p1 .LBB1_3-.Ltmp3, $4  }
0x44: {  	v4 =	vld [tilespmem:s17+$0x10];
	[tilespmem:s16+$0x3870 ss:$0x81] =	vst.msk $0xffff, v1  }
0x45: {  	[tilespmem:s16+$0x810 ss:$0x81] =	vst.msk $0xffff, v5;
	v2 =	vld [tilespmem:s17+$0x20]  }
0x46: {  	v0 =	vld [tilespmem:s17+$0xFFFFFFC0];
	[tilespmem:s16+$0x1020 ss:$0x81] =	vst.msk $0xffff, v6;
	s17 =	sadd.s32 $0x80, s17  }
0x47: {  	s19 =	sadd.s32 $0x4, s19;
	v1 =	vld [tilespmem:s17+$0x30];
	[tilespmem:s16+$0x1830 ss:$0x81] =	vst.msk $0xffff, v7  }
0x48: {  	v5 =	vld [tilespmem:s17+$0xFFFFFFD0];
	[tilespmem:s16+$0x2040 ss:$0x81] =	vst.msk $0xffff, v3;
	s19 =	sshll.u32 s13, $0x3  }
0x49: {  	v58 =	vld [tilespmem:s17+$0xFFFFFFE0];
	s24 =	sand.u32 $0x7F, s13;
	[tilespmem:s16+$0x2850 ss:$0x81] =	vst.msk $0xffff, v4;
	s19 =	sand.u32 $0xFFFFFC00, s19  }
0x4a: {  	s18 =	sshra.s32 s18, $0x2;
	v59 =	vld [tilespmem:s17+$0xFFFFFFF0];
	[tilespmem:s16+$0x3060 ss:$0x81] =	vst.msk $0xffff, v2;
	s13 =	sor.u32 s24, s19;
	s26 =	smulhi.u32 $0xCF6474A9, s19  }
0x4b: {  	v60 =	vld [tilespmem:s17+$0x0];
	s15 =	sadd.s32 s18, s15;
	[tilespmem:s16+$0x0 ss:$0x81] =	vst.msk $0xffff, v0;
	s25 =	smulhi.u32 $0xCF6474A9, s13  }
0x4c: {  	v61 =	vld [tilespmem:s17+$0x10];
	[tilespmem:s15+$0x3870 ss:$0x81] =	vst.msk $0xffff, v1  }
0x4d: {  	v62 =	vld [tilespmem:s17+$0x20];
	s12 =	smul.u32 $0x27800, s12;
	s27 =	sshrl.u32 s26, $0xD;
	[tilespmem:s15+$0x810 ss:$0x81] =	vst.msk $0xffff, v5;
	s16 =	sshrl.u32 s25, $0xD  }
0x4e: {  	v63 =	vld [tilespmem:s17+$0xFFFFFFC0];
	[tilespmem:s15+$0x1020 ss:$0x81] =	vst.msk $0xffff, v58;
	s17 =	sand.u32 $0x7F, s27;
	s16 =	smul.u32 $0x2780, s16  }
0x4f: {  	[tilespmem:s15+$0x1830 ss:$0x81] =	vst.msk $0xffff, v59;
	s28 =	smul.u32 $0x4F0, s17  }
.Ltmp4:
0x50: {  	[tilespmem:s15+$0x2040 ss:$0x81] =	vst.msk $0xffff, v60;
	s13 =	ssub.s32 s13, s16;
	(pc) =	sbr.rel .LBB1_5-.Ltmp4, $4  }
0x51: {  	s12 =	sadd.s32 s5, s12;
	[tilespmem:s15+$0x2850 ss:$0x81] =	vst.msk $0xffff, v61;
	s29 =	sand.u32 $0x7, s13  }
0x52: {  	[tilespmem:s15+$0x3060 ss:$0x81] =	vst.msk $0xffff, v62;
	s12 =	sadd.s32 s28, s12;
	s13 =	sshrl.u32 s13, $0x3;
	s30 =	sshll.u32 s29, $0x12  }
0x53: {  	[tilespmem:s15+$0x0 ss:$0x81] =	vst.msk $0xffff, v63;
	s12 =	sadd.s32 s13, s12;
	s31 =	sor.u32 $0x400, s30  }
0x54: {  	[hbm4b:s12+s31] =	stream.strided.scatter [tilespmem:s14], [sflag:$0x2], $0x4000, s8, s31, $0x20;
	[tilespmem:$0x10100] =	vst v63  }
.LBB1_6:
0x55: {  	_ =	sfence.sel $0x180000  }
0x56: {  	s2 =	simm.s32 $0x1;
	[bflag:$0x0] =	sbarrier.arrive $0xFFFF  }
0x57: {  	s31 =	simm.s32 $0x2;
	[sflag:s2] =	ssyncpa.u1 $0x1  }
0x58: {  	[sflag:s31] =	ssyncpa.u1 $0x1  }
0x59: {  	p0 =	sne.s32 s0, $0x0;
	_ =	strace $0x90000047  }
0x5a: {  	s0 =	sadd.s32 @!p0 $0x100000, s1;
	[bflag:$0x2] =	sbarrier.arrive $0xFFFF  }
0x5b: {  	[sflag:s0] =	ssyncadd.tile.s32 @!p0 $0x1;
	_ =	shalt  }
.Lfunc_end1:
_tile_overlayer_lowered:
.L_overlay_start_2:
0x5c: {  	(tag) =	ssettag $0x2  }
0x5d: {  	s0 =	rddreg [dreg:$0x0];
	s2 =	stileid.u32  }
0x5e: {  	s1 =	rddreg [dreg:$0x1];
	p0 =	sne.s32 s2, $0x0  }
0x5f: {  	s3 =	rddreg [dreg:$0x2];
	[bflag:$0x3] =	sbarrier.arrive $0xFFFF;
	s2 =	simm.s32 @!p0 $0x1C01  }
0x60: {  	[timem:s3], [sflag:s2] =	dma.local @!p0 [hbm:s0], s1  }
0x61: {  	s0 =	simm.s32 @!p0 $0x1  }
0x62: {  	_ =	swait.ge @!p0 [sflag:s0], s1  }
0x63: {  	s1 =	ssub.s32 @!p0 $0x0, s1;
	[sflag:s0] =	ssyncset.done @!p0 $0x0  }
0x64: {  	[sflag:s0] =	ssyncadd.s32 @!p0 s1  }
0x65: {  	[bflag:$0x3] =	sbarrier.arrive $0xFFFF  }
0x66: {  	_ =	shalt  }

// kernel: sparse-core-data-format-call.cloned.1.call-start
scs
called_computation.3_lowered:
.L_overlay_start_0:
0x0: {  	s1 =	sld [smem:$0x3FD9]  }
0x1: {  	s2 =	sld [smem:$0x3FFE];
	_ =	sdelay $0x1  }
0x2: {  	s3 =	srdreg.scid  }
0x3: {  	s0 =	sand.u32 $0x1, s3  }
0x4: {  	s17 =	sshll.u32 s0, $0xA;
	s1 =	sadd.s32 s2, s1  }
0x5: {  	s1 =	sadd.s32 s1, s17  }
0x6: {  	[smem:$0x3FBE] =	sst s1  }
0x7: {  	_ = 	snop  }
0x8: {  	(tm) =	ssettm $0x1  }
0x9: {  	s18 =	sld [smem:$0x3FFB];
	_ =	sdelay $0x3  }
0xa: {  	_ =	strace s18  }
0xb: {  	s1 =	sld [smem:$0x3FFC];
	_ =	sdelay $0x3  }
0xc: {  	_ =	strace s1  }
0xd: {  	s1 =	sld [smem:$0x3FFD];
	_ =	sdelay $0x3  }
0xe: {  	_ =	strace s1  }
0xf: {  	_ =	strace $0x8FFFFFFF  }
0x10: {  	s19 =	sld [smem:$0x3FDB];
	_ =	sdelay $0x1  }
0x11: {  	s20 =	simm.s32 $_scs_section_size  }
0x12: {  	s4 =	simm.s32 $_size__tile_overlayer_lowered;
	s5 =	simm.s32 $_tile_overlayer_lowered  }
0x13: {  	s23 =	simm.s32 $0x1BFF;
	s22 =	sshll.u32 s5, $0x1;
	s1 =	sadd.s32 s20, s19  }
0x14: {  	s6 =	simm.s32 $0x0;
	s21 =	sshll.u32 s4, $0x1;
	s4 =	sadd.s32 s22, s1  }
0x15: {  	[timem:s6], [sflag:s23] =	dma.local [hbm:s4], s21  }
0x16: {  	_ =	swait.ge [sflag:s23], s21  }
0x17: {  	s2 =	ssub.s32 $0x0, s21;
	[sflag:s23] =	ssyncset.done $0x0  }
0x18: {  	[sflag:s23] =	ssyncadd.s32 s2;
	_ =	sdelay $0x1  }
0x19: {  	s24 =	simm.s32 $0x1B8B  }
0x1a: {  	_ =	swait.ge [sflag:s24], $0x1  }
0x1b: {  	[sflag:s24] =	ssyncset.done $0x0  }
0x1c: {  	s26 =	simm.s32 $0x1B8E;
	s25 =	sld [smem:$0x3FFE];
	[sflag:s24] =	ssyncadd.s32 $0xFFFFFFFF  }
0x1d: {  	s27 =	simm.s32 $execute0_lowered;
	[smem:$0x3FD2] =	sst s26  }
0x1e: {  	s4 =	sshll.u32 s27, $0x1;
	_ =	strace $0x80000052;
	[dreg:$0x1] =	wrdreg $0xFFFFFFFF  }
0x1f: {  	s28 =	simm.s32 $_size_execute0_lowered;
	s1 =	sadd.s32 s1, s4;
	[dreg:$0x0] =	wrdreg $0x0  }
0x20: {  	s4 =	sshll.u32 s28, $0x1;
	[dreg:$0x2] =	wrdreg s1  }
0x21: {  	[dreg:$0x3] =	wrdreg s4  }
0x22: {  	[dreg:$0x4] =	wrdreg $0xC0  }
0x23: {  	_ =	task [dreg:s6], $0x5FFFF  }
0x24: {  	[dreg:$0x1] =	wrdreg $0xFFFFFFFF  }
0x25: {  	[dreg:$0x0] =	wrdreg $0x60  }
0x26: {  	[dreg:$0x2] =	wrdreg s25  }
0x27: {  	[dreg:$0x3] =	wrdreg $0x9  }
0x28: {  	_ =	task.clear_ibuf [dreg:s6], $0x4FFFF;
	_ =	strace $0x90000052  }
0x29: {  	s29 =	simm.s32 $0x9;
	_ =	strace $0x80000054  }
0x2a: {  	_ =	swait.ge [sflag:s29], $0x1  }
0x2b: {  	[sflag:s29] =	ssyncadd.s32 $0xFFFFFFFF  }
0x2c: {  	_ =	strace $0x90000054  }
0x2d: {  	_ =	sfence  }
0x2e: {  	s30 =	sld [smem:$0x0];
	_ =	sdelay $0x2  }
0x2f: {  	s31 =	sshll.u32 s3, $0xD;
	s3 =	sshrl.u32 s3, $0x2  }
0x30: {  	s2 =	sand.u32 $0x4000, s31;
	s1 =	sadd.s32 s3, s30  }
0x31: {  	s0 =	sor.u32 s2, s0;
	s1 =	sshll.u32 s1, $0x11  }
0x32: {  	s0 =	sor.u32 s1, s0  }
0x33: {  	s0 =	sadd.s32 $0x8F2B, s0  }
0x34: {  	[sflag:s0] =	ssyncadd.remote.s32 $0x1  }
0x35: {  	_ =	sfence.sel $0xFFFF  }
0x36: {  	[dreg:$0x0] =	wrdreg $0xFFFFFFFF;
	(pc) =	sbr.abs _section_cstart, $3  }
0x37: {  	[dreg:$0x1] =	wrdreg $0xFFFFFFFF  }
0x38: {  	_ =	task.clear_ibuf [dreg:s6], $0x2FFFF;
	_ =	strace $0x9FFFFFFF  }
0x39: {  	(tm) =	ssettm $0x7FFFFFFF  }
tec
execute0_lowered:
.L_overlay_start_1:
0x0: {  	(tag) =	ssettag $0x1  }
0x1: {  	s7 =	stileid.u32  }
0x2: {  	s0 =	srdreg.scid;
	s1 =	rddreg [dreg:$0x0]  }
0x3: {  	_ =	strace $0x80000053;
	s4 =	simm.s32 $0x1;
	s31 =	simm.s32 $0x2  }
0x4: {  	s12 =	simm.s32 $0x0;
	s13 =	simm.s32 $0x0;
	s8 =	simm.s32 $0x0  }
0x5: {  	s14 =	simm.s32 $0x0;
	s0 =	sshll.u32 s0, $0x8;
	s5 =	sshll.u32 s7, $0x4  }
.Ltmp0:
0x6: {  	s10 =	simm.s32 $0x0;
	s0 =	sor.u32 s5, s0;
	(pc) =	sbr.rel .LBB1_1-.Ltmp0, $4  }
0x7: {  	s11 =	simm.s32 $0x0;
	s9 =	simm.s32 $0x0;
	s2 =	sand.u32 $0x180, s0  }
0x8: {  	s3 =	sadd.s32 $0x46E00, s1;
	s6 =	sand.u32 $0x70, s5;
	s0 =	sadd.s32 s2, s1  }
0x9: {  	[sflag:s4] =	ssyncpa.u1 $0x0;
	s5 =	sand.u32 $0x7, s7;
	s0 =	sadd.s32 s6, s0  }
0xa: {  	[sflag:s31] =	ssyncpa.u1 $0x0;
	s7 =	simm.s32 $0x13C00;
	s6 =	sadd.s32 $0x528E00, s0  }
.LBB1_12:
0xb: {  	s0 =	sshrl.u32 s8, $0x3  }
0xc: {  	s1 =	sshll.u32 s10, $0x3;
	s0 =	smul.u32 $0x13C00, s0  }
0xd: {  	s1 =	sand.u32 $0xFFFFFC00, s1  }
0xe: {  	s17 =	sand.u32 $0x7F, s10;
	s0 =	sadd.s32 s1, s0  }
0xf: {  	s1 =	sor.u32 s17, s0;
	s0 =	smulhi.u32 $0xCF6474A9, s0  }
0x10: {  	p0 =	sgt.s32 s10, $0x2700;
	s17 =	smulhi.u32 $0xCF6474A9, s1  }
0x11: {  	s19 =	smov.u32 s10;
	s14 =	smul.u32 $0x7B700, s14;
	s0 =	sshrl.u32 s0, $0xD  }
0x12: {  	s19 =	simm.s32 @!p0 $0x2700;
	s17 =	sshrl.u32 s17, $0xD;
	s18 =	smulhi.u32 $0xA3D70B, s0  }
0x13: {  	s15 =	sadd.s32 s15, s19;
	s17 =	smul.u32 $0x2780, s17  }
0x14: {  	p0 =	sgt.s32 s8, $0x110;
	s28 =	sadd.s32 $0xFFFFD900, s15;
	s18 =	smul.u32 $0x190, s18  }
0x15: {  	s15 =	ssub.s32 $0x2780, s15;
	s1 =	ssub.s32 s1, s17;
	s17 =	smov.u32 s8  }
0x16: {  	s0 =	ssub.s32 s0, s18;
	s17 =	simm.s32 @!p0 $0x110;
	p0 =	sgt.s32 s28, $0x7F  }
0x17: {  	s17 =	ssub.s32 $0x190, s17;
	s15 =	simm.s32 @p0 $0x0;
	s0 =	smul.u32 $0x4F0, s0  }
0x18: {  	s14 =	sadd.s32 s3, s14;
	s29 =	sand.u32 $0x7, s1;
	s15 =	smul.u32 s17, s15  }
0x19: {  	s1 =	sshrl.u32 s1, $0x3;
	s30 =	sshll.u32 s29, $0x12;
	s0 =	sadd.s32 s0, s14  }
0x1a: {  	s31 =	sor.u32 $0x400, s30;
	s15 =	sand.u32 $0x3FFFFFF0, s15;
	s0 =	sadd.s32 s1, s0  }
0x1b: {  	[hbm4b:s0+s31] =	stream.strided.scatter [tilespmem:s16], [sflag:$0x2], s15, s7, s31, $0x20;
	[tilespmem:$0x10100] =	vst v63  }
.LBB1_13:
0x1c: {  	p0 =	slt.u32 s9, $0x2  }
0x1d: {  	p1 =	sgt.s32 @!p0 s13, $0x2700  }
0x1e: {  	s0 =	smov.u32 s13;
	s1 =	sshra.s32 @!p0 s13, $0x1F;
	p1 =	por !p1, p0  }
0x1f: {  	s1 =	sand.u32 @!p0 s1, s13;
	s0 =	simm.s32 @p1 $0x2700  }
0x20: {  	s0 =	ssub.s32 @!p0 s0, s1  }
0x21: {  	s15 =	sadd.s32 $0x80, s11;
	p1 =	sgt.s32 @!p0 s12, $0x110;
	s1 =	sadd.s32 @!p0 $0xFFFFD900, s0  }
0x22: {  	s9 =	sadd.s32 $0x1, s9;
	p1 =	por !p1, p0;
	p2 =	sgt.s32 @!p0 s1, $0x7F  }
0x23: {  	s12 =	simm.s32 @p1 $0x110;
	s0 =	ssub.s32 @!p0 $0x2780, s0;
	p1 =	por !p2, p0  }
0x24: {  	s1 =	ssub.s32 @!p0 $0x190, s12;
	s0 =	simm.s32 @!p1 $0x0;
	p1 =	sgt.s32 s15, $0x270F  }
0x25: {  	s0 =	smul.u32 @!p0 s1, s0;
	s15 =	simm.s32 @p1 $0x0;
	p1 =	sne.s32 s9, $0x51  }
.Ltmp1:
0x26: {  	_ = 	snop;
	(pc) =	sbr.rel @!p1 .LBB1_14-.Ltmp1, $4  }
0x27: {  	s14 =	simm.s32 @!p0 $0x2;
	s13 =	smov.u32 s10;
	s0 =	sand.u32 @!p0 $0x3FFFFFFF, s0  }
0x28: {  	s10 =	smov.u32 s11;
	s12 =	smov.u32 s8;
	_ =	swait.ge @!p0 [sflag:s14], s0  }
0x29: {  	s8 =	smov.u32 s2;
	s1 =	ssub.s32 @!p0 $0x0, s0;
	[sflag:s14] =	ssyncset.done @!p0 $0x0  }
0x2a: {  	s11 =	smov.u32 s15;
	[sflag:s14] =	ssyncadd.s32 @!p0 s1;
	s14 =	smov.u32 s5  }
.LBB1_1:
0x2b: {  	p0 =	sgt.u32 s9, $0x4E  }
0x2c: {  	p1 =	sgt.s32 @!p0 s11, $0x2690  }
0x2d: {  	s0 =	smov.u32 s11;
	s1 =	sshra.s32 @!p0 s11, $0x1F;
	p1 =	por !p1, p0  }
0x2e: {  	s1 =	sand.u32 @!p0 s1, s11;
	s0 =	simm.s32 @p1 $0x2690  }
0x2f: {  	s0 =	ssub.s32 @!p0 s0, s1  }
0x30: {  	s15 =	sxor.u32 @!p0 $0xFFFFFFFF, s9;
	s0 =	sadd.s32 @!p0 $0xFFFFD970, s0  }
0x31: {  	s16 =	simm.s32 @!p0 $0x80;
	s17 =	simm.s32 @!p0 $0x1000;
	s1 =	sshll.u32 @!p0 s0, $0x7  }
0x32: {  	p1 =	sgt.s32 @!p0 s0, $0x7F;
	s0 =	ssub.s32 @!p0 $0x4000, s1;
	s1 =	sshll.u32 @!p0 s15, $0xE  }
0x33: {  	p1 =	por !p1, p0;
	s15 =	sshll.u32 @!p0 s11, $0x9;
	s0 =	sand.u32 @!p0 $0x3FFFFF80, s0  }
0x34: {  	s1 =	sand.u32 @!p0 $0x4000, s1;
	s15 =	sadd.s32 @!p0 s15, s6;
	s0 =	simm.s32 @!p1 $0x0  }
0x35: {  	[tilespmem:s1], [sflag:$0x1] =	stream.strided.gather @!p0 [hbm4b:s15+s16], s0, s17, s16, $0x38;
	[tilespmem:$0x10100] =	vst v63  }
0x36: {  	p0 =	seq.s32 s9, $0x0  }
0x37: {  	p1 =	seq.s32 @!p0 s9, $0x50  }
0x38: {  	p0 =	por p0, p1  }
.Ltmp2:
0x39: {  	_ = 	snop;
	(pc) =	sbr.rel @p0 .LBB1_13-.Ltmp2, $1  }
0x3a: {  	_ =	sdelay $0x3  }
0x3b: {  	s0 =	ssub.s32 $0x0, s10  }
0x3c: {  	s1 =	sshra.s32 s10, $0x1F;
	p0 =	sgt.s32 s10, $0x2690;
	s16 =	smov.u32 s10  }
0x3d: {  	s15 =	sand.u32 s0, s1;
	s16 =	simm.s32 @!p0 $0x2690  }
0x3e: {  	s0 =	sadd.s32 s15, s16  }
0x3f: {  	s16 =	sadd.s32 $0x80, s10;
	s0 =	sadd.s32 $0xFFFFD970, s0  }
0x40: {  	p1 =	slt.s32 s16, $0x2710;
	s31 =	sshll.u32 s0, $0x7  }
0x41: {  	s16 =	simm.s32 @!p1 $0x2710;
	s1 =	ssub.s32 $0x4000, s31  }
0x42: {  	p0 =	sgt.s32 s0, $0x7F;
	s17 =	ssub.s32 s16, s10;
	s1 =	sand.u32 $0x3FFFFF80, s1  }
0x43: {  	s1 =	simm.s32 @p0 $0x0;
	p0 =	slt.s32 s17, $0x1  }
.Ltmp3:
0x44: {  	_ = 	snop;
	(pc) =	sbr.rel @p0 .LBB1_12-.Ltmp3, $4  }
0x45: {  	s0 =	sand.u32 $0x1, s9  }
0x46: {  	s18 =	smul.u32 $0x4080, s0;
	_ =	swait.ge [sflag:s4], s1  }
0x47: {  	s1 =	ssub.s32 $0x0, s1;
	[sflag:s4] =	ssyncset.done $0x0  }
0x48: {  	s16 =	sor.u32 $0x8000, s18;
	[sflag:s4] =	ssyncadd.s32 s1  }
0x49: {  	p0 =	slt.s32 s8, $0x110;
	s1 =	smov.u32 s8  }
.Ltmp4:
0x4a: {  	s1 =	simm.s32 @!p0 $0x110;
	(pc) =	sbr.rel .LBB1_4-.Ltmp4, $4  }
0x4b: {  	s1 =	ssub.s32 s1, s8  }
0x4c: {  	s18 =	sadd.s32 $0x80, s1  }
0x4d: {  	s20 =	sshll.u32 s0, $0xE;
	s19 =	sand.u32 $0xFFFFFF00, s18  }
0x4e: {  	s21 =	simm.s32 $0x0;
	p0 =	slt.s32 s1, $0x80;
	p1 =	seq.s32 s19, s18  }
.LBB1_11:
0x4f: {  	s21 =	sadd.s32 $0x1, s21  }
0x50: {  	p2 =	sne.s32 s21, s17  }
.Ltmp5:
0x51: {  	_ = 	snop;
	(pc) =	sbr.rel @!p2 .LBB1_12-.Ltmp5, $1  }
0x52: {  	_ =	sdelay $0x3  }
.LBB1_4:
.Ltmp6:
0x53: {  	(pc) =	sbr.rel @p0 .LBB1_8-.Ltmp6, $4  }
0x54: {  	_ = 	snop  }
0x55: {  	s0 =	sshll.u32 s21, $0x9  }
0x56: {  	s0 =	sshra.s32 s0, $0x2  }
0x57: {  	s22 =	sshrl.u32 s21, $0x4;
	s24 =	sand.u32 $0x7F, s21;
	s23 =	sadd.s32 s0, s20  }
0x58: {  	s0 =	sshll.u32 s21, $0x3  }
0x59: {  	s1 =	sadd.s32 $0x3800, s0;
	s25 =	sadd.s32 $0x3000, s0;
	s26 =	sadd.s32 $0x800, s0  }
0x5a: {  	s27 =	sadd.s32 $0x2800, s0;
	s29 =	sadd.s32 $0x1800, s0;
	s1 =	sshrl.u32 s1, $0x7  }
0x5b: {  	s0 =	sadd.s32 $0x1000, s0;
	s25 =	sshrl.u32 s25, $0x7;
	s1 =	sand.u32 $0x78, s1  }
0x5c: {  	s26 =	sshrl.u32 s26, $0x7;
	s25 =	sand.u32 $0x78, s25;
	s1 =	smul.u32 $0x204, s1  }
0x5d: {  	s29 =	sshrl.u32 s29, $0x7;
	s26 =	sand.u32 $0x78, s26;
	s30 =	smul.u32 $0x204, s25  }
0x5e: {  	v0 =	vld [tilespmem:s23+$0x70];
	s0 =	sshrl.u32 s0, $0x7;
	s29 =	sand.u32 $0x78, s29;
	s26 =	smul.u32 $0x204, s26  }
0x5f: {  	v4 =	vld [tilespmem:s23+$0x30];
	s27 =	sshrl.u32 s27, $0x7;
	s0 =	sand.u32 $0x78, s0;
	s29 =	smul.u32 $0x204, s29  }
0x60: {  	v5 =	vld [tilespmem:s23+$0x20];
	s27 =	sand.u32 $0x78, s27;
	s0 =	smul.u32 $0x204, s0;
	s1 =	sshrl.u32 s1, $0x2  }
0x61: {  	v6 =	vld [tilespmem:s23+$0x10];
	s31 =	smul.u32 $0x204, s27;
	s27 =	sshrl.u32 s29, $0x2;
	s1 =	sadd.s32 s1, s16  }
0x62: {  	s0 =	sshrl.u32 s0, $0x2;
	s27 =	sadd.s32 s27, s16;
	s1 =	sadd.s32 s24, s1  }
0x63: {  	s26 =	sshrl.u32 s26, $0x2;
	s0 =	sadd.s32 s0, s16;
	s27 =	sadd.s32 s24, s27;
	[tilespmem:s1+$0x0 ss:$0x81] =	vst.msk $0xffff, v0  }
0x64: {  	v3 =	vld [tilespmem:s23+$0x60];
	s25 =	sand.u32 $0x78, s22;
	s26 =	sadd.s32 s26, s16;
	s29 =	sadd.s32 s24, s0;
	[tilespmem:s27+$0x0 ss:$0x81] =	vst.msk $0xffff, v4  }
0x65: {  	v7 =	vld [tilespmem:s23+$0x0];
	s28 =	sxor.u32 $0x40, s25;
	s25 =	smul.u32 $0x204, s25;
	s26 =	sadd.s32 s24, s26;
	[tilespmem:s29+$0x0 ss:$0x81] =	vst.msk $0xffff, v5  }
0x66: {  	p2 =	sgt.s32 s19, $0x100;
	s30 =	sshrl.u32 s30, $0x2;
	[tilespmem:s26+$0x0 ss:$0x81] =	vst.msk $0xffff, v6  }
0x67: {  	v1 =	vld [tilespmem:s23+$0x50];
	s25 =	sshrl.u32 s25, $0x2;
	s0 =	sshrl.u32 s31, $0x2;
	s31 =	sadd.s32 s30, s16;
	[tilespmem:s26+$0x0 ss:$0x81] =	vst.msk $0xffff, v6  }
0x68: {  	v2 =	vld [tilespmem:s23+$0x40];
	s28 =	smul.u32 $0x204, s28;
	s25 =	sadd.s32 s25, s16;
	s31 =	sadd.s32 s24, s31;
	[tilespmem:s29+$0x0 ss:$0x81] =	vst.msk $0xffff, v5  }
.Ltmp7:
0x69: {  	s25 =	sadd.s32 s24, s25;
	[tilespmem:s31+$0x0 ss:$0x81] =	vst.msk $0xffff, v3;
	(pc) =	sbr.rel @!p2 .LBB1_7-.Ltmp7, $4  }
0x6a: {  	s28 =	sshrl.u32 s28, $0x2;
	s0 =	sadd.s32 s0, s16;
	[tilespmem:s25+$0x0 ss:$0x81] =	vst.msk $0xffff, v7  }
0x6b: {  	s28 =	sadd.s32 s28, s16;
	s30 =	sadd.s32 s24, s0;
	[tilespmem:s25+$0x0 ss:$0x81] =	vst.msk $0xffff, v7  }
0x6c: {  	s28 =	sadd.s32 s24, s28;
	[tilespmem:s30+$0x0 ss:$0x81] =	vst.msk $0xffff, v1  }
0x6d: {  	s0 =	simm.s32 $0x100;
	[tilespmem:s28+$0x0 ss:$0x81] =	vst.msk $0xffff, v2  }
.LBB1_6:
0x6e: {  	v5 =	vld [tilespmem:s23+$0x70];
	[tilespmem:s27+$0x0 ss:$0x81] =	vst.msk $0xffff, v4  }
0x6f: {  	v6 =	vld [tilespmem:s23+$0x60];
	[tilespmem:s28+$0x0 ss:$0x81] =	vst.msk $0xffff, v2  }
0x70: {  	[tilespmem:s30+$0x0 ss:$0x81] =	vst.msk $0xffff, v1;
	v1 =	vld [tilespmem:s23+$0x50]  }
0x71: {  	v2 =	vld [tilespmem:s23+$0x40];
	[tilespmem:s31+$0x0 ss:$0x81] =	vst.msk $0xffff, v3  }
0x72: {  	v4 =	vld [tilespmem:s23+$0x30];
	[tilespmem:s1+$0x0 ss:$0x81] =	vst.msk $0xffff, v0  }
0x73: {  	v7 =	vld [tilespmem:s23+$0x20];
	[tilespmem:s1+$0x0 ss:$0x81] =	vst.msk $0xffff, v5;
	v0 =	vmov v5  }
0x74: {  	v5 =	vld [tilespmem:s23+$0x10];
	[tilespmem:s31+$0x0 ss:$0x81] =	vst.msk $0xffff, v6;
	v3 =	vmov v6  }
0x75: {  	s0 =	sadd.s32 $0x100, s0;
	v6 =	vld [tilespmem:s23+$0x0];
	[tilespmem:s30+$0x0 ss:$0x81] =	vst.msk $0xffff, v1  }
0x76: {  	p2 =	slt.s32 s0, s19;
	[tilespmem:s28+$0x0 ss:$0x81] =	vst.msk $0xffff, v2  }
0x77: {  	[tilespmem:s27+$0x0 ss:$0x81] =	vst.msk $0xffff, v4  }
0x78: {  	[tilespmem:s29+$0x0 ss:$0x81] =	vst.msk $0xffff, v7  }
.Ltmp8:
0x79: {  	[tilespmem:s26+$0x0 ss:$0x81] =	vst.msk $0xffff, v5;
	(pc) =	sbr.rel @p2 .LBB1_6-.Ltmp8, $4  }
0x7a: {  	[tilespmem:s25+$0x0 ss:$0x81] =	vst.msk $0xffff, v6  }
0x7b: {  	[tilespmem:s25+$0x0 ss:$0x81] =	vst.msk $0xffff, v6  }
0x7c: {  	[tilespmem:s26+$0x0 ss:$0x81] =	vst.msk $0xffff, v5  }
0x7d: {  	[tilespmem:s29+$0x0 ss:$0x81] =	vst.msk $0xffff, v7  }
.LBB1_7:
0x7e: {  	[tilespmem:s27+$0x0 ss:$0x81] =	vst.msk $0xffff, v4  }
0x7f: {  	[tilespmem:s28+$0x0 ss:$0x81] =	vst.msk $0xffff, v2  }
0x80: {  	[tilespmem:s30+$0x0 ss:$0x81] =	vst.msk $0xffff, v1  }
0x81: {  	[tilespmem:s31+$0x0 ss:$0x81] =	vst.msk $0xffff, v3  }
0x82: {  	[tilespmem:s1+$0x0 ss:$0x81] =	vst.msk $0xffff, v0  }
.LBB1_8:
.Ltmp9:
0x83: {  	(pc) =	sbr.rel @p1 .LBB1_11-.Ltmp9, $1  }
0x84: {  	_ =	sdelay $0x3  }
0x85: {  	v0 =	vmov s23;
	_ =	sdelay $0x1  }
0x86: {  	s0 =	sadd.s32 s24, s16;
	s1 =	smov.u32 s19  }
.LBB1_10:
0x87: {  	s24 =	sadd.s32 s1, s22  }
0x88: {  	s23 =	sand.u32 $0x70, s1;
	s1 =	sadd.s32 $0x10, s1;
	s31 =	sand.u32 $0x78, s24  }
0x89: {  	v1 =	vld.idx.msk [tilespmem:v0+s23+$0x0 ss:$0x1], $0xffff;
	p2 =	slt.s32 s1, s18;
	s23 =	smul.u32 $0x204, s31  }
.Ltmp10:
0x8a: {  	_ = 	snop;
	(pc) =	sbr.rel @p2 .LBB1_10-.Ltmp10, $4  }
0x8b: {  	_ = 	snop  }
0x8c: {  	s23 =	sshrl.u32 s23, $0x2  }
0x8d: {  	s23 =	sadd.s32 s23, s0  }
0x8e: {  	[tilespmem:s23+$0x0 ss:$0x81] =	vst.msk $0xffff, v1  }
.Ltmp11:
0x8f: {  	_ = 	snop;
	(pc) =	sbr.rel .LBB1_11-.Ltmp11, $1  }
0x90: {  	_ =	sdelay $0x3  }
.LBB1_14:
0x91: {  	_ =	sfence.sel $0x180000  }
0x92: {  	s0 =	simm.s32 $0x1;
	[bflag:$0x0] =	sbarrier.arrive $0xFFFF  }
0x93: {  	s30 =	simm.s32 $0x2;
	[sflag:s0] =	ssyncpa.u1 $0x1  }
0x94: {  	[sflag:s30] =	ssyncpa.u1 $0x1  }
0x95: {  	_ =	strace $0x90000053  }
0x96: {  	s31 =	stileid.u32;
	[bflag:$0x2] =	sbarrier.arrive $0xFFFF  }
0x97: {  	p0 =	sne.s32 s31, $0x0;
	s0 =	rddreg [dreg:$0x1]  }
0x98: {  	s0 =	sadd.s32 @!p0 $0x100000, s0  }
0x99: {  	[sflag:s0] =	ssyncadd.tile.s32 @!p0 $0x1;
	_ =	shalt  }
.Lfunc_end1:
_tile_overlayer_lowered:
.L_overlay_start_2:
0x9a: {  	(tag) =	ssettag $0x2  }
0x9b: {  	s0 =	rddreg [dreg:$0x0];
	s2 =	stileid.u32  }
0x9c: {  	s1 =	rddreg [dreg:$0x1];
	p0 =	sne.s32 s2, $0x0  }
0x9d: {  	s3 =	rddreg [dreg:$0x2];
	[bflag:$0x3] =	sbarrier.arrive $0xFFFF;
	s2 =	simm.s32 @!p0 $0x1C01  }
0x9e: {  	[timem:s3], [sflag:s2] =	dma.local @!p0 [hbm:s0], s1  }
0x9f: {  	s0 =	simm.s32 @!p0 $0x1  }
0xa0: {  	_ =	swait.ge @!p0 [sflag:s0], s1  }
0xa1: {  	s1 =	ssub.s32 @!p0 $0x0, s1;
	[sflag:s0] =	ssyncset.done @!p0 $0x0  }
0xa2: {  	[sflag:s0] =	ssyncadd.s32 @!p0 s1  }
0xa3: {  	[bflag:$0x3] =	sbarrier.arrive $0xFFFF  }
0xa4: {  	_ =	shalt  }

</sc_bundles>
